<compile_context>
chip_gen: v7x
topology: tpu7x:2x2x1
jax: 0.10.2.dev20260603
libtpu: 0.0.44.dev20260713+nightly
codegen_flags: <defaults>
</compile_context>

<pallas_src>
import functools

import jax
import jax.numpy as jnp
from jax import lax
from jax.experimental import pallas as pl
from jax.experimental.pallas import tpu as pltpu
from jax.experimental.pallas import tpu_sc as plsc

WEIGHT_C = 10.0
EPS_C = 1e-07

N_NODES = 100000
N_EDGES = 6400000
NW = 32
EPW = N_EDGES // NW
CHUNK = 1600
NCH = EPW // CHUNK
VPC = CHUNK // 16

LN2 = 0.6931471805599453
OFF_SQRT_HALF = 0x3F3504F3


def _log1m(p):
    v = 1.0 - p
    off = jnp.int32(OFF_SQRT_HALF)
    c23 = jnp.full((16,), 23, jnp.int32)
    bits = lax.bitcast_convert_type(v, jnp.int32)
    e = lax.shift_right_arithmetic(bits - off, c23)
    mbits = bits - lax.shift_left(e, c23)
    m = lax.bitcast_convert_type(mbits, jnp.float32)
    t = (m - 1.0) / (m + 1.0)
    t2 = t * t
    poly = 2.0 * t * (1.0 + t2 * (1.0 / 3.0 + t2 * (1.0 / 5.0 + t2 * (1.0 / 7.0))))
    return e.astype(jnp.float32) * LN2 + poly


def _make_kernel():
    mesh = plsc.VectorSubcoreMesh(core_axis_name="c", subcore_axis_name="s")

    @functools.partial(
        pl.kernel,
        mesh=mesh,
        compiler_params=pltpu.CompilerParams(
            use_tc_tiling_on_sc=False, needs_layout_passes=False),
        out_type=jax.ShapeDtypeStruct((NW * 128,), jnp.float32),
        scratch_types=[
            pltpu.VMEM((N_NODES,), jnp.float32),
            pltpu.VMEM((2, CHUNK), jnp.int32),
            pltpu.VMEM((2, CHUNK), jnp.int32),
            pltpu.VMEM((128,), jnp.float32),
            pltpu.SemaphoreType.DMA,
            pltpu.SemaphoreType.DMA,
            pltpu.SemaphoreType.DMA,
        ],
    )
    def loss_kernel(x_hbm, ir_hbm, kr_hbm, out_hbm, xv, ibuf, kbuf, accv,
                    sem_x, sem0, sem1):
        wid = lax.axis_index("s") * jnp.int32(2) + lax.axis_index("c")
        base = wid * jnp.int32(EPW)
        sems = (sem0, sem1)

        cp_x = pltpu.async_copy(x_hbm, xv, sem_x)

        c_chunk = jnp.int32(CHUNK)
        c2 = jnp.int32(2)

        def fire(g, b):
            off = base + g * c_chunk
            bb = jnp.int32(b)
            pltpu.async_copy(
                ir_hbm.at[pl.ds(off, CHUNK)], ibuf.at[bb], sems[b])
            pltpu.async_copy(
                kr_hbm.at[pl.ds(off, CHUNK)], kbuf.at[bb], sems[b])

        def drain(g, b):
            off = base + g * c_chunk
            bb = jnp.int32(b)
            pltpu.make_async_copy(
                ir_hbm.at[pl.ds(off, CHUNK)], ibuf.at[bb], sems[b]).wait()
            pltpu.make_async_copy(
                kr_hbm.at[pl.ds(off, CHUNK)], kbuf.at[bb], sems[b]).wait()

        fire(0, 0)
        fire(1, 1)
        cp_x.wait()

        iota = lax.iota(jnp.int32, 16)

        UNROLL = 5
        c_un16 = jnp.int32(UNROLL * 16)

        def process(ib, kb, acc0):
            def vreg_body(j, acc):
                base_row = j * c_un16 + iota
                for u in range(UNROLL):
                    row = base_row + jnp.int32(u * 16)
                    iv = plsc.load_gather(ib, [row])
                    kv = plsc.load_gather(kb, [row])
                    xi = plsc.load_gather(xv, [iv])
                    xk = plsc.load_gather(xv, [kv])
                    p = xi * xk
                    p = jnp.minimum(jnp.maximum(p, EPS_C), 1.0 - EPS_C)
                    acc = acc + _log1m(p)
                return acc

            return lax.fori_loop(jnp.int32(0), jnp.int32(VPC // UNROLL),
                                 vreg_body, acc0)

        def pair_body(h, acc):
            for b in range(2):
                bb = jnp.int32(b)
                g = h * c2 + bb
                drain(g, b)
                acc = process(ibuf.at[bb], kbuf.at[bb], acc)

                @pl.when(g + c2 < jnp.int32(NCH))
                def _():
                    fire(g + c2, b)
            return acc

        acc = lax.fori_loop(jnp.int32(0), jnp.int32(NCH // 2), pair_body,
                            jnp.zeros((16,), jnp.float32))
        if NCH % 2 == 1:
            g_last = jnp.int32(NCH - 1)
            drain(g_last, 0)
            acc = process(ibuf.at[jnp.int32(0)], kbuf.at[jnp.int32(0)], acc)
        accv[pl.ds(jnp.int32(0), 16)] = acc
        pltpu.sync_copy(accv, out_hbm.at[pl.ds(wid * jnp.int32(128), 128)])

    return loss_kernel


_loss_kernel = _make_kernel()


def kernel(x, edge_index):
    xs = jnp.squeeze(x, axis=1)
    ir = edge_index[0].astype(jnp.int32)
    kr = edge_index[1].astype(jnp.int32)
    partials = _loss_kernel(xs, ir, kr)
    total = jnp.sum(partials.reshape(NW, 128)[:, :16])
    return 1.0 - WEIGHT_C * (total / N_EDGES)

# --- scband reference (transcript-rebuilt; emitter-appended) ---
"""Pipeline reference for scband-overlap-loss-34900904247474 (READ-ONLY COPY).

The authoritative reference and input builder live on the scoring server;
editing this copy changes nothing except your own understanding.
"""

import jax, jax.numpy as jnp
import numpy as np

jax.config.update("jax_enable_x64", True)

WEIGHT = 10.0
EPS = 1e-07


def setup_inputs(seed: int = 0) -> dict:
    key = jax.random.key(seed)
    k1, k2 = jax.random.split(key)
    x = jax.random.uniform(k1, (100000, 1), dtype=jnp.float32)
    edge_index = jax.random.randint(k2, (2, 6400000), 0, 100000, dtype=jnp.int64)
    return {"x": x, "edge_index": edge_index}


def reference(x, edge_index):
    # x: [N, 1] float32, edge_index: [2, E] int64
    xs = jnp.squeeze(x)
    prob_i = jnp.take(xs, edge_index[0], axis=0)
    prob_k = jnp.take(xs, edge_index[1], axis=0)
    p = jnp.clip(prob_i * prob_k, EPS, 1.0 - EPS)
    result = 1.0 - WEIGHT * jnp.mean(jnp.log(1.0 - p))
    return result

if __name__ == "__main__":
    import jax
    _d = setup_inputs()
    print(jax.jit(kernel)(*tuple(_d.values())))

</pallas_src>

<mosaic_0001>
#map = affine_map<(d0, d1) -> (0)>
module attributes {stable_mosaic.version = 14 : i64} {
  func.func @loss_kernel(%arg0: i32, %arg1: i32, %arg2: memref<100000xf32, #tpu.memory_space<hbm>>, %arg3: memref<6400000xi32, #tpu.memory_space<hbm>>, %arg4: memref<6400000xi32, #tpu.memory_space<hbm>>, %arg5: memref<4096xf32, #tpu.memory_space<hbm>>, %arg6: memref<100000xf32, #tpu.memory_space<vmem>>, %arg7: memref<2x1600xi32, #tpu.memory_space<vmem>>, %arg8: memref<2x1600xi32, #tpu.memory_space<vmem>>, %arg9: memref<128xf32, #tpu.memory_space<vmem>>, %arg10: memref<!tpu.dma_semaphore, #tpu.memory_space<semaphore_mem>>, %arg11: memref<!tpu.dma_semaphore, #tpu.memory_space<semaphore_mem>>, %arg12: memref<!tpu.dma_semaphore, #tpu.memory_space<semaphore_mem>>) attributes {dimension_semantics = [#tpu.dimension_semantics<core_parallel>, #tpu.dimension_semantics<subcore_parallel>], iteration_bounds = array<i64: 2, 16>, scalar_prefetch = 0 : i64, scratch_operands = 7 : i64, tpu.core_type = #tpu.core_type<sc_vector_subcore>, window_params = [{transform_indices = #map}, {transform_indices = #map}, {transform_indices = #map}, {transform_indices = #map}]} {
    %mul3A = arith.constant 2 : i32
    %mul3A_0 = arith.muli %arg1, %mul3A : i32
    %add3A = arith.addi %mul3A_0, %arg0 : i32
    %mul3A_1 = arith.constant 200000 : i32
    %mul3A_2 = arith.muli %add3A, %mul3A_1 : i32
    tpu.enqueue_dma source(%arg2 : memref<100000xf32, #tpu.memory_space<hbm>>) target(%arg6 : memref<100000xf32, #tpu.memory_space<vmem>>) target_semaphore(%arg10 : memref<!tpu.dma_semaphore, #tpu.memory_space<semaphore_mem>>)
    %mul3A_3 = arith.constant 0 : i32
    %mul3A_4 = arith.constant 1600 : i32
    %mul3A_5 = arith.muli %mul3A_3, %mul3A_4 : i32
    %add3A_6 = arith.addi %mul3A_2, %mul3A_5 : i32
    %dma_start3A = arith.constant 0 : i32
    %dma_start3A_7 = arith.constant 0 : i32
    %dma_start3A_8 = tpu.memref_slice %arg7[%dma_start3A, %dma_start3A_7] : memref<2x1600xi32, #tpu.memory_space<vmem>> -> memref<1x1600xi32, #tpu.memory_space<vmem>>
    %dma_start3A_9 = tpu.memref_squeeze %dma_start3A_8 : memref<1x1600xi32, #tpu.memory_space<vmem>> -> memref<1600xi32, #tpu.memory_space<vmem>>
    %dma_start3A_10 = tpu.memref_slice %arg3[%add3A_6] : memref<6400000xi32, #tpu.memory_space<hbm>> -> memref<1600xi32, #tpu.memory_space<hbm>>
    %dma_start3A_11 = arith.constant 0 : i32
    %dma_start3A_12 = tpu.memref_slice %arg7[%dma_start3A, %dma_start3A_11] : memref<2x1600xi32, #tpu.memory_space<vmem>> -> memref<1x1600xi32, #tpu.memory_space<vmem>>
    %dma_start3A_13 = tpu.memref_squeeze %dma_start3A_12 : memref<1x1600xi32, #tpu.memory_space<vmem>> -> memref<1600xi32, #tpu.memory_space<vmem>>
    %dma_start3A_14 = tpu.memref_slice %arg3[%add3A_6] : memref<6400000xi32, #tpu.memory_space<hbm>> -> memref<1600xi32, #tpu.memory_space<hbm>>
    tpu.enqueue_dma source(%dma_start3A_14 : memref<1600xi32, #tpu.memory_space<hbm>>) target(%dma_start3A_13 : memref<1600xi32, #tpu.memory_space<vmem>>) target_semaphore(%arg11 : memref<!tpu.dma_semaphore, #tpu.memory_space<semaphore_mem>>)
    %dma_start3A_15 = arith.constant 0 : i32
    %dma_start3A_16 = arith.constant 0 : i32
    %dma_start3A_17 = tpu.memref_slice %arg8[%dma_start3A_15, %dma_start3A_16] : memref<2x1600xi32, #tpu.memory_space<vmem>> -> memref<1x1600xi32, #tpu.memory_space<vmem>>
    %dma_start3A_18 = tpu.memref_squeeze %dma_start3A_17 : memref<1x1600xi32, #tpu.memory_space<vmem>> -> memref<1600xi32, #tpu.memory_space<vmem>>
    %dma_start3A_19 = tpu.memref_slice %arg4[%add3A_6] : memref<6400000xi32, #tpu.memory_space<hbm>> -> memref<1600xi32, #tpu.memory_space<hbm>>
    %dma_start3A_20 = arith.constant 0 : i32
    %dma_start3A_21 = tpu.memref_slice %arg8[%dma_start3A_15, %dma_start3A_20] : memref<2x1600xi32, #tpu.memory_space<vmem>> -> memref<1x1600xi32, #tpu.memory_space<vmem>>
    %dma_start3A_22 = tpu.memref_squeeze %dma_start3A_21 : memref<1x1600xi32, #tpu.memory_space<vmem>> -> memref<1600xi32, #tpu.memory_space<vmem>>
    %dma_start3A_23 = tpu.memref_slice %arg4[%add3A_6] : memref<6400000xi32, #tpu.memory_space<hbm>> -> memref<1600xi32, #tpu.memory_space<hbm>>
    tpu.enqueue_dma source(%dma_start3A_23 : memref<1600xi32, #tpu.memory_space<hbm>>) target(%dma_start3A_22 : memref<1600xi32, #tpu.memory_space<vmem>>) target_semaphore(%arg11 : memref<!tpu.dma_semaphore, #tpu.memory_space<semaphore_mem>>)
    %mul3A_24 = arith.constant 1 : i32
    %mul3A_25 = arith.constant 1600 : i32
    %mul3A_26 = arith.muli %mul3A_24, %mul3A_25 : i32
    %add3A_27 = arith.addi %mul3A_2, %mul3A_26 : i32
    %dma_start3A_28 = arith.constant 1 : i32
    %dma_start3A_29 = arith.constant 0 : i32
    %dma_start3A_30 = tpu.memref_slice %arg7[%dma_start3A_28, %dma_start3A_29] : memref<2x1600xi32, #tpu.memory_space<vmem>> -> memref<1x1600xi32, #tpu.memory_space<vmem>>
    %dma_start3A_31 = tpu.memref_squeeze %dma_start3A_30 : memref<1x1600xi32, #tpu.memory_space<vmem>> -> memref<1600xi32, #tpu.memory_space<vmem>>
    %dma_start3A_32 = tpu.memref_slice %arg3[%add3A_27] : memref<6400000xi32, #tpu.memory_space<hbm>> -> memref<1600xi32, #tpu.memory_space<hbm>>
    %dma_start3A_33 = arith.constant 0 : i32
    %dma_start3A_34 = tpu.memref_slice %arg7[%dma_start3A_28, %dma_start3A_33] : memref<2x1600xi32, #tpu.memory_space<vmem>> -> memref<1x1600xi32, #tpu.memory_space<vmem>>
    %dma_start3A_35 = tpu.memref_squeeze %dma_start3A_34 : memref<1x1600xi32, #tpu.memory_space<vmem>> -> memref<1600xi32, #tpu.memory_space<vmem>>
    %dma_start3A_36 = tpu.memref_slice %arg3[%add3A_27] : memref<6400000xi32, #tpu.memory_space<hbm>> -> memref<1600xi32, #tpu.memory_space<hbm>>
    tpu.enqueue_dma source(%dma_start3A_36 : memref<1600xi32, #tpu.memory_space<hbm>>) target(%dma_start3A_35 : memref<1600xi32, #tpu.memory_space<vmem>>) target_semaphore(%arg12 : memref<!tpu.dma_semaphore, #tpu.memory_space<semaphore_mem>>)
    %dma_start3A_37 = arith.constant 1 : i32
    %dma_start3A_38 = arith.constant 0 : i32
    %dma_start3A_39 = tpu.memref_slice %arg8[%dma_start3A_37, %dma_start3A_38] : memref<2x1600xi32, #tpu.memory_space<vmem>> -> memref<1x1600xi32, #tpu.memory_space<vmem>>
    %dma_start3A_40 = tpu.memref_squeeze %dma_start3A_39 : memref<1x1600xi32, #tpu.memory_space<vmem>> -> memref<1600xi32, #tpu.memory_space<vmem>>
    %dma_start3A_41 = tpu.memref_slice %arg4[%add3A_27] : memref<6400000xi32, #tpu.memory_space<hbm>> -> memref<1600xi32, #tpu.memory_space<hbm>>
    %dma_start3A_42 = arith.constant 0 : i32
    %dma_start3A_43 = tpu.memref_slice %arg8[%dma_start3A_37, %dma_start3A_42] : memref<2x1600xi32, #tpu.memory_space<vmem>> -> memref<1x1600xi32, #tpu.memory_space<vmem>>
    %dma_start3A_44 = tpu.memref_squeeze %dma_start3A_43 : memref<1x1600xi32, #tpu.memory_space<vmem>> -> memref<1600xi32, #tpu.memory_space<vmem>>
    %dma_start3A_45 = tpu.memref_slice %arg4[%add3A_27] : memref<6400000xi32, #tpu.memory_space<hbm>> -> memref<1600xi32, #tpu.memory_space<hbm>>
    tpu.enqueue_dma source(%dma_start3A_45 : memref<1600xi32, #tpu.memory_space<hbm>>) target(%dma_start3A_44 : memref<1600xi32, #tpu.memory_space<vmem>>) target_semaphore(%arg12 : memref<!tpu.dma_semaphore, #tpu.memory_space<semaphore_mem>>)
    tpu.wait_dma2 semaphore(%arg10 : memref<!tpu.dma_semaphore, #tpu.memory_space<semaphore_mem>>) src(%arg2 : memref<100000xf32, #tpu.memory_space<hbm>>) dst(%arg6 : memref<100000xf32, #tpu.memory_space<vmem>>)
    %iota3A = tpu.iota {dimensions = array<i32: 0>} : vector<16xi32>
    %broadcast_in_dim3A = arith.constant 0.000000e+00 : f32
    %broadcast_in_dim3A_46 = vector.broadcast %broadcast_in_dim3A : f32 to vector<16xf32>
    %while3A = arith.constant 2 : i32
    %while3A_47 = arith.constant 1600 : i32
    %while3A_48 = arith.constant 80 : i32
    %while3A_49 = arith.constant 0 : i32
    %while3A_50 = arith.constant 62 : i32
    %while3A_51 = arith.subi %while3A_50, %while3A_49 : i32
    %while3A_52 = arith.addi %while3A_49, %while3A_51 : i32
    %while3A_53 = arith.constant 1 : i32
    %while3A_54 = arith.divsi %while3A_51, %while3A_53 : i32
    %while3A_55 = arith.muli %while3A_54, %while3A_53 : i32
    %while3A_56 = arith.addi %while3A_49, %while3A_55 : i32
    %while3A_57 = arith.constant 1 : i32
    %while3A_58 = scf.for %while3A_101 = %while3A_49 to %while3A_56 step %while3A_57 iter_args(%while3A_102 = %broadcast_in_dim3A_46) -> (vector<16xf32>)  : i32 {
      %mul3A_103 = arith.muli %while3A_101, %while3A : i32
      %add3A_104 = arith.constant 0 : i32
      %add3A_105 = arith.addi %mul3A_103, %add3A_104 : i32
      %mul3A_106 = arith.muli %add3A_105, %while3A_47 : i32
      %add3A_107 = arith.addi %mul3A_2, %mul3A_106 : i32
      %dma_wait3A_108 = arith.constant 0 : i32
      %dma_wait3A_109 = arith.constant 0 : i32
      %dma_wait3A_110 = tpu.memref_slice %arg7[%dma_wait3A_108, %dma_wait3A_109] : memref<2x1600xi32, #tpu.memory_space<vmem>> -> memref<1x1600xi32, #tpu.memory_space<vmem>>
      %dma_wait3A_111 = tpu.memref_squeeze %dma_wait3A_110 : memref<1x1600xi32, #tpu.memory_space<vmem>> -> memref<1600xi32, #tpu.memory_space<vmem>>
      %dma_wait3A_112 = tpu.memref_slice %arg3[%add3A_107] : memref<6400000xi32, #tpu.memory_space<hbm>> -> memref<1600xi32, #tpu.memory_space<hbm>>
      %dma_wait3A_113 = arith.constant 0 : i32
      %dma_wait3A_114 = tpu.memref_slice %arg7[%dma_wait3A_108, %dma_wait3A_113] : memref<2x1600xi32, #tpu.memory_space<vmem>> -> memref<1x1600xi32, #tpu.memory_space<vmem>>
      %dma_wait3A_115 = tpu.memref_squeeze %dma_wait3A_114 : memref<1x1600xi32, #tpu.memory_space<vmem>> -> memref<1600xi32, #tpu.memory_space<vmem>>
      %dma_wait3A_116 = tpu.memref_slice %arg3[%add3A_107] : memref<6400000xi32, #tpu.memory_space<hbm>> -> memref<1600xi32, #tpu.memory_space<hbm>>
      tpu.wait_dma2 semaphore(%arg11 : memref<!tpu.dma_semaphore, #tpu.memory_space<semaphore_mem>>) src(%dma_wait3A_116 : memref<1600xi32, #tpu.memory_space<hbm>>) dst(%dma_wait3A_115 : memref<1600xi32, #tpu.memory_space<vmem>>)
      %dma_wait3A_117 = arith.constant 0 : i32
      %dma_wait3A_118 = arith.constant 0 : i32
      %dma_wait3A_119 = tpu.memref_slice %arg8[%dma_wait3A_117, %dma_wait3A_118] : memref<2x1600xi32, #tpu.memory_space<vmem>> -> memref<1x1600xi32, #tpu.memory_space<vmem>>
      %dma_wait3A_120 = tpu.memref_squeeze %dma_wait3A_119 : memref<1x1600xi32, #tpu.memory_space<vmem>> -> memref<1600xi32, #tpu.memory_space<vmem>>
      %dma_wait3A_121 = tpu.memref_slice %arg4[%add3A_107] : memref<6400000xi32, #tpu.memory_space<hbm>> -> memref<1600xi32, #tpu.memory_space<hbm>>
      %dma_wait3A_122 = arith.constant 0 : i32
      %dma_wait3A_123 = tpu.memref_slice %arg8[%dma_wait3A_117, %dma_wait3A_122] : memref<2x1600xi32, #tpu.memory_space<vmem>> -> memref<1x1600xi32, #tpu.memory_space<vmem>>
      %dma_wait3A_124 = tpu.memref_squeeze %dma_wait3A_123 : memref<1x1600xi32, #tpu.memory_space<vmem>> -> memref<1600xi32, #tpu.memory_space<vmem>>
      %dma_wait3A_125 = tpu.memref_slice %arg4[%add3A_107] : memref<6400000xi32, #tpu.memory_space<hbm>> -> memref<1600xi32, #tpu.memory_space<hbm>>
      tpu.wait_dma2 semaphore(%arg11 : memref<!tpu.dma_semaphore, #tpu.memory_space<semaphore_mem>>) src(%dma_wait3A_125 : memref<1600xi32, #tpu.memory_space<hbm>>) dst(%dma_wait3A_124 : memref<1600xi32, #tpu.memory_space<vmem>>)
      %while3A_126 = arith.constant 0 : i32
      %while3A_127 = arith.constant 0 : i32
      %while3A_128 = arith.constant 20 : i32
      %while3A_129 = arith.subi %while3A_128, %while3A_127 : i32
      %while3A_130 = arith.addi %while3A_127, %while3A_129 : i32
      %while3A_131 = arith.constant 1 : i32
      %while3A_132 = arith.divsi %while3A_129, %while3A_131 : i32
      %while3A_133 = arith.muli %while3A_132, %while3A_131 : i32
      %while3A_134 = arith.addi %while3A_127, %while3A_133 : i32
      %while3A_135 = arith.constant 1 : i32
      %while3A_136 = scf.for %while3A_184 = %while3A_127 to %while3A_134 step %while3A_135 iter_args(%while3A_185 = %while3A_102) -> (vector<16xf32>)  : i32 {
        %mul3A_186 = arith.muli %while3A_184, %while3A_48 : i32
        %add3A_187 = vector.broadcast %mul3A_186 : i32 to vector<16xi32>
        %add3A_188 = arith.addi %add3A_187, %iota3A : vector<16xi32>
        %add3A_189 = arith.constant 0 : i32
        %add3A_190 = vector.broadcast %add3A_189 : i32 to vector<16xi32>
        %add3A_191 = arith.addi %add3A_188, %add3A_190 : vector<16xi32>
        %gather3A = arith.constant 0 : i32
        %gather3A_192 = tpu.memref_slice %arg7[%while3A_126, %gather3A] : memref<2x1600xi32, #tpu.memory_space<vmem>> -> memref<1x1600xi32, #tpu.memory_space<vmem>>
        %gather3A_193 = tpu.memref_squeeze %gather3A_192 : memref<1x1600xi32, #tpu.memory_space<vmem>> -> memref<1600xi32, #tpu.memory_space<vmem>>
        %gather3A_194 = tpu.vector_load_idx %gather3A_193[%add3A_191] : memref<1600xi32, #tpu.memory_space<vmem>>[vector<16xi32>], vector<16xi32>,
        %gather3A_195 = arith.constant 0 : i32
        %gather3A_196 = tpu.memref_slice %arg8[%while3A_126, %gather3A_195] : memref<2x1600xi32, #tpu.memory_space<vmem>> -> memref<1x1600xi32, #tpu.memory_space<vmem>>
        %gather3A_197 = tpu.memref_squeeze %gather3A_196 : memref<1x1600xi32, #tpu.memory_space<vmem>> -> memref<1600xi32, #tpu.memory_space<vmem>>
        %gather3A_198 = tpu.vector_load_idx %gather3A_197[%add3A_191] : memref<1600xi32, #tpu.memory_space<vmem>>[vector<16xi32>], vector<16xi32>,
        %gather3A_199 = tpu.vector_load_idx %arg6[%gather3A_194] : memref<100000xf32, #tpu.memory_space<vmem>>[vector<16xi32>], vector<16xf32>,
        %gather3A_200 = tpu.vector_load_idx %arg6[%gather3A_198] : memref<100000xf32, #tpu.memory_space<vmem>>[vector<16xi32>], vector<16xf32>,
        %mul3A_201 = arith.mulf %gather3A_199, %gather3A_200 : vector<16xf32>
        %max3A = arith.constant 1.000000e-07 : f32
        %max3A_202 = vector.broadcast %max3A : f32 to vector<16xf32>
        %max3A_203 = arith.maximumf %mul3A_201, %max3A_202 : vector<16xf32>
        %min3A = arith.constant 0.99999988 : f32
        %min3A_204 = vector.broadcast %min3A : f32 to vector<16xf32>
        %min3A_205 = arith.minimumf %max3A_203, %min3A_204 : vector<16xf32>
        %sub3A = arith.constant 1.000000e+00 : f32
        %sub3A_206 = vector.broadcast %sub3A : f32 to vector<16xf32>
        %sub3A_207 = arith.subf %sub3A_206, %min3A_205 : vector<16xf32>
        %broadcast_in_dim3A_208 = arith.constant 23 : i32
        %broadcast_in_dim3A_209 = vector.broadcast %broadcast_in_dim3A_208 : i32 to vector<16xi32>
        %bitcast_convert_type3A = tpu.bitcast %sub3A_207 : vector<16xf32> -> vector<16xi32>
        %sub3A_210 = arith.constant 1060439283 : i32
        %sub3A_211 = vector.broadcast %sub3A_210 : i32 to vector<16xi32>
        %sub3A_212 = arith.subi %bitcast_convert_type3A, %sub3A_211 : vector<16xi32>
        %shift_right_arithmetic3A = arith.shrsi %sub3A_212, %broadcast_in_dim3A_209 : vector<16xi32>
        %shift_left3A = arith.shli %shift_right_arithmetic3A, %broadcast_in_dim3A_209 : vector<16xi32>
        %sub3A_213 = arith.subi %bitcast_convert_type3A, %shift_left3A : vector<16xi32>
        %bitcast_convert_type3A_214 = tpu.bitcast %sub3A_213 : vector<16xi32> -> vector<16xf32>
        %sub3A_215 = arith.constant 1.000000e+00 : f32
        %sub3A_216 = vector.broadcast %sub3A_215 : f32 to vector<16xf32>
        %sub3A_217 = arith.subf %bitcast_convert_type3A_214, %sub3A_216 : vector<16xf32>
        %add3A_218 = arith.constant 1.000000e+00 : f32
        %add3A_219 = vector.broadcast %add3A_218 : f32 to vector<16xf32>
        %add3A_220 = arith.addf %bitcast_convert_type3A_214, %add3A_219 : vector<16xf32>
        %div3A = arith.divf %sub3A_217, %add3A_220 : vector<16xf32>
        %mul3A_221 = arith.mulf %div3A, %div3A : vector<16xf32>
        %mul3A_222 = arith.constant 2.000000e+00 : f32
        %mul3A_223 = vector.broadcast %mul3A_222 : f32 to vector<16xf32>
        %mul3A_224 = arith.mulf %mul3A_223, %div3A : vector<16xf32>
        %mul3A_225 = arith.constant 0.142857149 : f32
        %mul3A_226 = vector.broadcast %mul3A_225 : f32 to vector<16xf32>
        %mul3A_227 = arith.mulf %mul3A_221, %mul3A_226 : vector<16xf32>
        %add3A_228 = arith.constant 2.000000e-01 : f32
        %add3A_229 = vector.broadcast %add3A_228 : f32 to vector<16xf32>
        %add3A_230 = arith.addf %add3A_229, %mul3A_227 : vector<16xf32>
        %mul3A_231 = arith.mulf %mul3A_221, %add3A_230 : vector<16xf32>
        %add3A_232 = arith.constant 0.333333343 : f32
        %add3A_233 = vector.broadcast %add3A_232 : f32 to vector<16xf32>
        %add3A_234 = arith.addf %add3A_233, %mul3A_231 : vector<16xf32>
        %mul3A_235 = arith.mulf %mul3A_221, %add3A_234 : vector<16xf32>
        %add3A_236 = arith.constant 1.000000e+00 : f32
        %add3A_237 = vector.broadcast %add3A_236 : f32 to vector<16xf32>
        %add3A_238 = arith.addf %add3A_237, %mul3A_235 : vector<16xf32>
        %mul3A_239 = arith.mulf %mul3A_224, %add3A_238 : vector<16xf32>
        %convert_element_type3A_240 = arith.sitofp %shift_right_arithmetic3A : vector<16xi32> to vector<16xf32>
        %mul3A_241 = arith.constant 0.693147182 : f32
        %mul3A_242 = vector.broadcast %mul3A_241 : f32 to vector<16xf32>
        %mul3A_243 = arith.mulf %convert_element_type3A_240, %mul3A_242 : vector<16xf32>
        %add3A_244 = arith.addf %mul3A_243, %mul3A_239 : vector<16xf32>
        %add3A_245 = arith.addf %while3A_185, %add3A_244 : vector<16xf32>
        %add3A_246 = arith.constant 16 : i32
        %add3A_247 = vector.broadcast %add3A_246 : i32 to vector<16xi32>
        %add3A_248 = arith.addi %add3A_188, %add3A_247 : vector<16xi32>
        %gather3A_249 = arith.constant 0 : i32
        %gather3A_250 = tpu.memref_slice %arg7[%while3A_126, %gather3A_249] : memref<2x1600xi32, #tpu.memory_space<vmem>> -> memref<1x1600xi32, #tpu.memory_space<vmem>>
        %gather3A_251 = tpu.memref_squeeze %gather3A_250 : memref<1x1600xi32, #tpu.memory_space<vmem>> -> memref<1600xi32, #tpu.memory_space<vmem>>
        %gather3A_252 = tpu.vector_load_idx %gather3A_251[%add3A_248] : memref<1600xi32, #tpu.memory_space<vmem>>[vector<16xi32>], vector<16xi32>,
        %gather3A_253 = arith.constant 0 : i32
        %gather3A_254 = tpu.memref_slice %arg8[%while3A_126, %gather3A_253] : memref<2x1600xi32, #tpu.memory_space<vmem>> -> memref<1x1600xi32, #tpu.memory_space<vmem>>
        %gather3A_255 = tpu.memref_squeeze %gather3A_254 : memref<1x1600xi32, #tpu.memory_space<vmem>> -> memref<1600xi32, #tpu.memory_space<vmem>>
        %gather3A_256 = tpu.vector_load_idx %gather3A_255[%add3A_248] : memref<1600xi32, #tpu.memory_space<vmem>>[vector<16xi32>], vector<16xi32>,
        %gather3A_257 = tpu.vector_load_idx %arg6[%gather3A_252] : memref<100000xf32, #tpu.memory_space<vmem>>[vector<16xi32>], vector<16xf32>,
        %gather3A_258 = tpu.vector_load_idx %arg6[%gather3A_256] : memref<100000xf32, #tpu.memory_space<vmem>>[vector<16xi32>], vector<16xf32>,
        %mul3A_259 = arith.mulf %gather3A_257, %gather3A_258 : vector<16xf32>
        %max3A_260 = arith.constant 1.000000e-07 : f32
        %max3A_261 = vector.broadcast %max3A_260 : f32 to vector<16xf32>
        %max3A_262 = arith.maximumf %mul3A_259, %max3A_261 : vector<16xf32>
        %min3A_263 = arith.constant 0.99999988 : f32
        %min3A_264 = vector.broadcast %min3A_263 : f32 to vector<16xf32>
        %min3A_265 = arith.minimumf %max3A_262, %min3A_264 : vector<16xf32>
        %sub3A_266 = arith.constant 1.000000e+00 : f32
        %sub3A_267 = vector.broadcast %sub3A_266 : f32 to vector<16xf32>
        %sub3A_268 = arith.subf %sub3A_267, %min3A_265 : vector<16xf32>
        %broadcast_in_dim3A_269 = arith.constant 23 : i32
        %broadcast_in_dim3A_270 = vector.broadcast %broadcast_in_dim3A_269 : i32 to vector<16xi32>
        %bitcast_convert_type3A_271 = tpu.bitcast %sub3A_268 : vector<16xf32> -> vector<16xi32>
        %sub3A_272 = arith.constant 1060439283 : i32
        %sub3A_273 = vector.broadcast %sub3A_272 : i32 to vector<16xi32>
        %sub3A_274 = arith.subi %bitcast_convert_type3A_271, %sub3A_273 : vector<16xi32>
        %shift_right_arithmetic3A_275 = arith.shrsi %sub3A_274, %broadcast_in_dim3A_270 : vector<16xi32>
        %shift_left3A_276 = arith.shli %shift_right_arithmetic3A_275, %broadcast_in_dim3A_270 : vector<16xi32>
        %sub3A_277 = arith.subi %bitcast_convert_type3A_271, %shift_left3A_276 : vector<16xi32>
        %bitcast_convert_type3A_278 = tpu.bitcast %sub3A_277 : vector<16xi32> -> vector<16xf32>
        %sub3A_279 = arith.constant 1.000000e+00 : f32
        %sub3A_280 = vector.broadcast %sub3A_279 : f32 to vector<16xf32>
        %sub3A_281 = arith.subf %bitcast_convert_type3A_278, %sub3A_280 : vector<16xf32>
        %add3A_282 = arith.constant 1.000000e+00 : f32
        %add3A_283 = vector.broadcast %add3A_282 : f32 to vector<16xf32>
        %add3A_284 = arith.addf %bitcast_convert_type3A_278, %add3A_283 : vector<16xf32>
        %div3A_285 = arith.divf %sub3A_281, %add3A_284 : vector<16xf32>
        %mul3A_286 = arith.mulf %div3A_285, %div3A_285 : vector<16xf32>
        %mul3A_287 = arith.constant 2.000000e+00 : f32
        %mul3A_288 = vector.broadcast %mul3A_287 : f32 to vector<16xf32>
        %mul3A_289 = arith.mulf %mul3A_288, %div3A_285 : vector<16xf32>
        %mul3A_290 = arith.constant 0.142857149 : f32
        %mul3A_291 = vector.broadcast %mul3A_290 : f32 to vector<16xf32>
        %mul3A_292 = arith.mulf %mul3A_286, %mul3A_291 : vector<16xf32>
        %add3A_293 = arith.constant 2.000000e-01 : f32
        %add3A_294 = vector.broadcast %add3A_293 : f32 to vector<16xf32>
        %add3A_295 = arith.addf %add3A_294, %mul3A_292 : vector<16xf32>
        %mul3A_296 = arith.mulf %mul3A_286, %add3A_295 : vector<16xf32>
        %add3A_297 = arith.constant 0.333333343 : f32
        %add3A_298 = vector.broadcast %add3A_297 : f32 to vector<16xf32>
        %add3A_299 = arith.addf %add3A_298, %mul3A_296 : vector<16xf32>
        %mul3A_300 = arith.mulf %mul3A_286, %add3A_299 : vector<16xf32>
        %add3A_301 = arith.constant 1.000000e+00 : f32
        %add3A_302 = vector.broadcast %add3A_301 : f32 to vector<16xf32>
        %add3A_303 = arith.addf %add3A_302, %mul3A_300 : vector<16xf32>
        %mul3A_304 = arith.mulf %mul3A_289, %add3A_303 : vector<16xf32>
        %convert_element_type3A_305 = arith.sitofp %shift_right_arithmetic3A_275 : vector<16xi32> to vector<16xf32>
        %mul3A_306 = arith.constant 0.693147182 : f32
        %mul3A_307 = vector.broadcast %mul3A_306 : f32 to vector<16xf32>
        %mul3A_308 = arith.mulf %convert_element_type3A_305, %mul3A_307 : vector<16xf32>
        %add3A_309 = arith.addf %mul3A_308, %mul3A_304 : vector<16xf32>
        %add3A_310 = arith.addf %add3A_245, %add3A_309 : vector<16xf32>
        %add3A_311 = arith.constant 32 : i32
        %add3A_312 = vector.broadcast %add3A_311 : i32 to vector<16xi32>
        %add3A_313 = arith.addi %add3A_188, %add3A_312 : vector<16xi32>
        %gather3A_314 = arith.constant 0 : i32
        %gather3A_315 = tpu.memref_slice %arg7[%while3A_126, %gather3A_314] : memref<2x1600xi32, #tpu.memory_space<vmem>> -> memref<1x1600xi32, #tpu.memory_space<vmem>>
        %gather3A_316 = tpu.memref_squeeze %gather3A_315 : memref<1x1600xi32, #tpu.memory_space<vmem>> -> memref<1600xi32, #tpu.memory_space<vmem>>
        %gather3A_317 = tpu.vector_load_idx %gather3A_316[%add3A_313] : memref<1600xi32, #tpu.memory_space<vmem>>[vector<16xi32>], vector<16xi32>,
        %gather3A_318 = arith.constant 0 : i32
        %gather3A_319 = tpu.memref_slice %arg8[%while3A_126, %gather3A_318] : memref<2x1600xi32, #tpu.memory_space<vmem>> -> memref<1x1600xi32, #tpu.memory_space<vmem>>
        %gather3A_320 = tpu.memref_squeeze %gather3A_319 : memref<1x1600xi32, #tpu.memory_space<vmem>> -> memref<1600xi32, #tpu.memory_space<vmem>>
        %gather3A_321 = tpu.vector_load_idx %gather3A_320[%add3A_313] : memref<1600xi32, #tpu.memory_space<vmem>>[vector<16xi32>], vector<16xi32>,
        %gather3A_322 = tpu.vector_load_idx %arg6[%gather3A_317] : memref<100000xf32, #tpu.memory_space<vmem>>[vector<16xi32>], vector<16xf32>,
        %gather3A_323 = tpu.vector_load_idx %arg6[%gather3A_321] : memref<100000xf32, #tpu.memory_space<vmem>>[vector<16xi32>], vector<16xf32>,
        %mul3A_324 = arith.mulf %gather3A_322, %gather3A_323 : vector<16xf32>
        %max3A_325 = arith.constant 1.000000e-07 : f32
        %max3A_326 = vector.broadcast %max3A_325 : f32 to vector<16xf32>
        %max3A_327 = arith.maximumf %mul3A_324, %max3A_326 : vector<16xf32>
        %min3A_328 = arith.constant 0.99999988 : f32
        %min3A_329 = vector.broadcast %min3A_328 : f32 to vector<16xf32>
        %min3A_330 = arith.minimumf %max3A_327, %min3A_329 : vector<16xf32>
        %sub3A_331 = arith.constant 1.000000e+00 : f32
        %sub3A_332 = vector.broadcast %sub3A_331 : f32 to vector<16xf32>
        %sub3A_333 = arith.subf %sub3A_332, %min3A_330 : vector<16xf32>
        %broadcast_in_dim3A_334 = arith.constant 23 : i32
        %broadcast_in_dim3A_335 = vector.broadcast %broadcast_in_dim3A_334 : i32 to vector<16xi32>
        %bitcast_convert_type3A_336 = tpu.bitcast %sub3A_333 : vector<16xf32> -> vector<16xi32>
        %sub3A_337 = arith.constant 1060439283 : i32
        %sub3A_338 = vector.broadcast %sub3A_337 : i32 to vector<16xi32>
        %sub3A_339 = arith.subi %bitcast_convert_type3A_336, %sub3A_338 : vector<16xi32>
        %shift_right_arithmetic3A_340 = arith.shrsi %sub3A_339, %broadcast_in_dim3A_335 : vector<16xi32>
        %shift_left3A_341 = arith.shli %shift_right_arithmetic3A_340, %broadcast_in_dim3A_335 : vector<16xi32>
        %sub3A_342 = arith.subi %bitcast_convert_type3A_336, %shift_left3A_341 : vector<16xi32>
        %bitcast_convert_type3A_343 = tpu.bitcast %sub3A_342 : vector<16xi32> -> vector<16xf32>
        %sub3A_344 = arith.constant 1.000000e+00 : f32
        %sub3A_345 = vector.broadcast %sub3A_344 : f32 to vector<16xf32>
        %sub3A_346 = arith.subf %bitcast_convert_type3A_343, %sub3A_345 : vector<16xf32>
        %add3A_347 = arith.constant 1.000000e+00 : f32
        %add3A_348 = vector.broadcast %add3A_347 : f32 to vector<16xf32>
        %add3A_349 = arith.addf %bitcast_convert_type3A_343, %add3A_348 : vector<16xf32>
        %div3A_350 = arith.divf %sub3A_346, %add3A_349 : vector<16xf32>
        %mul3A_351 = arith.mulf %div3A_350, %div3A_350 : vector<16xf32>
        %mul3A_352 = arith.constant 2.000000e+00 : f32
        %mul3A_353 = vector.broadcast %mul3A_352 : f32 to vector<16xf32>
        %mul3A_354 = arith.mulf %mul3A_353, %div3A_350 : vector<16xf32>
        %mul3A_355 = arith.constant 0.142857149 : f32
        %mul3A_356 = vector.broadcast %mul3A_355 : f32 to vector<16xf32>
        %mul3A_357 = arith.mulf %mul3A_351, %mul3A_356 : vector<16xf32>
        %add3A_358 = arith.constant 2.000000e-01 : f32
        %add3A_359 = vector.broadcast %add3A_358 : f32 to vector<16xf32>
        %add3A_360 = arith.addf %add3A_359, %mul3A_357 : vector<16xf32>
        %mul3A_361 = arith.mulf %mul3A_351, %add3A_360 : vector<16xf32>
        %add3A_362 = arith.constant 0.333333343 : f32
        %add3A_363 = vector.broadcast %add3A_362 : f32 to vector<16xf32>
        %add3A_364 = arith.addf %add3A_363, %mul3A_361 : vector<16xf32>
        %mul3A_365 = arith.mulf %mul3A_351, %add3A_364 : vector<16xf32>
        %add3A_366 = arith.constant 1.000000e+00 : f32
        %add3A_367 = vector.broadcast %add3A_366 : f32 to vector<16xf32>
        %add3A_368 = arith.addf %add3A_367, %mul3A_365 : vector<16xf32>
        %mul3A_369 = arith.mulf %mul3A_354, %add3A_368 : vector<16xf32>
        %convert_element_type3A_370 = arith.sitofp %shift_right_arithmetic3A_340 : vector<16xi32> to vector<16xf32>
        %mul3A_371 = arith.constant 0.693147182 : f32
        %mul3A_372 = vector.broadcast %mul3A_371 : f32 to vector<16xf32>
        %mul3A_373 = arith.mulf %convert_element_type3A_370, %mul3A_372 : vector<16xf32>
        %add3A_374 = arith.addf %mul3A_373, %mul3A_369 : vector<16xf32>
        %add3A_375 = arith.addf %add3A_310, %add3A_374 : vector<16xf32>
        %add3A_376 = arith.constant 48 : i32
        %add3A_377 = vector.broadcast %add3A_376 : i32 to vector<16xi32>
        %add3A_378 = arith.addi %add3A_188, %add3A_377 : vector<16xi32>
        %gather3A_379 = arith.constant 0 : i32
        %gather3A_380 = tpu.memref_slice %arg7[%while3A_126, %gather3A_379] : memref<2x1600xi32, #tpu.memory_space<vmem>> -> memref<1x1600xi32, #tpu.memory_space<vmem>>
        %gather3A_381 = tpu.memref_squeeze %gather3A_380 : memref<1x1600xi32, #tpu.memory_space<vmem>> -> memref<1600xi32, #tpu.memory_space<vmem>>
        %gather3A_382 = tpu.vector_load_idx %gather3A_381[%add3A_378] : memref<1600xi32, #tpu.memory_space<vmem>>[vector<16xi32>], vector<16xi32>,
        %gather3A_383 = arith.constant 0 : i32
        %gather3A_384 = tpu.memref_slice %arg8[%while3A_126, %gather3A_383] : memref<2x1600xi32, #tpu.memory_space<vmem>> -> memref<1x1600xi32, #tpu.memory_space<vmem>>
        %gather3A_385 = tpu.memref_squeeze %gather3A_384 : memref<1x1600xi32, #tpu.memory_space<vmem>> -> memref<1600xi32, #tpu.memory_space<vmem>>
        %gather3A_386 = tpu.vector_load_idx %gather3A_385[%add3A_378] : memref<1600xi32, #tpu.memory_space<vmem>>[vector<16xi32>], vector<16xi32>,
        %gather3A_387 = tpu.vector_load_idx %arg6[%gather3A_382] : memref<100000xf32, #tpu.memory_space<vmem>>[vector<16xi32>], vector<16xf32>,
        %gather3A_388 = tpu.vector_load_idx %arg6[%gather3A_386] : memref<100000xf32, #tpu.memory_space<vmem>>[vector<16xi32>], vector<16xf32>,
        %mul3A_389 = arith.mulf %gather3A_387, %gather3A_388 : vector<16xf32>
        %max3A_390 = arith.constant 1.000000e-07 : f32
        %max3A_391 = vector.broadcast %max3A_390 : f32 to vector<16xf32>
        %max3A_392 = arith.maximumf %mul3A_389, %max3A_391 : vector<16xf32>
        %min3A_393 = arith.constant 0.99999988 : f32
        %min3A_394 = vector.broadcast %min3A_393 : f32 to vector<16xf32>
        %min3A_395 = arith.minimumf %max3A_392, %min3A_394 : vector<16xf32>
        %sub3A_396 = arith.constant 1.000000e+00 : f32
        %sub3A_397 = vector.broadcast %sub3A_396 : f32 to vector<16xf32>
        %sub3A_398 = arith.subf %sub3A_397, %min3A_395 : vector<16xf32>
        %broadcast_in_dim3A_399 = arith.constant 23 : i32
        %broadcast_in_dim3A_400 = vector.broadcast %broadcast_in_dim3A_399 : i32 to vector<16xi32>
        %bitcast_convert_type3A_401 = tpu.bitcast %sub3A_398 : vector<16xf32> -> vector<16xi32>
        %sub3A_402 = arith.constant 1060439283 : i32
        %sub3A_403 = vector.broadcast %sub3A_402 : i32 to vector<16xi32>
        %sub3A_404 = arith.subi %bitcast_convert_type3A_401, %sub3A_403 : vector<16xi32>
        %shift_right_arithmetic3A_405 = arith.shrsi %sub3A_404, %broadcast_in_dim3A_400 : vector<16xi32>
        %shift_left3A_406 = arith.shli %shift_right_arithmetic3A_405, %broadcast_in_dim3A_400 : vector<16xi32>
        %sub3A_407 = arith.subi %bitcast_convert_type3A_401, %shift_left3A_406 : vector<16xi32>
        %bitcast_convert_type3A_408 = tpu.bitcast %sub3A_407 : vector<16xi32> -> vector<16xf32>
        %sub3A_409 = arith.constant 1.000000e+00 : f32
        %sub3A_410 = vector.broadcast %sub3A_409 : f32 to vector<16xf32>
        %sub3A_411 = arith.subf %bitcast_convert_type3A_408, %sub3A_410 : vector<16xf32>
        %add3A_412 = arith.constant 1.000000e+00 : f32
        %add3A_413 = vector.broadcast %add3A_412 : f32 to vector<16xf32>
        %add3A_414 = arith.addf %bitcast_convert_type3A_408, %add3A_413 : vector<16xf32>
        %div3A_415 = arith.divf %sub3A_411, %add3A_414 : vector<16xf32>
        %mul3A_416 = arith.mulf %div3A_415, %div3A_415 : vector<16xf32>
        %mul3A_417 = arith.constant 2.000000e+00 : f32
        %mul3A_418 = vector.broadcast %mul3A_417 : f32 to vector<16xf32>
        %mul3A_419 = arith.mulf %mul3A_418, %div3A_415 : vector<16xf32>
        %mul3A_420 = arith.constant 0.142857149 : f32
        %mul3A_421 = vector.broadcast %mul3A_420 : f32 to vector<16xf32>
        %mul3A_422 = arith.mulf %mul3A_416, %mul3A_421 : vector<16xf32>
        %add3A_423 = arith.constant 2.000000e-01 : f32
        %add3A_424 = vector.broadcast %add3A_423 : f32 to vector<16xf32>
        %add3A_425 = arith.addf %add3A_424, %mul3A_422 : vector<16xf32>
        %mul3A_426 = arith.mulf %mul3A_416, %add3A_425 : vector<16xf32>
        %add3A_427 = arith.constant 0.333333343 : f32
        %add3A_428 = vector.broadcast %add3A_427 : f32 to vector<16xf32>
        %add3A_429 = arith.addf %add3A_428, %mul3A_426 : vector<16xf32>
        %mul3A_430 = arith.mulf %mul3A_416, %add3A_429 : vector<16xf32>
        %add3A_431 = arith.constant 1.000000e+00 : f32
        %add3A_432 = vector.broadcast %add3A_431 : f32 to vector<16xf32>
        %add3A_433 = arith.addf %add3A_432, %mul3A_430 : vector<16xf32>
        %mul3A_434 = arith.mulf %mul3A_419, %add3A_433 : vector<16xf32>
        %convert_element_type3A_435 = arith.sitofp %shift_right_arithmetic3A_405 : vector<16xi32> to vector<16xf32>
        %mul3A_436 = arith.constant 0.693147182 : f32
        %mul3A_437 = vector.broadcast %mul3A_436 : f32 to vector<16xf32>
        %mul3A_438 = arith.mulf %convert_element_type3A_435, %mul3A_437 : vector<16xf32>
        %add3A_439 = arith.addf %mul3A_438, %mul3A_434 : vector<16xf32>
        %add3A_440 = arith.addf %add3A_375, %add3A_439 : vector<16xf32>
        %add3A_441 = arith.constant 64 : i32
        %add3A_442 = vector.broadcast %add3A_441 : i32 to vector<16xi32>
        %add3A_443 = arith.addi %add3A_188, %add3A_442 : vector<16xi32>
        %gather3A_444 = arith.constant 0 : i32
        %gather3A_445 = tpu.memref_slice %arg7[%while3A_126, %gather3A_444] : memref<2x1600xi32, #tpu.memory_space<vmem>> -> memref<1x1600xi32, #tpu.memory_space<vmem>>
        %gather3A_446 = tpu.memref_squeeze %gather3A_445 : memref<1x1600xi32, #tpu.memory_space<vmem>> -> memref<1600xi32, #tpu.memory_space<vmem>>
        %gather3A_447 = tpu.vector_load_idx %gather3A_446[%add3A_443] : memref<1600xi32, #tpu.memory_space<vmem>>[vector<16xi32>], vector<16xi32>,
        %gather3A_448 = arith.constant 0 : i32
        %gather3A_449 = tpu.memref_slice %arg8[%while3A_126, %gather3A_448] : memref<2x1600xi32, #tpu.memory_space<vmem>> -> memref<1x1600xi32, #tpu.memory_space<vmem>>
        %gather3A_450 = tpu.memref_squeeze %gather3A_449 : memref<1x1600xi32, #tpu.memory_space<vmem>> -> memref<1600xi32, #tpu.memory_space<vmem>>
        %gather3A_451 = tpu.vector_load_idx %gather3A_450[%add3A_443] : memref<1600xi32, #tpu.memory_space<vmem>>[vector<16xi32>], vector<16xi32>,
        %gather3A_452 = tpu.vector_load_idx %arg6[%gather3A_447] : memref<100000xf32, #tpu.memory_space<vmem>>[vector<16xi32>], vector<16xf32>,
        %gather3A_453 = tpu.vector_load_idx %arg6[%gather3A_451] : memref<100000xf32, #tpu.memory_space<vmem>>[vector<16xi32>], vector<16xf32>,
        %mul3A_454 = arith.mulf %gather3A_452, %gather3A_453 : vector<16xf32>
        %max3A_455 = arith.constant 1.000000e-07 : f32
        %max3A_456 = vector.broadcast %max3A_455 : f32 to vector<16xf32>
        %max3A_457 = arith.maximumf %mul3A_454, %max3A_456 : vector<16xf32>
        %min3A_458 = arith.constant 0.99999988 : f32
        %min3A_459 = vector.broadcast %min3A_458 : f32 to vector<16xf32>
        %min3A_460 = arith.minimumf %max3A_457, %min3A_459 : vector<16xf32>
        %sub3A_461 = arith.constant 1.000000e+00 : f32
        %sub3A_462 = vector.broadcast %sub3A_461 : f32 to vector<16xf32>
        %sub3A_463 = arith.subf %sub3A_462, %min3A_460 : vector<16xf32>
        %broadcast_in_dim3A_464 = arith.constant 23 : i32
        %broadcast_in_dim3A_465 = vector.broadcast %broadcast_in_dim3A_464 : i32 to vector<16xi32>
        %bitcast_convert_type3A_466 = tpu.bitcast %sub3A_463 : vector<16xf32> -> vector<16xi32>
        %sub3A_467 = arith.constant 1060439283 : i32
        %sub3A_468 = vector.broadcast %sub3A_467 : i32 to vector<16xi32>
        %sub3A_469 = arith.subi %bitcast_convert_type3A_466, %sub3A_468 : vector<16xi32>
        %shift_right_arithmetic3A_470 = arith.shrsi %sub3A_469, %broadcast_in_dim3A_465 : vector<16xi32>
        %shift_left3A_471 = arith.shli %shift_right_arithmetic3A_470, %broadcast_in_dim3A_465 : vector<16xi32>
        %sub3A_472 = arith.subi %bitcast_convert_type3A_466, %shift_left3A_471 : vector<16xi32>
        %bitcast_convert_type3A_473 = tpu.bitcast %sub3A_472 : vector<16xi32> -> vector<16xf32>
        %sub3A_474 = arith.constant 1.000000e+00 : f32
        %sub3A_475 = vector.broadcast %sub3A_474 : f32 to vector<16xf32>
        %sub3A_476 = arith.subf %bitcast_convert_type3A_473, %sub3A_475 : vector<16xf32>
        %add3A_477 = arith.constant 1.000000e+00 : f32
        %add3A_478 = vector.broadcast %add3A_477 : f32 to vector<16xf32>
        %add3A_479 = arith.addf %bitcast_convert_type3A_473, %add3A_478 : vector<16xf32>
        %div3A_480 = arith.divf %sub3A_476, %add3A_479 : vector<16xf32>
        %mul3A_481 = arith.mulf %div3A_480, %div3A_480 : vector<16xf32>
        %mul3A_482 = arith.constant 2.000000e+00 : f32
        %mul3A_483 = vector.broadcast %mul3A_482 : f32 to vector<16xf32>
        %mul3A_484 = arith.mulf %mul3A_483, %div3A_480 : vector<16xf32>
        %mul3A_485 = arith.constant 0.142857149 : f32
        %mul3A_486 = vector.broadcast %mul3A_485 : f32 to vector<16xf32>
        %mul3A_487 = arith.mulf %mul3A_481, %mul3A_486 : vector<16xf32>
        %add3A_488 = arith.constant 2.000000e-01 : f32
        %add3A_489 = vector.broadcast %add3A_488 : f32 to vector<16xf32>
        %add3A_490 = arith.addf %add3A_489, %mul3A_487 : vector<16xf32>
        %mul3A_491 = arith.mulf %mul3A_481, %add3A_490 : vector<16xf32>
        %add3A_492 = arith.constant 0.333333343 : f32
        %add3A_493 = vector.broadcast %add3A_492 : f32 to vector<16xf32>
        %add3A_494 = arith.addf %add3A_493, %mul3A_491 : vector<16xf32>
        %mul3A_495 = arith.mulf %mul3A_481, %add3A_494 : vector<16xf32>
        %add3A_496 = arith.constant 1.000000e+00 : f32
        %add3A_497 = vector.broadcast %add3A_496 : f32 to vector<16xf32>
        %add3A_498 = arith.addf %add3A_497, %mul3A_495 : vector<16xf32>
        %mul3A_499 = arith.mulf %mul3A_484, %add3A_498 : vector<16xf32>
        %convert_element_type3A_500 = arith.sitofp %shift_right_arithmetic3A_470 : vector<16xi32> to vector<16xf32>
        %mul3A_501 = arith.constant 0.693147182 : f32
        %mul3A_502 = vector.broadcast %mul3A_501 : f32 to vector<16xf32>
        %mul3A_503 = arith.mulf %convert_element_type3A_500, %mul3A_502 : vector<16xf32>
        %add3A_504 = arith.addf %mul3A_503, %mul3A_499 : vector<16xf32>
        %add3A_505 = arith.addf %add3A_440, %add3A_504 : vector<16xf32>
        scf.yield %add3A_505 : vector<16xf32>
      }
      %while3A_137 = arith.constant 1 : i32
      %while3A_138 = scf.for %while3A_184 = %while3A_134 to %while3A_130 step %while3A_137 iter_args(%while3A_185 = %while3A_136) -> (vector<16xf32>)  : i32 {
        %mul3A_186 = arith.muli %while3A_184, %while3A_48 : i32
        %add3A_187 = vector.broadcast %mul3A_186 : i32 to vector<16xi32>
        %add3A_188 = arith.addi %add3A_187, %iota3A : vector<16xi32>
        %add3A_189 = arith.constant 0 : i32
        %add3A_190 = vector.broadcast %add3A_189 : i32 to vector<16xi32>
        %add3A_191 = arith.addi %add3A_188, %add3A_190 : vector<16xi32>
        %gather3A = arith.constant 0 : i32
        %gather3A_192 = tpu.memref_slice %arg7[%while3A_126, %gather3A] : memref<2x1600xi32, #tpu.memory_space<vmem>> -> memref<1x1600xi32, #tpu.memory_space<vmem>>
        %gather3A_193 = tpu.memref_squeeze %gather3A_192 : memref<1x1600xi32, #tpu.memory_space<vmem>> -> memref<1600xi32, #tpu.memory_space<vmem>>
        %gather3A_194 = tpu.vector_load_idx %gather3A_193[%add3A_191] : memref<1600xi32, #tpu.memory_space<vmem>>[vector<16xi32>], vector<16xi32>,
        %gather3A_195 = arith.constant 0 : i32
        %gather3A_196 = tpu.memref_slice %arg8[%while3A_126, %gather3A_195] : memref<2x1600xi32, #tpu.memory_space<vmem>> -> memref<1x1600xi32, #tpu.memory_space<vmem>>
        %gather3A_197 = tpu.memref_squeeze %gather3A_196 : memref<1x1600xi32, #tpu.memory_space<vmem>> -> memref<1600xi32, #tpu.memory_space<vmem>>
        %gather3A_198 = tpu.vector_load_idx %gather3A_197[%add3A_191] : memref<1600xi32, #tpu.memory_space<vmem>>[vector<16xi32>], vector<16xi32>,
        %gather3A_199 = tpu.vector_load_idx %arg6[%gather3A_194] : memref<100000xf32, #tpu.memory_space<vmem>>[vector<16xi32>], vector<16xf32>,
        %gather3A_200 = tpu.vector_load_idx %arg6[%gather3A_198] : memref<100000xf32, #tpu.memory_space<vmem>>[vector<16xi32>], vector<16xf32>,
        %mul3A_201 = arith.mulf %gather3A_199, %gather3A_200 : vector<16xf32>
        %max3A = arith.constant 1.000000e-07 : f32
        %max3A_202 = vector.broadcast %max3A : f32 to vector<16xf32>
        %max3A_203 = arith.maximumf %mul3A_201, %max3A_202 : vector<16xf32>
        %min3A = arith.constant 0.99999988 : f32
        %min3A_204 = vector.broadcast %min3A : f32 to vector<16xf32>
        %min3A_205 = arith.minimumf %max3A_203, %min3A_204 : vector<16xf32>
        %sub3A = arith.constant 1.000000e+00 : f32
        %sub3A_206 = vector.broadcast %sub3A : f32 to vector<16xf32>
        %sub3A_207 = arith.subf %sub3A_206, %min3A_205 : vector<16xf32>
        %broadcast_in_dim3A_208 = arith.constant 23 : i32
        %broadcast_in_dim3A_209 = vector.broadcast %broadcast_in_dim3A_208 : i32 to vector<16xi32>
        %bitcast_convert_type3A = tpu.bitcast %sub3A_207 : vector<16xf32> -> vector<16xi32>
        %sub3A_210 = arith.constant 1060439283 : i32
        %sub3A_211 = vector.broadcast %sub3A_210 : i32 to vector<16xi32>
        %sub3A_212 = arith.subi %bitcast_convert_type3A, %sub3A_211 : vector<16xi32>
        %shift_right_arithmetic3A = arith.shrsi %sub3A_212, %broadcast_in_dim3A_209 : vector<16xi32>
        %shift_left3A = arith.shli %shift_right_arithmetic3A, %broadcast_in_dim3A_209 : vector<16xi32>
        %sub3A_213 = arith.subi %bitcast_convert_type3A, %shift_left3A : vector<16xi32>
        %bitcast_convert_type3A_214 = tpu.bitcast %sub3A_213 : vector<16xi32> -> vector<16xf32>
        %sub3A_215 = arith.constant 1.000000e+00 : f32
        %sub3A_216 = vector.broadcast %sub3A_215 : f32 to vector<16xf32>
        %sub3A_217 = arith.subf %bitcast_convert_type3A_214, %sub3A_216 : vector<16xf32>
        %add3A_218 = arith.constant 1.000000e+00 : f32
        %add3A_219 = vector.broadcast %add3A_218 : f32 to vector<16xf32>
        %add3A_220 = arith.addf %bitcast_convert_type3A_214, %add3A_219 : vector<16xf32>
        %div3A = arith.divf %sub3A_217, %add3A_220 : vector<16xf32>
        %mul3A_221 = arith.mulf %div3A, %div3A : vector<16xf32>
        %mul3A_222 = arith.constant 2.000000e+00 : f32
        %mul3A_223 = vector.broadcast %mul3A_222 : f32 to vector<16xf32>
        %mul3A_224 = arith.mulf %mul3A_223, %div3A : vector<16xf32>
        %mul3A_225 = arith.constant 0.142857149 : f32
        %mul3A_226 = vector.broadcast %mul3A_225 : f32 to vector<16xf32>
        %mul3A_227 = arith.mulf %mul3A_221, %mul3A_226 : vector<16xf32>
        %add3A_228 = arith.constant 2.000000e-01 : f32
        %add3A_229 = vector.broadcast %add3A_228 : f32 to vector<16xf32>
        %add3A_230 = arith.addf %add3A_229, %mul3A_227 : vector<16xf32>
        %mul3A_231 = arith.mulf %mul3A_221, %add3A_230 : vector<16xf32>
        %add3A_232 = arith.constant 0.333333343 : f32
        %add3A_233 = vector.broadcast %add3A_232 : f32 to vector<16xf32>
        %add3A_234 = arith.addf %add3A_233, %mul3A_231 : vector<16xf32>
        %mul3A_235 = arith.mulf %mul3A_221, %add3A_234 : vector<16xf32>
        %add3A_236 = arith.constant 1.000000e+00 : f32
        %add3A_237 = vector.broadcast %add3A_236 : f32 to vector<16xf32>
        %add3A_238 = arith.addf %add3A_237, %mul3A_235 : vector<16xf32>
        %mul3A_239 = arith.mulf %mul3A_224, %add3A_238 : vector<16xf32>
        %convert_element_type3A_240 = arith.sitofp %shift_right_arithmetic3A : vector<16xi32> to vector<16xf32>
        %mul3A_241 = arith.constant 0.693147182 : f32
        %mul3A_242 = vector.broadcast %mul3A_241 : f32 to vector<16xf32>
        %mul3A_243 = arith.mulf %convert_element_type3A_240, %mul3A_242 : vector<16xf32>
        %add3A_244 = arith.addf %mul3A_243, %mul3A_239 : vector<16xf32>
        %add3A_245 = arith.addf %while3A_185, %add3A_244 : vector<16xf32>
        %add3A_246 = arith.constant 16 : i32
        %add3A_247 = vector.broadcast %add3A_246 : i32 to vector<16xi32>
        %add3A_248 = arith.addi %add3A_188, %add3A_247 : vector<16xi32>
        %gather3A_249 = arith.constant 0 : i32
        %gather3A_250 = tpu.memref_slice %arg7[%while3A_126, %gather3A_249] : memref<2x1600xi32, #tpu.memory_space<vmem>> -> memref<1x1600xi32, #tpu.memory_space<vmem>>
        %gather3A_251 = tpu.memref_squeeze %gather3A_250 : memref<1x1600xi32, #tpu.memory_space<vmem>> -> memref<1600xi32, #tpu.memory_space<vmem>>
        %gather3A_252 = tpu.vector_load_idx %gather3A_251[%add3A_248] : memref<1600xi32, #tpu.memory_space<vmem>>[vector<16xi32>], vector<16xi32>,
        %gather3A_253 = arith.constant 0 : i32
        %gather3A_254 = tpu.memref_slice %arg8[%while3A_126, %gather3A_253] : memref<2x1600xi32, #tpu.memory_space<vmem>> -> memref<1x1600xi32, #tpu.memory_space<vmem>>
        %gather3A_255 = tpu.memref_squeeze %gather3A_254 : memref<1x1600xi32, #tpu.memory_space<vmem>> -> memref<1600xi32, #tpu.memory_space<vmem>>
        %gather3A_256 = tpu.vector_load_idx %gather3A_255[%add3A_248] : memref<1600xi32, #tpu.memory_space<vmem>>[vector<16xi32>], vector<16xi32>,
        %gather3A_257 = tpu.vector_load_idx %arg6[%gather3A_252] : memref<100000xf32, #tpu.memory_space<vmem>>[vector<16xi32>], vector<16xf32>,
        %gather3A_258 = tpu.vector_load_idx %arg6[%gather3A_256] : memref<100000xf32, #tpu.memory_space<vmem>>[vector<16xi32>], vector<16xf32>,
        %mul3A_259 = arith.mulf %gather3A_257, %gather3A_258 : vector<16xf32>
        %max3A_260 = arith.constant 1.000000e-07 : f32
        %max3A_261 = vector.broadcast %max3A_260 : f32 to vector<16xf32>
        %max3A_262 = arith.maximumf %mul3A_259, %max3A_261 : vector<16xf32>
        %min3A_263 = arith.constant 0.99999988 : f32
        %min3A_264 = vector.broadcast %min3A_263 : f32 to vector<16xf32>
        %min3A_265 = arith.minimumf %max3A_262, %min3A_264 : vector<16xf32>
        %sub3A_266 = arith.constant 1.000000e+00 : f32
        %sub3A_267 = vector.broadcast %sub3A_266 : f32 to vector<16xf32>
        %sub3A_268 = arith.subf %sub3A_267, %min3A_265 : vector<16xf32>
        %broadcast_in_dim3A_269 = arith.constant 23 : i32
        %broadcast_in_dim3A_270 = vector.broadcast %broadcast_in_dim3A_269 : i32 to vector<16xi32>
        %bitcast_convert_type3A_271 = tpu.bitcast %sub3A_268 : vector<16xf32> -> vector<16xi32>
        %sub3A_272 = arith.constant 1060439283 : i32
        %sub3A_273 = vector.broadcast %sub3A_272 : i32 to vector<16xi32>
        %sub3A_274 = arith.subi %bitcast_convert_type3A_271, %sub3A_273 : vector<16xi32>
        %shift_right_arithmetic3A_275 = arith.shrsi %sub3A_274, %broadcast_in_dim3A_270 : vector<16xi32>
        %shift_left3A_276 = arith.shli %shift_right_arithmetic3A_275, %broadcast_in_dim3A_270 : vector<16xi32>
        %sub3A_277 = arith.subi %bitcast_convert_type3A_271, %shift_left3A_276 : vector<16xi32>
        %bitcast_convert_type3A_278 = tpu.bitcast %sub3A_277 : vector<16xi32> -> vector<16xf32>
        %sub3A_279 = arith.constant 1.000000e+00 : f32
        %sub3A_280 = vector.broadcast %sub3A_279 : f32 to vector<16xf32>
        %sub3A_281 = arith.subf %bitcast_convert_type3A_278, %sub3A_280 : vector<16xf32>
        %add3A_282 = arith.constant 1.000000e+00 : f32
        %add3A_283 = vector.broadcast %add3A_282 : f32 to vector<16xf32>
        %add3A_284 = arith.addf %bitcast_convert_type3A_278, %add3A_283 : vector<16xf32>
        %div3A_285 = arith.divf %sub3A_281, %add3A_284 : vector<16xf32>
        %mul3A_286 = arith.mulf %div3A_285, %div3A_285 : vector<16xf32>
        %mul3A_287 = arith.constant 2.000000e+00 : f32
        %mul3A_288 = vector.broadcast %mul3A_287 : f32 to vector<16xf32>
        %mul3A_289 = arith.mulf %mul3A_288, %div3A_285 : vector<16xf32>
        %mul3A_290 = arith.constant 0.142857149 : f32
        %mul3A_291 = vector.broadcast %mul3A_290 : f32 to vector<16xf32>
        %mul3A_292 = arith.mulf %mul3A_286, %mul3A_291 : vector<16xf32>
        %add3A_293 = arith.constant 2.000000e-01 : f32
        %add3A_294 = vector.broadcast %add3A_293 : f32 to vector<16xf32>
        %add3A_295 = arith.addf %add3A_294, %mul3A_292 : vector<16xf32>
        %mul3A_296 = arith.mulf %mul3A_286, %add3A_295 : vector<16xf32>
        %add3A_297 = arith.constant 0.333333343 : f32
        %add3A_298 = vector.broadcast %add3A_297 : f32 to vector<16xf32>
        %add3A_299 = arith.addf %add3A_298, %mul3A_296 : vector<16xf32>
        %mul3A_300 = arith.mulf %mul3A_286, %add3A_299 : vector<16xf32>
        %add3A_301 = arith.constant 1.000000e+00 : f32
        %add3A_302 = vector.broadcast %add3A_301 : f32 to vector<16xf32>
        %add3A_303 = arith.addf %add3A_302, %mul3A_300 : vector<16xf32>
        %mul3A_304 = arith.mulf %mul3A_289, %add3A_303 : vector<16xf32>
        %convert_element_type3A_305 = arith.sitofp %shift_right_arithmetic3A_275 : vector<16xi32> to vector<16xf32>
        %mul3A_306 = arith.constant 0.693147182 : f32
        %mul3A_307 = vector.broadcast %mul3A_306 : f32 to vector<16xf32>
        %mul3A_308 = arith.mulf %convert_element_type3A_305, %mul3A_307 : vector<16xf32>
        %add3A_309 = arith.addf %mul3A_308, %mul3A_304 : vector<16xf32>
        %add3A_310 = arith.addf %add3A_245, %add3A_309 : vector<16xf32>
        %add3A_311 = arith.constant 32 : i32
        %add3A_312 = vector.broadcast %add3A_311 : i32 to vector<16xi32>
        %add3A_313 = arith.addi %add3A_188, %add3A_312 : vector<16xi32>
        %gather3A_314 = arith.constant 0 : i32
        %gather3A_315 = tpu.memref_slice %arg7[%while3A_126, %gather3A_314] : memref<2x1600xi32, #tpu.memory_space<vmem>> -> memref<1x1600xi32, #tpu.memory_space<vmem>>
        %gather3A_316 = tpu.memref_squeeze %gather3A_315 : memref<1x1600xi32, #tpu.memory_space<vmem>> -> memref<1600xi32, #tpu.memory_space<vmem>>
        %gather3A_317 = tpu.vector_load_idx %gather3A_316[%add3A_313] : memref<1600xi32, #tpu.memory_space<vmem>>[vector<16xi32>], vector<16xi32>,
        %gather3A_318 = arith.constant 0 : i32
        %gather3A_319 = tpu.memref_slice %arg8[%while3A_126, %gather3A_318] : memref<2x1600xi32, #tpu.memory_space<vmem>> -> memref<1x1600xi32, #tpu.memory_space<vmem>>
        %gather3A_320 = tpu.memref_squeeze %gather3A_319 : memref<1x1600xi32, #tpu.memory_space<vmem>> -> memref<1600xi32, #tpu.memory_space<vmem>>
        %gather3A_321 = tpu.vector_load_idx %gather3A_320[%add3A_313] : memref<1600xi32, #tpu.memory_space<vmem>>[vector<16xi32>], vector<16xi32>,
        %gather3A_322 = tpu.vector_load_idx %arg6[%gather3A_317] : memref<100000xf32, #tpu.memory_space<vmem>>[vector<16xi32>], vector<16xf32>,
        %gather3A_323 = tpu.vector_load_idx %arg6[%gather3A_321] : memref<100000xf32, #tpu.memory_space<vmem>>[vector<16xi32>], vector<16xf32>,
        %mul3A_324 = arith.mulf %gather3A_322, %gather3A_323 : vector<16xf32>
        %max3A_325 = arith.constant 1.000000e-07 : f32
        %max3A_326 = vector.broadcast %max3A_325 : f32 to vector<16xf32>
        %max3A_327 = arith.maximumf %mul3A_324, %max3A_326 : vector<16xf32>
        %min3A_328 = arith.constant 0.99999988 : f32
        %min3A_329 = vector.broadcast %min3A_328 : f32 to vector<16xf32>
        %min3A_330 = arith.minimumf %max3A_327, %min3A_329 : vector<16xf32>
        %sub3A_331 = arith.constant 1.000000e+00 : f32
        %sub3A_332 = vector.broadcast %sub3A_331 : f32 to vector<16xf32>
        %sub3A_333 = arith.subf %sub3A_332, %min3A_330 : vector<16xf32>
        %broadcast_in_dim3A_334 = arith.constant 23 : i32
        %broadcast_in_dim3A_335 = vector.broadcast %broadcast_in_dim3A_334 : i32 to vector<16xi32>
        %bitcast_convert_type3A_336 = tpu.bitcast %sub3A_333 : vector<16xf32> -> vector<16xi32>
        %sub3A_337 = arith.constant 1060439283 : i32
        %sub3A_338 = vector.broadcast %sub3A_337 : i32 to vector<16xi32>
        %sub3A_339 = arith.subi %bitcast_convert_type3A_336, %sub3A_338 : vector<16xi32>
        %shift_right_arithmetic3A_340 = arith.shrsi %sub3A_339, %broadcast_in_dim3A_335 : vector<16xi32>
        %shift_left3A_341 = arith.shli %shift_right_arithmetic3A_340, %broadcast_in_dim3A_335 : vector<16xi32>
        %sub3A_342 = arith.subi %bitcast_convert_type3A_336, %shift_left3A_341 : vector<16xi32>
        %bitcast_convert_type3A_343 = tpu.bitcast %sub3A_342 : vector<16xi32> -> vector<16xf32>
        %sub3A_344 = arith.constant 1.000000e+00 : f32
        %sub3A_345 = vector.broadcast %sub3A_344 : f32 to vector<16xf32>
        %sub3A_346 = arith.subf %bitcast_convert_type3A_343, %sub3A_345 : vector<16xf32>
        %add3A_347 = arith.constant 1.000000e+00 : f32
        %add3A_348 = vector.broadcast %add3A_347 : f32 to vector<16xf32>
        %add3A_349 = arith.addf %bitcast_convert_type3A_343, %add3A_348 : vector<16xf32>
        %div3A_350 = arith.divf %sub3A_346, %add3A_349 : vector<16xf32>
        %mul3A_351 = arith.mulf %div3A_350, %div3A_350 : vector<16xf32>
        %mul3A_352 = arith.constant 2.000000e+00 : f32
        %mul3A_353 = vector.broadcast %mul3A_352 : f32 to vector<16xf32>
        %mul3A_354 = arith.mulf %mul3A_353, %div3A_350 : vector<16xf32>
        %mul3A_355 = arith.constant 0.142857149 : f32
        %mul3A_356 = vector.broadcast %mul3A_355 : f32 to vector<16xf32>
        %mul3A_357 = arith.mulf %mul3A_351, %mul3A_356 : vector<16xf32>
        %add3A_358 = arith.constant 2.000000e-01 : f32
        %add3A_359 = vector.broadcast %add3A_358 : f32 to vector<16xf32>
        %add3A_360 = arith.addf %add3A_359, %mul3A_357 : vector<16xf32>
        %mul3A_361 = arith.mulf %mul3A_351, %add3A_360 : vector<16xf32>
        %add3A_362 = arith.constant 0.333333343 : f32
        %add3A_363 = vector.broadcast %add3A_362 : f32 to vector<16xf32>
        %add3A_364 = arith.addf %add3A_363, %mul3A_361 : vector<16xf32>
        %mul3A_365 = arith.mulf %mul3A_351, %add3A_364 : vector<16xf32>
        %add3A_366 = arith.constant 1.000000e+00 : f32
        %add3A_367 = vector.broadcast %add3A_366 : f32 to vector<16xf32>
        %add3A_368 = arith.addf %add3A_367, %mul3A_365 : vector<16xf32>
        %mul3A_369 = arith.mulf %mul3A_354, %add3A_368 : vector<16xf32>
        %convert_element_type3A_370 = arith.sitofp %shift_right_arithmetic3A_340 : vector<16xi32> to vector<16xf32>
        %mul3A_371 = arith.constant 0.693147182 : f32
        %mul3A_372 = vector.broadcast %mul3A_371 : f32 to vector<16xf32>
        %mul3A_373 = arith.mulf %convert_element_type3A_370, %mul3A_372 : vector<16xf32>
        %add3A_374 = arith.addf %mul3A_373, %mul3A_369 : vector<16xf32>
        %add3A_375 = arith.addf %add3A_310, %add3A_374 : vector<16xf32>
        %add3A_376 = arith.constant 48 : i32
        %add3A_377 = vector.broadcast %add3A_376 : i32 to vector<16xi32>
        %add3A_378 = arith.addi %add3A_188, %add3A_377 : vector<16xi32>
        %gather3A_379 = arith.constant 0 : i32
        %gather3A_380 = tpu.memref_slice %arg7[%while3A_126, %gather3A_379] : memref<2x1600xi32, #tpu.memory_space<vmem>> -> memref<1x1600xi32, #tpu.memory_space<vmem>>
        %gather3A_381 = tpu.memref_squeeze %gather3A_380 : memref<1x1600xi32, #tpu.memory_space<vmem>> -> memref<1600xi32, #tpu.memory_space<vmem>>
        %gather3A_382 = tpu.vector_load_idx %gather3A_381[%add3A_378] : memref<1600xi32, #tpu.memory_space<vmem>>[vector<16xi32>], vector<16xi32>,
        %gather3A_383 = arith.constant 0 : i32
        %gather3A_384 = tpu.memref_slice %arg8[%while3A_126, %gather3A_383] : memref<2x1600xi32, #tpu.memory_space<vmem>> -> memref<1x1600xi32, #tpu.memory_space<vmem>>
        %gather3A_385 = tpu.memref_squeeze %gather3A_384 : memref<1x1600xi32, #tpu.memory_space<vmem>> -> memref<1600xi32, #tpu.memory_space<vmem>>
        %gather3A_386 = tpu.vector_load_idx %gather3A_385[%add3A_378] : memref<1600xi32, #tpu.memory_space<vmem>>[vector<16xi32>], vector<16xi32>,
        %gather3A_387 = tpu.vector_load_idx %arg6[%gather3A_382] : memref<100000xf32, #tpu.memory_space<vmem>>[vector<16xi32>], vector<16xf32>,
        %gather3A_388 = tpu.vector_load_idx %arg6[%gather3A_386] : memref<100000xf32, #tpu.memory_space<vmem>>[vector<16xi32>], vector<16xf32>,
        %mul3A_389 = arith.mulf %gather3A_387, %gather3A_388 : vector<16xf32>
        %max3A_390 = arith.constant 1.000000e-07 : f32
        %max3A_391 = vector.broadcast %max3A_390 : f32 to vector<16xf32>
        %max3A_392 = arith.maximumf %mul3A_389, %max3A_391 : vector<16xf32>
        %min3A_393 = arith.constant 0.99999988 : f32
        %min3A_394 = vector.broadcast %min3A_393 : f32 to vector<16xf32>
        %min3A_395 = arith.minimumf %max3A_392, %min3A_394 : vector<16xf32>
        %sub3A_396 = arith.constant 1.000000e+00 : f32
        %sub3A_397 = vector.broadcast %sub3A_396 : f32 to vector<16xf32>
        %sub3A_398 = arith.subf %sub3A_397, %min3A_395 : vector<16xf32>
        %broadcast_in_dim3A_399 = arith.constant 23 : i32
        %broadcast_in_dim3A_400 = vector.broadcast %broadcast_in_dim3A_399 : i32 to vector<16xi32>
        %bitcast_convert_type3A_401 = tpu.bitcast %sub3A_398 : vector<16xf32> -> vector<16xi32>
        %sub3A_402 = arith.constant 1060439283 : i32
        %sub3A_403 = vector.broadcast %sub3A_402 : i32 to vector<16xi32>
        %sub3A_404 = arith.subi %bitcast_convert_type3A_401, %sub3A_403 : vector<16xi32>
        %shift_right_arithmetic3A_405 = arith.shrsi %sub3A_404, %broadcast_in_dim3A_400 : vector<16xi32>
        %shift_left3A_406 = arith.shli %shift_right_arithmetic3A_405, %broadcast_in_dim3A_400 : vector<16xi32>
        %sub3A_407 = arith.subi %bitcast_convert_type3A_401, %shift_left3A_406 : vector<16xi32>
        %bitcast_convert_type3A_408 = tpu.bitcast %sub3A_407 : vector<16xi32> -> vector<16xf32>
        %sub3A_409 = arith.constant 1.000000e+00 : f32
        %sub3A_410 = vector.broadcast %sub3A_409 : f32 to vector<16xf32>
        %sub3A_411 = arith.subf %bitcast_convert_type3A_408, %sub3A_410 : vector<16xf32>
        %add3A_412 = arith.constant 1.000000e+00 : f32
        %add3A_413 = vector.broadcast %add3A_412 : f32 to vector<16xf32>
        %add3A_414 = arith.addf %bitcast_convert_type3A_408, %add3A_413 : vector<16xf32>
        %div3A_415 = arith.divf %sub3A_411, %add3A_414 : vector<16xf32>
        %mul3A_416 = arith.mulf %div3A_415, %div3A_415 : vector<16xf32>
        %mul3A_417 = arith.constant 2.000000e+00 : f32
        %mul3A_418 = vector.broadcast %mul3A_417 : f32 to vector<16xf32>
        %mul3A_419 = arith.mulf %mul3A_418, %div3A_415 : vector<16xf32>
        %mul3A_420 = arith.constant 0.142857149 : f32
        %mul3A_421 = vector.broadcast %mul3A_420 : f32 to vector<16xf32>
        %mul3A_422 = arith.mulf %mul3A_416, %mul3A_421 : vector<16xf32>
        %add3A_423 = arith.constant 2.000000e-01 : f32
        %add3A_424 = vector.broadcast %add3A_423 : f32 to vector<16xf32>
        %add3A_425 = arith.addf %add3A_424, %mul3A_422 : vector<16xf32>
        %mul3A_426 = arith.mulf %mul3A_416, %add3A_425 : vector<16xf32>
        %add3A_427 = arith.constant 0.333333343 : f32
        %add3A_428 = vector.broadcast %add3A_427 : f32 to vector<16xf32>
        %add3A_429 = arith.addf %add3A_428, %mul3A_426 : vector<16xf32>
        %mul3A_430 = arith.mulf %mul3A_416, %add3A_429 : vector<16xf32>
        %add3A_431 = arith.constant 1.000000e+00 : f32
        %add3A_432 = vector.broadcast %add3A_431 : f32 to vector<16xf32>
        %add3A_433 = arith.addf %add3A_432, %mul3A_430 : vector<16xf32>
        %mul3A_434 = arith.mulf %mul3A_419, %add3A_433 : vector<16xf32>
        %convert_element_type3A_435 = arith.sitofp %shift_right_arithmetic3A_405 : vector<16xi32> to vector<16xf32>
        %mul3A_436 = arith.constant 0.693147182 : f32
        %mul3A_437 = vector.broadcast %mul3A_436 : f32 to vector<16xf32>
        %mul3A_438 = arith.mulf %convert_element_type3A_435, %mul3A_437 : vector<16xf32>
        %add3A_439 = arith.addf %mul3A_438, %mul3A_434 : vector<16xf32>
        %add3A_440 = arith.addf %add3A_375, %add3A_439 : vector<16xf32>
        %add3A_441 = arith.constant 64 : i32
        %add3A_442 = vector.broadcast %add3A_441 : i32 to vector<16xi32>
        %add3A_443 = arith.addi %add3A_188, %add3A_442 : vector<16xi32>
        %gather3A_444 = arith.constant 0 : i32
        %gather3A_445 = tpu.memref_slice %arg7[%while3A_126, %gather3A_444] : memref<2x1600xi32, #tpu.memory_space<vmem>> -> memref<1x1600xi32, #tpu.memory_space<vmem>>
        %gather3A_446 = tpu.memref_squeeze %gather3A_445 : memref<1x1600xi32, #tpu.memory_space<vmem>> -> memref<1600xi32, #tpu.memory_space<vmem>>
        %gather3A_447 = tpu.vector_load_idx %gather3A_446[%add3A_443] : memref<1600xi32, #tpu.memory_space<vmem>>[vector<16xi32>], vector<16xi32>,
        %gather3A_448 = arith.constant 0 : i32
        %gather3A_449 = tpu.memref_slice %arg8[%while3A_126, %gather3A_448] : memref<2x1600xi32, #tpu.memory_space<vmem>> -> memref<1x1600xi32, #tpu.memory_space<vmem>>
        %gather3A_450 = tpu.memref_squeeze %gather3A_449 : memref<1x1600xi32, #tpu.memory_space<vmem>> -> memref<1600xi32, #tpu.memory_space<vmem>>
        %gather3A_451 = tpu.vector_load_idx %gather3A_450[%add3A_443] : memref<1600xi32, #tpu.memory_space<vmem>>[vector<16xi32>], vector<16xi32>,
        %gather3A_452 = tpu.vector_load_idx %arg6[%gather3A_447] : memref<100000xf32, #tpu.memory_space<vmem>>[vector<16xi32>], vector<16xf32>,
        %gather3A_453 = tpu.vector_load_idx %arg6[%gather3A_451] : memref<100000xf32, #tpu.memory_space<vmem>>[vector<16xi32>], vector<16xf32>,
        %mul3A_454 = arith.mulf %gather3A_452, %gather3A_453 : vector<16xf32>
        %max3A_455 = arith.constant 1.000000e-07 : f32
        %max3A_456 = vector.broadcast %max3A_455 : f32 to vector<16xf32>
        %max3A_457 = arith.maximumf %mul3A_454, %max3A_456 : vector<16xf32>
        %min3A_458 = arith.constant 0.99999988 : f32
        %min3A_459 = vector.broadcast %min3A_458 : f32 to vector<16xf32>
        %min3A_460 = arith.minimumf %max3A_457, %min3A_459 : vector<16xf32>
        %sub3A_461 = arith.constant 1.000000e+00 : f32
        %sub3A_462 = vector.broadcast %sub3A_461 : f32 to vector<16xf32>
        %sub3A_463 = arith.subf %sub3A_462, %min3A_460 : vector<16xf32>
        %broadcast_in_dim3A_464 = arith.constant 23 : i32
        %broadcast_in_dim3A_465 = vector.broadcast %broadcast_in_dim3A_464 : i32 to vector<16xi32>
        %bitcast_convert_type3A_466 = tpu.bitcast %sub3A_463 : vector<16xf32> -> vector<16xi32>
        %sub3A_467 = arith.constant 1060439283 : i32
        %sub3A_468 = vector.broadcast %sub3A_467 : i32 to vector<16xi32>
        %sub3A_469 = arith.subi %bitcast_convert_type3A_466, %sub3A_468 : vector<16xi32>
        %shift_right_arithmetic3A_470 = arith.shrsi %sub3A_469, %broadcast_in_dim3A_465 : vector<16xi32>
        %shift_left3A_471 = arith.shli %shift_right_arithmetic3A_470, %broadcast_in_dim3A_465 : vector<16xi32>
        %sub3A_472 = arith.subi %bitcast_convert_type3A_466, %shift_left3A_471 : vector<16xi32>
        %bitcast_convert_type3A_473 = tpu.bitcast %sub3A_472 : vector<16xi32> -> vector<16xf32>
        %sub3A_474 = arith.constant 1.000000e+00 : f32
        %sub3A_475 = vector.broadcast %sub3A_474 : f32 to vector<16xf32>
        %sub3A_476 = arith.subf %bitcast_convert_type3A_473, %sub3A_475 : vector<16xf32>
        %add3A_477 = arith.constant 1.000000e+00 : f32
        %add3A_478 = vector.broadcast %add3A_477 : f32 to vector<16xf32>
        %add3A_479 = arith.addf %bitcast_convert_type3A_473, %add3A_478 : vector<16xf32>
        %div3A_480 = arith.divf %sub3A_476, %add3A_479 : vector<16xf32>
        %mul3A_481 = arith.mulf %div3A_480, %div3A_480 : vector<16xf32>
        %mul3A_482 = arith.constant 2.000000e+00 : f32
        %mul3A_483 = vector.broadcast %mul3A_482 : f32 to vector<16xf32>
        %mul3A_484 = arith.mulf %mul3A_483, %div3A_480 : vector<16xf32>
        %mul3A_485 = arith.constant 0.142857149 : f32
        %mul3A_486 = vector.broadcast %mul3A_485 : f32 to vector<16xf32>
        %mul3A_487 = arith.mulf %mul3A_481, %mul3A_486 : vector<16xf32>
        %add3A_488 = arith.constant 2.000000e-01 : f32
        %add3A_489 = vector.broadcast %add3A_488 : f32 to vector<16xf32>
        %add3A_490 = arith.addf %add3A_489, %mul3A_487 : vector<16xf32>
        %mul3A_491 = arith.mulf %mul3A_481, %add3A_490 : vector<16xf32>
        %add3A_492 = arith.constant 0.333333343 : f32
        %add3A_493 = vector.broadcast %add3A_492 : f32 to vector<16xf32>
        %add3A_494 = arith.addf %add3A_493, %mul3A_491 : vector<16xf32>
        %mul3A_495 = arith.mulf %mul3A_481, %add3A_494 : vector<16xf32>
        %add3A_496 = arith.constant 1.000000e+00 : f32
        %add3A_497 = vector.broadcast %add3A_496 : f32 to vector<16xf32>
        %add3A_498 = arith.addf %add3A_497, %mul3A_495 : vector<16xf32>
        %mul3A_499 = arith.mulf %mul3A_484, %add3A_498 : vector<16xf32>
        %convert_element_type3A_500 = arith.sitofp %shift_right_arithmetic3A_470 : vector<16xi32> to vector<16xf32>
        %mul3A_501 = arith.constant 0.693147182 : f32
        %mul3A_502 = vector.broadcast %mul3A_501 : f32 to vector<16xf32>
        %mul3A_503 = arith.mulf %convert_element_type3A_500, %mul3A_502 : vector<16xf32>
        %add3A_504 = arith.addf %mul3A_503, %mul3A_499 : vector<16xf32>
        %add3A_505 = arith.addf %add3A_440, %add3A_504 : vector<16xf32>
        scf.yield %add3A_505 : vector<16xf32>
      }
      %add3A_139 = arith.addi %add3A_105, %while3A : i32
      %lt3A = arith.constant 125 : i32
      %lt3A_140 = arith.cmpi slt, %add3A_139, %lt3A : i32
      %convert_element_type3A = arith.extui %lt3A_140 : i1 to i32
      %cond3A = arith.constant 0 : i32
      %cond3A_141 = arith.cmpi ne, %convert_element_type3A, %cond3A : i32
      scf.if %cond3A_141 {
        %add3A_184 = arith.addi %add3A_105, %while3A : i32
        %mul3A_185 = arith.muli %add3A_184, %while3A_47 : i32
        %add3A_186 = arith.addi %mul3A_2, %mul3A_185 : i32
        %dma_start3A_187 = arith.constant 0 : i32
        %dma_start3A_188 = arith.constant 0 : i32
        %dma_start3A_189 = tpu.memref_slice %arg7[%dma_start3A_187, %dma_start3A_188] : memref<2x1600xi32, #tpu.memory_space<vmem>> -> memref<1x1600xi32, #tpu.memory_space<vmem>>
        %dma_start3A_190 = tpu.memref_squeeze %dma_start3A_189 : memref<1x1600xi32, #tpu.memory_space<vmem>> -> memref<1600xi32, #tpu.memory_space<vmem>>
        %dma_start3A_191 = tpu.memref_slice %arg3[%add3A_186] : memref<6400000xi32, #tpu.memory_space<hbm>> -> memref<1600xi32, #tpu.memory_space<hbm>>
        %dma_start3A_192 = arith.constant 0 : i32
        %dma_start3A_193 = tpu.memref_slice %arg7[%dma_start3A_187, %dma_start3A_192] : memref<2x1600xi32, #tpu.memory_space<vmem>> -> memref<1x1600xi32, #tpu.memory_space<vmem>>
        %dma_start3A_194 = tpu.memref_squeeze %dma_start3A_193 : memref<1x1600xi32, #tpu.memory_space<vmem>> -> memref<1600xi32, #tpu.memory_space<vmem>>
        %dma_start3A_195 = tpu.memref_slice %arg3[%add3A_186] : memref<6400000xi32, #tpu.memory_space<hbm>> -> memref<1600xi32, #tpu.memory_space<hbm>>
        tpu.enqueue_dma source(%dma_start3A_195 : memref<1600xi32, #tpu.memory_space<hbm>>) target(%dma_start3A_194 : memref<1600xi32, #tpu.memory_space<vmem>>) target_semaphore(%arg11 : memref<!tpu.dma_semaphore, #tpu.memory_space<semaphore_mem>>)
        %dma_start3A_196 = arith.constant 0 : i32
        %dma_start3A_197 = arith.constant 0 : i32
        %dma_start3A_198 = tpu.memref_slice %arg8[%dma_start3A_196, %dma_start3A_197] : memref<2x1600xi32, #tpu.memory_space<vmem>> -> memref<1x1600xi32, #tpu.memory_space<vmem>>
        %dma_start3A_199 = tpu.memref_squeeze %dma_start3A_198 : memref<1x1600xi32, #tpu.memory_space<vmem>> -> memref<1600xi32, #tpu.memory_space<vmem>>
        %dma_start3A_200 = tpu.memref_slice %arg4[%add3A_186] : memref<6400000xi32, #tpu.memory_space<hbm>> -> memref<1600xi32, #tpu.memory_space<hbm>>
        %dma_start3A_201 = arith.constant 0 : i32
        %dma_start3A_202 = tpu.memref_slice %arg8[%dma_start3A_196, %dma_start3A_201] : memref<2x1600xi32, #tpu.memory_space<vmem>> -> memref<1x1600xi32, #tpu.memory_space<vmem>>
        %dma_start3A_203 = tpu.memref_squeeze %dma_start3A_202 : memref<1x1600xi32, #tpu.memory_space<vmem>> -> memref<1600xi32, #tpu.memory_space<vmem>>
        %dma_start3A_204 = tpu.memref_slice %arg4[%add3A_186] : memref<6400000xi32, #tpu.memory_space<hbm>> -> memref<1600xi32, #tpu.memory_space<hbm>>
        tpu.enqueue_dma source(%dma_start3A_204 : memref<1600xi32, #tpu.memory_space<hbm>>) target(%dma_start3A_203 : memref<1600xi32, #tpu.memory_space<vmem>>) target_semaphore(%arg11 : memref<!tpu.dma_semaphore, #tpu.memory_space<semaphore_mem>>)
      } else {
      }
      %mul3A_142 = arith.muli %while3A_101, %while3A : i32
      %add3A_143 = arith.constant 1 : i32
      %add3A_144 = arith.addi %mul3A_142, %add3A_143 : i32
      %mul3A_145 = arith.muli %add3A_144, %while3A_47 : i32
      %add3A_146 = arith.addi %mul3A_2, %mul3A_145 : i32
      %dma_wait3A_147 = arith.constant 1 : i32
      %dma_wait3A_148 = arith.constant 0 : i32
      %dma_wait3A_149 = tpu.memref_slice %arg7[%dma_wait3A_147, %dma_wait3A_148] : memref<2x1600xi32, #tpu.memory_space<vmem>> -> memref<1x1600xi32, #tpu.memory_space<vmem>>
      %dma_wait3A_150 = tpu.memref_squeeze %dma_wait3A_149 : memref<1x1600xi32, #tpu.memory_space<vmem>> -> memref<1600xi32, #tpu.memory_space<vmem>>
      %dma_wait3A_151 = tpu.memref_slice %arg3[%add3A_146] : memref<6400000xi32, #tpu.memory_space<hbm>> -> memref<1600xi32, #tpu.memory_space<hbm>>
      %dma_wait3A_152 = arith.constant 0 : i32
      %dma_wait3A_153 = tpu.memref_slice %arg7[%dma_wait3A_147, %dma_wait3A_152] : memref<2x1600xi32, #tpu.memory_space<vmem>> -> memref<1x1600xi32, #tpu.memory_space<vmem>>
      %dma_wait3A_154 = tpu.memref_squeeze %dma_wait3A_153 : memref<1x1600xi32, #tpu.memory_space<vmem>> -> memref<1600xi32, #tpu.memory_space<vmem>>
      %dma_wait3A_155 = tpu.memref_slice %arg3[%add3A_146] : memref<6400000xi32, #tpu.memory_space<hbm>> -> memref<1600xi32, #tpu.memory_space<hbm>>
      tpu.wait_dma2 semaphore(%arg12 : memref<!tpu.dma_semaphore, #tpu.memory_space<semaphore_mem>>) src(%dma_wait3A_155 : memref<1600xi32, #tpu.memory_space<hbm>>) dst(%dma_wait3A_154 : memref<1600xi32, #tpu.memory_space<vmem>>)
      %dma_wait3A_156 = arith.constant 1 : i32
      %dma_wait3A_157 = arith.constant 0 : i32
      %dma_wait3A_158 = tpu.memref_slice %arg8[%dma_wait3A_156, %dma_wait3A_157] : memref<2x1600xi32, #tpu.memory_space<vmem>> -> memref<1x1600xi32, #tpu.memory_space<vmem>>
      %dma_wait3A_159 = tpu.memref_squeeze %dma_wait3A_158 : memref<1x1600xi32, #tpu.memory_space<vmem>> -> memref<1600xi32, #tpu.memory_space<vmem>>
      %dma_wait3A_160 = tpu.memref_slice %arg4[%add3A_146] : memref<6400000xi32, #tpu.memory_space<hbm>> -> memref<1600xi32, #tpu.memory_space<hbm>>
      %dma_wait3A_161 = arith.constant 0 : i32
      %dma_wait3A_162 = tpu.memref_slice %arg8[%dma_wait3A_156, %dma_wait3A_161] : memref<2x1600xi32, #tpu.memory_space<vmem>> -> memref<1x1600xi32, #tpu.memory_space<vmem>>
      %dma_wait3A_163 = tpu.memref_squeeze %dma_wait3A_162 : memref<1x1600xi32, #tpu.memory_space<vmem>> -> memref<1600xi32, #tpu.memory_space<vmem>>
      %dma_wait3A_164 = tpu.memref_slice %arg4[%add3A_146] : memref<6400000xi32, #tpu.memory_space<hbm>> -> memref<1600xi32, #tpu.memory_space<hbm>>
      tpu.wait_dma2 semaphore(%arg12 : memref<!tpu.dma_semaphore, #tpu.memory_space<semaphore_mem>>) src(%dma_wait3A_164 : memref<1600xi32, #tpu.memory_space<hbm>>) dst(%dma_wait3A_163 : memref<1600xi32, #tpu.memory_space<vmem>>)
      %while3A_165 = arith.constant 1 : i32
      %while3A_166 = arith.constant 0 : i32
      %while3A_167 = arith.constant 20 : i32
      %while3A_168 = arith.subi %while3A_167, %while3A_166 : i32
      %while3A_169 = arith.addi %while3A_166, %while3A_168 : i32
      %while3A_170 = arith.constant 1 : i32
      %while3A_171 = arith.divsi %while3A_168, %while3A_170 : i32
      %while3A_172 = arith.muli %while3A_171, %while3A_170 : i32
      %while3A_173 = arith.addi %while3A_166, %while3A_172 : i32
      %while3A_174 = arith.constant 1 : i32
      %while3A_175 = scf.for %while3A_184 = %while3A_166 to %while3A_173 step %while3A_174 iter_args(%while3A_185 = %while3A_138) -> (vector<16xf32>)  : i32 {
        %mul3A_186 = arith.muli %while3A_184, %while3A_48 : i32
        %add3A_187 = vector.broadcast %mul3A_186 : i32 to vector<16xi32>
        %add3A_188 = arith.addi %add3A_187, %iota3A : vector<16xi32>
        %add3A_189 = arith.constant 0 : i32
        %add3A_190 = vector.broadcast %add3A_189 : i32 to vector<16xi32>
        %add3A_191 = arith.addi %add3A_188, %add3A_190 : vector<16xi32>
        %gather3A = arith.constant 0 : i32
        %gather3A_192 = tpu.memref_slice %arg7[%while3A_165, %gather3A] : memref<2x1600xi32, #tpu.memory_space<vmem>> -> memref<1x1600xi32, #tpu.memory_space<vmem>>
        %gather3A_193 = tpu.memref_squeeze %gather3A_192 : memref<1x1600xi32, #tpu.memory_space<vmem>> -> memref<1600xi32, #tpu.memory_space<vmem>>
        %gather3A_194 = tpu.vector_load_idx %gather3A_193[%add3A_191] : memref<1600xi32, #tpu.memory_space<vmem>>[vector<16xi32>], vector<16xi32>,
        %gather3A_195 = arith.constant 0 : i32
        %gather3A_196 = tpu.memref_slice %arg8[%while3A_165, %gather3A_195] : memref<2x1600xi32, #tpu.memory_space<vmem>> -> memref<1x1600xi32, #tpu.memory_space<vmem>>
        %gather3A_197 = tpu.memref_squeeze %gather3A_196 : memref<1x1600xi32, #tpu.memory_space<vmem>> -> memref<1600xi32, #tpu.memory_space<vmem>>
        %gather3A_198 = tpu.vector_load_idx %gather3A_197[%add3A_191] : memref<1600xi32, #tpu.memory_space<vmem>>[vector<16xi32>], vector<16xi32>,
        %gather3A_199 = tpu.vector_load_idx %arg6[%gather3A_194] : memref<100000xf32, #tpu.memory_space<vmem>>[vector<16xi32>], vector<16xf32>,
        %gather3A_200 = tpu.vector_load_idx %arg6[%gather3A_198] : memref<100000xf32, #tpu.memory_space<vmem>>[vector<16xi32>], vector<16xf32>,
        %mul3A_201 = arith.mulf %gather3A_199, %gather3A_200 : vector<16xf32>
        %max3A = arith.constant 1.000000e-07 : f32
        %max3A_202 = vector.broadcast %max3A : f32 to vector<16xf32>
        %max3A_203 = arith.maximumf %mul3A_201, %max3A_202 : vector<16xf32>
        %min3A = arith.constant 0.99999988 : f32
        %min3A_204 = vector.broadcast %min3A : f32 to vector<16xf32>
        %min3A_205 = arith.minimumf %max3A_203, %min3A_204 : vector<16xf32>
        %sub3A = arith.constant 1.000000e+00 : f32
        %sub3A_206 = vector.broadcast %sub3A : f32 to vector<16xf32>
        %sub3A_207 = arith.subf %sub3A_206, %min3A_205 : vector<16xf32>
        %broadcast_in_dim3A_208 = arith.constant 23 : i32
        %broadcast_in_dim3A_209 = vector.broadcast %broadcast_in_dim3A_208 : i32 to vector<16xi32>
        %bitcast_convert_type3A = tpu.bitcast %sub3A_207 : vector<16xf32> -> vector<16xi32>
        %sub3A_210 = arith.constant 1060439283 : i32
        %sub3A_211 = vector.broadcast %sub3A_210 : i32 to vector<16xi32>
        %sub3A_212 = arith.subi %bitcast_convert_type3A, %sub3A_211 : vector<16xi32>
        %shift_right_arithmetic3A = arith.shrsi %sub3A_212, %broadcast_in_dim3A_209 : vector<16xi32>
        %shift_left3A = arith.shli %shift_right_arithmetic3A, %broadcast_in_dim3A_209 : vector<16xi32>
        %sub3A_213 = arith.subi %bitcast_convert_type3A, %shift_left3A : vector<16xi32>
        %bitcast_convert_type3A_214 = tpu.bitcast %sub3A_213 : vector<16xi32> -> vector<16xf32>
        %sub3A_215 = arith.constant 1.000000e+00 : f32
        %sub3A_216 = vector.broadcast %sub3A_215 : f32 to vector<16xf32>
        %sub3A_217 = arith.subf %bitcast_convert_type3A_214, %sub3A_216 : vector<16xf32>
        %add3A_218 = arith.constant 1.000000e+00 : f32
        %add3A_219 = vector.broadcast %add3A_218 : f32 to vector<16xf32>
        %add3A_220 = arith.addf %bitcast_convert_type3A_214, %add3A_219 : vector<16xf32>
        %div3A = arith.divf %sub3A_217, %add3A_220 : vector<16xf32>
        %mul3A_221 = arith.mulf %div3A, %div3A : vector<16xf32>
        %mul3A_222 = arith.constant 2.000000e+00 : f32
        %mul3A_223 = vector.broadcast %mul3A_222 : f32 to vector<16xf32>
        %mul3A_224 = arith.mulf %mul3A_223, %div3A : vector<16xf32>
        %mul3A_225 = arith.constant 0.142857149 : f32
        %mul3A_226 = vector.broadcast %mul3A_225 : f32 to vector<16xf32>
        %mul3A_227 = arith.mulf %mul3A_221, %mul3A_226 : vector<16xf32>
        %add3A_228 = arith.constant 2.000000e-01 : f32
        %add3A_229 = vector.broadcast %add3A_228 : f32 to vector<16xf32>
        %add3A_230 = arith.addf %add3A_229, %mul3A_227 : vector<16xf32>
        %mul3A_231 = arith.mulf %mul3A_221, %add3A_230 : vector<16xf32>
        %add3A_232 = arith.constant 0.333333343 : f32
        %add3A_233 = vector.broadcast %add3A_232 : f32 to vector<16xf32>
        %add3A_234 = arith.addf %add3A_233, %mul3A_231 : vector<16xf32>
        %mul3A_235 = arith.mulf %mul3A_221, %add3A_234 : vector<16xf32>
        %add3A_236 = arith.constant 1.000000e+00 : f32
        %add3A_237 = vector.broadcast %add3A_236 : f32 to vector<16xf32>
        %add3A_238 = arith.addf %add3A_237, %mul3A_235 : vector<16xf32>
        %mul3A_239 = arith.mulf %mul3A_224, %add3A_238 : vector<16xf32>
        %convert_element_type3A_240 = arith.sitofp %shift_right_arithmetic3A : vector<16xi32> to vector<16xf32>
        %mul3A_241 = arith.constant 0.693147182 : f32
        %mul3A_242 = vector.broadcast %mul3A_241 : f32 to vector<16xf32>
        %mul3A_243 = arith.mulf %convert_element_type3A_240, %mul3A_242 : vector<16xf32>
        %add3A_244 = arith.addf %mul3A_243, %mul3A_239 : vector<16xf32>
        %add3A_245 = arith.addf %while3A_185, %add3A_244 : vector<16xf32>
        %add3A_246 = arith.constant 16 : i32
        %add3A_247 = vector.broadcast %add3A_246 : i32 to vector<16xi32>
        %add3A_248 = arith.addi %add3A_188, %add3A_247 : vector<16xi32>
        %gather3A_249 = arith.constant 0 : i32
        %gather3A_250 = tpu.memref_slice %arg7[%while3A_165, %gather3A_249] : memref<2x1600xi32, #tpu.memory_space<vmem>> -> memref<1x1600xi32, #tpu.memory_space<vmem>>
        %gather3A_251 = tpu.memref_squeeze %gather3A_250 : memref<1x1600xi32, #tpu.memory_space<vmem>> -> memref<1600xi32, #tpu.memory_space<vmem>>
        %gather3A_252 = tpu.vector_load_idx %gather3A_251[%add3A_248] : memref<1600xi32, #tpu.memory_space<vmem>>[vector<16xi32>], vector<16xi32>,
        %gather3A_253 = arith.constant 0 : i32
        %gather3A_254 = tpu.memref_slice %arg8[%while3A_165, %gather3A_253] : memref<2x1600xi32, #tpu.memory_space<vmem>> -> memref<1x1600xi32, #tpu.memory_space<vmem>>
        %gather3A_255 = tpu.memref_squeeze %gather3A_254 : memref<1x1600xi32, #tpu.memory_space<vmem>> -> memref<1600xi32, #tpu.memory_space<vmem>>
        %gather3A_256 = tpu.vector_load_idx %gather3A_255[%add3A_248] : memref<1600xi32, #tpu.memory_space<vmem>>[vector<16xi32>], vector<16xi32>,
        %gather3A_257 = tpu.vector_load_idx %arg6[%gather3A_252] : memref<100000xf32, #tpu.memory_space<vmem>>[vector<16xi32>], vector<16xf32>,
        %gather3A_258 = tpu.vector_load_idx %arg6[%gather3A_256] : memref<100000xf32, #tpu.memory_space<vmem>>[vector<16xi32>], vector<16xf32>,
        %mul3A_259 = arith.mulf %gather3A_257, %gather3A_258 : vector<16xf32>
        %max3A_260 = arith.constant 1.000000e-07 : f32
        %max3A_261 = vector.broadcast %max3A_260 : f32 to vector<16xf32>
        %max3A_262 = arith.maximumf %mul3A_259, %max3A_261 : vector<16xf32>
        %min3A_263 = arith.constant 0.99999988 : f32
        %min3A_264 = vector.broadcast %min3A_263 : f32 to vector<16xf32>
        %min3A_265 = arith.minimumf %max3A_262, %min3A_264 : vector<16xf32>
        %sub3A_266 = arith.constant 1.000000e+00 : f32
        %sub3A_267 = vector.broadcast %sub3A_266 : f32 to vector<16xf32>
        %sub3A_268 = arith.subf %sub3A_267, %min3A_265 : vector<16xf32>
        %broadcast_in_dim3A_269 = arith.constant 23 : i32
        %broadcast_in_dim3A_270 = vector.broadcast %broadcast_in_dim3A_269 : i32 to vector<16xi32>
        %bitcast_convert_type3A_271 = tpu.bitcast %sub3A_268 : vector<16xf32> -> vector<16xi32>
        %sub3A_272 = arith.constant 1060439283 : i32
        %sub3A_273 = vector.broadcast %sub3A_272 : i32 to vector<16xi32>
        %sub3A_274 = arith.subi %bitcast_convert_type3A_271, %sub3A_273 : vector<16xi32>
        %shift_right_arithmetic3A_275 = arith.shrsi %sub3A_274, %broadcast_in_dim3A_270 : vector<16xi32>
        %shift_left3A_276 = arith.shli %shift_right_arithmetic3A_275, %broadcast_in_dim3A_270 : vector<16xi32>
        %sub3A_277 = arith.subi %bitcast_convert_type3A_271, %shift_left3A_276 : vector<16xi32>
        %bitcast_convert_type3A_278 = tpu.bitcast %sub3A_277 : vector<16xi32> -> vector<16xf32>
        %sub3A_279 = arith.constant 1.000000e+00 : f32
        %sub3A_280 = vector.broadcast %sub3A_279 : f32 to vector<16xf32>
        %sub3A_281 = arith.subf %bitcast_convert_type3A_278, %sub3A_280 : vector<16xf32>
        %add3A_282 = arith.constant 1.000000e+00 : f32
        %add3A_283 = vector.broadcast %add3A_282 : f32 to vector<16xf32>
        %add3A_284 = arith.addf %bitcast_convert_type3A_278, %add3A_283 : vector<16xf32>
        %div3A_285 = arith.divf %sub3A_281, %add3A_284 : vector<16xf32>
        %mul3A_286 = arith.mulf %div3A_285, %div3A_285 : vector<16xf32>
        %mul3A_287 = arith.constant 2.000000e+00 : f32
        %mul3A_288 = vector.broadcast %mul3A_287 : f32 to vector<16xf32>
        %mul3A_289 = arith.mulf %mul3A_288, %div3A_285 : vector<16xf32>
        %mul3A_290 = arith.constant 0.142857149 : f32
        %mul3A_291 = vector.broadcast %mul3A_290 : f32 to vector<16xf32>
        %mul3A_292 = arith.mulf %mul3A_286, %mul3A_291 : vector<16xf32>
        %add3A_293 = arith.constant 2.000000e-01 : f32
        %add3A_294 = vector.broadcast %add3A_293 : f32 to vector<16xf32>
        %add3A_295 = arith.addf %add3A_294, %mul3A_292 : vector<16xf32>
        %mul3A_296 = arith.mulf %mul3A_286, %add3A_295 : vector<16xf32>
        %add3A_297 = arith.constant 0.333333343 : f32
        %add3A_298 = vector.broadcast %add3A_297 : f32 to vector<16xf32>
        %add3A_299 = arith.addf %add3A_298, %mul3A_296 : vector<16xf32>
        %mul3A_300 = arith.mulf %mul3A_286, %add3A_299 : vector<16xf32>
        %add3A_301 = arith.constant 1.000000e+00 : f32
        %add3A_302 = vector.broadcast %add3A_301 : f32 to vector<16xf32>
        %add3A_303 = arith.addf %add3A_302, %mul3A_300 : vector<16xf32>
        %mul3A_304 = arith.mulf %mul3A_289, %add3A_303 : vector<16xf32>
        %convert_element_type3A_305 = arith.sitofp %shift_right_arithmetic3A_275 : vector<16xi32> to vector<16xf32>
        %mul3A_306 = arith.constant 0.693147182 : f32
        %mul3A_307 = vector.broadcast %mul3A_306 : f32 to vector<16xf32>
        %mul3A_308 = arith.mulf %convert_element_type3A_305, %mul3A_307 : vector<16xf32>
        %add3A_309 = arith.addf %mul3A_308, %mul3A_304 : vector<16xf32>
        %add3A_310 = arith.addf %add3A_245, %add3A_309 : vector<16xf32>
        %add3A_311 = arith.constant 32 : i32
        %add3A_312 = vector.broadcast %add3A_311 : i32 to vector<16xi32>
        %add3A_313 = arith.addi %add3A_188, %add3A_312 : vector<16xi32>
        %gather3A_314 = arith.constant 0 : i32
        %gather3A_315 = tpu.memref_slice %arg7[%while3A_165, %gather3A_314] : memref<2x1600xi32, #tpu.memory_space<vmem>> -> memref<1x1600xi32, #tpu.memory_space<vmem>>
        %gather3A_316 = tpu.memref_squeeze %gather3A_315 : memref<1x1600xi32, #tpu.memory_space<vmem>> -> memref<1600xi32, #tpu.memory_space<vmem>>
        %gather3A_317 = tpu.vector_load_idx %gather3A_316[%add3A_313] : memref<1600xi32, #tpu.memory_space<vmem>>[vector<16xi32>], vector<16xi32>,
        %gather3A_318 = arith.constant 0 : i32
        %gather3A_319 = tpu.memref_slice %arg8[%while3A_165, %gather3A_318] : memref<2x1600xi32, #tpu.memory_space<vmem>> -> memref<1x1600xi32, #tpu.memory_space<vmem>>
        %gather3A_320 = tpu.memref_squeeze %gather3A_319 : memref<1x1600xi32, #tpu.memory_space<vmem>> -> memref<1600xi32, #tpu.memory_space<vmem>>
        %gather3A_321 = tpu.vector_load_idx %gather3A_320[%add3A_313] : memref<1600xi32, #tpu.memory_space<vmem>>[vector<16xi32>], vector<16xi32>,
        %gather3A_322 = tpu.vector_load_idx %arg6[%gather3A_317] : memref<100000xf32, #tpu.memory_space<vmem>>[vector<16xi32>], vector<16xf32>,
        %gather3A_323 = tpu.vector_load_idx %arg6[%gather3A_321] : memref<100000xf32, #tpu.memory_space<vmem>>[vector<16xi32>], vector<16xf32>,
        %mul3A_324 = arith.mulf %gather3A_322, %gather3A_323 : vector<16xf32>
        %max3A_325 = arith.constant 1.000000e-07 : f32
        %max3A_326 = vector.broadcast %max3A_325 : f32 to vector<16xf32>
        %max3A_327 = arith.maximumf %mul3A_324, %max3A_326 : vector<16xf32>
        %min3A_328 = arith.constant 0.99999988 : f32
        %min3A_329 = vector.broadcast %min3A_328 : f32 to vector<16xf32>
        %min3A_330 = arith.minimumf %max3A_327, %min3A_329 : vector<16xf32>
        %sub3A_331 = arith.constant 1.000000e+00 : f32
        %sub3A_332 = vector.broadcast %sub3A_331 : f32 to vector<16xf32>
        %sub3A_333 = arith.subf %sub3A_332, %min3A_330 : vector<16xf32>
        %broadcast_in_dim3A_334 = arith.constant 23 : i32
        %broadcast_in_dim3A_335 = vector.broadcast %broadcast_in_dim3A_334 : i32 to vector<16xi32>
        %bitcast_convert_type3A_336 = tpu.bitcast %sub3A_333 : vector<16xf32> -> vector<16xi32>
        %sub3A_337 = arith.constant 1060439283 : i32
        %sub3A_338 = vector.broadcast %sub3A_337 : i32 to vector<16xi32>
        %sub3A_339 = arith.subi %bitcast_convert_type3A_336, %sub3A_338 : vector<16xi32>
        %shift_right_arithmetic3A_340 = arith.shrsi %sub3A_339, %broadcast_in_dim3A_335 : vector<16xi32>
        %shift_left3A_341 = arith.shli %shift_right_arithmetic3A_340, %broadcast_in_dim3A_335 : vector<16xi32>
        %sub3A_342 = arith.subi %bitcast_convert_type3A_336, %shift_left3A_341 : vector<16xi32>
        %bitcast_convert_type3A_343 = tpu.bitcast %sub3A_342 : vector<16xi32> -> vector<16xf32>
        %sub3A_344 = arith.constant 1.000000e+00 : f32
        %sub3A_345 = vector.broadcast %sub3A_344 : f32 to vector<16xf32>
        %sub3A_346 = arith.subf %bitcast_convert_type3A_343, %sub3A_345 : vector<16xf32>
        %add3A_347 = arith.constant 1.000000e+00 : f32
        %add3A_348 = vector.broadcast %add3A_347 : f32 to vector<16xf32>
        %add3A_349 = arith.addf %bitcast_convert_type3A_343, %add3A_348 : vector<16xf32>
        %div3A_350 = arith.divf %sub3A_346, %add3A_349 : vector<16xf32>
        %mul3A_351 = arith.mulf %div3A_350, %div3A_350 : vector<16xf32>
        %mul3A_352 = arith.constant 2.000000e+00 : f32
        %mul3A_353 = vector.broadcast %mul3A_352 : f32 to vector<16xf32>
        %mul3A_354 = arith.mulf %mul3A_353, %div3A_350 : vector<16xf32>
        %mul3A_355 = arith.constant 0.142857149 : f32
        %mul3A_356 = vector.broadcast %mul3A_355 : f32 to vector<16xf32>
        %mul3A_357 = arith.mulf %mul3A_351, %mul3A_356 : vector<16xf32>
        %add3A_358 = arith.constant 2.000000e-01 : f32
        %add3A_359 = vector.broadcast %add3A_358 : f32 to vector<16xf32>
        %add3A_360 = arith.addf %add3A_359, %mul3A_357 : vector<16xf32>
        %mul3A_361 = arith.mulf %mul3A_351, %add3A_360 : vector<16xf32>
        %add3A_362 = arith.constant 0.333333343 : f32
        %add3A_363 = vector.broadcast %add3A_362 : f32 to vector<16xf32>
        %add3A_364 = arith.addf %add3A_363, %mul3A_361 : vector<16xf32>
        %mul3A_365 = arith.mulf %mul3A_351, %add3A_364 : vector<16xf32>
        %add3A_366 = arith.constant 1.000000e+00 : f32
        %add3A_367 = vector.broadcast %add3A_366 : f32 to vector<16xf32>
        %add3A_368 = arith.addf %add3A_367, %mul3A_365 : vector<16xf32>
        %mul3A_369 = arith.mulf %mul3A_354, %add3A_368 : vector<16xf32>
        %convert_element_type3A_370 = arith.sitofp %shift_right_arithmetic3A_340 : vector<16xi32> to vector<16xf32>
        %mul3A_371 = arith.constant 0.693147182 : f32
        %mul3A_372 = vector.broadcast %mul3A_371 : f32 to vector<16xf32>
        %mul3A_373 = arith.mulf %convert_element_type3A_370, %mul3A_372 : vector<16xf32>
        %add3A_374 = arith.addf %mul3A_373, %mul3A_369 : vector<16xf32>
        %add3A_375 = arith.addf %add3A_310, %add3A_374 : vector<16xf32>
        %add3A_376 = arith.constant 48 : i32
        %add3A_377 = vector.broadcast %add3A_376 : i32 to vector<16xi32>
        %add3A_378 = arith.addi %add3A_188, %add3A_377 : vector<16xi32>
        %gather3A_379 = arith.constant 0 : i32
        %gather3A_380 = tpu.memref_slice %arg7[%while3A_165, %gather3A_379] : memref<2x1600xi32, #tpu.memory_space<vmem>> -> memref<1x1600xi32, #tpu.memory_space<vmem>>
        %gather3A_381 = tpu.memref_squeeze %gather3A_380 : memref<1x1600xi32, #tpu.memory_space<vmem>> -> memref<1600xi32, #tpu.memory_space<vmem>>
        %gather3A_382 = tpu.vector_load_idx %gather3A_381[%add3A_378] : memref<1600xi32, #tpu.memory_space<vmem>>[vector<16xi32>], vector<16xi32>,
        %gather3A_383 = arith.constant 0 : i32
        %gather3A_384 = tpu.memref_slice %arg8[%while3A_165, %gather3A_383] : memref<2x1600xi32, #tpu.memory_space<vmem>> -> memref<1x1600xi32, #tpu.memory_space<vmem>>
        %gather3A_385 = tpu.memref_squeeze %gather3A_384 : memref<1x1600xi32, #tpu.memory_space<vmem>> -> memref<1600xi32, #tpu.memory_space<vmem>>
        %gather3A_386 = tpu.vector_load_idx %gather3A_385[%add3A_378] : memref<1600xi32, #tpu.memory_space<vmem>>[vector<16xi32>], vector<16xi32>,
        %gather3A_387 = tpu.vector_load_idx %arg6[%gather3A_382] : memref<100000xf32, #tpu.memory_space<vmem>>[vector<16xi32>], vector<16xf32>,
        %gather3A_388 = tpu.vector_load_idx %arg6[%gather3A_386] : memref<100000xf32, #tpu.memory_space<vmem>>[vector<16xi32>], vector<16xf32>,
        %mul3A_389 = arith.mulf %gather3A_387, %gather3A_388 : vector<16xf32>
        %max3A_390 = arith.constant 1.000000e-07 : f32
        %max3A_391 = vector.broadcast %max3A_390 : f32 to vector<16xf32>
        %max3A_392 = arith.maximumf %mul3A_389, %max3A_391 : vector<16xf32>
        %min3A_393 = arith.constant 0.99999988 : f32
        %min3A_394 = vector.broadcast %min3A_393 : f32 to vector<16xf32>
        %min3A_395 = arith.minimumf %max3A_392, %min3A_394 : vector<16xf32>
        %sub3A_396 = arith.constant 1.000000e+00 : f32
        %sub3A_397 = vector.broadcast %sub3A_396 : f32 to vector<16xf32>
        %sub3A_398 = arith.subf %sub3A_397, %min3A_395 : vector<16xf32>
        %broadcast_in_dim3A_399 = arith.constant 23 : i32
        %broadcast_in_dim3A_400 = vector.broadcast %broadcast_in_dim3A_399 : i32 to vector<16xi32>
        %bitcast_convert_type3A_401 = tpu.bitcast %sub3A_398 : vector<16xf32> -> vector<16xi32>
        %sub3A_402 = arith.constant 1060439283 : i32
        %sub3A_403 = vector.broadcast %sub3A_402 : i32 to vector<16xi32>
        %sub3A_404 = arith.subi %bitcast_convert_type3A_401, %sub3A_403 : vector<16xi32>
        %shift_right_arithmetic3A_405 = arith.shrsi %sub3A_404, %broadcast_in_dim3A_400 : vector<16xi32>
        %shift_left3A_406 = arith.shli %shift_right_arithmetic3A_405, %broadcast_in_dim3A_400 : vector<16xi32>
        %sub3A_407 = arith.subi %bitcast_convert_type3A_401, %shift_left3A_406 : vector<16xi32>
        %bitcast_convert_type3A_408 = tpu.bitcast %sub3A_407 : vector<16xi32> -> vector<16xf32>
        %sub3A_409 = arith.constant 1.000000e+00 : f32
        %sub3A_410 = vector.broadcast %sub3A_409 : f32 to vector<16xf32>
        %sub3A_411 = arith.subf %bitcast_convert_type3A_408, %sub3A_410 : vector<16xf32>
        %add3A_412 = arith.constant 1.000000e+00 : f32
        %add3A_413 = vector.broadcast %add3A_412 : f32 to vector<16xf32>
        %add3A_414 = arith.addf %bitcast_convert_type3A_408, %add3A_413 : vector<16xf32>
        %div3A_415 = arith.divf %sub3A_411, %add3A_414 : vector<16xf32>
        %mul3A_416 = arith.mulf %div3A_415, %div3A_415 : vector<16xf32>
        %mul3A_417 = arith.constant 2.000000e+00 : f32
        %mul3A_418 = vector.broadcast %mul3A_417 : f32 to vector<16xf32>
        %mul3A_419 = arith.mulf %mul3A_418, %div3A_415 : vector<16xf32>
        %mul3A_420 = arith.constant 0.142857149 : f32
        %mul3A_421 = vector.broadcast %mul3A_420 : f32 to vector<16xf32>
        %mul3A_422 = arith.mulf %mul3A_416, %mul3A_421 : vector<16xf32>
        %add3A_423 = arith.constant 2.000000e-01 : f32
        %add3A_424 = vector.broadcast %add3A_423 : f32 to vector<16xf32>
        %add3A_425 = arith.addf %add3A_424, %mul3A_422 : vector<16xf32>
        %mul3A_426 = arith.mulf %mul3A_416, %add3A_425 : vector<16xf32>
        %add3A_427 = arith.constant 0.333333343 : f32
        %add3A_428 = vector.broadcast %add3A_427 : f32 to vector<16xf32>
        %add3A_429 = arith.addf %add3A_428, %mul3A_426 : vector<16xf32>
        %mul3A_430 = arith.mulf %mul3A_416, %add3A_429 : vector<16xf32>
        %add3A_431 = arith.constant 1.000000e+00 : f32
        %add3A_432 = vector.broadcast %add3A_431 : f32 to vector<16xf32>
        %add3A_433 = arith.addf %add3A_432, %mul3A_430 : vector<16xf32>
        %mul3A_434 = arith.mulf %mul3A_419, %add3A_433 : vector<16xf32>
        %convert_element_type3A_435 = arith.sitofp %shift_right_arithmetic3A_405 : vector<16xi32> to vector<16xf32>
        %mul3A_436 = arith.constant 0.693147182 : f32
        %mul3A_437 = vector.broadcast %mul3A_436 : f32 to vector<16xf32>
        %mul3A_438 = arith.mulf %convert_element_type3A_435, %mul3A_437 : vector<16xf32>
        %add3A_439 = arith.addf %mul3A_438, %mul3A_434 : vector<16xf32>
        %add3A_440 = arith.addf %add3A_375, %add3A_439 : vector<16xf32>
        %add3A_441 = arith.constant 64 : i32
        %add3A_442 = vector.broadcast %add3A_441 : i32 to vector<16xi32>
        %add3A_443 = arith.addi %add3A_188, %add3A_442 : vector<16xi32>
        %gather3A_444 = arith.constant 0 : i32
        %gather3A_445 = tpu.memref_slice %arg7[%while3A_165, %gather3A_444] : memref<2x1600xi32, #tpu.memory_space<vmem>> -> memref<1x1600xi32, #tpu.memory_space<vmem>>
        %gather3A_446 = tpu.memref_squeeze %gather3A_445 : memref<1x1600xi32, #tpu.memory_space<vmem>> -> memref<1600xi32, #tpu.memory_space<vmem>>
        %gather3A_447 = tpu.vector_load_idx %gather3A_446[%add3A_443] : memref<1600xi32, #tpu.memory_space<vmem>>[vector<16xi32>], vector<16xi32>,
        %gather3A_448 = arith.constant 0 : i32
        %gather3A_449 = tpu.memref_slice %arg8[%while3A_165, %gather3A_448] : memref<2x1600xi32, #tpu.memory_space<vmem>> -> memref<1x1600xi32, #tpu.memory_space<vmem>>
        %gather3A_450 = tpu.memref_squeeze %gather3A_449 : memref<1x1600xi32, #tpu.memory_space<vmem>> -> memref<1600xi32, #tpu.memory_space<vmem>>
        %gather3A_451 = tpu.vector_load_idx %gather3A_450[%add3A_443] : memref<1600xi32, #tpu.memory_space<vmem>>[vector<16xi32>], vector<16xi32>,
        %gather3A_452 = tpu.vector_load_idx %arg6[%gather3A_447] : memref<100000xf32, #tpu.memory_space<vmem>>[vector<16xi32>], vector<16xf32>,
        %gather3A_453 = tpu.vector_load_idx %arg6[%gather3A_451] : memref<100000xf32, #tpu.memory_space<vmem>>[vector<16xi32>], vector<16xf32>,
        %mul3A_454 = arith.mulf %gather3A_452, %gather3A_453 : vector<16xf32>
        %max3A_455 = arith.constant 1.000000e-07 : f32
        %max3A_456 = vector.broadcast %max3A_455 : f32 to vector<16xf32>
        %max3A_457 = arith.maximumf %mul3A_454, %max3A_456 : vector<16xf32>
        %min3A_458 = arith.constant 0.99999988 : f32
        %min3A_459 = vector.broadcast %min3A_458 : f32 to vector<16xf32>
        %min3A_460 = arith.minimumf %max3A_457, %min3A_459 : vector<16xf32>
        %sub3A_461 = arith.constant 1.000000e+00 : f32
        %sub3A_462 = vector.broadcast %sub3A_461 : f32 to vector<16xf32>
        %sub3A_463 = arith.subf %sub3A_462, %min3A_460 : vector<16xf32>
        %broadcast_in_dim3A_464 = arith.constant 23 : i32
        %broadcast_in_dim3A_465 = vector.broadcast %broadcast_in_dim3A_464 : i32 to vector<16xi32>
        %bitcast_convert_type3A_466 = tpu.bitcast %sub3A_463 : vector<16xf32> -> vector<16xi32>
        %sub3A_467 = arith.constant 1060439283 : i32
        %sub3A_468 = vector.broadcast %sub3A_467 : i32 to vector<16xi32>
        %sub3A_469 = arith.subi %bitcast_convert_type3A_466, %sub3A_468 : vector<16xi32>
        %shift_right_arithmetic3A_470 = arith.shrsi %sub3A_469, %broadcast_in_dim3A_465 : vector<16xi32>
        %shift_left3A_471 = arith.shli %shift_right_arithmetic3A_470, %broadcast_in_dim3A_465 : vector<16xi32>
        %sub3A_472 = arith.subi %bitcast_convert_type3A_466, %shift_left3A_471 : vector<16xi32>
        %bitcast_convert_type3A_473 = tpu.bitcast %sub3A_472 : vector<16xi32> -> vector<16xf32>
        %sub3A_474 = arith.constant 1.000000e+00 : f32
        %sub3A_475 = vector.broadcast %sub3A_474 : f32 to vector<16xf32>
        %sub3A_476 = arith.subf %bitcast_convert_type3A_473, %sub3A_475 : vector<16xf32>
        %add3A_477 = arith.constant 1.000000e+00 : f32
        %add3A_478 = vector.broadcast %add3A_477 : f32 to vector<16xf32>
        %add3A_479 = arith.addf %bitcast_convert_type3A_473, %add3A_478 : vector<16xf32>
        %div3A_480 = arith.divf %sub3A_476, %add3A_479 : vector<16xf32>
        %mul3A_481 = arith.mulf %div3A_480, %div3A_480 : vector<16xf32>
        %mul3A_482 = arith.constant 2.000000e+00 : f32
        %mul3A_483 = vector.broadcast %mul3A_482 : f32 to vector<16xf32>
        %mul3A_484 = arith.mulf %mul3A_483, %div3A_480 : vector<16xf32>
        %mul3A_485 = arith.constant 0.142857149 : f32
        %mul3A_486 = vector.broadcast %mul3A_485 : f32 to vector<16xf32>
        %mul3A_487 = arith.mulf %mul3A_481, %mul3A_486 : vector<16xf32>
        %add3A_488 = arith.constant 2.000000e-01 : f32
        %add3A_489 = vector.broadcast %add3A_488 : f32 to vector<16xf32>
        %add3A_490 = arith.addf %add3A_489, %mul3A_487 : vector<16xf32>
        %mul3A_491 = arith.mulf %mul3A_481, %add3A_490 : vector<16xf32>
        %add3A_492 = arith.constant 0.333333343 : f32
        %add3A_493 = vector.broadcast %add3A_492 : f32 to vector<16xf32>
        %add3A_494 = arith.addf %add3A_493, %mul3A_491 : vector<16xf32>
        %mul3A_495 = arith.mulf %mul3A_481, %add3A_494 : vector<16xf32>
        %add3A_496 = arith.constant 1.000000e+00 : f32
        %add3A_497 = vector.broadcast %add3A_496 : f32 to vector<16xf32>
        %add3A_498 = arith.addf %add3A_497, %mul3A_495 : vector<16xf32>
        %mul3A_499 = arith.mulf %mul3A_484, %add3A_498 : vector<16xf32>
        %convert_element_type3A_500 = arith.sitofp %shift_right_arithmetic3A_470 : vector<16xi32> to vector<16xf32>
        %mul3A_501 = arith.constant 0.693147182 : f32
        %mul3A_502 = vector.broadcast %mul3A_501 : f32 to vector<16xf32>
        %mul3A_503 = arith.mulf %convert_element_type3A_500, %mul3A_502 : vector<16xf32>
        %add3A_504 = arith.addf %mul3A_503, %mul3A_499 : vector<16xf32>
        %add3A_505 = arith.addf %add3A_440, %add3A_504 : vector<16xf32>
        scf.yield %add3A_505 : vector<16xf32>
      }
      %while3A_176 = arith.constant 1 : i32
      %while3A_177 = scf.for %while3A_184 = %while3A_173 to %while3A_169 step %while3A_176 iter_args(%while3A_185 = %while3A_175) -> (vector<16xf32>)  : i32 {
        %mul3A_186 = arith.muli %while3A_184, %while3A_48 : i32
        %add3A_187 = vector.broadcast %mul3A_186 : i32 to vector<16xi32>
        %add3A_188 = arith.addi %add3A_187, %iota3A : vector<16xi32>
        %add3A_189 = arith.constant 0 : i32
        %add3A_190 = vector.broadcast %add3A_189 : i32 to vector<16xi32>
        %add3A_191 = arith.addi %add3A_188, %add3A_190 : vector<16xi32>
        %gather3A = arith.constant 0 : i32
        %gather3A_192 = tpu.memref_slice %arg7[%while3A_165, %gather3A] : memref<2x1600xi32, #tpu.memory_space<vmem>> -> memref<1x1600xi32, #tpu.memory_space<vmem>>
        %gather3A_193 = tpu.memref_squeeze %gather3A_192 : memref<1x1600xi32, #tpu.memory_space<vmem>> -> memref<1600xi32, #tpu.memory_space<vmem>>
        %gather3A_194 = tpu.vector_load_idx %gather3A_193[%add3A_191] : memref<1600xi32, #tpu.memory_space<vmem>>[vector<16xi32>], vector<16xi32>,
        %gather3A_195 = arith.constant 0 : i32
        %gather3A_196 = tpu.memref_slice %arg8[%while3A_165, %gather3A_195] : memref<2x1600xi32, #tpu.memory_space<vmem>> -> memref<1x1600xi32, #tpu.memory_space<vmem>>
        %gather3A_197 = tpu.memref_squeeze %gather3A_196 : memref<1x1600xi32, #tpu.memory_space<vmem>> -> memref<1600xi32, #tpu.memory_space<vmem>>
        %gather3A_198 = tpu.vector_load_idx %gather3A_197[%add3A_191] : memref<1600xi32, #tpu.memory_space<vmem>>[vector<16xi32>], vector<16xi32>,
        %gather3A_199 = tpu.vector_load_idx %arg6[%gather3A_194] : memref<100000xf32, #tpu.memory_space<vmem>>[vector<16xi32>], vector<16xf32>,
        %gather3A_200 = tpu.vector_load_idx %arg6[%gather3A_198] : memref<100000xf32, #tpu.memory_space<vmem>>[vector<16xi32>], vector<16xf32>,
        %mul3A_201 = arith.mulf %gather3A_199, %gather3A_200 : vector<16xf32>
        %max3A = arith.constant 1.000000e-07 : f32
        %max3A_202 = vector.broadcast %max3A : f32 to vector<16xf32>
        %max3A_203 = arith.maximumf %mul3A_201, %max3A_202 : vector<16xf32>
        %min3A = arith.constant 0.99999988 : f32
        %min3A_204 = vector.broadcast %min3A : f32 to vector<16xf32>
        %min3A_205 = arith.minimumf %max3A_203, %min3A_204 : vector<16xf32>
        %sub3A = arith.constant 1.000000e+00 : f32
        %sub3A_206 = vector.broadcast %sub3A : f32 to vector<16xf32>
        %sub3A_207 = arith.subf %sub3A_206, %min3A_205 : vector<16xf32>
        %broadcast_in_dim3A_208 = arith.constant 23 : i32
        %broadcast_in_dim3A_209 = vector.broadcast %broadcast_in_dim3A_208 : i32 to vector<16xi32>
        %bitcast_convert_type3A = tpu.bitcast %sub3A_207 : vector<16xf32> -> vector<16xi32>
        %sub3A_210 = arith.constant 1060439283 : i32
        %sub3A_211 = vector.broadcast %sub3A_210 : i32 to vector<16xi32>
        %sub3A_212 = arith.subi %bitcast_convert_type3A, %sub3A_211 : vector<16xi32>
        %shift_right_arithmetic3A = arith.shrsi %sub3A_212, %broadcast_in_dim3A_209 : vector<16xi32>
        %shift_left3A = arith.shli %shift_right_arithmetic3A, %broadcast_in_dim3A_209 : vector<16xi32>
        %sub3A_213 = arith.subi %bitcast_convert_type3A, %shift_left3A : vector<16xi32>
        %bitcast_convert_type3A_214 = tpu.bitcast %sub3A_213 : vector<16xi32> -> vector<16xf32>
        %sub3A_215 = arith.constant 1.000000e+00 : f32
        %sub3A_216 = vector.broadcast %sub3A_215 : f32 to vector<16xf32>
        %sub3A_217 = arith.subf %bitcast_convert_type3A_214, %sub3A_216 : vector<16xf32>
        %add3A_218 = arith.constant 1.000000e+00 : f32
        %add3A_219 = vector.broadcast %add3A_218 : f32 to vector<16xf32>
        %add3A_220 = arith.addf %bitcast_convert_type3A_214, %add3A_219 : vector<16xf32>
        %div3A = arith.divf %sub3A_217, %add3A_220 : vector<16xf32>
        %mul3A_221 = arith.mulf %div3A, %div3A : vector<16xf32>
        %mul3A_222 = arith.constant 2.000000e+00 : f32
        %mul3A_223 = vector.broadcast %mul3A_222 : f32 to vector<16xf32>
        %mul3A_224 = arith.mulf %mul3A_223, %div3A : vector<16xf32>
        %mul3A_225 = arith.constant 0.142857149 : f32
        %mul3A_226 = vector.broadcast %mul3A_225 : f32 to vector<16xf32>
        %mul3A_227 = arith.mulf %mul3A_221, %mul3A_226 : vector<16xf32>
        %add3A_228 = arith.constant 2.000000e-01 : f32
        %add3A_229 = vector.broadcast %add3A_228 : f32 to vector<16xf32>
        %add3A_230 = arith.addf %add3A_229, %mul3A_227 : vector<16xf32>
        %mul3A_231 = arith.mulf %mul3A_221, %add3A_230 : vector<16xf32>
        %add3A_232 = arith.constant 0.333333343 : f32
        %add3A_233 = vector.broadcast %add3A_232 : f32 to vector<16xf32>
        %add3A_234 = arith.addf %add3A_233, %mul3A_231 : vector<16xf32>
        %mul3A_235 = arith.mulf %mul3A_221, %add3A_234 : vector<16xf32>
        %add3A_236 = arith.constant 1.000000e+00 : f32
        %add3A_237 = vector.broadcast %add3A_236 : f32 to vector<16xf32>
        %add3A_238 = arith.addf %add3A_237, %mul3A_235 : vector<16xf32>
        %mul3A_239 = arith.mulf %mul3A_224, %add3A_238 : vector<16xf32>
        %convert_element_type3A_240 = arith.sitofp %shift_right_arithmetic3A : vector<16xi32> to vector<16xf32>
        %mul3A_241 = arith.constant 0.693147182 : f32
        %mul3A_242 = vector.broadcast %mul3A_241 : f32 to vector<16xf32>
        %mul3A_243 = arith.mulf %convert_element_type3A_240, %mul3A_242 : vector<16xf32>
        %add3A_244 = arith.addf %mul3A_243, %mul3A_239 : vector<16xf32>
        %add3A_245 = arith.addf %while3A_185, %add3A_244 : vector<16xf32>
        %add3A_246 = arith.constant 16 : i32
        %add3A_247 = vector.broadcast %add3A_246 : i32 to vector<16xi32>
        %add3A_248 = arith.addi %add3A_188, %add3A_247 : vector<16xi32>
        %gather3A_249 = arith.constant 0 : i32
        %gather3A_250 = tpu.memref_slice %arg7[%while3A_165, %gather3A_249] : memref<2x1600xi32, #tpu.memory_space<vmem>> -> memref<1x1600xi32, #tpu.memory_space<vmem>>
        %gather3A_251 = tpu.memref_squeeze %gather3A_250 : memref<1x1600xi32, #tpu.memory_space<vmem>> -> memref<1600xi32, #tpu.memory_space<vmem>>
        %gather3A_252 = tpu.vector_load_idx %gather3A_251[%add3A_248] : memref<1600xi32, #tpu.memory_space<vmem>>[vector<16xi32>], vector<16xi32>,
        %gather3A_253 = arith.constant 0 : i32
        %gather3A_254 = tpu.memref_slice %arg8[%while3A_165, %gather3A_253] : memref<2x1600xi32, #tpu.memory_space<vmem>> -> memref<1x1600xi32, #tpu.memory_space<vmem>>
        %gather3A_255 = tpu.memref_squeeze %gather3A_254 : memref<1x1600xi32, #tpu.memory_space<vmem>> -> memref<1600xi32, #tpu.memory_space<vmem>>
        %gather3A_256 = tpu.vector_load_idx %gather3A_255[%add3A_248] : memref<1600xi32, #tpu.memory_space<vmem>>[vector<16xi32>], vector<16xi32>,
        %gather3A_257 = tpu.vector_load_idx %arg6[%gather3A_252] : memref<100000xf32, #tpu.memory_space<vmem>>[vector<16xi32>], vector<16xf32>,
        %gather3A_258 = tpu.vector_load_idx %arg6[%gather3A_256] : memref<100000xf32, #tpu.memory_space<vmem>>[vector<16xi32>], vector<16xf32>,
        %mul3A_259 = arith.mulf %gather3A_257, %gather3A_258 : vector<16xf32>
        %max3A_260 = arith.constant 1.000000e-07 : f32
        %max3A_261 = vector.broadcast %max3A_260 : f32 to vector<16xf32>
        %max3A_262 = arith.maximumf %mul3A_259, %max3A_261 : vector<16xf32>
        %min3A_263 = arith.constant 0.99999988 : f32
        %min3A_264 = vector.broadcast %min3A_263 : f32 to vector<16xf32>
        %min3A_265 = arith.minimumf %max3A_262, %min3A_264 : vector<16xf32>
        %sub3A_266 = arith.constant 1.000000e+00 : f32
        %sub3A_267 = vector.broadcast %sub3A_266 : f32 to vector<16xf32>
        %sub3A_268 = arith.subf %sub3A_267, %min3A_265 : vector<16xf32>
        %broadcast_in_dim3A_269 = arith.constant 23 : i32
        %broadcast_in_dim3A_270 = vector.broadcast %broadcast_in_dim3A_269 : i32 to vector<16xi32>
        %bitcast_convert_type3A_271 = tpu.bitcast %sub3A_268 : vector<16xf32> -> vector<16xi32>
        %sub3A_272 = arith.constant 1060439283 : i32
        %sub3A_273 = vector.broadcast %sub3A_272 : i32 to vector<16xi32>
        %sub3A_274 = arith.subi %bitcast_convert_type3A_271, %sub3A_273 : vector<16xi32>
        %shift_right_arithmetic3A_275 = arith.shrsi %sub3A_274, %broadcast_in_dim3A_270 : vector<16xi32>
        %shift_left3A_276 = arith.shli %shift_right_arithmetic3A_275, %broadcast_in_dim3A_270 : vector<16xi32>
        %sub3A_277 = arith.subi %bitcast_convert_type3A_271, %shift_left3A_276 : vector<16xi32>
        %bitcast_convert_type3A_278 = tpu.bitcast %sub3A_277 : vector<16xi32> -> vector<16xf32>
        %sub3A_279 = arith.constant 1.000000e+00 : f32
        %sub3A_280 = vector.broadcast %sub3A_279 : f32 to vector<16xf32>
        %sub3A_281 = arith.subf %bitcast_convert_type3A_278, %sub3A_280 : vector<16xf32>
        %add3A_282 = arith.constant 1.000000e+00 : f32
        %add3A_283 = vector.broadcast %add3A_282 : f32 to vector<16xf32>
        %add3A_284 = arith.addf %bitcast_convert_type3A_278, %add3A_283 : vector<16xf32>
        %div3A_285 = arith.divf %sub3A_281, %add3A_284 : vector<16xf32>
        %mul3A_286 = arith.mulf %div3A_285, %div3A_285 : vector<16xf32>
        %mul3A_287 = arith.constant 2.000000e+00 : f32
        %mul3A_288 = vector.broadcast %mul3A_287 : f32 to vector<16xf32>
        %mul3A_289 = arith.mulf %mul3A_288, %div3A_285 : vector<16xf32>
        %mul3A_290 = arith.constant 0.142857149 : f32
        %mul3A_291 = vector.broadcast %mul3A_290 : f32 to vector<16xf32>
        %mul3A_292 = arith.mulf %mul3A_286, %mul3A_291 : vector<16xf32>
        %add3A_293 = arith.constant 2.000000e-01 : f32
        %add3A_294 = vector.broadcast %add3A_293 : f32 to vector<16xf32>
        %add3A_295 = arith.addf %add3A_294, %mul3A_292 : vector<16xf32>
        %mul3A_296 = arith.mulf %mul3A_286, %add3A_295 : vector<16xf32>
        %add3A_297 = arith.constant 0.333333343 : f32
        %add3A_298 = vector.broadcast %add3A_297 : f32 to vector<16xf32>
        %add3A_299 = arith.addf %add3A_298, %mul3A_296 : vector<16xf32>
        %mul3A_300 = arith.mulf %mul3A_286, %add3A_299 : vector<16xf32>
        %add3A_301 = arith.constant 1.000000e+00 : f32
        %add3A_302 = vector.broadcast %add3A_301 : f32 to vector<16xf32>
        %add3A_303 = arith.addf %add3A_302, %mul3A_300 : vector<16xf32>
        %mul3A_304 = arith.mulf %mul3A_289, %add3A_303 : vector<16xf32>
        %convert_element_type3A_305 = arith.sitofp %shift_right_arithmetic3A_275 : vector<16xi32> to vector<16xf32>
        %mul3A_306 = arith.constant 0.693147182 : f32
        %mul3A_307 = vector.broadcast %mul3A_306 : f32 to vector<16xf32>
        %mul3A_308 = arith.mulf %convert_element_type3A_305, %mul3A_307 : vector<16xf32>
        %add3A_309 = arith.addf %mul3A_308, %mul3A_304 : vector<16xf32>
        %add3A_310 = arith.addf %add3A_245, %add3A_309 : vector<16xf32>
        %add3A_311 = arith.constant 32 : i32
        %add3A_312 = vector.broadcast %add3A_311 : i32 to vector<16xi32>
        %add3A_313 = arith.addi %add3A_188, %add3A_312 : vector<16xi32>
        %gather3A_314 = arith.constant 0 : i32
        %gather3A_315 = tpu.memref_slice %arg7[%while3A_165, %gather3A_314] : memref<2x1600xi32, #tpu.memory_space<vmem>> -> memref<1x1600xi32, #tpu.memory_space<vmem>>
        %gather3A_316 = tpu.memref_squeeze %gather3A_315 : memref<1x1600xi32, #tpu.memory_space<vmem>> -> memref<1600xi32, #tpu.memory_space<vmem>>
        %gather3A_317 = tpu.vector_load_idx %gather3A_316[%add3A_313] : memref<1600xi32, #tpu.memory_space<vmem>>[vector<16xi32>], vector<16xi32>,
        %gather3A_318 = arith.constant 0 : i32
        %gather3A_319 = tpu.memref_slice %arg8[%while3A_165, %gather3A_318] : memref<2x1600xi32, #tpu.memory_space<vmem>> -> memref<1x1600xi32, #tpu.memory_space<vmem>>
        %gather3A_320 = tpu.memref_squeeze %gather3A_319 : memref<1x1600xi32, #tpu.memory_space<vmem>> -> memref<1600xi32, #tpu.memory_space<vmem>>
        %gather3A_321 = tpu.vector_load_idx %gather3A_320[%add3A_313] : memref<1600xi32, #tpu.memory_space<vmem>>[vector<16xi32>], vector<16xi32>,
        %gather3A_322 = tpu.vector_load_idx %arg6[%gather3A_317] : memref<100000xf32, #tpu.memory_space<vmem>>[vector<16xi32>], vector<16xf32>,
        %gather3A_323 = tpu.vector_load_idx %arg6[%gather3A_321] : memref<100000xf32, #tpu.memory_space<vmem>>[vector<16xi32>], vector<16xf32>,
        %mul3A_324 = arith.mulf %gather3A_322, %gather3A_323 : vector<16xf32>
        %max3A_325 = arith.constant 1.000000e-07 : f32
        %max3A_326 = vector.broadcast %max3A_325 : f32 to vector<16xf32>
        %max3A_327 = arith.maximumf %mul3A_324, %max3A_326 : vector<16xf32>
        %min3A_328 = arith.constant 0.99999988 : f32
        %min3A_329 = vector.broadcast %min3A_328 : f32 to vector<16xf32>
        %min3A_330 = arith.minimumf %max3A_327, %min3A_329 : vector<16xf32>
        %sub3A_331 = arith.constant 1.000000e+00 : f32
        %sub3A_332 = vector.broadcast %sub3A_331 : f32 to vector<16xf32>
        %sub3A_333 = arith.subf %sub3A_332, %min3A_330 : vector<16xf32>
        %broadcast_in_dim3A_334 = arith.constant 23 : i32
        %broadcast_in_dim3A_335 = vector.broadcast %broadcast_in_dim3A_334 : i32 to vector<16xi32>
        %bitcast_convert_type3A_336 = tpu.bitcast %sub3A_333 : vector<16xf32> -> vector<16xi32>
        %sub3A_337 = arith.constant 1060439283 : i32
        %sub3A_338 = vector.broadcast %sub3A_337 : i32 to vector<16xi32>
        %sub3A_339 = arith.subi %bitcast_convert_type3A_336, %sub3A_338 : vector<16xi32>
        %shift_right_arithmetic3A_340 = arith.shrsi %sub3A_339, %broadcast_in_dim3A_335 : vector<16xi32>
        %shift_left3A_341 = arith.shli %shift_right_arithmetic3A_340, %broadcast_in_dim3A_335 : vector<16xi32>
        %sub3A_342 = arith.subi %bitcast_convert_type3A_336, %shift_left3A_341 : vector<16xi32>
        %bitcast_convert_type3A_343 = tpu.bitcast %sub3A_342 : vector<16xi32> -> vector<16xf32>
        %sub3A_344 = arith.constant 1.000000e+00 : f32
        %sub3A_345 = vector.broadcast %sub3A_344 : f32 to vector<16xf32>
        %sub3A_346 = arith.subf %bitcast_convert_type3A_343, %sub3A_345 : vector<16xf32>
        %add3A_347 = arith.constant 1.000000e+00 : f32
        %add3A_348 = vector.broadcast %add3A_347 : f32 to vector<16xf32>
        %add3A_349 = arith.addf %bitcast_convert_type3A_343, %add3A_348 : vector<16xf32>
        %div3A_350 = arith.divf %sub3A_346, %add3A_349 : vector<16xf32>
        %mul3A_351 = arith.mulf %div3A_350, %div3A_350 : vector<16xf32>
        %mul3A_352 = arith.constant 2.000000e+00 : f32
        %mul3A_353 = vector.broadcast %mul3A_352 : f32 to vector<16xf32>
        %mul3A_354 = arith.mulf %mul3A_353, %div3A_350 : vector<16xf32>
        %mul3A_355 = arith.constant 0.142857149 : f32
        %mul3A_356 = vector.broadcast %mul3A_355 : f32 to vector<16xf32>
        %mul3A_357 = arith.mulf %mul3A_351, %mul3A_356 : vector<16xf32>
        %add3A_358 = arith.constant 2.000000e-01 : f32
        %add3A_359 = vector.broadcast %add3A_358 : f32 to vector<16xf32>
        %add3A_360 = arith.addf %add3A_359, %mul3A_357 : vector<16xf32>
        %mul3A_361 = arith.mulf %mul3A_351, %add3A_360 : vector<16xf32>
        %add3A_362 = arith.constant 0.333333343 : f32
        %add3A_363 = vector.broadcast %add3A_362 : f32 to vector<16xf32>
        %add3A_364 = arith.addf %add3A_363, %mul3A_361 : vector<16xf32>
        %mul3A_365 = arith.mulf %mul3A_351, %add3A_364 : vector<16xf32>
        %add3A_366 = arith.constant 1.000000e+00 : f32
        %add3A_367 = vector.broadcast %add3A_366 : f32 to vector<16xf32>
        %add3A_368 = arith.addf %add3A_367, %mul3A_365 : vector<16xf32>
        %mul3A_369 = arith.mulf %mul3A_354, %add3A_368 : vector<16xf32>
        %convert_element_type3A_370 = arith.sitofp %shift_right_arithmetic3A_340 : vector<16xi32> to vector<16xf32>
        %mul3A_371 = arith.constant 0.693147182 : f32
        %mul3A_372 = vector.broadcast %mul3A_371 : f32 to vector<16xf32>
        %mul3A_373 = arith.mulf %convert_element_type3A_370, %mul3A_372 : vector<16xf32>
        %add3A_374 = arith.addf %mul3A_373, %mul3A_369 : vector<16xf32>
        %add3A_375 = arith.addf %add3A_310, %add3A_374 : vector<16xf32>
        %add3A_376 = arith.constant 48 : i32
        %add3A_377 = vector.broadcast %add3A_376 : i32 to vector<16xi32>
        %add3A_378 = arith.addi %add3A_188, %add3A_377 : vector<16xi32>
        %gather3A_379 = arith.constant 0 : i32
        %gather3A_380 = tpu.memref_slice %arg7[%while3A_165, %gather3A_379] : memref<2x1600xi32, #tpu.memory_space<vmem>> -> memref<1x1600xi32, #tpu.memory_space<vmem>>
        %gather3A_381 = tpu.memref_squeeze %gather3A_380 : memref<1x1600xi32, #tpu.memory_space<vmem>> -> memref<1600xi32, #tpu.memory_space<vmem>>
        %gather3A_382 = tpu.vector_load_idx %gather3A_381[%add3A_378] : memref<1600xi32, #tpu.memory_space<vmem>>[vector<16xi32>], vector<16xi32>,
        %gather3A_383 = arith.constant 0 : i32
        %gather3A_384 = tpu.memref_slice %arg8[%while3A_165, %gather3A_383] : memref<2x1600xi32, #tpu.memory_space<vmem>> -> memref<1x1600xi32, #tpu.memory_space<vmem>>
        %gather3A_385 = tpu.memref_squeeze %gather3A_384 : memref<1x1600xi32, #tpu.memory_space<vmem>> -> memref<1600xi32, #tpu.memory_space<vmem>>
        %gather3A_386 = tpu.vector_load_idx %gather3A_385[%add3A_378] : memref<1600xi32, #tpu.memory_space<vmem>>[vector<16xi32>], vector<16xi32>,
        %gather3A_387 = tpu.vector_load_idx %arg6[%gather3A_382] : memref<100000xf32, #tpu.memory_space<vmem>>[vector<16xi32>], vector<16xf32>,
        %gather3A_388 = tpu.vector_load_idx %arg6[%gather3A_386] : memref<100000xf32, #tpu.memory_space<vmem>>[vector<16xi32>], vector<16xf32>,
        %mul3A_389 = arith.mulf %gather3A_387, %gather3A_388 : vector<16xf32>
        %max3A_390 = arith.constant 1.000000e-07 : f32
        %max3A_391 = vector.broadcast %max3A_390 : f32 to vector<16xf32>
        %max3A_392 = arith.maximumf %mul3A_389, %max3A_391 : vector<16xf32>
        %min3A_393 = arith.constant 0.99999988 : f32
        %min3A_394 = vector.broadcast %min3A_393 : f32 to vector<16xf32>
        %min3A_395 = arith.minimumf %max3A_392, %min3A_394 : vector<16xf32>
        %sub3A_396 = arith.constant 1.000000e+00 : f32
        %sub3A_397 = vector.broadcast %sub3A_396 : f32 to vector<16xf32>
        %sub3A_398 = arith.subf %sub3A_397, %min3A_395 : vector<16xf32>
        %broadcast_in_dim3A_399 = arith.constant 23 : i32
        %broadcast_in_dim3A_400 = vector.broadcast %broadcast_in_dim3A_399 : i32 to vector<16xi32>
        %bitcast_convert_type3A_401 = tpu.bitcast %sub3A_398 : vector<16xf32> -> vector<16xi32>
        %sub3A_402 = arith.constant 1060439283 : i32
        %sub3A_403 = vector.broadcast %sub3A_402 : i32 to vector<16xi32>
        %sub3A_404 = arith.subi %bitcast_convert_type3A_401, %sub3A_403 : vector<16xi32>
        %shift_right_arithmetic3A_405 = arith.shrsi %sub3A_404, %broadcast_in_dim3A_400 : vector<16xi32>
        %shift_left3A_406 = arith.shli %shift_right_arithmetic3A_405, %broadcast_in_dim3A_400 : vector<16xi32>
        %sub3A_407 = arith.subi %bitcast_convert_type3A_401, %shift_left3A_406 : vector<16xi32>
        %bitcast_convert_type3A_408 = tpu.bitcast %sub3A_407 : vector<16xi32> -> vector<16xf32>
        %sub3A_409 = arith.constant 1.000000e+00 : f32
        %sub3A_410 = vector.broadcast %sub3A_409 : f32 to vector<16xf32>
        %sub3A_411 = arith.subf %bitcast_convert_type3A_408, %sub3A_410 : vector<16xf32>
        %add3A_412 = arith.constant 1.000000e+00 : f32
        %add3A_413 = vector.broadcast %add3A_412 : f32 to vector<16xf32>
        %add3A_414 = arith.addf %bitcast_convert_type3A_408, %add3A_413 : vector<16xf32>
        %div3A_415 = arith.divf %sub3A_411, %add3A_414 : vector<16xf32>
        %mul3A_416 = arith.mulf %div3A_415, %div3A_415 : vector<16xf32>
        %mul3A_417 = arith.constant 2.000000e+00 : f32
        %mul3A_418 = vector.broadcast %mul3A_417 : f32 to vector<16xf32>
        %mul3A_419 = arith.mulf %mul3A_418, %div3A_415 : vector<16xf32>
        %mul3A_420 = arith.constant 0.142857149 : f32
        %mul3A_421 = vector.broadcast %mul3A_420 : f32 to vector<16xf32>
        %mul3A_422 = arith.mulf %mul3A_416, %mul3A_421 : vector<16xf32>
        %add3A_423 = arith.constant 2.000000e-01 : f32
        %add3A_424 = vector.broadcast %add3A_423 : f32 to vector<16xf32>
        %add3A_425 = arith.addf %add3A_424, %mul3A_422 : vector<16xf32>
        %mul3A_426 = arith.mulf %mul3A_416, %add3A_425 : vector<16xf32>
        %add3A_427 = arith.constant 0.333333343 : f32
        %add3A_428 = vector.broadcast %add3A_427 : f32 to vector<16xf32>
        %add3A_429 = arith.addf %add3A_428, %mul3A_426 : vector<16xf32>
        %mul3A_430 = arith.mulf %mul3A_416, %add3A_429 : vector<16xf32>
        %add3A_431 = arith.constant 1.000000e+00 : f32
        %add3A_432 = vector.broadcast %add3A_431 : f32 to vector<16xf32>
        %add3A_433 = arith.addf %add3A_432, %mul3A_430 : vector<16xf32>
        %mul3A_434 = arith.mulf %mul3A_419, %add3A_433 : vector<16xf32>
        %convert_element_type3A_435 = arith.sitofp %shift_right_arithmetic3A_405 : vector<16xi32> to vector<16xf32>
        %mul3A_436 = arith.constant 0.693147182 : f32
        %mul3A_437 = vector.broadcast %mul3A_436 : f32 to vector<16xf32>
        %mul3A_438 = arith.mulf %convert_element_type3A_435, %mul3A_437 : vector<16xf32>
        %add3A_439 = arith.addf %mul3A_438, %mul3A_434 : vector<16xf32>
        %add3A_440 = arith.addf %add3A_375, %add3A_439 : vector<16xf32>
        %add3A_441 = arith.constant 64 : i32
        %add3A_442 = vector.broadcast %add3A_441 : i32 to vector<16xi32>
        %add3A_443 = arith.addi %add3A_188, %add3A_442 : vector<16xi32>
        %gather3A_444 = arith.constant 0 : i32
        %gather3A_445 = tpu.memref_slice %arg7[%while3A_165, %gather3A_444] : memref<2x1600xi32, #tpu.memory_space<vmem>> -> memref<1x1600xi32, #tpu.memory_space<vmem>>
        %gather3A_446 = tpu.memref_squeeze %gather3A_445 : memref<1x1600xi32, #tpu.memory_space<vmem>> -> memref<1600xi32, #tpu.memory_space<vmem>>
        %gather3A_447 = tpu.vector_load_idx %gather3A_446[%add3A_443] : memref<1600xi32, #tpu.memory_space<vmem>>[vector<16xi32>], vector<16xi32>,
        %gather3A_448 = arith.constant 0 : i32
        %gather3A_449 = tpu.memref_slice %arg8[%while3A_165, %gather3A_448] : memref<2x1600xi32, #tpu.memory_space<vmem>> -> memref<1x1600xi32, #tpu.memory_space<vmem>>
        %gather3A_450 = tpu.memref_squeeze %gather3A_449 : memref<1x1600xi32, #tpu.memory_space<vmem>> -> memref<1600xi32, #tpu.memory_space<vmem>>
        %gather3A_451 = tpu.vector_load_idx %gather3A_450[%add3A_443] : memref<1600xi32, #tpu.memory_space<vmem>>[vector<16xi32>], vector<16xi32>,
        %gather3A_452 = tpu.vector_load_idx %arg6[%gather3A_447] : memref<100000xf32, #tpu.memory_space<vmem>>[vector<16xi32>], vector<16xf32>,
        %gather3A_453 = tpu.vector_load_idx %arg6[%gather3A_451] : memref<100000xf32, #tpu.memory_space<vmem>>[vector<16xi32>], vector<16xf32>,
        %mul3A_454 = arith.mulf %gather3A_452, %gather3A_453 : vector<16xf32>
        %max3A_455 = arith.constant 1.000000e-07 : f32
        %max3A_456 = vector.broadcast %max3A_455 : f32 to vector<16xf32>
        %max3A_457 = arith.maximumf %mul3A_454, %max3A_456 : vector<16xf32>
        %min3A_458 = arith.constant 0.99999988 : f32
        %min3A_459 = vector.broadcast %min3A_458 : f32 to vector<16xf32>
        %min3A_460 = arith.minimumf %max3A_457, %min3A_459 : vector<16xf32>
        %sub3A_461 = arith.constant 1.000000e+00 : f32
        %sub3A_462 = vector.broadcast %sub3A_461 : f32 to vector<16xf32>
        %sub3A_463 = arith.subf %sub3A_462, %min3A_460 : vector<16xf32>
        %broadcast_in_dim3A_464 = arith.constant 23 : i32
        %broadcast_in_dim3A_465 = vector.broadcast %broadcast_in_dim3A_464 : i32 to vector<16xi32>
        %bitcast_convert_type3A_466 = tpu.bitcast %sub3A_463 : vector<16xf32> -> vector<16xi32>
        %sub3A_467 = arith.constant 1060439283 : i32
        %sub3A_468 = vector.broadcast %sub3A_467 : i32 to vector<16xi32>
        %sub3A_469 = arith.subi %bitcast_convert_type3A_466, %sub3A_468 : vector<16xi32>
        %shift_right_arithmetic3A_470 = arith.shrsi %sub3A_469, %broadcast_in_dim3A_465 : vector<16xi32>
        %shift_left3A_471 = arith.shli %shift_right_arithmetic3A_470, %broadcast_in_dim3A_465 : vector<16xi32>
        %sub3A_472 = arith.subi %bitcast_convert_type3A_466, %shift_left3A_471 : vector<16xi32>
        %bitcast_convert_type3A_473 = tpu.bitcast %sub3A_472 : vector<16xi32> -> vector<16xf32>
        %sub3A_474 = arith.constant 1.000000e+00 : f32
        %sub3A_475 = vector.broadcast %sub3A_474 : f32 to vector<16xf32>
        %sub3A_476 = arith.subf %bitcast_convert_type3A_473, %sub3A_475 : vector<16xf32>
        %add3A_477 = arith.constant 1.000000e+00 : f32
        %add3A_478 = vector.broadcast %add3A_477 : f32 to vector<16xf32>
        %add3A_479 = arith.addf %bitcast_convert_type3A_473, %add3A_478 : vector<16xf32>
        %div3A_480 = arith.divf %sub3A_476, %add3A_479 : vector<16xf32>
        %mul3A_481 = arith.mulf %div3A_480, %div3A_480 : vector<16xf32>
        %mul3A_482 = arith.constant 2.000000e+00 : f32
        %mul3A_483 = vector.broadcast %mul3A_482 : f32 to vector<16xf32>
        %mul3A_484 = arith.mulf %mul3A_483, %div3A_480 : vector<16xf32>
        %mul3A_485 = arith.constant 0.142857149 : f32
        %mul3A_486 = vector.broadcast %mul3A_485 : f32 to vector<16xf32>
        %mul3A_487 = arith.mulf %mul3A_481, %mul3A_486 : vector<16xf32>
        %add3A_488 = arith.constant 2.000000e-01 : f32
        %add3A_489 = vector.broadcast %add3A_488 : f32 to vector<16xf32>
        %add3A_490 = arith.addf %add3A_489, %mul3A_487 : vector<16xf32>
        %mul3A_491 = arith.mulf %mul3A_481, %add3A_490 : vector<16xf32>
        %add3A_492 = arith.constant 0.333333343 : f32
        %add3A_493 = vector.broadcast %add3A_492 : f32 to vector<16xf32>
        %add3A_494 = arith.addf %add3A_493, %mul3A_491 : vector<16xf32>
        %mul3A_495 = arith.mulf %mul3A_481, %add3A_494 : vector<16xf32>
        %add3A_496 = arith.constant 1.000000e+00 : f32
        %add3A_497 = vector.broadcast %add3A_496 : f32 to vector<16xf32>
        %add3A_498 = arith.addf %add3A_497, %mul3A_495 : vector<16xf32>
        %mul3A_499 = arith.mulf %mul3A_484, %add3A_498 : vector<16xf32>
        %convert_element_type3A_500 = arith.sitofp %shift_right_arithmetic3A_470 : vector<16xi32> to vector<16xf32>
        %mul3A_501 = arith.constant 0.693147182 : f32
        %mul3A_502 = vector.broadcast %mul3A_501 : f32 to vector<16xf32>
        %mul3A_503 = arith.mulf %convert_element_type3A_500, %mul3A_502 : vector<16xf32>
        %add3A_504 = arith.addf %mul3A_503, %mul3A_499 : vector<16xf32>
        %add3A_505 = arith.addf %add3A_440, %add3A_504 : vector<16xf32>
        scf.yield %add3A_505 : vector<16xf32>
      }
      %add3A_178 = arith.addi %add3A_144, %while3A : i32
      %lt3A_179 = arith.constant 125 : i32
      %lt3A_180 = arith.cmpi slt, %add3A_178, %lt3A_179 : i32
      %convert_element_type3A_181 = arith.extui %lt3A_180 : i1 to i32
      %cond3A_182 = arith.constant 0 : i32
      %cond3A_183 = arith.cmpi ne, %convert_element_type3A_181, %cond3A_182 : i32
      scf.if %cond3A_183 {
        %add3A_184 = arith.addi %add3A_144, %while3A : i32
        %mul3A_185 = arith.muli %add3A_184, %while3A_47 : i32
        %add3A_186 = arith.addi %mul3A_2, %mul3A_185 : i32
        %dma_start3A_187 = arith.constant 1 : i32
        %dma_start3A_188 = arith.constant 0 : i32
        %dma_start3A_189 = tpu.memref_slice %arg7[%dma_start3A_187, %dma_start3A_188] : memref<2x1600xi32, #tpu.memory_space<vmem>> -> memref<1x1600xi32, #tpu.memory_space<vmem>>
        %dma_start3A_190 = tpu.memref_squeeze %dma_start3A_189 : memref<1x1600xi32, #tpu.memory_space<vmem>> -> memref<1600xi32, #tpu.memory_space<vmem>>
        %dma_start3A_191 = tpu.memref_slice %arg3[%add3A_186] : memref<6400000xi32, #tpu.memory_space<hbm>> -> memref<1600xi32, #tpu.memory_space<hbm>>
        %dma_start3A_192 = arith.constant 0 : i32
        %dma_start3A_193 = tpu.memref_slice %arg7[%dma_start3A_187, %dma_start3A_192] : memref<2x1600xi32, #tpu.memory_space<vmem>> -> memref<1x1600xi32, #tpu.memory_space<vmem>>
        %dma_start3A_194 = tpu.memref_squeeze %dma_start3A_193 : memref<1x1600xi32, #tpu.memory_space<vmem>> -> memref<1600xi32, #tpu.memory_space<vmem>>
        %dma_start3A_195 = tpu.memref_slice %arg3[%add3A_186] : memref<6400000xi32, #tpu.memory_space<hbm>> -> memref<1600xi32, #tpu.memory_space<hbm>>
        tpu.enqueue_dma source(%dma_start3A_195 : memref<1600xi32, #tpu.memory_space<hbm>>) target(%dma_start3A_194 : memref<1600xi32, #tpu.memory_space<vmem>>) target_semaphore(%arg12 : memref<!tpu.dma_semaphore, #tpu.memory_space<semaphore_mem>>)
        %dma_start3A_196 = arith.constant 1 : i32
        %dma_start3A_197 = arith.constant 0 : i32
        %dma_start3A_198 = tpu.memref_slice %arg8[%dma_start3A_196, %dma_start3A_197] : memref<2x1600xi32, #tpu.memory_space<vmem>> -> memref<1x1600xi32, #tpu.memory_space<vmem>>
        %dma_start3A_199 = tpu.memref_squeeze %dma_start3A_198 : memref<1x1600xi32, #tpu.memory_space<vmem>> -> memref<1600xi32, #tpu.memory_space<vmem>>
        %dma_start3A_200 = tpu.memref_slice %arg4[%add3A_186] : memref<6400000xi32, #tpu.memory_space<hbm>> -> memref<1600xi32, #tpu.memory_space<hbm>>
        %dma_start3A_201 = arith.constant 0 : i32
        %dma_start3A_202 = tpu.memref_slice %arg8[%dma_start3A_196, %dma_start3A_201] : memref<2x1600xi32, #tpu.memory_space<vmem>> -> memref<1x1600xi32, #tpu.memory_space<vmem>>
        %dma_start3A_203 = tpu.memref_squeeze %dma_start3A_202 : memref<1x1600xi32, #tpu.memory_space<vmem>> -> memref<1600xi32, #tpu.memory_space<vmem>>
        %dma_start3A_204 = tpu.memref_slice %arg4[%add3A_186] : memref<6400000xi32, #tpu.memory_space<hbm>> -> memref<1600xi32, #tpu.memory_space<hbm>>
        tpu.enqueue_dma source(%dma_start3A_204 : memref<1600xi32, #tpu.memory_space<hbm>>) target(%dma_start3A_203 : memref<1600xi32, #tpu.memory_space<vmem>>) target_semaphore(%arg12 : memref<!tpu.dma_semaphore, #tpu.memory_space<semaphore_mem>>)
      } else {
      }
      scf.yield %while3A_177 : vector<16xf32>
    }
    %while3A_59 = arith.constant 1 : i32
    %while3A_60 = scf.for %while3A_101 = %while3A_56 to %while3A_52 step %while3A_59 iter_args(%while3A_102 = %while3A_58) -> (vector<16xf32>)  : i32 {
      %mul3A_103 = arith.muli %while3A_101, %while3A : i32
      %add3A_104 = arith.constant 0 : i32
      %add3A_105 = arith.addi %mul3A_103, %add3A_104 : i32
      %mul3A_106 = arith.muli %add3A_105, %while3A_47 : i32
      %add3A_107 = arith.addi %mul3A_2, %mul3A_106 : i32
      %dma_wait3A_108 = arith.constant 0 : i32
      %dma_wait3A_109 = arith.constant 0 : i32
      %dma_wait3A_110 = tpu.memref_slice %arg7[%dma_wait3A_108, %dma_wait3A_109] : memref<2x1600xi32, #tpu.memory_space<vmem>> -> memref<1x1600xi32, #tpu.memory_space<vmem>>
      %dma_wait3A_111 = tpu.memref_squeeze %dma_wait3A_110 : memref<1x1600xi32, #tpu.memory_space<vmem>> -> memref<1600xi32, #tpu.memory_space<vmem>>
      %dma_wait3A_112 = tpu.memref_slice %arg3[%add3A_107] : memref<6400000xi32, #tpu.memory_space<hbm>> -> memref<1600xi32, #tpu.memory_space<hbm>>
      %dma_wait3A_113 = arith.constant 0 : i32
      %dma_wait3A_114 = tpu.memref_slice %arg7[%dma_wait3A_108, %dma_wait3A_113] : memref<2x1600xi32, #tpu.memory_space<vmem>> -> memref<1x1600xi32, #tpu.memory_space<vmem>>
      %dma_wait3A_115 = tpu.memref_squeeze %dma_wait3A_114 : memref<1x1600xi32, #tpu.memory_space<vmem>> -> memref<1600xi32, #tpu.memory_space<vmem>>
      %dma_wait3A_116 = tpu.memref_slice %arg3[%add3A_107] : memref<6400000xi32, #tpu.memory_space<hbm>> -> memref<1600xi32, #tpu.memory_space<hbm>>
      tpu.wait_dma2 semaphore(%arg11 : memref<!tpu.dma_semaphore, #tpu.memory_space<semaphore_mem>>) src(%dma_wait3A_116 : memref<1600xi32, #tpu.memory_space<hbm>>) dst(%dma_wait3A_115 : memref<1600xi32, #tpu.memory_space<vmem>>)
      %dma_wait3A_117 = arith.constant 0 : i32
      %dma_wait3A_118 = arith.constant 0 : i32
      %dma_wait3A_119 = tpu.memref_slice %arg8[%dma_wait3A_117, %dma_wait3A_118] : memref<2x1600xi32, #tpu.memory_space<vmem>> -> memref<1x1600xi32, #tpu.memory_space<vmem>>
      %dma_wait3A_120 = tpu.memref_squeeze %dma_wait3A_119 : memref<1x1600xi32, #tpu.memory_space<vmem>> -> memref<1600xi32, #tpu.memory_space<vmem>>
      %dma_wait3A_121 = tpu.memref_slice %arg4[%add3A_107] : memref<6400000xi32, #tpu.memory_space<hbm>> -> memref<1600xi32, #tpu.memory_space<hbm>>
      %dma_wait3A_122 = arith.constant 0 : i32
      %dma_wait3A_123 = tpu.memref_slice %arg8[%dma_wait3A_117, %dma_wait3A_122] : memref<2x1600xi32, #tpu.memory_space<vmem>> -> memref<1x1600xi32, #tpu.memory_space<vmem>>
      %dma_wait3A_124 = tpu.memref_squeeze %dma_wait3A_123 : memref<1x1600xi32, #tpu.memory_space<vmem>> -> memref<1600xi32, #tpu.memory_space<vmem>>
      %dma_wait3A_125 = tpu.memref_slice %arg4[%add3A_107] : memref<6400000xi32, #tpu.memory_space<hbm>> -> memref<1600xi32, #tpu.memory_space<hbm>>
      tpu.wait_dma2 semaphore(%arg11 : memref<!tpu.dma_semaphore, #tpu.memory_space<semaphore_mem>>) src(%dma_wait3A_125 : memref<1600xi32, #tpu.memory_space<hbm>>) dst(%dma_wait3A_124 : memref<1600xi32, #tpu.memory_space<vmem>>)
      %while3A_126 = arith.constant 0 : i32
      %while3A_127 = arith.constant 0 : i32
      %while3A_128 = arith.constant 20 : i32
      %while3A_129 = arith.subi %while3A_128, %while3A_127 : i32
      %while3A_130 = arith.addi %while3A_127, %while3A_129 : i32
      %while3A_131 = arith.constant 1 : i32
      %while3A_132 = arith.divsi %while3A_129, %while3A_131 : i32
      %while3A_133 = arith.muli %while3A_132, %while3A_131 : i32
      %while3A_134 = arith.addi %while3A_127, %while3A_133 : i32
      %while3A_135 = arith.constant 1 : i32
      %while3A_136 = scf.for %while3A_184 = %while3A_127 to %while3A_134 step %while3A_135 iter_args(%while3A_185 = %while3A_102) -> (vector<16xf32>)  : i32 {
        %mul3A_186 = arith.muli %while3A_184, %while3A_48 : i32
        %add3A_187 = vector.broadcast %mul3A_186 : i32 to vector<16xi32>
        %add3A_188 = arith.addi %add3A_187, %iota3A : vector<16xi32>
        %add3A_189 = arith.constant 0 : i32
        %add3A_190 = vector.broadcast %add3A_189 : i32 to vector<16xi32>
        %add3A_191 = arith.addi %add3A_188, %add3A_190 : vector<16xi32>
        %gather3A = arith.constant 0 : i32
        %gather3A_192 = tpu.memref_slice %arg7[%while3A_126, %gather3A] : memref<2x1600xi32, #tpu.memory_space<vmem>> -> memref<1x1600xi32, #tpu.memory_space<vmem>>
        %gather3A_193 = tpu.memref_squeeze %gather3A_192 : memref<1x1600xi32, #tpu.memory_space<vmem>> -> memref<1600xi32, #tpu.memory_space<vmem>>
        %gather3A_194 = tpu.vector_load_idx %gather3A_193[%add3A_191] : memref<1600xi32, #tpu.memory_space<vmem>>[vector<16xi32>], vector<16xi32>,
        %gather3A_195 = arith.constant 0 : i32
        %gather3A_196 = tpu.memref_slice %arg8[%while3A_126, %gather3A_195] : memref<2x1600xi32, #tpu.memory_space<vmem>> -> memref<1x1600xi32, #tpu.memory_space<vmem>>
        %gather3A_197 = tpu.memref_squeeze %gather3A_196 : memref<1x1600xi32, #tpu.memory_space<vmem>> -> memref<1600xi32, #tpu.memory_space<vmem>>
        %gather3A_198 = tpu.vector_load_idx %gather3A_197[%add3A_191] : memref<1600xi32, #tpu.memory_space<vmem>>[vector<16xi32>], vector<16xi32>,
        %gather3A_199 = tpu.vector_load_idx %arg6[%gather3A_194] : memref<100000xf32, #tpu.memory_space<vmem>>[vector<16xi32>], vector<16xf32>,
        %gather3A_200 = tpu.vector_load_idx %arg6[%gather3A_198] : memref<100000xf32, #tpu.memory_space<vmem>>[vector<16xi32>], vector<16xf32>,
        %mul3A_201 = arith.mulf %gather3A_199, %gather3A_200 : vector<16xf32>
        %max3A = arith.constant 1.000000e-07 : f32
        %max3A_202 = vector.broadcast %max3A : f32 to vector<16xf32>
        %max3A_203 = arith.maximumf %mul3A_201, %max3A_202 : vector<16xf32>
        %min3A = arith.constant 0.99999988 : f32
        %min3A_204 = vector.broadcast %min3A : f32 to vector<16xf32>
        %min3A_205 = arith.minimumf %max3A_203, %min3A_204 : vector<16xf32>
        %sub3A = arith.constant 1.000000e+00 : f32
        %sub3A_206 = vector.broadcast %sub3A : f32 to vector<16xf32>
        %sub3A_207 = arith.subf %sub3A_206, %min3A_205 : vector<16xf32>
        %broadcast_in_dim3A_208 = arith.constant 23 : i32
        %broadcast_in_dim3A_209 = vector.broadcast %broadcast_in_dim3A_208 : i32 to vector<16xi32>
        %bitcast_convert_type3A = tpu.bitcast %sub3A_207 : vector<16xf32> -> vector<16xi32>
        %sub3A_210 = arith.constant 1060439283 : i32
        %sub3A_211 = vector.broadcast %sub3A_210 : i32 to vector<16xi32>
        %sub3A_212 = arith.subi %bitcast_convert_type3A, %sub3A_211 : vector<16xi32>
        %shift_right_arithmetic3A = arith.shrsi %sub3A_212, %broadcast_in_dim3A_209 : vector<16xi32>
        %shift_left3A = arith.shli %shift_right_arithmetic3A, %broadcast_in_dim3A_209 : vector<16xi32>
        %sub3A_213 = arith.subi %bitcast_convert_type3A, %shift_left3A : vector<16xi32>
        %bitcast_convert_type3A_214 = tpu.bitcast %sub3A_213 : vector<16xi32> -> vector<16xf32>
        %sub3A_215 = arith.constant 1.000000e+00 : f32
        %sub3A_216 = vector.broadcast %sub3A_215 : f32 to vector<16xf32>
        %sub3A_217 = arith.subf %bitcast_convert_type3A_214, %sub3A_216 : vector<16xf32>
        %add3A_218 = arith.constant 1.000000e+00 : f32
        %add3A_219 = vector.broadcast %add3A_218 : f32 to vector<16xf32>
        %add3A_220 = arith.addf %bitcast_convert_type3A_214, %add3A_219 : vector<16xf32>
        %div3A = arith.divf %sub3A_217, %add3A_220 : vector<16xf32>
        %mul3A_221 = arith.mulf %div3A, %div3A : vector<16xf32>
        %mul3A_222 = arith.constant 2.000000e+00 : f32
        %mul3A_223 = vector.broadcast %mul3A_222 : f32 to vector<16xf32>
        %mul3A_224 = arith.mulf %mul3A_223, %div3A : vector<16xf32>
        %mul3A_225 = arith.constant 0.142857149 : f32
        %mul3A_226 = vector.broadcast %mul3A_225 : f32 to vector<16xf32>
        %mul3A_227 = arith.mulf %mul3A_221, %mul3A_226 : vector<16xf32>
        %add3A_228 = arith.constant 2.000000e-01 : f32
        %add3A_229 = vector.broadcast %add3A_228 : f32 to vector<16xf32>
        %add3A_230 = arith.addf %add3A_229, %mul3A_227 : vector<16xf32>
        %mul3A_231 = arith.mulf %mul3A_221, %add3A_230 : vector<16xf32>
        %add3A_232 = arith.constant 0.333333343 : f32
        %add3A_233 = vector.broadcast %add3A_232 : f32 to vector<16xf32>
        %add3A_234 = arith.addf %add3A_233, %mul3A_231 : vector<16xf32>
        %mul3A_235 = arith.mulf %mul3A_221, %add3A_234 : vector<16xf32>
        %add3A_236 = arith.constant 1.000000e+00 : f32
        %add3A_237 = vector.broadcast %add3A_236 : f32 to vector<16xf32>
        %add3A_238 = arith.addf %add3A_237, %mul3A_235 : vector<16xf32>
        %mul3A_239 = arith.mulf %mul3A_224, %add3A_238 : vector<16xf32>
        %convert_element_type3A_240 = arith.sitofp %shift_right_arithmetic3A : vector<16xi32> to vector<16xf32>
        %mul3A_241 = arith.constant 0.693147182 : f32
        %mul3A_242 = vector.broadcast %mul3A_241 : f32 to vector<16xf32>
        %mul3A_243 = arith.mulf %convert_element_type3A_240, %mul3A_242 : vector<16xf32>
        %add3A_244 = arith.addf %mul3A_243, %mul3A_239 : vector<16xf32>
        %add3A_245 = arith.addf %while3A_185, %add3A_244 : vector<16xf32>
        %add3A_246 = arith.constant 16 : i32
        %add3A_247 = vector.broadcast %add3A_246 : i32 to vector<16xi32>
        %add3A_248 = arith.addi %add3A_188, %add3A_247 : vector<16xi32>
        %gather3A_249 = arith.constant 0 : i32
        %gather3A_250 = tpu.memref_slice %arg7[%while3A_126, %gather3A_249] : memref<2x1600xi32, #tpu.memory_space<vmem>> -> memref<1x1600xi32, #tpu.memory_space<vmem>>
        %gather3A_251 = tpu.memref_squeeze %gather3A_250 : memref<1x1600xi32, #tpu.memory_space<vmem>> -> memref<1600xi32, #tpu.memory_space<vmem>>
        %gather3A_252 = tpu.vector_load_idx %gather3A_251[%add3A_248] : memref<1600xi32, #tpu.memory_space<vmem>>[vector<16xi32>], vector<16xi32>,
        %gather3A_253 = arith.constant 0 : i32
        %gather3A_254 = tpu.memref_slice %arg8[%while3A_126, %gather3A_253] : memref<2x1600xi32, #tpu.memory_space<vmem>> -> memref<1x1600xi32, #tpu.memory_space<vmem>>
        %gather3A_255 = tpu.memref_squeeze %gather3A_254 : memref<1x1600xi32, #tpu.memory_space<vmem>> -> memref<1600xi32, #tpu.memory_space<vmem>>
        %gather3A_256 = tpu.vector_load_idx %gather3A_255[%add3A_248] : memref<1600xi32, #tpu.memory_space<vmem>>[vector<16xi32>], vector<16xi32>,
        %gather3A_257 = tpu.vector_load_idx %arg6[%gather3A_252] : memref<100000xf32, #tpu.memory_space<vmem>>[vector<16xi32>], vector<16xf32>,
        %gather3A_258 = tpu.vector_load_idx %arg6[%gather3A_256] : memref<100000xf32, #tpu.memory_space<vmem>>[vector<16xi32>], vector<16xf32>,
        %mul3A_259 = arith.mulf %gather3A_257, %gather3A_258 : vector<16xf32>
        %max3A_260 = arith.constant 1.000000e-07 : f32
        %max3A_261 = vector.broadcast %max3A_260 : f32 to vector<16xf32>
        %max3A_262 = arith.maximumf %mul3A_259, %max3A_261 : vector<16xf32>
        %min3A_263 = arith.constant 0.99999988 : f32
        %min3A_264 = vector.broadcast %min3A_263 : f32 to vector<16xf32>
        %min3A_265 = arith.minimumf %max3A_262, %min3A_264 : vector<16xf32>
        %sub3A_266 = arith.constant 1.000000e+00 : f32
        %sub3A_267 = vector.broadcast %sub3A_266 : f32 to vector<16xf32>
        %sub3A_268 = arith.subf %sub3A_267, %min3A_265 : vector<16xf32>
        %broadcast_in_dim3A_269 = arith.constant 23 : i32
        %broadcast_in_dim3A_270 = vector.broadcast %broadcast_in_dim3A_269 : i32 to vector<16xi32>
        %bitcast_convert_type3A_271 = tpu.bitcast %sub3A_268 : vector<16xf32> -> vector<16xi32>
        %sub3A_272 = arith.constant 1060439283 : i32
        %sub3A_273 = vector.broadcast %sub3A_272 : i32 to vector<16xi32>
        %sub3A_274 = arith.subi %bitcast_convert_type3A_271, %sub3A_273 : vector<16xi32>
        %shift_right_arithmetic3A_275 = arith.shrsi %sub3A_274, %broadcast_in_dim3A_270 : vector<16xi32>
        %shift_left3A_276 = arith.shli %shift_right_arithmetic3A_275, %broadcast_in_dim3A_270 : vector<16xi32>
        %sub3A_277 = arith.subi %bitcast_convert_type3A_271, %shift_left3A_276 : vector<16xi32>
        %bitcast_convert_type3A_278 = tpu.bitcast %sub3A_277 : vector<16xi32> -> vector<16xf32>
        %sub3A_279 = arith.constant 1.000000e+00 : f32
        %sub3A_280 = vector.broadcast %sub3A_279 : f32 to vector<16xf32>
        %sub3A_281 = arith.subf %bitcast_convert_type3A_278, %sub3A_280 : vector<16xf32>
        %add3A_282 = arith.constant 1.000000e+00 : f32
        %add3A_283 = vector.broadcast %add3A_282 : f32 to vector<16xf32>
        %add3A_284 = arith.addf %bitcast_convert_type3A_278, %add3A_283 : vector<16xf32>
        %div3A_285 = arith.divf %sub3A_281, %add3A_284 : vector<16xf32>
        %mul3A_286 = arith.mulf %div3A_285, %div3A_285 : vector<16xf32>
        %mul3A_287 = arith.constant 2.000000e+00 : f32
        %mul3A_288 = vector.broadcast %mul3A_287 : f32 to vector<16xf32>
        %mul3A_289 = arith.mulf %mul3A_288, %div3A_285 : vector<16xf32>
        %mul3A_290 = arith.constant 0.142857149 : f32
        %mul3A_291 = vector.broadcast %mul3A_290 : f32 to vector<16xf32>
        %mul3A_292 = arith.mulf %mul3A_286, %mul3A_291 : vector<16xf32>
        %add3A_293 = arith.constant 2.000000e-01 : f32
        %add3A_294 = vector.broadcast %add3A_293 : f32 to vector<16xf32>
        %add3A_295 = arith.addf %add3A_294, %mul3A_292 : vector<16xf32>
        %mul3A_296 = arith.mulf %mul3A_286, %add3A_295 : vector<16xf32>
        %add3A_297 = arith.constant 0.333333343 : f32
        %add3A_298 = vector.broadcast %add3A_297 : f32 to vector<16xf32>
        %add3A_299 = arith.addf %add3A_298, %mul3A_296 : vector<16xf32>
        %mul3A_300 = arith.mulf %mul3A_286, %add3A_299 : vector<16xf32>
        %add3A_301 = arith.constant 1.000000e+00 : f32
        %add3A_302 = vector.broadcast %add3A_301 : f32 to vector<16xf32>
        %add3A_303 = arith.addf %add3A_302, %mul3A_300 : vector<16xf32>
        %mul3A_304 = arith.mulf %mul3A_289, %add3A_303 : vector<16xf32>
        %convert_element_type3A_305 = arith.sitofp %shift_right_arithmetic3A_275 : vector<16xi32> to vector<16xf32>
        %mul3A_306 = arith.constant 0.693147182 : f32
        %mul3A_307 = vector.broadcast %mul3A_306 : f32 to vector<16xf32>
        %mul3A_308 = arith.mulf %convert_element_type3A_305, %mul3A_307 : vector<16xf32>
        %add3A_309 = arith.addf %mul3A_308, %mul3A_304 : vector<16xf32>
        %add3A_310 = arith.addf %add3A_245, %add3A_309 : vector<16xf32>
        %add3A_311 = arith.constant 32 : i32
        %add3A_312 = vector.broadcast %add3A_311 : i32 to vector<16xi32>
        %add3A_313 = arith.addi %add3A_188, %add3A_312 : vector<16xi32>
        %gather3A_314 = arith.constant 0 : i32
        %gather3A_315 = tpu.memref_slice %arg7[%while3A_126, %gather3A_314] : memref<2x1600xi32, #tpu.memory_space<vmem>> -> memref<1x1600xi32, #tpu.memory_space<vmem>>
        %gather3A_316 = tpu.memref_squeeze %gather3A_315 : memref<1x1600xi32, #tpu.memory_space<vmem>> -> memref<1600xi32, #tpu.memory_space<vmem>>
        %gather3A_317 = tpu.vector_load_idx %gather3A_316[%add3A_313] : memref<1600xi32, #tpu.memory_space<vmem>>[vector<16xi32>], vector<16xi32>,
        %gather3A_318 = arith.constant 0 : i32
        %gather3A_319 = tpu.memref_slice %arg8[%while3A_126, %gather3A_318] : memref<2x1600xi32, #tpu.memory_space<vmem>> -> memref<1x1600xi32, #tpu.memory_space<vmem>>
        %gather3A_320 = tpu.memref_squeeze %gather3A_319 : memref<1x1600xi32, #tpu.memory_space<vmem>> -> memref<1600xi32, #tpu.memory_space<vmem>>
        %gather3A_321 = tpu.vector_load_idx %gather3A_320[%add3A_313] : memref<1600xi32, #tpu.memory_space<vmem>>[vector<16xi32>], vector<16xi32>,
        %gather3A_322 = tpu.vector_load_idx %arg6[%gather3A_317] : memref<100000xf32, #tpu.memory_space<vmem>>[vector<16xi32>], vector<16xf32>,
        %gather3A_323 = tpu.vector_load_idx %arg6[%gather3A_321] : memref<100000xf32, #tpu.memory_space<vmem>>[vector<16xi32>], vector<16xf32>,
        %mul3A_324 = arith.mulf %gather3A_322, %gather3A_323 : vector<16xf32>
        %max3A_325 = arith.constant 1.000000e-07 : f32
        %max3A_326 = vector.broadcast %max3A_325 : f32 to vector<16xf32>
        %max3A_327 = arith.maximumf %mul3A_324, %max3A_326 : vector<16xf32>
        %min3A_328 = arith.constant 0.99999988 : f32
        %min3A_329 = vector.broadcast %min3A_328 : f32 to vector<16xf32>
        %min3A_330 = arith.minimumf %max3A_327, %min3A_329 : vector<16xf32>
        %sub3A_331 = arith.constant 1.000000e+00 : f32
        %sub3A_332 = vector.broadcast %sub3A_331 : f32 to vector<16xf32>
        %sub3A_333 = arith.subf %sub3A_332, %min3A_330 : vector<16xf32>
        %broadcast_in_dim3A_334 = arith.constant 23 : i32
        %broadcast_in_dim3A_335 = vector.broadcast %broadcast_in_dim3A_334 : i32 to vector<16xi32>
        %bitcast_convert_type3A_336 = tpu.bitcast %sub3A_333 : vector<16xf32> -> vector<16xi32>
        %sub3A_337 = arith.constant 1060439283 : i32
        %sub3A_338 = vector.broadcast %sub3A_337 : i32 to vector<16xi32>
        %sub3A_339 = arith.subi %bitcast_convert_type3A_336, %sub3A_338 : vector<16xi32>
        %shift_right_arithmetic3A_340 = arith.shrsi %sub3A_339, %broadcast_in_dim3A_335 : vector<16xi32>
        %shift_left3A_341 = arith.shli %shift_right_arithmetic3A_340, %broadcast_in_dim3A_335 : vector<16xi32>
        %sub3A_342 = arith.subi %bitcast_convert_type3A_336, %shift_left3A_341 : vector<16xi32>
        %bitcast_convert_type3A_343 = tpu.bitcast %sub3A_342 : vector<16xi32> -> vector<16xf32>
        %sub3A_344 = arith.constant 1.000000e+00 : f32
        %sub3A_345 = vector.broadcast %sub3A_344 : f32 to vector<16xf32>
        %sub3A_346 = arith.subf %bitcast_convert_type3A_343, %sub3A_345 : vector<16xf32>
        %add3A_347 = arith.constant 1.000000e+00 : f32
        %add3A_348 = vector.broadcast %add3A_347 : f32 to vector<16xf32>
        %add3A_349 = arith.addf %bitcast_convert_type3A_343, %add3A_348 : vector<16xf32>
        %div3A_350 = arith.divf %sub3A_346, %add3A_349 : vector<16xf32>
        %mul3A_351 = arith.mulf %div3A_350, %div3A_350 : vector<16xf32>
        %mul3A_352 = arith.constant 2.000000e+00 : f32
        %mul3A_353 = vector.broadcast %mul3A_352 : f32 to vector<16xf32>
        %mul3A_354 = arith.mulf %mul3A_353, %div3A_350 : vector<16xf32>
        %mul3A_355 = arith.constant 0.142857149 : f32
        %mul3A_356 = vector.broadcast %mul3A_355 : f32 to vector<16xf32>
        %mul3A_357 = arith.mulf %mul3A_351, %mul3A_356 : vector<16xf32>
        %add3A_358 = arith.constant 2.000000e-01 : f32
        %add3A_359 = vector.broadcast %add3A_358 : f32 to vector<16xf32>
        %add3A_360 = arith.addf %add3A_359, %mul3A_357 : vector<16xf32>
        %mul3A_361 = arith.mulf %mul3A_351, %add3A_360 : vector<16xf32>
        %add3A_362 = arith.constant 0.333333343 : f32
        %add3A_363 = vector.broadcast %add3A_362 : f32 to vector<16xf32>
        %add3A_364 = arith.addf %add3A_363, %mul3A_361 : vector<16xf32>
        %mul3A_365 = arith.mulf %mul3A_351, %add3A_364 : vector<16xf32>
        %add3A_366 = arith.constant 1.000000e+00 : f32
        %add3A_367 = vector.broadcast %add3A_366 : f32 to vector<16xf32>
        %add3A_368 = arith.addf %add3A_367, %mul3A_365 : vector<16xf32>
        %mul3A_369 = arith.mulf %mul3A_354, %add3A_368 : vector<16xf32>
        %convert_element_type3A_370 = arith.sitofp %shift_right_arithmetic3A_340 : vector<16xi32> to vector<16xf32>
        %mul3A_371 = arith.constant 0.693147182 : f32
        %mul3A_372 = vector.broadcast %mul3A_371 : f32 to vector<16xf32>
        %mul3A_373 = arith.mulf %convert_element_type3A_370, %mul3A_372 : vector<16xf32>
        %add3A_374 = arith.addf %mul3A_373, %mul3A_369 : vector<16xf32>
        %add3A_375 = arith.addf %add3A_310, %add3A_374 : vector<16xf32>
        %add3A_376 = arith.constant 48 : i32
        %add3A_377 = vector.broadcast %add3A_376 : i32 to vector<16xi32>
        %add3A_378 = arith.addi %add3A_188, %add3A_377 : vector<16xi32>
        %gather3A_379 = arith.constant 0 : i32
        %gather3A_380 = tpu.memref_slice %arg7[%while3A_126, %gather3A_379] : memref<2x1600xi32, #tpu.memory_space<vmem>> -> memref<1x1600xi32, #tpu.memory_space<vmem>>
        %gather3A_381 = tpu.memref_squeeze %gather3A_380 : memref<1x1600xi32, #tpu.memory_space<vmem>> -> memref<1600xi32, #tpu.memory_space<vmem>>
        %gather3A_382 = tpu.vector_load_idx %gather3A_381[%add3A_378] : memref<1600xi32, #tpu.memory_space<vmem>>[vector<16xi32>], vector<16xi32>,
        %gather3A_383 = arith.constant 0 : i32
        %gather3A_384 = tpu.memref_slice %arg8[%while3A_126, %gather3A_383] : memref<2x1600xi32, #tpu.memory_space<vmem>> -> memref<1x1600xi32, #tpu.memory_space<vmem>>
        %gather3A_385 = tpu.memref_squeeze %gather3A_384 : memref<1x1600xi32, #tpu.memory_space<vmem>> -> memref<1600xi32, #tpu.memory_space<vmem>>
        %gather3A_386 = tpu.vector_load_idx %gather3A_385[%add3A_378] : memref<1600xi32, #tpu.memory_space<vmem>>[vector<16xi32>], vector<16xi32>,
        %gather3A_387 = tpu.vector_load_idx %arg6[%gather3A_382] : memref<100000xf32, #tpu.memory_space<vmem>>[vector<16xi32>], vector<16xf32>,
        %gather3A_388 = tpu.vector_load_idx %arg6[%gather3A_386] : memref<100000xf32, #tpu.memory_space<vmem>>[vector<16xi32>], vector<16xf32>,
        %mul3A_389 = arith.mulf %gather3A_387, %gather3A_388 : vector<16xf32>
        %max3A_390 = arith.constant 1.000000e-07 : f32
        %max3A_391 = vector.broadcast %max3A_390 : f32 to vector<16xf32>
        %max3A_392 = arith.maximumf %mul3A_389, %max3A_391 : vector<16xf32>
        %min3A_393 = arith.constant 0.99999988 : f32
        %min3A_394 = vector.broadcast %min3A_393 : f32 to vector<16xf32>
        %min3A_395 = arith.minimumf %max3A_392, %min3A_394 : vector<16xf32>
        %sub3A_396 = arith.constant 1.000000e+00 : f32
        %sub3A_397 = vector.broadcast %sub3A_396 : f32 to vector<16xf32>
        %sub3A_398 = arith.subf %sub3A_397, %min3A_395 : vector<16xf32>
        %broadcast_in_dim3A_399 = arith.constant 23 : i32
        %broadcast_in_dim3A_400 = vector.broadcast %broadcast_in_dim3A_399 : i32 to vector<16xi32>
        %bitcast_convert_type3A_401 = tpu.bitcast %sub3A_398 : vector<16xf32> -> vector<16xi32>
        %sub3A_402 = arith.constant 1060439283 : i32
        %sub3A_403 = vector.broadcast %sub3A_402 : i32 to vector<16xi32>
        %sub3A_404 = arith.subi %bitcast_convert_type3A_401, %sub3A_403 : vector<16xi32>
        %shift_right_arithmetic3A_405 = arith.shrsi %sub3A_404, %broadcast_in_dim3A_400 : vector<16xi32>
        %shift_left3A_406 = arith.shli %shift_right_arithmetic3A_405, %broadcast_in_dim3A_400 : vector<16xi32>
        %sub3A_407 = arith.subi %bitcast_convert_type3A_401, %shift_left3A_406 : vector<16xi32>
        %bitcast_convert_type3A_408 = tpu.bitcast %sub3A_407 : vector<16xi32> -> vector<16xf32>
        %sub3A_409 = arith.constant 1.000000e+00 : f32
        %sub3A_410 = vector.broadcast %sub3A_409 : f32 to vector<16xf32>
        %sub3A_411 = arith.subf %bitcast_convert_type3A_408, %sub3A_410 : vector<16xf32>
        %add3A_412 = arith.constant 1.000000e+00 : f32
        %add3A_413 = vector.broadcast %add3A_412 : f32 to vector<16xf32>
        %add3A_414 = arith.addf %bitcast_convert_type3A_408, %add3A_413 : vector<16xf32>
        %div3A_415 = arith.divf %sub3A_411, %add3A_414 : vector<16xf32>
        %mul3A_416 = arith.mulf %div3A_415, %div3A_415 : vector<16xf32>
        %mul3A_417 = arith.constant 2.000000e+00 : f32
        %mul3A_418 = vector.broadcast %mul3A_417 : f32 to vector<16xf32>
        %mul3A_419 = arith.mulf %mul3A_418, %div3A_415 : vector<16xf32>
        %mul3A_420 = arith.constant 0.142857149 : f32
        %mul3A_421 = vector.broadcast %mul3A_420 : f32 to vector<16xf32>
        %mul3A_422 = arith.mulf %mul3A_416, %mul3A_421 : vector<16xf32>
        %add3A_423 = arith.constant 2.000000e-01 : f32
        %add3A_424 = vector.broadcast %add3A_423 : f32 to vector<16xf32>
        %add3A_425 = arith.addf %add3A_424, %mul3A_422 : vector<16xf32>
        %mul3A_426 = arith.mulf %mul3A_416, %add3A_425 : vector<16xf32>
        %add3A_427 = arith.constant 0.333333343 : f32
        %add3A_428 = vector.broadcast %add3A_427 : f32 to vector<16xf32>
        %add3A_429 = arith.addf %add3A_428, %mul3A_426 : vector<16xf32>
        %mul3A_430 = arith.mulf %mul3A_416, %add3A_429 : vector<16xf32>
        %add3A_431 = arith.constant 1.000000e+00 : f32
        %add3A_432 = vector.broadcast %add3A_431 : f32 to vector<16xf32>
        %add3A_433 = arith.addf %add3A_432, %mul3A_430 : vector<16xf32>
        %mul3A_434 = arith.mulf %mul3A_419, %add3A_433 : vector<16xf32>
        %convert_element_type3A_435 = arith.sitofp %shift_right_arithmetic3A_405 : vector<16xi32> to vector<16xf32>
        %mul3A_436 = arith.constant 0.693147182 : f32
        %mul3A_437 = vector.broadcast %mul3A_436 : f32 to vector<16xf32>
        %mul3A_438 = arith.mulf %convert_element_type3A_435, %mul3A_437 : vector<16xf32>
        %add3A_439 = arith.addf %mul3A_438, %mul3A_434 : vector<16xf32>
        %add3A_440 = arith.addf %add3A_375, %add3A_439 : vector<16xf32>
        %add3A_441 = arith.constant 64 : i32
        %add3A_442 = vector.broadcast %add3A_441 : i32 to vector<16xi32>
        %add3A_443 = arith.addi %add3A_188, %add3A_442 : vector<16xi32>
        %gather3A_444 = arith.constant 0 : i32
        %gather3A_445 = tpu.memref_slice %arg7[%while3A_126, %gather3A_444] : memref<2x1600xi32, #tpu.memory_space<vmem>> -> memref<1x1600xi32, #tpu.memory_space<vmem>>
        %gather3A_446 = tpu.memref_squeeze %gather3A_445 : memref<1x1600xi32, #tpu.memory_space<vmem>> -> memref<1600xi32, #tpu.memory_space<vmem>>
        %gather3A_447 = tpu.vector_load_idx %gather3A_446[%add3A_443] : memref<1600xi32, #tpu.memory_space<vmem>>[vector<16xi32>], vector<16xi32>,
        %gather3A_448 = arith.constant 0 : i32
        %gather3A_449 = tpu.memref_slice %arg8[%while3A_126, %gather3A_448] : memref<2x1600xi32, #tpu.memory_space<vmem>> -> memref<1x1600xi32, #tpu.memory_space<vmem>>
        %gather3A_450 = tpu.memref_squeeze %gather3A_449 : memref<1x1600xi32, #tpu.memory_space<vmem>> -> memref<1600xi32, #tpu.memory_space<vmem>>
        %gather3A_451 = tpu.vector_load_idx %gather3A_450[%add3A_443] : memref<1600xi32, #tpu.memory_space<vmem>>[vector<16xi32>], vector<16xi32>,
        %gather3A_452 = tpu.vector_load_idx %arg6[%gather3A_447] : memref<100000xf32, #tpu.memory_space<vmem>>[vector<16xi32>], vector<16xf32>,
        %gather3A_453 = tpu.vector_load_idx %arg6[%gather3A_451] : memref<100000xf32, #tpu.memory_space<vmem>>[vector<16xi32>], vector<16xf32>,
        %mul3A_454 = arith.mulf %gather3A_452, %gather3A_453 : vector<16xf32>
        %max3A_455 = arith.constant 1.000000e-07 : f32
        %max3A_456 = vector.broadcast %max3A_455 : f32 to vector<16xf32>
        %max3A_457 = arith.maximumf %mul3A_454, %max3A_456 : vector<16xf32>
        %min3A_458 = arith.constant 0.99999988 : f32
        %min3A_459 = vector.broadcast %min3A_458 : f32 to vector<16xf32>
        %min3A_460 = arith.minimumf %max3A_457, %min3A_459 : vector<16xf32>
        %sub3A_461 = arith.constant 1.000000e+00 : f32
        %sub3A_462 = vector.broadcast %sub3A_461 : f32 to vector<16xf32>
        %sub3A_463 = arith.subf %sub3A_462, %min3A_460 : vector<16xf32>
        %broadcast_in_dim3A_464 = arith.constant 23 : i32
        %broadcast_in_dim3A_465 = vector.broadcast %broadcast_in_dim3A_464 : i32 to vector<16xi32>
        %bitcast_convert_type3A_466 = tpu.bitcast %sub3A_463 : vector<16xf32> -> vector<16xi32>
        %sub3A_467 = arith.constant 1060439283 : i32
        %sub3A_468 = vector.broadcast %sub3A_467 : i32 to vector<16xi32>
        %sub3A_469 = arith.subi %bitcast_convert_type3A_466, %sub3A_468 : vector<16xi32>
        %shift_right_arithmetic3A_470 = arith.shrsi %sub3A_469, %broadcast_in_dim3A_465 : vector<16xi32>
        %shift_left3A_471 = arith.shli %shift_right_arithmetic3A_470, %broadcast_in_dim3A_465 : vector<16xi32>
        %sub3A_472 = arith.subi %bitcast_convert_type3A_466, %shift_left3A_471 : vector<16xi32>
        %bitcast_convert_type3A_473 = tpu.bitcast %sub3A_472 : vector<16xi32> -> vector<16xf32>
        %sub3A_474 = arith.constant 1.000000e+00 : f32
        %sub3A_475 = vector.broadcast %sub3A_474 : f32 to vector<16xf32>
        %sub3A_476 = arith.subf %bitcast_convert_type3A_473, %sub3A_475 : vector<16xf32>
        %add3A_477 = arith.constant 1.000000e+00 : f32
        %add3A_478 = vector.broadcast %add3A_477 : f32 to vector<16xf32>
        %add3A_479 = arith.addf %bitcast_convert_type3A_473, %add3A_478 : vector<16xf32>
        %div3A_480 = arith.divf %sub3A_476, %add3A_479 : vector<16xf32>
        %mul3A_481 = arith.mulf %div3A_480, %div3A_480 : vector<16xf32>
        %mul3A_482 = arith.constant 2.000000e+00 : f32
        %mul3A_483 = vector.broadcast %mul3A_482 : f32 to vector<16xf32>
        %mul3A_484 = arith.mulf %mul3A_483, %div3A_480 : vector<16xf32>
        %mul3A_485 = arith.constant 0.142857149 : f32
        %mul3A_486 = vector.broadcast %mul3A_485 : f32 to vector<16xf32>
        %mul3A_487 = arith.mulf %mul3A_481, %mul3A_486 : vector<16xf32>
        %add3A_488 = arith.constant 2.000000e-01 : f32
        %add3A_489 = vector.broadcast %add3A_488 : f32 to vector<16xf32>
        %add3A_490 = arith.addf %add3A_489, %mul3A_487 : vector<16xf32>
        %mul3A_491 = arith.mulf %mul3A_481, %add3A_490 : vector<16xf32>
        %add3A_492 = arith.constant 0.333333343 : f32
        %add3A_493 = vector.broadcast %add3A_492 : f32 to vector<16xf32>
        %add3A_494 = arith.addf %add3A_493, %mul3A_491 : vector<16xf32>
        %mul3A_495 = arith.mulf %mul3A_481, %add3A_494 : vector<16xf32>
        %add3A_496 = arith.constant 1.000000e+00 : f32
        %add3A_497 = vector.broadcast %add3A_496 : f32 to vector<16xf32>
        %add3A_498 = arith.addf %add3A_497, %mul3A_495 : vector<16xf32>
        %mul3A_499 = arith.mulf %mul3A_484, %add3A_498 : vector<16xf32>
        %convert_element_type3A_500 = arith.sitofp %shift_right_arithmetic3A_470 : vector<16xi32> to vector<16xf32>
        %mul3A_501 = arith.constant 0.693147182 : f32
        %mul3A_502 = vector.broadcast %mul3A_501 : f32 to vector<16xf32>
        %mul3A_503 = arith.mulf %convert_element_type3A_500, %mul3A_502 : vector<16xf32>
        %add3A_504 = arith.addf %mul3A_503, %mul3A_499 : vector<16xf32>
        %add3A_505 = arith.addf %add3A_440, %add3A_504 : vector<16xf32>
        scf.yield %add3A_505 : vector<16xf32>
      }
      %while3A_137 = arith.constant 1 : i32
      %while3A_138 = scf.for %while3A_184 = %while3A_134 to %while3A_130 step %while3A_137 iter_args(%while3A_185 = %while3A_136) -> (vector<16xf32>)  : i32 {
        %mul3A_186 = arith.muli %while3A_184, %while3A_48 : i32
        %add3A_187 = vector.broadcast %mul3A_186 : i32 to vector<16xi32>
        %add3A_188 = arith.addi %add3A_187, %iota3A : vector<16xi32>
        %add3A_189 = arith.constant 0 : i32
        %add3A_190 = vector.broadcast %add3A_189 : i32 to vector<16xi32>
        %add3A_191 = arith.addi %add3A_188, %add3A_190 : vector<16xi32>
        %gather3A = arith.constant 0 : i32
        %gather3A_192 = tpu.memref_slice %arg7[%while3A_126, %gather3A] : memref<2x1600xi32, #tpu.memory_space<vmem>> -> memref<1x1600xi32, #tpu.memory_space<vmem>>
        %gather3A_193 = tpu.memref_squeeze %gather3A_192 : memref<1x1600xi32, #tpu.memory_space<vmem>> -> memref<1600xi32, #tpu.memory_space<vmem>>
        %gather3A_194 = tpu.vector_load_idx %gather3A_193[%add3A_191] : memref<1600xi32, #tpu.memory_space<vmem>>[vector<16xi32>], vector<16xi32>,
        %gather3A_195 = arith.constant 0 : i32
        %gather3A_196 = tpu.memref_slice %arg8[%while3A_126, %gather3A_195] : memref<2x1600xi32, #tpu.memory_space<vmem>> -> memref<1x1600xi32, #tpu.memory_space<vmem>>
        %gather3A_197 = tpu.memref_squeeze %gather3A_196 : memref<1x1600xi32, #tpu.memory_space<vmem>> -> memref<1600xi32, #tpu.memory_space<vmem>>
        %gather3A_198 = tpu.vector_load_idx %gather3A_197[%add3A_191] : memref<1600xi32, #tpu.memory_space<vmem>>[vector<16xi32>], vector<16xi32>,
        %gather3A_199 = tpu.vector_load_idx %arg6[%gather3A_194] : memref<100000xf32, #tpu.memory_space<vmem>>[vector<16xi32>], vector<16xf32>,
        %gather3A_200 = tpu.vector_load_idx %arg6[%gather3A_198] : memref<100000xf32, #tpu.memory_space<vmem>>[vector<16xi32>], vector<16xf32>,
        %mul3A_201 = arith.mulf %gather3A_199, %gather3A_200 : vector<16xf32>
        %max3A = arith.constant 1.000000e-07 : f32
        %max3A_202 = vector.broadcast %max3A : f32 to vector<16xf32>
        %max3A_203 = arith.maximumf %mul3A_201, %max3A_202 : vector<16xf32>
        %min3A = arith.constant 0.99999988 : f32
        %min3A_204 = vector.broadcast %min3A : f32 to vector<16xf32>
        %min3A_205 = arith.minimumf %max3A_203, %min3A_204 : vector<16xf32>
        %sub3A = arith.constant 1.000000e+00 : f32
        %sub3A_206 = vector.broadcast %sub3A : f32 to vector<16xf32>
        %sub3A_207 = arith.subf %sub3A_206, %min3A_205 : vector<16xf32>
        %broadcast_in_dim3A_208 = arith.constant 23 : i32
        %broadcast_in_dim3A_209 = vector.broadcast %broadcast_in_dim3A_208 : i32 to vector<16xi32>
        %bitcast_convert_type3A = tpu.bitcast %sub3A_207 : vector<16xf32> -> vector<16xi32>
        %sub3A_210 = arith.constant 1060439283 : i32
        %sub3A_211 = vector.broadcast %sub3A_210 : i32 to vector<16xi32>
        %sub3A_212 = arith.subi %bitcast_convert_type3A, %sub3A_211 : vector<16xi32>
        %shift_right_arithmetic3A = arith.shrsi %sub3A_212, %broadcast_in_dim3A_209 : vector<16xi32>
        %shift_left3A = arith.shli %shift_right_arithmetic3A, %broadcast_in_dim3A_209 : vector<16xi32>
        %sub3A_213 = arith.subi %bitcast_convert_type3A, %shift_left3A : vector<16xi32>
        %bitcast_convert_type3A_214 = tpu.bitcast %sub3A_213 : vector<16xi32> -> vector<16xf32>
        %sub3A_215 = arith.constant 1.000000e+00 : f32
        %sub3A_216 = vector.broadcast %sub3A_215 : f32 to vector<16xf32>
        %sub3A_217 = arith.subf %bitcast_convert_type3A_214, %sub3A_216 : vector<16xf32>
        %add3A_218 = arith.constant 1.000000e+00 : f32
        %add3A_219 = vector.broadcast %add3A_218 : f32 to vector<16xf32>
        %add3A_220 = arith.addf %bitcast_convert_type3A_214, %add3A_219 : vector<16xf32>
        %div3A = arith.divf %sub3A_217, %add3A_220 : vector<16xf32>
        %mul3A_221 = arith.mulf %div3A, %div3A : vector<16xf32>
        %mul3A_222 = arith.constant 2.000000e+00 : f32
        %mul3A_223 = vector.broadcast %mul3A_222 : f32 to vector<16xf32>
        %mul3A_224 = arith.mulf %mul3A_223, %div3A : vector<16xf32>
        %mul3A_225 = arith.constant 0.142857149 : f32
        %mul3A_226 = vector.broadcast %mul3A_225 : f32 to vector<16xf32>
        %mul3A_227 = arith.mulf %mul3A_221, %mul3A_226 : vector<16xf32>
        %add3A_228 = arith.constant 2.000000e-01 : f32
        %add3A_229 = vector.broadcast %add3A_228 : f32 to vector<16xf32>
        %add3A_230 = arith.addf %add3A_229, %mul3A_227 : vector<16xf32>
        %mul3A_231 = arith.mulf %mul3A_221, %add3A_230 : vector<16xf32>
        %add3A_232 = arith.constant 0.333333343 : f32
        %add3A_233 = vector.broadcast %add3A_232 : f32 to vector<16xf32>
        %add3A_234 = arith.addf %add3A_233, %mul3A_231 : vector<16xf32>
        %mul3A_235 = arith.mulf %mul3A_221, %add3A_234 : vector<16xf32>
        %add3A_236 = arith.constant 1.000000e+00 : f32
        %add3A_237 = vector.broadcast %add3A_236 : f32 to vector<16xf32>
        %add3A_238 = arith.addf %add3A_237, %mul3A_235 : vector<16xf32>
        %mul3A_239 = arith.mulf %mul3A_224, %add3A_238 : vector<16xf32>
        %convert_element_type3A_240 = arith.sitofp %shift_right_arithmetic3A : vector<16xi32> to vector<16xf32>
        %mul3A_241 = arith.constant 0.693147182 : f32
        %mul3A_242 = vector.broadcast %mul3A_241 : f32 to vector<16xf32>
        %mul3A_243 = arith.mulf %convert_element_type3A_240, %mul3A_242 : vector<16xf32>
        %add3A_244 = arith.addf %mul3A_243, %mul3A_239 : vector<16xf32>
        %add3A_245 = arith.addf %while3A_185, %add3A_244 : vector<16xf32>
        %add3A_246 = arith.constant 16 : i32
        %add3A_247 = vector.broadcast %add3A_246 : i32 to vector<16xi32>
        %add3A_248 = arith.addi %add3A_188, %add3A_247 : vector<16xi32>
        %gather3A_249 = arith.constant 0 : i32
        %gather3A_250 = tpu.memref_slice %arg7[%while3A_126, %gather3A_249] : memref<2x1600xi32, #tpu.memory_space<vmem>> -> memref<1x1600xi32, #tpu.memory_space<vmem>>
        %gather3A_251 = tpu.memref_squeeze %gather3A_250 : memref<1x1600xi32, #tpu.memory_space<vmem>> -> memref<1600xi32, #tpu.memory_space<vmem>>
        %gather3A_252 = tpu.vector_load_idx %gather3A_251[%add3A_248] : memref<1600xi32, #tpu.memory_space<vmem>>[vector<16xi32>], vector<16xi32>,
        %gather3A_253 = arith.constant 0 : i32
        %gather3A_254 = tpu.memref_slice %arg8[%while3A_126, %gather3A_253] : memref<2x1600xi32, #tpu.memory_space<vmem>> -> memref<1x1600xi32, #tpu.memory_space<vmem>>
        %gather3A_255 = tpu.memref_squeeze %gather3A_254 : memref<1x1600xi32, #tpu.memory_space<vmem>> -> memref<1600xi32, #tpu.memory_space<vmem>>
        %gather3A_256 = tpu.vector_load_idx %gather3A_255[%add3A_248] : memref<1600xi32, #tpu.memory_space<vmem>>[vector<16xi32>], vector<16xi32>,
        %gather3A_257 = tpu.vector_load_idx %arg6[%gather3A_252] : memref<100000xf32, #tpu.memory_space<vmem>>[vector<16xi32>], vector<16xf32>,
        %gather3A_258 = tpu.vector_load_idx %arg6[%gather3A_256] : memref<100000xf32, #tpu.memory_space<vmem>>[vector<16xi32>], vector<16xf32>,
        %mul3A_259 = arith.mulf %gather3A_257, %gather3A_258 : vector<16xf32>
        %max3A_260 = arith.constant 1.000000e-07 : f32
        %max3A_261 = vector.broadcast %max3A_260 : f32 to vector<16xf32>
        %max3A_262 = arith.maximumf %mul3A_259, %max3A_261 : vector<16xf32>
        %min3A_263 = arith.constant 0.99999988 : f32
        %min3A_264 = vector.broadcast %min3A_263 : f32 to vector<16xf32>
        %min3A_265 = arith.minimumf %max3A_262, %min3A_264 : vector<16xf32>
        %sub3A_266 = arith.constant 1.000000e+00 : f32
        %sub3A_267 = vector.broadcast %sub3A_266 : f32 to vector<16xf32>
        %sub3A_268 = arith.subf %sub3A_267, %min3A_265 : vector<16xf32>
        %broadcast_in_dim3A_269 = arith.constant 23 : i32
        %broadcast_in_dim3A_270 = vector.broadcast %broadcast_in_dim3A_269 : i32 to vector<16xi32>
        %bitcast_convert_type3A_271 = tpu.bitcast %sub3A_268 : vector<16xf32> -> vector<16xi32>
        %sub3A_272 = arith.constant 1060439283 : i32
        %sub3A_273 = vector.broadcast %sub3A_272 : i32 to vector<16xi32>
        %sub3A_274 = arith.subi %bitcast_convert_type3A_271, %sub3A_273 : vector<16xi32>
        %shift_right_arithmetic3A_275 = arith.shrsi %sub3A_274, %broadcast_in_dim3A_270 : vector<16xi32>
        %shift_left3A_276 = arith.shli %shift_right_arithmetic3A_275, %broadcast_in_dim3A_270 : vector<16xi32>
        %sub3A_277 = arith.subi %bitcast_convert_type3A_271, %shift_left3A_276 : vector<16xi32>
        %bitcast_convert_type3A_278 = tpu.bitcast %sub3A_277 : vector<16xi32> -> vector<16xf32>
        %sub3A_279 = arith.constant 1.000000e+00 : f32
        %sub3A_280 = vector.broadcast %sub3A_279 : f32 to vector<16xf32>
        %sub3A_281 = arith.subf %bitcast_convert_type3A_278, %sub3A_280 : vector<16xf32>
        %add3A_282 = arith.constant 1.000000e+00 : f32
        %add3A_283 = vector.broadcast %add3A_282 : f32 to vector<16xf32>
        %add3A_284 = arith.addf %bitcast_convert_type3A_278, %add3A_283 : vector<16xf32>
        %div3A_285 = arith.divf %sub3A_281, %add3A_284 : vector<16xf32>
        %mul3A_286 = arith.mulf %div3A_285, %div3A_285 : vector<16xf32>
        %mul3A_287 = arith.constant 2.000000e+00 : f32
        %mul3A_288 = vector.broadcast %mul3A_287 : f32 to vector<16xf32>
        %mul3A_289 = arith.mulf %mul3A_288, %div3A_285 : vector<16xf32>
        %mul3A_290 = arith.constant 0.142857149 : f32
        %mul3A_291 = vector.broadcast %mul3A_290 : f32 to vector<16xf32>
        %mul3A_292 = arith.mulf %mul3A_286, %mul3A_291 : vector<16xf32>
        %add3A_293 = arith.constant 2.000000e-01 : f32
        %add3A_294 = vector.broadcast %add3A_293 : f32 to vector<16xf32>
        %add3A_295 = arith.addf %add3A_294, %mul3A_292 : vector<16xf32>
        %mul3A_296 = arith.mulf %mul3A_286, %add3A_295 : vector<16xf32>
        %add3A_297 = arith.constant 0.333333343 : f32
        %add3A_298 = vector.broadcast %add3A_297 : f32 to vector<16xf32>
        %add3A_299 = arith.addf %add3A_298, %mul3A_296 : vector<16xf32>
        %mul3A_300 = arith.mulf %mul3A_286, %add3A_299 : vector<16xf32>
        %add3A_301 = arith.constant 1.000000e+00 : f32
        %add3A_302 = vector.broadcast %add3A_301 : f32 to vector<16xf32>
        %add3A_303 = arith.addf %add3A_302, %mul3A_300 : vector<16xf32>
        %mul3A_304 = arith.mulf %mul3A_289, %add3A_303 : vector<16xf32>
        %convert_element_type3A_305 = arith.sitofp %shift_right_arithmetic3A_275 : vector<16xi32> to vector<16xf32>
        %mul3A_306 = arith.constant 0.693147182 : f32
        %mul3A_307 = vector.broadcast %mul3A_306 : f32 to vector<16xf32>
        %mul3A_308 = arith.mulf %convert_element_type3A_305, %mul3A_307 : vector<16xf32>
        %add3A_309 = arith.addf %mul3A_308, %mul3A_304 : vector<16xf32>
        %add3A_310 = arith.addf %add3A_245, %add3A_309 : vector<16xf32>
        %add3A_311 = arith.constant 32 : i32
        %add3A_312 = vector.broadcast %add3A_311 : i32 to vector<16xi32>
        %add3A_313 = arith.addi %add3A_188, %add3A_312 : vector<16xi32>
        %gather3A_314 = arith.constant 0 : i32
        %gather3A_315 = tpu.memref_slice %arg7[%while3A_126, %gather3A_314] : memref<2x1600xi32, #tpu.memory_space<vmem>> -> memref<1x1600xi32, #tpu.memory_space<vmem>>
        %gather3A_316 = tpu.memref_squeeze %gather3A_315 : memref<1x1600xi32, #tpu.memory_space<vmem>> -> memref<1600xi32, #tpu.memory_space<vmem>>
        %gather3A_317 = tpu.vector_load_idx %gather3A_316[%add3A_313] : memref<1600xi32, #tpu.memory_space<vmem>>[vector<16xi32>], vector<16xi32>,
        %gather3A_318 = arith.constant 0 : i32
        %gather3A_319 = tpu.memref_slice %arg8[%while3A_126, %gather3A_318] : memref<2x1600xi32, #tpu.memory_space<vmem>> -> memref<1x1600xi32, #tpu.memory_space<vmem>>
        %gather3A_320 = tpu.memref_squeeze %gather3A_319 : memref<1x1600xi32, #tpu.memory_space<vmem>> -> memref<1600xi32, #tpu.memory_space<vmem>>
        %gather3A_321 = tpu.vector_load_idx %gather3A_320[%add3A_313] : memref<1600xi32, #tpu.memory_space<vmem>>[vector<16xi32>], vector<16xi32>,
        %gather3A_322 = tpu.vector_load_idx %arg6[%gather3A_317] : memref<100000xf32, #tpu.memory_space<vmem>>[vector<16xi32>], vector<16xf32>,
        %gather3A_323 = tpu.vector_load_idx %arg6[%gather3A_321] : memref<100000xf32, #tpu.memory_space<vmem>>[vector<16xi32>], vector<16xf32>,
        %mul3A_324 = arith.mulf %gather3A_322, %gather3A_323 : vector<16xf32>
        %max3A_325 = arith.constant 1.000000e-07 : f32
        %max3A_326 = vector.broadcast %max3A_325 : f32 to vector<16xf32>
        %max3A_327 = arith.maximumf %mul3A_324, %max3A_326 : vector<16xf32>
        %min3A_328 = arith.constant 0.99999988 : f32
        %min3A_329 = vector.broadcast %min3A_328 : f32 to vector<16xf32>
        %min3A_330 = arith.minimumf %max3A_327, %min3A_329 : vector<16xf32>
        %sub3A_331 = arith.constant 1.000000e+00 : f32
        %sub3A_332 = vector.broadcast %sub3A_331 : f32 to vector<16xf32>
        %sub3A_333 = arith.subf %sub3A_332, %min3A_330 : vector<16xf32>
        %broadcast_in_dim3A_334 = arith.constant 23 : i32
        %broadcast_in_dim3A_335 = vector.broadcast %broadcast_in_dim3A_334 : i32 to vector<16xi32>
        %bitcast_convert_type3A_336 = tpu.bitcast %sub3A_333 : vector<16xf32> -> vector<16xi32>
        %sub3A_337 = arith.constant 1060439283 : i32
        %sub3A_338 = vector.broadcast %sub3A_337 : i32 to vector<16xi32>
        %sub3A_339 = arith.subi %bitcast_convert_type3A_336, %sub3A_338 : vector<16xi32>
        %shift_right_arithmetic3A_340 = arith.shrsi %sub3A_339, %broadcast_in_dim3A_335 : vector<16xi32>
        %shift_left3A_341 = arith.shli %shift_right_arithmetic3A_340, %broadcast_in_dim3A_335 : vector<16xi32>
        %sub3A_342 = arith.subi %bitcast_convert_type3A_336, %shift_left3A_341 : vector<16xi32>
        %bitcast_convert_type3A_343 = tpu.bitcast %sub3A_342 : vector<16xi32> -> vector<16xf32>
        %sub3A_344 = arith.constant 1.000000e+00 : f32
        %sub3A_345 = vector.broadcast %sub3A_344 : f32 to vector<16xf32>
        %sub3A_346 = arith.subf %bitcast_convert_type3A_343, %sub3A_345 : vector<16xf32>
        %add3A_347 = arith.constant 1.000000e+00 : f32
        %add3A_348 = vector.broadcast %add3A_347 : f32 to vector<16xf32>
        %add3A_349 = arith.addf %bitcast_convert_type3A_343, %add3A_348 : vector<16xf32>
        %div3A_350 = arith.divf %sub3A_346, %add3A_349 : vector<16xf32>
        %mul3A_351 = arith.mulf %div3A_350, %div3A_350 : vector<16xf32>
        %mul3A_352 = arith.constant 2.000000e+00 : f32
        %mul3A_353 = vector.broadcast %mul3A_352 : f32 to vector<16xf32>
        %mul3A_354 = arith.mulf %mul3A_353, %div3A_350 : vector<16xf32>
        %mul3A_355 = arith.constant 0.142857149 : f32
        %mul3A_356 = vector.broadcast %mul3A_355 : f32 to vector<16xf32>
        %mul3A_357 = arith.mulf %mul3A_351, %mul3A_356 : vector<16xf32>
        %add3A_358 = arith.constant 2.000000e-01 : f32
        %add3A_359 = vector.broadcast %add3A_358 : f32 to vector<16xf32>
        %add3A_360 = arith.addf %add3A_359, %mul3A_357 : vector<16xf32>
        %mul3A_361 = arith.mulf %mul3A_351, %add3A_360 : vector<16xf32>
        %add3A_362 = arith.constant 0.333333343 : f32
        %add3A_363 = vector.broadcast %add3A_362 : f32 to vector<16xf32>
        %add3A_364 = arith.addf %add3A_363, %mul3A_361 : vector<16xf32>
        %mul3A_365 = arith.mulf %mul3A_351, %add3A_364 : vector<16xf32>
        %add3A_366 = arith.constant 1.000000e+00 : f32
        %add3A_367 = vector.broadcast %add3A_366 : f32 to vector<16xf32>
        %add3A_368 = arith.addf %add3A_367, %mul3A_365 : vector<16xf32>
        %mul3A_369 = arith.mulf %mul3A_354, %add3A_368 : vector<16xf32>
        %convert_element_type3A_370 = arith.sitofp %shift_right_arithmetic3A_340 : vector<16xi32> to vector<16xf32>
        %mul3A_371 = arith.constant 0.693147182 : f32
        %mul3A_372 = vector.broadcast %mul3A_371 : f32 to vector<16xf32>
        %mul3A_373 = arith.mulf %convert_element_type3A_370, %mul3A_372 : vector<16xf32>
        %add3A_374 = arith.addf %mul3A_373, %mul3A_369 : vector<16xf32>
        %add3A_375 = arith.addf %add3A_310, %add3A_374 : vector<16xf32>
        %add3A_376 = arith.constant 48 : i32
        %add3A_377 = vector.broadcast %add3A_376 : i32 to vector<16xi32>
        %add3A_378 = arith.addi %add3A_188, %add3A_377 : vector<16xi32>
        %gather3A_379 = arith.constant 0 : i32
        %gather3A_380 = tpu.memref_slice %arg7[%while3A_126, %gather3A_379] : memref<2x1600xi32, #tpu.memory_space<vmem>> -> memref<1x1600xi32, #tpu.memory_space<vmem>>
        %gather3A_381 = tpu.memref_squeeze %gather3A_380 : memref<1x1600xi32, #tpu.memory_space<vmem>> -> memref<1600xi32, #tpu.memory_space<vmem>>
        %gather3A_382 = tpu.vector_load_idx %gather3A_381[%add3A_378] : memref<1600xi32, #tpu.memory_space<vmem>>[vector<16xi32>], vector<16xi32>,
        %gather3A_383 = arith.constant 0 : i32
        %gather3A_384 = tpu.memref_slice %arg8[%while3A_126, %gather3A_383] : memref<2x1600xi32, #tpu.memory_space<vmem>> -> memref<1x1600xi32, #tpu.memory_space<vmem>>
        %gather3A_385 = tpu.memref_squeeze %gather3A_384 : memref<1x1600xi32, #tpu.memory_space<vmem>> -> memref<1600xi32, #tpu.memory_space<vmem>>
        %gather3A_386 = tpu.vector_load_idx %gather3A_385[%add3A_378] : memref<1600xi32, #tpu.memory_space<vmem>>[vector<16xi32>], vector<16xi32>,
        %gather3A_387 = tpu.vector_load_idx %arg6[%gather3A_382] : memref<100000xf32, #tpu.memory_space<vmem>>[vector<16xi32>], vector<16xf32>,
        %gather3A_388 = tpu.vector_load_idx %arg6[%gather3A_386] : memref<100000xf32, #tpu.memory_space<vmem>>[vector<16xi32>], vector<16xf32>,
        %mul3A_389 = arith.mulf %gather3A_387, %gather3A_388 : vector<16xf32>
        %max3A_390 = arith.constant 1.000000e-07 : f32
        %max3A_391 = vector.broadcast %max3A_390 : f32 to vector<16xf32>
        %max3A_392 = arith.maximumf %mul3A_389, %max3A_391 : vector<16xf32>
        %min3A_393 = arith.constant 0.99999988 : f32
        %min3A_394 = vector.broadcast %min3A_393 : f32 to vector<16xf32>
        %min3A_395 = arith.minimumf %max3A_392, %min3A_394 : vector<16xf32>
        %sub3A_396 = arith.constant 1.000000e+00 : f32
        %sub3A_397 = vector.broadcast %sub3A_396 : f32 to vector<16xf32>
        %sub3A_398 = arith.subf %sub3A_397, %min3A_395 : vector<16xf32>
        %broadcast_in_dim3A_399 = arith.constant 23 : i32
        %broadcast_in_dim3A_400 = vector.broadcast %broadcast_in_dim3A_399 : i32 to vector<16xi32>
        %bitcast_convert_type3A_401 = tpu.bitcast %sub3A_398 : vector<16xf32> -> vector<16xi32>
        %sub3A_402 = arith.constant 1060439283 : i32
        %sub3A_403 = vector.broadcast %sub3A_402 : i32 to vector<16xi32>
        %sub3A_404 = arith.subi %bitcast_convert_type3A_401, %sub3A_403 : vector<16xi32>
        %shift_right_arithmetic3A_405 = arith.shrsi %sub3A_404, %broadcast_in_dim3A_400 : vector<16xi32>
        %shift_left3A_406 = arith.shli %shift_right_arithmetic3A_405, %broadcast_in_dim3A_400 : vector<16xi32>
        %sub3A_407 = arith.subi %bitcast_convert_type3A_401, %shift_left3A_406 : vector<16xi32>
        %bitcast_convert_type3A_408 = tpu.bitcast %sub3A_407 : vector<16xi32> -> vector<16xf32>
        %sub3A_409 = arith.constant 1.000000e+00 : f32
        %sub3A_410 = vector.broadcast %sub3A_409 : f32 to vector<16xf32>
        %sub3A_411 = arith.subf %bitcast_convert_type3A_408, %sub3A_410 : vector<16xf32>
        %add3A_412 = arith.constant 1.000000e+00 : f32
        %add3A_413 = vector.broadcast %add3A_412 : f32 to vector<16xf32>
        %add3A_414 = arith.addf %bitcast_convert_type3A_408, %add3A_413 : vector<16xf32>
        %div3A_415 = arith.divf %sub3A_411, %add3A_414 : vector<16xf32>
        %mul3A_416 = arith.mulf %div3A_415, %div3A_415 : vector<16xf32>
        %mul3A_417 = arith.constant 2.000000e+00 : f32
        %mul3A_418 = vector.broadcast %mul3A_417 : f32 to vector<16xf32>
        %mul3A_419 = arith.mulf %mul3A_418, %div3A_415 : vector<16xf32>
        %mul3A_420 = arith.constant 0.142857149 : f32
        %mul3A_421 = vector.broadcast %mul3A_420 : f32 to vector<16xf32>
        %mul3A_422 = arith.mulf %mul3A_416, %mul3A_421 : vector<16xf32>
        %add3A_423 = arith.constant 2.000000e-01 : f32
        %add3A_424 = vector.broadcast %add3A_423 : f32 to vector<16xf32>
        %add3A_425 = arith.addf %add3A_424, %mul3A_422 : vector<16xf32>
        %mul3A_426 = arith.mulf %mul3A_416, %add3A_425 : vector<16xf32>
        %add3A_427 = arith.constant 0.333333343 : f32
        %add3A_428 = vector.broadcast %add3A_427 : f32 to vector<16xf32>
        %add3A_429 = arith.addf %add3A_428, %mul3A_426 : vector<16xf32>
        %mul3A_430 = arith.mulf %mul3A_416, %add3A_429 : vector<16xf32>
        %add3A_431 = arith.constant 1.000000e+00 : f32
        %add3A_432 = vector.broadcast %add3A_431 : f32 to vector<16xf32>
        %add3A_433 = arith.addf %add3A_432, %mul3A_430 : vector<16xf32>
        %mul3A_434 = arith.mulf %mul3A_419, %add3A_433 : vector<16xf32>
        %convert_element_type3A_435 = arith.sitofp %shift_right_arithmetic3A_405 : vector<16xi32> to vector<16xf32>
        %mul3A_436 = arith.constant 0.693147182 : f32
        %mul3A_437 = vector.broadcast %mul3A_436 : f32 to vector<16xf32>
        %mul3A_438 = arith.mulf %convert_element_type3A_435, %mul3A_437 : vector<16xf32>
        %add3A_439 = arith.addf %mul3A_438, %mul3A_434 : vector<16xf32>
        %add3A_440 = arith.addf %add3A_375, %add3A_439 : vector<16xf32>
        %add3A_441 = arith.constant 64 : i32
        %add3A_442 = vector.broadcast %add3A_441 : i32 to vector<16xi32>
        %add3A_443 = arith.addi %add3A_188, %add3A_442 : vector<16xi32>
        %gather3A_444 = arith.constant 0 : i32
        %gather3A_445 = tpu.memref_slice %arg7[%while3A_126, %gather3A_444] : memref<2x1600xi32, #tpu.memory_space<vmem>> -> memref<1x1600xi32, #tpu.memory_space<vmem>>
        %gather3A_446 = tpu.memref_squeeze %gather3A_445 : memref<1x1600xi32, #tpu.memory_space<vmem>> -> memref<1600xi32, #tpu.memory_space<vmem>>
        %gather3A_447 = tpu.vector_load_idx %gather3A_446[%add3A_443] : memref<1600xi32, #tpu.memory_space<vmem>>[vector<16xi32>], vector<16xi32>,
        %gather3A_448 = arith.constant 0 : i32
        %gather3A_449 = tpu.memref_slice %arg8[%while3A_126, %gather3A_448] : memref<2x1600xi32, #tpu.memory_space<vmem>> -> memref<1x1600xi32, #tpu.memory_space<vmem>>
        %gather3A_450 = tpu.memref_squeeze %gather3A_449 : memref<1x1600xi32, #tpu.memory_space<vmem>> -> memref<1600xi32, #tpu.memory_space<vmem>>
        %gather3A_451 = tpu.vector_load_idx %gather3A_450[%add3A_443] : memref<1600xi32, #tpu.memory_space<vmem>>[vector<16xi32>], vector<16xi32>,
        %gather3A_452 = tpu.vector_load_idx %arg6[%gather3A_447] : memref<100000xf32, #tpu.memory_space<vmem>>[vector<16xi32>], vector<16xf32>,
        %gather3A_453 = tpu.vector_load_idx %arg6[%gather3A_451] : memref<100000xf32, #tpu.memory_space<vmem>>[vector<16xi32>], vector<16xf32>,
        %mul3A_454 = arith.mulf %gather3A_452, %gather3A_453 : vector<16xf32>
        %max3A_455 = arith.constant 1.000000e-07 : f32
        %max3A_456 = vector.broadcast %max3A_455 : f32 to vector<16xf32>
        %max3A_457 = arith.maximumf %mul3A_454, %max3A_456 : vector<16xf32>
        %min3A_458 = arith.constant 0.99999988 : f32
        %min3A_459 = vector.broadcast %min3A_458 : f32 to vector<16xf32>
        %min3A_460 = arith.minimumf %max3A_457, %min3A_459 : vector<16xf32>
        %sub3A_461 = arith.constant 1.000000e+00 : f32
        %sub3A_462 = vector.broadcast %sub3A_461 : f32 to vector<16xf32>
        %sub3A_463 = arith.subf %sub3A_462, %min3A_460 : vector<16xf32>
        %broadcast_in_dim3A_464 = arith.constant 23 : i32
        %broadcast_in_dim3A_465 = vector.broadcast %broadcast_in_dim3A_464 : i32 to vector<16xi32>
        %bitcast_convert_type3A_466 = tpu.bitcast %sub3A_463 : vector<16xf32> -> vector<16xi32>
        %sub3A_467 = arith.constant 1060439283 : i32
        %sub3A_468 = vector.broadcast %sub3A_467 : i32 to vector<16xi32>
        %sub3A_469 = arith.subi %bitcast_convert_type3A_466, %sub3A_468 : vector<16xi32>
        %shift_right_arithmetic3A_470 = arith.shrsi %sub3A_469, %broadcast_in_dim3A_465 : vector<16xi32>
        %shift_left3A_471 = arith.shli %shift_right_arithmetic3A_470, %broadcast_in_dim3A_465 : vector<16xi32>
        %sub3A_472 = arith.subi %bitcast_convert_type3A_466, %shift_left3A_471 : vector<16xi32>
        %bitcast_convert_type3A_473 = tpu.bitcast %sub3A_472 : vector<16xi32> -> vector<16xf32>
        %sub3A_474 = arith.constant 1.000000e+00 : f32
        %sub3A_475 = vector.broadcast %sub3A_474 : f32 to vector<16xf32>
        %sub3A_476 = arith.subf %bitcast_convert_type3A_473, %sub3A_475 : vector<16xf32>
        %add3A_477 = arith.constant 1.000000e+00 : f32
        %add3A_478 = vector.broadcast %add3A_477 : f32 to vector<16xf32>
        %add3A_479 = arith.addf %bitcast_convert_type3A_473, %add3A_478 : vector<16xf32>
        %div3A_480 = arith.divf %sub3A_476, %add3A_479 : vector<16xf32>
        %mul3A_481 = arith.mulf %div3A_480, %div3A_480 : vector<16xf32>
        %mul3A_482 = arith.constant 2.000000e+00 : f32
        %mul3A_483 = vector.broadcast %mul3A_482 : f32 to vector<16xf32>
        %mul3A_484 = arith.mulf %mul3A_483, %div3A_480 : vector<16xf32>
        %mul3A_485 = arith.constant 0.142857149 : f32
        %mul3A_486 = vector.broadcast %mul3A_485 : f32 to vector<16xf32>
        %mul3A_487 = arith.mulf %mul3A_481, %mul3A_486 : vector<16xf32>
        %add3A_488 = arith.constant 2.000000e-01 : f32
        %add3A_489 = vector.broadcast %add3A_488 : f32 to vector<16xf32>
        %add3A_490 = arith.addf %add3A_489, %mul3A_487 : vector<16xf32>
        %mul3A_491 = arith.mulf %mul3A_481, %add3A_490 : vector<16xf32>
        %add3A_492 = arith.constant 0.333333343 : f32
        %add3A_493 = vector.broadcast %add3A_492 : f32 to vector<16xf32>
        %add3A_494 = arith.addf %add3A_493, %mul3A_491 : vector<16xf32>
        %mul3A_495 = arith.mulf %mul3A_481, %add3A_494 : vector<16xf32>
        %add3A_496 = arith.constant 1.000000e+00 : f32
        %add3A_497 = vector.broadcast %add3A_496 : f32 to vector<16xf32>
        %add3A_498 = arith.addf %add3A_497, %mul3A_495 : vector<16xf32>
        %mul3A_499 = arith.mulf %mul3A_484, %add3A_498 : vector<16xf32>
        %convert_element_type3A_500 = arith.sitofp %shift_right_arithmetic3A_470 : vector<16xi32> to vector<16xf32>
        %mul3A_501 = arith.constant 0.693147182 : f32
        %mul3A_502 = vector.broadcast %mul3A_501 : f32 to vector<16xf32>
        %mul3A_503 = arith.mulf %convert_element_type3A_500, %mul3A_502 : vector<16xf32>
        %add3A_504 = arith.addf %mul3A_503, %mul3A_499 : vector<16xf32>
        %add3A_505 = arith.addf %add3A_440, %add3A_504 : vector<16xf32>
        scf.yield %add3A_505 : vector<16xf32>
      }
      %add3A_139 = arith.addi %add3A_105, %while3A : i32
      %lt3A = arith.constant 125 : i32
      %lt3A_140 = arith.cmpi slt, %add3A_139, %lt3A : i32
      %convert_element_type3A = arith.extui %lt3A_140 : i1 to i32
      %cond3A = arith.constant 0 : i32
      %cond3A_141 = arith.cmpi ne, %convert_element_type3A, %cond3A : i32
      scf.if %cond3A_141 {
        %add3A_184 = arith.addi %add3A_105, %while3A : i32
        %mul3A_185 = arith.muli %add3A_184, %while3A_47 : i32
        %add3A_186 = arith.addi %mul3A_2, %mul3A_185 : i32
        %dma_start3A_187 = arith.constant 0 : i32
        %dma_start3A_188 = arith.constant 0 : i32
        %dma_start3A_189 = tpu.memref_slice %arg7[%dma_start3A_187, %dma_start3A_188] : memref<2x1600xi32, #tpu.memory_space<vmem>> -> memref<1x1600xi32, #tpu.memory_space<vmem>>
        %dma_start3A_190 = tpu.memref_squeeze %dma_start3A_189 : memref<1x1600xi32, #tpu.memory_space<vmem>> -> memref<1600xi32, #tpu.memory_space<vmem>>
        %dma_start3A_191 = tpu.memref_slice %arg3[%add3A_186] : memref<6400000xi32, #tpu.memory_space<hbm>> -> memref<1600xi32, #tpu.memory_space<hbm>>
        %dma_start3A_192 = arith.constant 0 : i32
        %dma_start3A_193 = tpu.memref_slice %arg7[%dma_start3A_187, %dma_start3A_192] : memref<2x1600xi32, #tpu.memory_space<vmem>> -> memref<1x1600xi32, #tpu.memory_space<vmem>>
        %dma_start3A_194 = tpu.memref_squeeze %dma_start3A_193 : memref<1x1600xi32, #tpu.memory_space<vmem>> -> memref<1600xi32, #tpu.memory_space<vmem>>
        %dma_start3A_195 = tpu.memref_slice %arg3[%add3A_186] : memref<6400000xi32, #tpu.memory_space<hbm>> -> memref<1600xi32, #tpu.memory_space<hbm>>
        tpu.enqueue_dma source(%dma_start3A_195 : memref<1600xi32, #tpu.memory_space<hbm>>) target(%dma_start3A_194 : memref<1600xi32, #tpu.memory_space<vmem>>) target_semaphore(%arg11 : memref<!tpu.dma_semaphore, #tpu.memory_space<semaphore_mem>>)
        %dma_start3A_196 = arith.constant 0 : i32
        %dma_start3A_197 = arith.constant 0 : i32
        %dma_start3A_198 = tpu.memref_slice %arg8[%dma_start3A_196, %dma_start3A_197] : memref<2x1600xi32, #tpu.memory_space<vmem>> -> memref<1x1600xi32, #tpu.memory_space<vmem>>
        %dma_start3A_199 = tpu.memref_squeeze %dma_start3A_198 : memref<1x1600xi32, #tpu.memory_space<vmem>> -> memref<1600xi32, #tpu.memory_space<vmem>>
        %dma_start3A_200 = tpu.memref_slice %arg4[%add3A_186] : memref<6400000xi32, #tpu.memory_space<hbm>> -> memref<1600xi32, #tpu.memory_space<hbm>>
        %dma_start3A_201 = arith.constant 0 : i32
        %dma_start3A_202 = tpu.memref_slice %arg8[%dma_start3A_196, %dma_start3A_201] : memref<2x1600xi32, #tpu.memory_space<vmem>> -> memref<1x1600xi32, #tpu.memory_space<vmem>>
        %dma_start3A_203 = tpu.memref_squeeze %dma_start3A_202 : memref<1x1600xi32, #tpu.memory_space<vmem>> -> memref<1600xi32, #tpu.memory_space<vmem>>
        %dma_start3A_204 = tpu.memref_slice %arg4[%add3A_186] : memref<6400000xi32, #tpu.memory_space<hbm>> -> memref<1600xi32, #tpu.memory_space<hbm>>
        tpu.enqueue_dma source(%dma_start3A_204 : memref<1600xi32, #tpu.memory_space<hbm>>) target(%dma_start3A_203 : memref<1600xi32, #tpu.memory_space<vmem>>) target_semaphore(%arg11 : memref<!tpu.dma_semaphore, #tpu.memory_space<semaphore_mem>>)
      } else {
      }
      %mul3A_142 = arith.muli %while3A_101, %while3A : i32
      %add3A_143 = arith.constant 1 : i32
      %add3A_144 = arith.addi %mul3A_142, %add3A_143 : i32
      %mul3A_145 = arith.muli %add3A_144, %while3A_47 : i32
      %add3A_146 = arith.addi %mul3A_2, %mul3A_145 : i32
      %dma_wait3A_147 = arith.constant 1 : i32
      %dma_wait3A_148 = arith.constant 0 : i32
      %dma_wait3A_149 = tpu.memref_slice %arg7[%dma_wait3A_147, %dma_wait3A_148] : memref<2x1600xi32, #tpu.memory_space<vmem>> -> memref<1x1600xi32, #tpu.memory_space<vmem>>
      %dma_wait3A_150 = tpu.memref_squeeze %dma_wait3A_149 : memref<1x1600xi32, #tpu.memory_space<vmem>> -> memref<1600xi32, #tpu.memory_space<vmem>>
      %dma_wait3A_151 = tpu.memref_slice %arg3[%add3A_146] : memref<6400000xi32, #tpu.memory_space<hbm>> -> memref<1600xi32, #tpu.memory_space<hbm>>
      %dma_wait3A_152 = arith.constant 0 : i32
      %dma_wait3A_153 = tpu.memref_slice %arg7[%dma_wait3A_147, %dma_wait3A_152] : memref<2x1600xi32, #tpu.memory_space<vmem>> -> memref<1x1600xi32, #tpu.memory_space<vmem>>
      %dma_wait3A_154 = tpu.memref_squeeze %dma_wait3A_153 : memref<1x1600xi32, #tpu.memory_space<vmem>> -> memref<1600xi32, #tpu.memory_space<vmem>>
      %dma_wait3A_155 = tpu.memref_slice %arg3[%add3A_146] : memref<6400000xi32, #tpu.memory_space<hbm>> -> memref<1600xi32, #tpu.memory_space<hbm>>
      tpu.wait_dma2 semaphore(%arg12 : memref<!tpu.dma_semaphore, #tpu.memory_space<semaphore_mem>>) src(%dma_wait3A_155 : memref<1600xi32, #tpu.memory_space<hbm>>) dst(%dma_wait3A_154 : memref<1600xi32, #tpu.memory_space<vmem>>)
      %dma_wait3A_156 = arith.constant 1 : i32
      %dma_wait3A_157 = arith.constant 0 : i32
      %dma_wait3A_158 = tpu.memref_slice %arg8[%dma_wait3A_156, %dma_wait3A_157] : memref<2x1600xi32, #tpu.memory_space<vmem>> -> memref<1x1600xi32, #tpu.memory_space<vmem>>
      %dma_wait3A_159 = tpu.memref_squeeze %dma_wait3A_158 : memref<1x1600xi32, #tpu.memory_space<vmem>> -> memref<1600xi32, #tpu.memory_space<vmem>>
      %dma_wait3A_160 = tpu.memref_slice %arg4[%add3A_146] : memref<6400000xi32, #tpu.memory_space<hbm>> -> memref<1600xi32, #tpu.memory_space<hbm>>
      %dma_wait3A_161 = arith.constant 0 : i32
      %dma_wait3A_162 = tpu.memref_slice %arg8[%dma_wait3A_156, %dma_wait3A_161] : memref<2x1600xi32, #tpu.memory_space<vmem>> -> memref<1x1600xi32, #tpu.memory_space<vmem>>
      %dma_wait3A_163 = tpu.memref_squeeze %dma_wait3A_162 : memref<1x1600xi32, #tpu.memory_space<vmem>> -> memref<1600xi32, #tpu.memory_space<vmem>>
      %dma_wait3A_164 = tpu.memref_slice %arg4[%add3A_146] : memref<6400000xi32, #tpu.memory_space<hbm>> -> memref<1600xi32, #tpu.memory_space<hbm>>
      tpu.wait_dma2 semaphore(%arg12 : memref<!tpu.dma_semaphore, #tpu.memory_space<semaphore_mem>>) src(%dma_wait3A_164 : memref<1600xi32, #tpu.memory_space<hbm>>) dst(%dma_wait3A_163 : memref<1600xi32, #tpu.memory_space<vmem>>)
      %while3A_165 = arith.constant 1 : i32
      %while3A_166 = arith.constant 0 : i32
      %while3A_167 = arith.constant 20 : i32
      %while3A_168 = arith.subi %while3A_167, %while3A_166 : i32
      %while3A_169 = arith.addi %while3A_166, %while3A_168 : i32
      %while3A_170 = arith.constant 1 : i32
      %while3A_171 = arith.divsi %while3A_168, %while3A_170 : i32
      %while3A_172 = arith.muli %while3A_171, %while3A_170 : i32
      %while3A_173 = arith.addi %while3A_166, %while3A_172 : i32
      %while3A_174 = arith.constant 1 : i32
      %while3A_175 = scf.for %while3A_184 = %while3A_166 to %while3A_173 step %while3A_174 iter_args(%while3A_185 = %while3A_138) -> (vector<16xf32>)  : i32 {
        %mul3A_186 = arith.muli %while3A_184, %while3A_48 : i32
        %add3A_187 = vector.broadcast %mul3A_186 : i32 to vector<16xi32>
        %add3A_188 = arith.addi %add3A_187, %iota3A : vector<16xi32>
        %add3A_189 = arith.constant 0 : i32
        %add3A_190 = vector.broadcast %add3A_189 : i32 to vector<16xi32>
        %add3A_191 = arith.addi %add3A_188, %add3A_190 : vector<16xi32>
        %gather3A = arith.constant 0 : i32
        %gather3A_192 = tpu.memref_slice %arg7[%while3A_165, %gather3A] : memref<2x1600xi32, #tpu.memory_space<vmem>> -> memref<1x1600xi32, #tpu.memory_space<vmem>>
        %gather3A_193 = tpu.memref_squeeze %gather3A_192 : memref<1x1600xi32, #tpu.memory_space<vmem>> -> memref<1600xi32, #tpu.memory_space<vmem>>
        %gather3A_194 = tpu.vector_load_idx %gather3A_193[%add3A_191] : memref<1600xi32, #tpu.memory_space<vmem>>[vector<16xi32>], vector<16xi32>,
        %gather3A_195 = arith.constant 0 : i32
        %gather3A_196 = tpu.memref_slice %arg8[%while3A_165, %gather3A_195] : memref<2x1600xi32, #tpu.memory_space<vmem>> -> memref<1x1600xi32, #tpu.memory_space<vmem>>
        %gather3A_197 = tpu.memref_squeeze %gather3A_196 : memref<1x1600xi32, #tpu.memory_space<vmem>> -> memref<1600xi32, #tpu.memory_space<vmem>>
        %gather3A_198 = tpu.vector_load_idx %gather3A_197[%add3A_191] : memref<1600xi32, #tpu.memory_space<vmem>>[vector<16xi32>], vector<16xi32>,
        %gather3A_199 = tpu.vector_load_idx %arg6[%gather3A_194] : memref<100000xf32, #tpu.memory_space<vmem>>[vector<16xi32>], vector<16xf32>,
        %gather3A_200 = tpu.vector_load_idx %arg6[%gather3A_198] : memref<100000xf32, #tpu.memory_space<vmem>>[vector<16xi32>], vector<16xf32>,
        %mul3A_201 = arith.mulf %gather3A_199, %gather3A_200 : vector<16xf32>
        %max3A = arith.constant 1.000000e-07 : f32
        %max3A_202 = vector.broadcast %max3A : f32 to vector<16xf32>
        %max3A_203 = arith.maximumf %mul3A_201, %max3A_202 : vector<16xf32>
        %min3A = arith.constant 0.99999988 : f32
        %min3A_204 = vector.broadcast %min3A : f32 to vector<16xf32>
        %min3A_205 = arith.minimumf %max3A_203, %min3A_204 : vector<16xf32>
        %sub3A = arith.constant 1.000000e+00 : f32
        %sub3A_206 = vector.broadcast %sub3A : f32 to vector<16xf32>
        %sub3A_207 = arith.subf %sub3A_206, %min3A_205 : vector<16xf32>
        %broadcast_in_dim3A_208 = arith.constant 23 : i32
        %broadcast_in_dim3A_209 = vector.broadcast %broadcast_in_dim3A_208 : i32 to vector<16xi32>
        %bitcast_convert_type3A = tpu.bitcast %sub3A_207 : vector<16xf32> -> vector<16xi32>
        %sub3A_210 = arith.constant 1060439283 : i32
        %sub3A_211 = vector.broadcast %sub3A_210 : i32 to vector<16xi32>
        %sub3A_212 = arith.subi %bitcast_convert_type3A, %sub3A_211 : vector<16xi32>
        %shift_right_arithmetic3A = arith.shrsi %sub3A_212, %broadcast_in_dim3A_209 : vector<16xi32>
        %shift_left3A = arith.shli %shift_right_arithmetic3A, %broadcast_in_dim3A_209 : vector<16xi32>
        %sub3A_213 = arith.subi %bitcast_convert_type3A, %shift_left3A : vector<16xi32>
        %bitcast_convert_type3A_214 = tpu.bitcast %sub3A_213 : vector<16xi32> -> vector<16xf32>
        %sub3A_215 = arith.constant 1.000000e+00 : f32
        %sub3A_216 = vector.broadcast %sub3A_215 : f32 to vector<16xf32>
        %sub3A_217 = arith.subf %bitcast_convert_type3A_214, %sub3A_216 : vector<16xf32>
        %add3A_218 = arith.constant 1.000000e+00 : f32
        %add3A_219 = vector.broadcast %add3A_218 : f32 to vector<16xf32>
        %add3A_220 = arith.addf %bitcast_convert_type3A_214, %add3A_219 : vector<16xf32>
        %div3A = arith.divf %sub3A_217, %add3A_220 : vector<16xf32>
        %mul3A_221 = arith.mulf %div3A, %div3A : vector<16xf32>
        %mul3A_222 = arith.constant 2.000000e+00 : f32
        %mul3A_223 = vector.broadcast %mul3A_222 : f32 to vector<16xf32>
        %mul3A_224 = arith.mulf %mul3A_223, %div3A : vector<16xf32>
        %mul3A_225 = arith.constant 0.142857149 : f32
        %mul3A_226 = vector.broadcast %mul3A_225 : f32 to vector<16xf32>
        %mul3A_227 = arith.mulf %mul3A_221, %mul3A_226 : vector<16xf32>
        %add3A_228 = arith.constant 2.000000e-01 : f32
        %add3A_229 = vector.broadcast %add3A_228 : f32 to vector<16xf32>
        %add3A_230 = arith.addf %add3A_229, %mul3A_227 : vector<16xf32>
        %mul3A_231 = arith.mulf %mul3A_221, %add3A_230 : vector<16xf32>
        %add3A_232 = arith.constant 0.333333343 : f32
        %add3A_233 = vector.broadcast %add3A_232 : f32 to vector<16xf32>
        %add3A_234 = arith.addf %add3A_233, %mul3A_231 : vector<16xf32>
        %mul3A_235 = arith.mulf %mul3A_221, %add3A_234 : vector<16xf32>
        %add3A_236 = arith.constant 1.000000e+00 : f32
        %add3A_237 = vector.broadcast %add3A_236 : f32 to vector<16xf32>
        %add3A_238 = arith.addf %add3A_237, %mul3A_235 : vector<16xf32>
        %mul3A_239 = arith.mulf %mul3A_224, %add3A_238 : vector<16xf32>
        %convert_element_type3A_240 = arith.sitofp %shift_right_arithmetic3A : vector<16xi32> to vector<16xf32>
        %mul3A_241 = arith.constant 0.693147182 : f32
        %mul3A_242 = vector.broadcast %mul3A_241 : f32 to vector<16xf32>
        %mul3A_243 = arith.mulf %convert_element_type3A_240, %mul3A_242 : vector<16xf32>
        %add3A_244 = arith.addf %mul3A_243, %mul3A_239 : vector<16xf32>
        %add3A_245 = arith.addf %while3A_185, %add3A_244 : vector<16xf32>
        %add3A_246 = arith.constant 16 : i32
        %add3A_247 = vector.broadcast %add3A_246 : i32 to vector<16xi32>
        %add3A_248 = arith.addi %add3A_188, %add3A_247 : vector<16xi32>
        %gather3A_249 = arith.constant 0 : i32
        %gather3A_250 = tpu.memref_slice %arg7[%while3A_165, %gather3A_249] : memref<2x1600xi32, #tpu.memory_space<vmem>> -> memref<1x1600xi32, #tpu.memory_space<vmem>>
        %gather3A_251 = tpu.memref_squeeze %gather3A_250 : memref<1x1600xi32, #tpu.memory_space<vmem>> -> memref<1600xi32, #tpu.memory_space<vmem>>
        %gather3A_252 = tpu.vector_load_idx %gather3A_251[%add3A_248] : memref<1600xi32, #tpu.memory_space<vmem>>[vector<16xi32>], vector<16xi32>,
        %gather3A_253 = arith.constant 0 : i32
        %gather3A_254 = tpu.memref_slice %arg8[%while3A_165, %gather3A_253] : memref<2x1600xi32, #tpu.memory_space<vmem>> -> memref<1x1600xi32, #tpu.memory_space<vmem>>
        %gather3A_255 = tpu.memref_squeeze %gather3A_254 : memref<1x1600xi32, #tpu.memory_space<vmem>> -> memref<1600xi32, #tpu.memory_space<vmem>>
        %gather3A_256 = tpu.vector_load_idx %gather3A_255[%add3A_248] : memref<1600xi32, #tpu.memory_space<vmem>>[vector<16xi32>], vector<16xi32>,
        %gather3A_257 = tpu.vector_load_idx %arg6[%gather3A_252] : memref<100000xf32, #tpu.memory_space<vmem>>[vector<16xi32>], vector<16xf32>,
        %gather3A_258 = tpu.vector_load_idx %arg6[%gather3A_256] : memref<100000xf32, #tpu.memory_space<vmem>>[vector<16xi32>], vector<16xf32>,
        %mul3A_259 = arith.mulf %gather3A_257, %gather3A_258 : vector<16xf32>
        %max3A_260 = arith.constant 1.000000e-07 : f32
        %max3A_261 = vector.broadcast %max3A_260 : f32 to vector<16xf32>
        %max3A_262 = arith.maximumf %mul3A_259, %max3A_261 : vector<16xf32>
        %min3A_263 = arith.constant 0.99999988 : f32
        %min3A_264 = vector.broadcast %min3A_263 : f32 to vector<16xf32>
        %min3A_265 = arith.minimumf %max3A_262, %min3A_264 : vector<16xf32>
        %sub3A_266 = arith.constant 1.000000e+00 : f32
        %sub3A_267 = vector.broadcast %sub3A_266 : f32 to vector<16xf32>
        %sub3A_268 = arith.subf %sub3A_267, %min3A_265 : vector<16xf32>
        %broadcast_in_dim3A_269 = arith.constant 23 : i32
        %broadcast_in_dim3A_270 = vector.broadcast %broadcast_in_dim3A_269 : i32 to vector<16xi32>
        %bitcast_convert_type3A_271 = tpu.bitcast %sub3A_268 : vector<16xf32> -> vector<16xi32>
        %sub3A_272 = arith.constant 1060439283 : i32
        %sub3A_273 = vector.broadcast %sub3A_272 : i32 to vector<16xi32>
        %sub3A_274 = arith.subi %bitcast_convert_type3A_271, %sub3A_273 : vector<16xi32>
        %shift_right_arithmetic3A_275 = arith.shrsi %sub3A_274, %broadcast_in_dim3A_270 : vector<16xi32>
        %shift_left3A_276 = arith.shli %shift_right_arithmetic3A_275, %broadcast_in_dim3A_270 : vector<16xi32>
        %sub3A_277 = arith.subi %bitcast_convert_type3A_271, %shift_left3A_276 : vector<16xi32>
        %bitcast_convert_type3A_278 = tpu.bitcast %sub3A_277 : vector<16xi32> -> vector<16xf32>
        %sub3A_279 = arith.constant 1.000000e+00 : f32
        %sub3A_280 = vector.broadcast %sub3A_279 : f32 to vector<16xf32>
        %sub3A_281 = arith.subf %bitcast_convert_type3A_278, %sub3A_280 : vector<16xf32>
        %add3A_282 = arith.constant 1.000000e+00 : f32
        %add3A_283 = vector.broadcast %add3A_282 : f32 to vector<16xf32>
        %add3A_284 = arith.addf %bitcast_convert_type3A_278, %add3A_283 : vector<16xf32>
        %div3A_285 = arith.divf %sub3A_281, %add3A_284 : vector<16xf32>
        %mul3A_286 = arith.mulf %div3A_285, %div3A_285 : vector<16xf32>
        %mul3A_287 = arith.constant 2.000000e+00 : f32
        %mul3A_288 = vector.broadcast %mul3A_287 : f32 to vector<16xf32>
        %mul3A_289 = arith.mulf %mul3A_288, %div3A_285 : vector<16xf32>
        %mul3A_290 = arith.constant 0.142857149 : f32
        %mul3A_291 = vector.broadcast %mul3A_290 : f32 to vector<16xf32>
        %mul3A_292 = arith.mulf %mul3A_286, %mul3A_291 : vector<16xf32>
        %add3A_293 = arith.constant 2.000000e-01 : f32
        %add3A_294 = vector.broadcast %add3A_293 : f32 to vector<16xf32>
        %add3A_295 = arith.addf %add3A_294, %mul3A_292 : vector<16xf32>
        %mul3A_296 = arith.mulf %mul3A_286, %add3A_295 : vector<16xf32>
        %add3A_297 = arith.constant 0.333333343 : f32
        %add3A_298 = vector.broadcast %add3A_297 : f32 to vector<16xf32>
        %add3A_299 = arith.addf %add3A_298, %mul3A_296 : vector<16xf32>
        %mul3A_300 = arith.mulf %mul3A_286, %add3A_299 : vector<16xf32>
        %add3A_301 = arith.constant 1.000000e+00 : f32
        %add3A_302 = vector.broadcast %add3A_301 : f32 to vector<16xf32>
        %add3A_303 = arith.addf %add3A_302, %mul3A_300 : vector<16xf32>
        %mul3A_304 = arith.mulf %mul3A_289, %add3A_303 : vector<16xf32>
        %convert_element_type3A_305 = arith.sitofp %shift_right_arithmetic3A_275 : vector<16xi32> to vector<16xf32>
        %mul3A_306 = arith.constant 0.693147182 : f32
        %mul3A_307 = vector.broadcast %mul3A_306 : f32 to vector<16xf32>
        %mul3A_308 = arith.mulf %convert_element_type3A_305, %mul3A_307 : vector<16xf32>
        %add3A_309 = arith.addf %mul3A_308, %mul3A_304 : vector<16xf32>
        %add3A_310 = arith.addf %add3A_245, %add3A_309 : vector<16xf32>
        %add3A_311 = arith.constant 32 : i32
        %add3A_312 = vector.broadcast %add3A_311 : i32 to vector<16xi32>
        %add3A_313 = arith.addi %add3A_188, %add3A_312 : vector<16xi32>
        %gather3A_314 = arith.constant 0 : i32
        %gather3A_315 = tpu.memref_slice %arg7[%while3A_165, %gather3A_314] : memref<2x1600xi32, #tpu.memory_space<vmem>> -> memref<1x1600xi32, #tpu.memory_space<vmem>>
        %gather3A_316 = tpu.memref_squeeze %gather3A_315 : memref<1x1600xi32, #tpu.memory_space<vmem>> -> memref<1600xi32, #tpu.memory_space<vmem>>
        %gather3A_317 = tpu.vector_load_idx %gather3A_316[%add3A_313] : memref<1600xi32, #tpu.memory_space<vmem>>[vector<16xi32>], vector<16xi32>,
        %gather3A_318 = arith.constant 0 : i32
        %gather3A_319 = tpu.memref_slice %arg8[%while3A_165, %gather3A_318] : memref<2x1600xi32, #tpu.memory_space<vmem>> -> memref<1x1600xi32, #tpu.memory_space<vmem>>
        %gather3A_320 = tpu.memref_squeeze %gather3A_319 : memref<1x1600xi32, #tpu.memory_space<vmem>> -> memref<1600xi32, #tpu.memory_space<vmem>>
        %gather3A_321 = tpu.vector_load_idx %gather3A_320[%add3A_313] : memref<1600xi32, #tpu.memory_space<vmem>>[vector<16xi32>], vector<16xi32>,
        %gather3A_322 = tpu.vector_load_idx %arg6[%gather3A_317] : memref<100000xf32, #tpu.memory_space<vmem>>[vector<16xi32>], vector<16xf32>,
        %gather3A_323 = tpu.vector_load_idx %arg6[%gather3A_321] : memref<100000xf32, #tpu.memory_space<vmem>>[vector<16xi32>], vector<16xf32>,
        %mul3A_324 = arith.mulf %gather3A_322, %gather3A_323 : vector<16xf32>
        %max3A_325 = arith.constant 1.000000e-07 : f32
        %max3A_326 = vector.broadcast %max3A_325 : f32 to vector<16xf32>
        %max3A_327 = arith.maximumf %mul3A_324, %max3A_326 : vector<16xf32>
        %min3A_328 = arith.constant 0.99999988 : f32
        %min3A_329 = vector.broadcast %min3A_328 : f32 to vector<16xf32>
        %min3A_330 = arith.minimumf %max3A_327, %min3A_329 : vector<16xf32>
        %sub3A_331 = arith.constant 1.000000e+00 : f32
        %sub3A_332 = vector.broadcast %sub3A_331 : f32 to vector<16xf32>
        %sub3A_333 = arith.subf %sub3A_332, %min3A_330 : vector<16xf32>
        %broadcast_in_dim3A_334 = arith.constant 23 : i32
        %broadcast_in_dim3A_335 = vector.broadcast %broadcast_in_dim3A_334 : i32 to vector<16xi32>
        %bitcast_convert_type3A_336 = tpu.bitcast %sub3A_333 : vector<16xf32> -> vector<16xi32>
        %sub3A_337 = arith.constant 1060439283 : i32
        %sub3A_338 = vector.broadcast %sub3A_337 : i32 to vector<16xi32>
        %sub3A_339 = arith.subi %bitcast_convert_type3A_336, %sub3A_338 : vector<16xi32>
        %shift_right_arithmetic3A_340 = arith.shrsi %sub3A_339, %broadcast_in_dim3A_335 : vector<16xi32>
        %shift_left3A_341 = arith.shli %shift_right_arithmetic3A_340, %broadcast_in_dim3A_335 : vector<16xi32>
        %sub3A_342 = arith.subi %bitcast_convert_type3A_336, %shift_left3A_341 : vector<16xi32>
        %bitcast_convert_type3A_343 = tpu.bitcast %sub3A_342 : vector<16xi32> -> vector<16xf32>
        %sub3A_344 = arith.constant 1.000000e+00 : f32
        %sub3A_345 = vector.broadcast %sub3A_344 : f32 to vector<16xf32>
        %sub3A_346 = arith.subf %bitcast_convert_type3A_343, %sub3A_345 : vector<16xf32>
        %add3A_347 = arith.constant 1.000000e+00 : f32
        %add3A_348 = vector.broadcast %add3A_347 : f32 to vector<16xf32>
        %add3A_349 = arith.addf %bitcast_convert_type3A_343, %add3A_348 : vector<16xf32>
        %div3A_350 = arith.divf %sub3A_346, %add3A_349 : vector<16xf32>
        %mul3A_351 = arith.mulf %div3A_350, %div3A_350 : vector<16xf32>
        %mul3A_352 = arith.constant 2.000000e+00 : f32
        %mul3A_353 = vector.broadcast %mul3A_352 : f32 to vector<16xf32>
        %mul3A_354 = arith.mulf %mul3A_353, %div3A_350 : vector<16xf32>
        %mul3A_355 = arith.constant 0.142857149 : f32
        %mul3A_356 = vector.broadcast %mul3A_355 : f32 to vector<16xf32>
        %mul3A_357 = arith.mulf %mul3A_351, %mul3A_356 : vector<16xf32>
        %add3A_358 = arith.constant 2.000000e-01 : f32
        %add3A_359 = vector.broadcast %add3A_358 : f32 to vector<16xf32>
        %add3A_360 = arith.addf %add3A_359, %mul3A_357 : vector<16xf32>
        %mul3A_361 = arith.mulf %mul3A_351, %add3A_360 : vector<16xf32>
        %add3A_362 = arith.constant 0.333333343 : f32
        %add3A_363 = vector.broadcast %add3A_362 : f32 to vector<16xf32>
        %add3A_364 = arith.addf %add3A_363, %mul3A_361 : vector<16xf32>
        %mul3A_365 = arith.mulf %mul3A_351, %add3A_364 : vector<16xf32>
        %add3A_366 = arith.constant 1.000000e+00 : f32
        %add3A_367 = vector.broadcast %add3A_366 : f32 to vector<16xf32>
        %add3A_368 = arith.addf %add3A_367, %mul3A_365 : vector<16xf32>
        %mul3A_369 = arith.mulf %mul3A_354, %add3A_368 : vector<16xf32>
        %convert_element_type3A_370 = arith.sitofp %shift_right_arithmetic3A_340 : vector<16xi32> to vector<16xf32>
        %mul3A_371 = arith.constant 0.693147182 : f32
        %mul3A_372 = vector.broadcast %mul3A_371 : f32 to vector<16xf32>
        %mul3A_373 = arith.mulf %convert_element_type3A_370, %mul3A_372 : vector<16xf32>
        %add3A_374 = arith.addf %mul3A_373, %mul3A_369 : vector<16xf32>
        %add3A_375 = arith.addf %add3A_310, %add3A_374 : vector<16xf32>
        %add3A_376 = arith.constant 48 : i32
        %add3A_377 = vector.broadcast %add3A_376 : i32 to vector<16xi32>
        %add3A_378 = arith.addi %add3A_188, %add3A_377 : vector<16xi32>
        %gather3A_379 = arith.constant 0 : i32
        %gather3A_380 = tpu.memref_slice %arg7[%while3A_165, %gather3A_379] : memref<2x1600xi32, #tpu.memory_space<vmem>> -> memref<1x1600xi32, #tpu.memory_space<vmem>>
        %gather3A_381 = tpu.memref_squeeze %gather3A_380 : memref<1x1600xi32, #tpu.memory_space<vmem>> -> memref<1600xi32, #tpu.memory_space<vmem>>
        %gather3A_382 = tpu.vector_load_idx %gather3A_381[%add3A_378] : memref<1600xi32, #tpu.memory_space<vmem>>[vector<16xi32>], vector<16xi32>,
        %gather3A_383 = arith.constant 0 : i32
        %gather3A_384 = tpu.memref_slice %arg8[%while3A_165, %gather3A_383] : memref<2x1600xi32, #tpu.memory_space<vmem>> -> memref<1x1600xi32, #tpu.memory_space<vmem>>
        %gather3A_385 = tpu.memref_squeeze %gather3A_384 : memref<1x1600xi32, #tpu.memory_space<vmem>> -> memref<1600xi32, #tpu.memory_space<vmem>>
        %gather3A_386 = tpu.vector_load_idx %gather3A_385[%add3A_378] : memref<1600xi32, #tpu.memory_space<vmem>>[vector<16xi32>], vector<16xi32>,
        %gather3A_387 = tpu.vector_load_idx %arg6[%gather3A_382] : memref<100000xf32, #tpu.memory_space<vmem>>[vector<16xi32>], vector<16xf32>,
        %gather3A_388 = tpu.vector_load_idx %arg6[%gather3A_386] : memref<100000xf32, #tpu.memory_space<vmem>>[vector<16xi32>], vector<16xf32>,
        %mul3A_389 = arith.mulf %gather3A_387, %gather3A_388 : vector<16xf32>
        %max3A_390 = arith.constant 1.000000e-07 : f32
        %max3A_391 = vector.broadcast %max3A_390 : f32 to vector<16xf32>
        %max3A_392 = arith.maximumf %mul3A_389, %max3A_391 : vector<16xf32>
        %min3A_393 = arith.constant 0.99999988 : f32
        %min3A_394 = vector.broadcast %min3A_393 : f32 to vector<16xf32>
        %min3A_395 = arith.minimumf %max3A_392, %min3A_394 : vector<16xf32>
        %sub3A_396 = arith.constant 1.000000e+00 : f32
        %sub3A_397 = vector.broadcast %sub3A_396 : f32 to vector<16xf32>
        %sub3A_398 = arith.subf %sub3A_397, %min3A_395 : vector<16xf32>
        %broadcast_in_dim3A_399 = arith.constant 23 : i32
        %broadcast_in_dim3A_400 = vector.broadcast %broadcast_in_dim3A_399 : i32 to vector<16xi32>
        %bitcast_convert_type3A_401 = tpu.bitcast %sub3A_398 : vector<16xf32> -> vector<16xi32>
        %sub3A_402 = arith.constant 1060439283 : i32
        %sub3A_403 = vector.broadcast %sub3A_402 : i32 to vector<16xi32>
        %sub3A_404 = arith.subi %bitcast_convert_type3A_401, %sub3A_403 : vector<16xi32>
        %shift_right_arithmetic3A_405 = arith.shrsi %sub3A_404, %broadcast_in_dim3A_400 : vector<16xi32>
        %shift_left3A_406 = arith.shli %shift_right_arithmetic3A_405, %broadcast_in_dim3A_400 : vector<16xi32>
        %sub3A_407 = arith.subi %bitcast_convert_type3A_401, %shift_left3A_406 : vector<16xi32>
        %bitcast_convert_type3A_408 = tpu.bitcast %sub3A_407 : vector<16xi32> -> vector<16xf32>
        %sub3A_409 = arith.constant 1.000000e+00 : f32
        %sub3A_410 = vector.broadcast %sub3A_409 : f32 to vector<16xf32>
        %sub3A_411 = arith.subf %bitcast_convert_type3A_408, %sub3A_410 : vector<16xf32>
        %add3A_412 = arith.constant 1.000000e+00 : f32
        %add3A_413 = vector.broadcast %add3A_412 : f32 to vector<16xf32>
        %add3A_414 = arith.addf %bitcast_convert_type3A_408, %add3A_413 : vector<16xf32>
        %div3A_415 = arith.divf %sub3A_411, %add3A_414 : vector<16xf32>
        %mul3A_416 = arith.mulf %div3A_415, %div3A_415 : vector<16xf32>
        %mul3A_417 = arith.constant 2.000000e+00 : f32
        %mul3A_418 = vector.broadcast %mul3A_417 : f32 to vector<16xf32>
        %mul3A_419 = arith.mulf %mul3A_418, %div3A_415 : vector<16xf32>
        %mul3A_420 = arith.constant 0.142857149 : f32
        %mul3A_421 = vector.broadcast %mul3A_420 : f32 to vector<16xf32>
        %mul3A_422 = arith.mulf %mul3A_416, %mul3A_421 : vector<16xf32>
        %add3A_423 = arith.constant 2.000000e-01 : f32
        %add3A_424 = vector.broadcast %add3A_423 : f32 to vector<16xf32>
        %add3A_425 = arith.addf %add3A_424, %mul3A_422 : vector<16xf32>
        %mul3A_426 = arith.mulf %mul3A_416, %add3A_425 : vector<16xf32>
        %add3A_427 = arith.constant 0.333333343 : f32
        %add3A_428 = vector.broadcast %add3A_427 : f32 to vector<16xf32>
        %add3A_429 = arith.addf %add3A_428, %mul3A_426 : vector<16xf32>
        %mul3A_430 = arith.mulf %mul3A_416, %add3A_429 : vector<16xf32>
        %add3A_431 = arith.constant 1.000000e+00 : f32
        %add3A_432 = vector.broadcast %add3A_431 : f32 to vector<16xf32>
        %add3A_433 = arith.addf %add3A_432, %mul3A_430 : vector<16xf32>
        %mul3A_434 = arith.mulf %mul3A_419, %add3A_433 : vector<16xf32>
        %convert_element_type3A_435 = arith.sitofp %shift_right_arithmetic3A_405 : vector<16xi32> to vector<16xf32>
        %mul3A_436 = arith.constant 0.693147182 : f32
        %mul3A_437 = vector.broadcast %mul3A_436 : f32 to vector<16xf32>
        %mul3A_438 = arith.mulf %convert_element_type3A_435, %mul3A_437 : vector<16xf32>
        %add3A_439 = arith.addf %mul3A_438, %mul3A_434 : vector<16xf32>
        %add3A_440 = arith.addf %add3A_375, %add3A_439 : vector<16xf32>
        %add3A_441 = arith.constant 64 : i32
        %add3A_442 = vector.broadcast %add3A_441 : i32 to vector<16xi32>
        %add3A_443 = arith.addi %add3A_188, %add3A_442 : vector<16xi32>
        %gather3A_444 = arith.constant 0 : i32
        %gather3A_445 = tpu.memref_slice %arg7[%while3A_165, %gather3A_444] : memref<2x1600xi32, #tpu.memory_space<vmem>> -> memref<1x1600xi32, #tpu.memory_space<vmem>>
        %gather3A_446 = tpu.memref_squeeze %gather3A_445 : memref<1x1600xi32, #tpu.memory_space<vmem>> -> memref<1600xi32, #tpu.memory_space<vmem>>
        %gather3A_447 = tpu.vector_load_idx %gather3A_446[%add3A_443] : memref<1600xi32, #tpu.memory_space<vmem>>[vector<16xi32>], vector<16xi32>,
        %gather3A_448 = arith.constant 0 : i32
        %gather3A_449 = tpu.memref_slice %arg8[%while3A_165, %gather3A_448] : memref<2x1600xi32, #tpu.memory_space<vmem>> -> memref<1x1600xi32, #tpu.memory_space<vmem>>
        %gather3A_450 = tpu.memref_squeeze %gather3A_449 : memref<1x1600xi32, #tpu.memory_space<vmem>> -> memref<1600xi32, #tpu.memory_space<vmem>>
        %gather3A_451 = tpu.vector_load_idx %gather3A_450[%add3A_443] : memref<1600xi32, #tpu.memory_space<vmem>>[vector<16xi32>], vector<16xi32>,
        %gather3A_452 = tpu.vector_load_idx %arg6[%gather3A_447] : memref<100000xf32, #tpu.memory_space<vmem>>[vector<16xi32>], vector<16xf32>,
        %gather3A_453 = tpu.vector_load_idx %arg6[%gather3A_451] : memref<100000xf32, #tpu.memory_space<vmem>>[vector<16xi32>], vector<16xf32>,
        %mul3A_454 = arith.mulf %gather3A_452, %gather3A_453 : vector<16xf32>
        %max3A_455 = arith.constant 1.000000e-07 : f32
        %max3A_456 = vector.broadcast %max3A_455 : f32 to vector<16xf32>
        %max3A_457 = arith.maximumf %mul3A_454, %max3A_456 : vector<16xf32>
        %min3A_458 = arith.constant 0.99999988 : f32
        %min3A_459 = vector.broadcast %min3A_458 : f32 to vector<16xf32>
        %min3A_460 = arith.minimumf %max3A_457, %min3A_459 : vector<16xf32>
        %sub3A_461 = arith.constant 1.000000e+00 : f32
        %sub3A_462 = vector.broadcast %sub3A_461 : f32 to vector<16xf32>
        %sub3A_463 = arith.subf %sub3A_462, %min3A_460 : vector<16xf32>
        %broadcast_in_dim3A_464 = arith.constant 23 : i32
        %broadcast_in_dim3A_465 = vector.broadcast %broadcast_in_dim3A_464 : i32 to vector<16xi32>
        %bitcast_convert_type3A_466 = tpu.bitcast %sub3A_463 : vector<16xf32> -> vector<16xi32>
        %sub3A_467 = arith.constant 1060439283 : i32
        %sub3A_468 = vector.broadcast %sub3A_467 : i32 to vector<16xi32>
        %sub3A_469 = arith.subi %bitcast_convert_type3A_466, %sub3A_468 : vector<16xi32>
        %shift_right_arithmetic3A_470 = arith.shrsi %sub3A_469, %broadcast_in_dim3A_465 : vector<16xi32>
        %shift_left3A_471 = arith.shli %shift_right_arithmetic3A_470, %broadcast_in_dim3A_465 : vector<16xi32>
        %sub3A_472 = arith.subi %bitcast_convert_type3A_466, %shift_left3A_471 : vector<16xi32>
        %bitcast_convert_type3A_473 = tpu.bitcast %sub3A_472 : vector<16xi32> -> vector<16xf32>
        %sub3A_474 = arith.constant 1.000000e+00 : f32
        %sub3A_475 = vector.broadcast %sub3A_474 : f32 to vector<16xf32>
        %sub3A_476 = arith.subf %bitcast_convert_type3A_473, %sub3A_475 : vector<16xf32>
        %add3A_477 = arith.constant 1.000000e+00 : f32
        %add3A_478 = vector.broadcast %add3A_477 : f32 to vector<16xf32>
        %add3A_479 = arith.addf %bitcast_convert_type3A_473, %add3A_478 : vector<16xf32>
        %div3A_480 = arith.divf %sub3A_476, %add3A_479 : vector<16xf32>
        %mul3A_481 = arith.mulf %div3A_480, %div3A_480 : vector<16xf32>
        %mul3A_482 = arith.constant 2.000000e+00 : f32
        %mul3A_483 = vector.broadcast %mul3A_482 : f32 to vector<16xf32>
        %mul3A_484 = arith.mulf %mul3A_483, %div3A_480 : vector<16xf32>
        %mul3A_485 = arith.constant 0.142857149 : f32
        %mul3A_486 = vector.broadcast %mul3A_485 : f32 to vector<16xf32>
        %mul3A_487 = arith.mulf %mul3A_481, %mul3A_486 : vector<16xf32>
        %add3A_488 = arith.constant 2.000000e-01 : f32
        %add3A_489 = vector.broadcast %add3A_488 : f32 to vector<16xf32>
        %add3A_490 = arith.addf %add3A_489, %mul3A_487 : vector<16xf32>
        %mul3A_491 = arith.mulf %mul3A_481, %add3A_490 : vector<16xf32>
        %add3A_492 = arith.constant 0.333333343 : f32
        %add3A_493 = vector.broadcast %add3A_492 : f32 to vector<16xf32>
        %add3A_494 = arith.addf %add3A_493, %mul3A_491 : vector<16xf32>
        %mul3A_495 = arith.mulf %mul3A_481, %add3A_494 : vector<16xf32>
        %add3A_496 = arith.constant 1.000000e+00 : f32
        %add3A_497 = vector.broadcast %add3A_496 : f32 to vector<16xf32>
        %add3A_498 = arith.addf %add3A_497, %mul3A_495 : vector<16xf32>
        %mul3A_499 = arith.mulf %mul3A_484, %add3A_498 : vector<16xf32>
        %convert_element_type3A_500 = arith.sitofp %shift_right_arithmetic3A_470 : vector<16xi32> to vector<16xf32>
        %mul3A_501 = arith.constant 0.693147182 : f32
        %mul3A_502 = vector.broadcast %mul3A_501 : f32 to vector<16xf32>
        %mul3A_503 = arith.mulf %convert_element_type3A_500, %mul3A_502 : vector<16xf32>
        %add3A_504 = arith.addf %mul3A_503, %mul3A_499 : vector<16xf32>
        %add3A_505 = arith.addf %add3A_440, %add3A_504 : vector<16xf32>
        scf.yield %add3A_505 : vector<16xf32>
      }
      %while3A_176 = arith.constant 1 : i32
      %while3A_177 = scf.for %while3A_184 = %while3A_173 to %while3A_169 step %while3A_176 iter_args(%while3A_185 = %while3A_175) -> (vector<16xf32>)  : i32 {
        %mul3A_186 = arith.muli %while3A_184, %while3A_48 : i32
        %add3A_187 = vector.broadcast %mul3A_186 : i32 to vector<16xi32>
        %add3A_188 = arith.addi %add3A_187, %iota3A : vector<16xi32>
        %add3A_189 = arith.constant 0 : i32
        %add3A_190 = vector.broadcast %add3A_189 : i32 to vector<16xi32>
        %add3A_191 = arith.addi %add3A_188, %add3A_190 : vector<16xi32>
        %gather3A = arith.constant 0 : i32
        %gather3A_192 = tpu.memref_slice %arg7[%while3A_165, %gather3A] : memref<2x1600xi32, #tpu.memory_space<vmem>> -> memref<1x1600xi32, #tpu.memory_space<vmem>>
        %gather3A_193 = tpu.memref_squeeze %gather3A_192 : memref<1x1600xi32, #tpu.memory_space<vmem>> -> memref<1600xi32, #tpu.memory_space<vmem>>
        %gather3A_194 = tpu.vector_load_idx %gather3A_193[%add3A_191] : memref<1600xi32, #tpu.memory_space<vmem>>[vector<16xi32>], vector<16xi32>,
        %gather3A_195 = arith.constant 0 : i32
        %gather3A_196 = tpu.memref_slice %arg8[%while3A_165, %gather3A_195] : memref<2x1600xi32, #tpu.memory_space<vmem>> -> memref<1x1600xi32, #tpu.memory_space<vmem>>
        %gather3A_197 = tpu.memref_squeeze %gather3A_196 : memref<1x1600xi32, #tpu.memory_space<vmem>> -> memref<1600xi32, #tpu.memory_space<vmem>>
        %gather3A_198 = tpu.vector_load_idx %gather3A_197[%add3A_191] : memref<1600xi32, #tpu.memory_space<vmem>>[vector<16xi32>], vector<16xi32>,
        %gather3A_199 = tpu.vector_load_idx %arg6[%gather3A_194] : memref<100000xf32, #tpu.memory_space<vmem>>[vector<16xi32>], vector<16xf32>,
        %gather3A_200 = tpu.vector_load_idx %arg6[%gather3A_198] : memref<100000xf32, #tpu.memory_space<vmem>>[vector<16xi32>], vector<16xf32>,
        %mul3A_201 = arith.mulf %gather3A_199, %gather3A_200 : vector<16xf32>
        %max3A = arith.constant 1.000000e-07 : f32
        %max3A_202 = vector.broadcast %max3A : f32 to vector<16xf32>
        %max3A_203 = arith.maximumf %mul3A_201, %max3A_202 : vector<16xf32>
        %min3A = arith.constant 0.99999988 : f32
        %min3A_204 = vector.broadcast %min3A : f32 to vector<16xf32>
        %min3A_205 = arith.minimumf %max3A_203, %min3A_204 : vector<16xf32>
        %sub3A = arith.constant 1.000000e+00 : f32
        %sub3A_206 = vector.broadcast %sub3A : f32 to vector<16xf32>
        %sub3A_207 = arith.subf %sub3A_206, %min3A_205 : vector<16xf32>
        %broadcast_in_dim3A_208 = arith.constant 23 : i32
        %broadcast_in_dim3A_209 = vector.broadcast %broadcast_in_dim3A_208 : i32 to vector<16xi32>
        %bitcast_convert_type3A = tpu.bitcast %sub3A_207 : vector<16xf32> -> vector<16xi32>
        %sub3A_210 = arith.constant 1060439283 : i32
        %sub3A_211 = vector.broadcast %sub3A_210 : i32 to vector<16xi32>
        %sub3A_212 = arith.subi %bitcast_convert_type3A, %sub3A_211 : vector<16xi32>
        %shift_right_arithmetic3A = arith.shrsi %sub3A_212, %broadcast_in_dim3A_209 : vector<16xi32>
        %shift_left3A = arith.shli %shift_right_arithmetic3A, %broadcast_in_dim3A_209 : vector<16xi32>
        %sub3A_213 = arith.subi %bitcast_convert_type3A, %shift_left3A : vector<16xi32>
        %bitcast_convert_type3A_214 = tpu.bitcast %sub3A_213 : vector<16xi32> -> vector<16xf32>
        %sub3A_215 = arith.constant 1.000000e+00 : f32
        %sub3A_216 = vector.broadcast %sub3A_215 : f32 to vector<16xf32>
        %sub3A_217 = arith.subf %bitcast_convert_type3A_214, %sub3A_216 : vector<16xf32>
        %add3A_218 = arith.constant 1.000000e+00 : f32
        %add3A_219 = vector.broadcast %add3A_218 : f32 to vector<16xf32>
        %add3A_220 = arith.addf %bitcast_convert_type3A_214, %add3A_219 : vector<16xf32>
        %div3A = arith.divf %sub3A_217, %add3A_220 : vector<16xf32>
        %mul3A_221 = arith.mulf %div3A, %div3A : vector<16xf32>
        %mul3A_222 = arith.constant 2.000000e+00 : f32
        %mul3A_223 = vector.broadcast %mul3A_222 : f32 to vector<16xf32>
        %mul3A_224 = arith.mulf %mul3A_223, %div3A : vector<16xf32>
        %mul3A_225 = arith.constant 0.142857149 : f32
        %mul3A_226 = vector.broadcast %mul3A_225 : f32 to vector<16xf32>
        %mul3A_227 = arith.mulf %mul3A_221, %mul3A_226 : vector<16xf32>
        %add3A_228 = arith.constant 2.000000e-01 : f32
        %add3A_229 = vector.broadcast %add3A_228 : f32 to vector<16xf32>
        %add3A_230 = arith.addf %add3A_229, %mul3A_227 : vector<16xf32>
        %mul3A_231 = arith.mulf %mul3A_221, %add3A_230 : vector<16xf32>
        %add3A_232 = arith.constant 0.333333343 : f32
        %add3A_233 = vector.broadcast %add3A_232 : f32 to vector<16xf32>
        %add3A_234 = arith.addf %add3A_233, %mul3A_231 : vector<16xf32>
        %mul3A_235 = arith.mulf %mul3A_221, %add3A_234 : vector<16xf32>
        %add3A_236 = arith.constant 1.000000e+00 : f32
        %add3A_237 = vector.broadcast %add3A_236 : f32 to vector<16xf32>
        %add3A_238 = arith.addf %add3A_237, %mul3A_235 : vector<16xf32>
        %mul3A_239 = arith.mulf %mul3A_224, %add3A_238 : vector<16xf32>
        %convert_element_type3A_240 = arith.sitofp %shift_right_arithmetic3A : vector<16xi32> to vector<16xf32>
        %mul3A_241 = arith.constant 0.693147182 : f32
        %mul3A_242 = vector.broadcast %mul3A_241 : f32 to vector<16xf32>
        %mul3A_243 = arith.mulf %convert_element_type3A_240, %mul3A_242 : vector<16xf32>
        %add3A_244 = arith.addf %mul3A_243, %mul3A_239 : vector<16xf32>
        %add3A_245 = arith.addf %while3A_185, %add3A_244 : vector<16xf32>
        %add3A_246 = arith.constant 16 : i32
        %add3A_247 = vector.broadcast %add3A_246 : i32 to vector<16xi32>
        %add3A_248 = arith.addi %add3A_188, %add3A_247 : vector<16xi32>
        %gather3A_249 = arith.constant 0 : i32
        %gather3A_250 = tpu.memref_slice %arg7[%while3A_165, %gather3A_249] : memref<2x1600xi32, #tpu.memory_space<vmem>> -> memref<1x1600xi32, #tpu.memory_space<vmem>>
        %gather3A_251 = tpu.memref_squeeze %gather3A_250 : memref<1x1600xi32, #tpu.memory_space<vmem>> -> memref<1600xi32, #tpu.memory_space<vmem>>
        %gather3A_252 = tpu.vector_load_idx %gather3A_251[%add3A_248] : memref<1600xi32, #tpu.memory_space<vmem>>[vector<16xi32>], vector<16xi32>,
        %gather3A_253 = arith.constant 0 : i32
        %gather3A_254 = tpu.memref_slice %arg8[%while3A_165, %gather3A_253] : memref<2x1600xi32, #tpu.memory_space<vmem>> -> memref<1x1600xi32, #tpu.memory_space<vmem>>
        %gather3A_255 = tpu.memref_squeeze %gather3A_254 : memref<1x1600xi32, #tpu.memory_space<vmem>> -> memref<1600xi32, #tpu.memory_space<vmem>>
        %gather3A_256 = tpu.vector_load_idx %gather3A_255[%add3A_248] : memref<1600xi32, #tpu.memory_space<vmem>>[vector<16xi32>], vector<16xi32>,
        %gather3A_257 = tpu.vector_load_idx %arg6[%gather3A_252] : memref<100000xf32, #tpu.memory_space<vmem>>[vector<16xi32>], vector<16xf32>,
        %gather3A_258 = tpu.vector_load_idx %arg6[%gather3A_256] : memref<100000xf32, #tpu.memory_space<vmem>>[vector<16xi32>], vector<16xf32>,
        %mul3A_259 = arith.mulf %gather3A_257, %gather3A_258 : vector<16xf32>
        %max3A_260 = arith.constant 1.000000e-07 : f32
        %max3A_261 = vector.broadcast %max3A_260 : f32 to vector<16xf32>
        %max3A_262 = arith.maximumf %mul3A_259, %max3A_261 : vector<16xf32>
        %min3A_263 = arith.constant 0.99999988 : f32
        %min3A_264 = vector.broadcast %min3A_263 : f32 to vector<16xf32>
        %min3A_265 = arith.minimumf %max3A_262, %min3A_264 : vector<16xf32>
        %sub3A_266 = arith.constant 1.000000e+00 : f32
        %sub3A_267 = vector.broadcast %sub3A_266 : f32 to vector<16xf32>
        %sub3A_268 = arith.subf %sub3A_267, %min3A_265 : vector<16xf32>
        %broadcast_in_dim3A_269 = arith.constant 23 : i32
        %broadcast_in_dim3A_270 = vector.broadcast %broadcast_in_dim3A_269 : i32 to vector<16xi32>
        %bitcast_convert_type3A_271 = tpu.bitcast %sub3A_268 : vector<16xf32> -> vector<16xi32>
        %sub3A_272 = arith.constant 1060439283 : i32
        %sub3A_273 = vector.broadcast %sub3A_272 : i32 to vector<16xi32>
        %sub3A_274 = arith.subi %bitcast_convert_type3A_271, %sub3A_273 : vector<16xi32>
        %shift_right_arithmetic3A_275 = arith.shrsi %sub3A_274, %broadcast_in_dim3A_270 : vector<16xi32>
        %shift_left3A_276 = arith.shli %shift_right_arithmetic3A_275, %broadcast_in_dim3A_270 : vector<16xi32>
        %sub3A_277 = arith.subi %bitcast_convert_type3A_271, %shift_left3A_276 : vector<16xi32>
        %bitcast_convert_type3A_278 = tpu.bitcast %sub3A_277 : vector<16xi32> -> vector<16xf32>
        %sub3A_279 = arith.constant 1.000000e+00 : f32
        %sub3A_280 = vector.broadcast %sub3A_279 : f32 to vector<16xf32>
        %sub3A_281 = arith.subf %bitcast_convert_type3A_278, %sub3A_280 : vector<16xf32>
        %add3A_282 = arith.constant 1.000000e+00 : f32
        %add3A_283 = vector.broadcast %add3A_282 : f32 to vector<16xf32>
        %add3A_284 = arith.addf %bitcast_convert_type3A_278, %add3A_283 : vector<16xf32>
        %div3A_285 = arith.divf %sub3A_281, %add3A_284 : vector<16xf32>
        %mul3A_286 = arith.mulf %div3A_285, %div3A_285 : vector<16xf32>
        %mul3A_287 = arith.constant 2.000000e+00 : f32
        %mul3A_288 = vector.broadcast %mul3A_287 : f32 to vector<16xf32>
        %mul3A_289 = arith.mulf %mul3A_288, %div3A_285 : vector<16xf32>
        %mul3A_290 = arith.constant 0.142857149 : f32
        %mul3A_291 = vector.broadcast %mul3A_290 : f32 to vector<16xf32>
        %mul3A_292 = arith.mulf %mul3A_286, %mul3A_291 : vector<16xf32>
        %add3A_293 = arith.constant 2.000000e-01 : f32
        %add3A_294 = vector.broadcast %add3A_293 : f32 to vector<16xf32>
        %add3A_295 = arith.addf %add3A_294, %mul3A_292 : vector<16xf32>
        %mul3A_296 = arith.mulf %mul3A_286, %add3A_295 : vector<16xf32>
        %add3A_297 = arith.constant 0.333333343 : f32
        %add3A_298 = vector.broadcast %add3A_297 : f32 to vector<16xf32>
        %add3A_299 = arith.addf %add3A_298, %mul3A_296 : vector<16xf32>
        %mul3A_300 = arith.mulf %mul3A_286, %add3A_299 : vector<16xf32>
        %add3A_301 = arith.constant 1.000000e+00 : f32
        %add3A_302 = vector.broadcast %add3A_301 : f32 to vector<16xf32>
        %add3A_303 = arith.addf %add3A_302, %mul3A_300 : vector<16xf32>
        %mul3A_304 = arith.mulf %mul3A_289, %add3A_303 : vector<16xf32>
        %convert_element_type3A_305 = arith.sitofp %shift_right_arithmetic3A_275 : vector<16xi32> to vector<16xf32>
        %mul3A_306 = arith.constant 0.693147182 : f32
        %mul3A_307 = vector.broadcast %mul3A_306 : f32 to vector<16xf32>
        %mul3A_308 = arith.mulf %convert_element_type3A_305, %mul3A_307 : vector<16xf32>
        %add3A_309 = arith.addf %mul3A_308, %mul3A_304 : vector<16xf32>
        %add3A_310 = arith.addf %add3A_245, %add3A_309 : vector<16xf32>
        %add3A_311 = arith.constant 32 : i32
        %add3A_312 = vector.broadcast %add3A_311 : i32 to vector<16xi32>
        %add3A_313 = arith.addi %add3A_188, %add3A_312 : vector<16xi32>
        %gather3A_314 = arith.constant 0 : i32
        %gather3A_315 = tpu.memref_slice %arg7[%while3A_165, %gather3A_314] : memref<2x1600xi32, #tpu.memory_space<vmem>> -> memref<1x1600xi32, #tpu.memory_space<vmem>>
        %gather3A_316 = tpu.memref_squeeze %gather3A_315 : memref<1x1600xi32, #tpu.memory_space<vmem>> -> memref<1600xi32, #tpu.memory_space<vmem>>
        %gather3A_317 = tpu.vector_load_idx %gather3A_316[%add3A_313] : memref<1600xi32, #tpu.memory_space<vmem>>[vector<16xi32>], vector<16xi32>,
        %gather3A_318 = arith.constant 0 : i32
        %gather3A_319 = tpu.memref_slice %arg8[%while3A_165, %gather3A_318] : memref<2x1600xi32, #tpu.memory_space<vmem>> -> memref<1x1600xi32, #tpu.memory_space<vmem>>
        %gather3A_320 = tpu.memref_squeeze %gather3A_319 : memref<1x1600xi32, #tpu.memory_space<vmem>> -> memref<1600xi32, #tpu.memory_space<vmem>>
        %gather3A_321 = tpu.vector_load_idx %gather3A_320[%add3A_313] : memref<1600xi32, #tpu.memory_space<vmem>>[vector<16xi32>], vector<16xi32>,
        %gather3A_322 = tpu.vector_load_idx %arg6[%gather3A_317] : memref<100000xf32, #tpu.memory_space<vmem>>[vector<16xi32>], vector<16xf32>,
        %gather3A_323 = tpu.vector_load_idx %arg6[%gather3A_321] : memref<100000xf32, #tpu.memory_space<vmem>>[vector<16xi32>], vector<16xf32>,
        %mul3A_324 = arith.mulf %gather3A_322, %gather3A_323 : vector<16xf32>
        %max3A_325 = arith.constant 1.000000e-07 : f32
        %max3A_326 = vector.broadcast %max3A_325 : f32 to vector<16xf32>
        %max3A_327 = arith.maximumf %mul3A_324, %max3A_326 : vector<16xf32>
        %min3A_328 = arith.constant 0.99999988 : f32
        %min3A_329 = vector.broadcast %min3A_328 : f32 to vector<16xf32>
        %min3A_330 = arith.minimumf %max3A_327, %min3A_329 : vector<16xf32>
        %sub3A_331 = arith.constant 1.000000e+00 : f32
        %sub3A_332 = vector.broadcast %sub3A_331 : f32 to vector<16xf32>
        %sub3A_333 = arith.subf %sub3A_332, %min3A_330 : vector<16xf32>
        %broadcast_in_dim3A_334 = arith.constant 23 : i32
        %broadcast_in_dim3A_335 = vector.broadcast %broadcast_in_dim3A_334 : i32 to vector<16xi32>
        %bitcast_convert_type3A_336 = tpu.bitcast %sub3A_333 : vector<16xf32> -> vector<16xi32>
        %sub3A_337 = arith.constant 1060439283 : i32
        %sub3A_338 = vector.broadcast %sub3A_337 : i32 to vector<16xi32>
        %sub3A_339 = arith.subi %bitcast_convert_type3A_336, %sub3A_338 : vector<16xi32>
        %shift_right_arithmetic3A_340 = arith.shrsi %sub3A_339, %broadcast_in_dim3A_335 : vector<16xi32>
        %shift_left3A_341 = arith.shli %shift_right_arithmetic3A_340, %broadcast_in_dim3A_335 : vector<16xi32>
        %sub3A_342 = arith.subi %bitcast_convert_type3A_336, %shift_left3A_341 : vector<16xi32>
        %bitcast_convert_type3A_343 = tpu.bitcast %sub3A_342 : vector<16xi32> -> vector<16xf32>
        %sub3A_344 = arith.constant 1.000000e+00 : f32
        %sub3A_345 = vector.broadcast %sub3A_344 : f32 to vector<16xf32>
        %sub3A_346 = arith.subf %bitcast_convert_type3A_343, %sub3A_345 : vector<16xf32>
        %add3A_347 = arith.constant 1.000000e+00 : f32
        %add3A_348 = vector.broadcast %add3A_347 : f32 to vector<16xf32>
        %add3A_349 = arith.addf %bitcast_convert_type3A_343, %add3A_348 : vector<16xf32>
        %div3A_350 = arith.divf %sub3A_346, %add3A_349 : vector<16xf32>
        %mul3A_351 = arith.mulf %div3A_350, %div3A_350 : vector<16xf32>
        %mul3A_352 = arith.constant 2.000000e+00 : f32
        %mul3A_353 = vector.broadcast %mul3A_352 : f32 to vector<16xf32>
        %mul3A_354 = arith.mulf %mul3A_353, %div3A_350 : vector<16xf32>
        %mul3A_355 = arith.constant 0.142857149 : f32
        %mul3A_356 = vector.broadcast %mul3A_355 : f32 to vector<16xf32>
        %mul3A_357 = arith.mulf %mul3A_351, %mul3A_356 : vector<16xf32>
        %add3A_358 = arith.constant 2.000000e-01 : f32
        %add3A_359 = vector.broadcast %add3A_358 : f32 to vector<16xf32>
        %add3A_360 = arith.addf %add3A_359, %mul3A_357 : vector<16xf32>
        %mul3A_361 = arith.mulf %mul3A_351, %add3A_360 : vector<16xf32>
        %add3A_362 = arith.constant 0.333333343 : f32
        %add3A_363 = vector.broadcast %add3A_362 : f32 to vector<16xf32>
        %add3A_364 = arith.addf %add3A_363, %mul3A_361 : vector<16xf32>
        %mul3A_365 = arith.mulf %mul3A_351, %add3A_364 : vector<16xf32>
        %add3A_366 = arith.constant 1.000000e+00 : f32
        %add3A_367 = vector.broadcast %add3A_366 : f32 to vector<16xf32>
        %add3A_368 = arith.addf %add3A_367, %mul3A_365 : vector<16xf32>
        %mul3A_369 = arith.mulf %mul3A_354, %add3A_368 : vector<16xf32>
        %convert_element_type3A_370 = arith.sitofp %shift_right_arithmetic3A_340 : vector<16xi32> to vector<16xf32>
        %mul3A_371 = arith.constant 0.693147182 : f32
        %mul3A_372 = vector.broadcast %mul3A_371 : f32 to vector<16xf32>
        %mul3A_373 = arith.mulf %convert_element_type3A_370, %mul3A_372 : vector<16xf32>
        %add3A_374 = arith.addf %mul3A_373, %mul3A_369 : vector<16xf32>
        %add3A_375 = arith.addf %add3A_310, %add3A_374 : vector<16xf32>
        %add3A_376 = arith.constant 48 : i32
        %add3A_377 = vector.broadcast %add3A_376 : i32 to vector<16xi32>
        %add3A_378 = arith.addi %add3A_188, %add3A_377 : vector<16xi32>
        %gather3A_379 = arith.constant 0 : i32
        %gather3A_380 = tpu.memref_slice %arg7[%while3A_165, %gather3A_379] : memref<2x1600xi32, #tpu.memory_space<vmem>> -> memref<1x1600xi32, #tpu.memory_space<vmem>>
        %gather3A_381 = tpu.memref_squeeze %gather3A_380 : memref<1x1600xi32, #tpu.memory_space<vmem>> -> memref<1600xi32, #tpu.memory_space<vmem>>
        %gather3A_382 = tpu.vector_load_idx %gather3A_381[%add3A_378] : memref<1600xi32, #tpu.memory_space<vmem>>[vector<16xi32>], vector<16xi32>,
        %gather3A_383 = arith.constant 0 : i32
        %gather3A_384 = tpu.memref_slice %arg8[%while3A_165, %gather3A_383] : memref<2x1600xi32, #tpu.memory_space<vmem>> -> memref<1x1600xi32, #tpu.memory_space<vmem>>
        %gather3A_385 = tpu.memref_squeeze %gather3A_384 : memref<1x1600xi32, #tpu.memory_space<vmem>> -> memref<1600xi32, #tpu.memory_space<vmem>>
        %gather3A_386 = tpu.vector_load_idx %gather3A_385[%add3A_378] : memref<1600xi32, #tpu.memory_space<vmem>>[vector<16xi32>], vector<16xi32>,
        %gather3A_387 = tpu.vector_load_idx %arg6[%gather3A_382] : memref<100000xf32, #tpu.memory_space<vmem>>[vector<16xi32>], vector<16xf32>,
        %gather3A_388 = tpu.vector_load_idx %arg6[%gather3A_386] : memref<100000xf32, #tpu.memory_space<vmem>>[vector<16xi32>], vector<16xf32>,
        %mul3A_389 = arith.mulf %gather3A_387, %gather3A_388 : vector<16xf32>
        %max3A_390 = arith.constant 1.000000e-07 : f32
        %max3A_391 = vector.broadcast %max3A_390 : f32 to vector<16xf32>
        %max3A_392 = arith.maximumf %mul3A_389, %max3A_391 : vector<16xf32>
        %min3A_393 = arith.constant 0.99999988 : f32
        %min3A_394 = vector.broadcast %min3A_393 : f32 to vector<16xf32>
        %min3A_395 = arith.minimumf %max3A_392, %min3A_394 : vector<16xf32>
        %sub3A_396 = arith.constant 1.000000e+00 : f32
        %sub3A_397 = vector.broadcast %sub3A_396 : f32 to vector<16xf32>
        %sub3A_398 = arith.subf %sub3A_397, %min3A_395 : vector<16xf32>
        %broadcast_in_dim3A_399 = arith.constant 23 : i32
        %broadcast_in_dim3A_400 = vector.broadcast %broadcast_in_dim3A_399 : i32 to vector<16xi32>
        %bitcast_convert_type3A_401 = tpu.bitcast %sub3A_398 : vector<16xf32> -> vector<16xi32>
        %sub3A_402 = arith.constant 1060439283 : i32
        %sub3A_403 = vector.broadcast %sub3A_402 : i32 to vector<16xi32>
        %sub3A_404 = arith.subi %bitcast_convert_type3A_401, %sub3A_403 : vector<16xi32>
        %shift_right_arithmetic3A_405 = arith.shrsi %sub3A_404, %broadcast_in_dim3A_400 : vector<16xi32>
        %shift_left3A_406 = arith.shli %shift_right_arithmetic3A_405, %broadcast_in_dim3A_400 : vector<16xi32>
        %sub3A_407 = arith.subi %bitcast_convert_type3A_401, %shift_left3A_406 : vector<16xi32>
        %bitcast_convert_type3A_408 = tpu.bitcast %sub3A_407 : vector<16xi32> -> vector<16xf32>
        %sub3A_409 = arith.constant 1.000000e+00 : f32
        %sub3A_410 = vector.broadcast %sub3A_409 : f32 to vector<16xf32>
        %sub3A_411 = arith.subf %bitcast_convert_type3A_408, %sub3A_410 : vector<16xf32>
        %add3A_412 = arith.constant 1.000000e+00 : f32
        %add3A_413 = vector.broadcast %add3A_412 : f32 to vector<16xf32>
        %add3A_414 = arith.addf %bitcast_convert_type3A_408, %add3A_413 : vector<16xf32>
        %div3A_415 = arith.divf %sub3A_411, %add3A_414 : vector<16xf32>
        %mul3A_416 = arith.mulf %div3A_415, %div3A_415 : vector<16xf32>
        %mul3A_417 = arith.constant 2.000000e+00 : f32
        %mul3A_418 = vector.broadcast %mul3A_417 : f32 to vector<16xf32>
        %mul3A_419 = arith.mulf %mul3A_418, %div3A_415 : vector<16xf32>
        %mul3A_420 = arith.constant 0.142857149 : f32
        %mul3A_421 = vector.broadcast %mul3A_420 : f32 to vector<16xf32>
        %mul3A_422 = arith.mulf %mul3A_416, %mul3A_421 : vector<16xf32>
        %add3A_423 = arith.constant 2.000000e-01 : f32
        %add3A_424 = vector.broadcast %add3A_423 : f32 to vector<16xf32>
        %add3A_425 = arith.addf %add3A_424, %mul3A_422 : vector<16xf32>
        %mul3A_426 = arith.mulf %mul3A_416, %add3A_425 : vector<16xf32>
        %add3A_427 = arith.constant 0.333333343 : f32
        %add3A_428 = vector.broadcast %add3A_427 : f32 to vector<16xf32>
        %add3A_429 = arith.addf %add3A_428, %mul3A_426 : vector<16xf32>
        %mul3A_430 = arith.mulf %mul3A_416, %add3A_429 : vector<16xf32>
        %add3A_431 = arith.constant 1.000000e+00 : f32
        %add3A_432 = vector.broadcast %add3A_431 : f32 to vector<16xf32>
        %add3A_433 = arith.addf %add3A_432, %mul3A_430 : vector<16xf32>
        %mul3A_434 = arith.mulf %mul3A_419, %add3A_433 : vector<16xf32>
        %convert_element_type3A_435 = arith.sitofp %shift_right_arithmetic3A_405 : vector<16xi32> to vector<16xf32>
        %mul3A_436 = arith.constant 0.693147182 : f32
        %mul3A_437 = vector.broadcast %mul3A_436 : f32 to vector<16xf32>
        %mul3A_438 = arith.mulf %convert_element_type3A_435, %mul3A_437 : vector<16xf32>
        %add3A_439 = arith.addf %mul3A_438, %mul3A_434 : vector<16xf32>
        %add3A_440 = arith.addf %add3A_375, %add3A_439 : vector<16xf32>
        %add3A_441 = arith.constant 64 : i32
        %add3A_442 = vector.broadcast %add3A_441 : i32 to vector<16xi32>
        %add3A_443 = arith.addi %add3A_188, %add3A_442 : vector<16xi32>
        %gather3A_444 = arith.constant 0 : i32
        %gather3A_445 = tpu.memref_slice %arg7[%while3A_165, %gather3A_444] : memref<2x1600xi32, #tpu.memory_space<vmem>> -> memref<1x1600xi32, #tpu.memory_space<vmem>>
        %gather3A_446 = tpu.memref_squeeze %gather3A_445 : memref<1x1600xi32, #tpu.memory_space<vmem>> -> memref<1600xi32, #tpu.memory_space<vmem>>
        %gather3A_447 = tpu.vector_load_idx %gather3A_446[%add3A_443] : memref<1600xi32, #tpu.memory_space<vmem>>[vector<16xi32>], vector<16xi32>,
        %gather3A_448 = arith.constant 0 : i32
        %gather3A_449 = tpu.memref_slice %arg8[%while3A_165, %gather3A_448] : memref<2x1600xi32, #tpu.memory_space<vmem>> -> memref<1x1600xi32, #tpu.memory_space<vmem>>
        %gather3A_450 = tpu.memref_squeeze %gather3A_449 : memref<1x1600xi32, #tpu.memory_space<vmem>> -> memref<1600xi32, #tpu.memory_space<vmem>>
        %gather3A_451 = tpu.vector_load_idx %gather3A_450[%add3A_443] : memref<1600xi32, #tpu.memory_space<vmem>>[vector<16xi32>], vector<16xi32>,
        %gather3A_452 = tpu.vector_load_idx %arg6[%gather3A_447] : memref<100000xf32, #tpu.memory_space<vmem>>[vector<16xi32>], vector<16xf32>,
        %gather3A_453 = tpu.vector_load_idx %arg6[%gather3A_451] : memref<100000xf32, #tpu.memory_space<vmem>>[vector<16xi32>], vector<16xf32>,
        %mul3A_454 = arith.mulf %gather3A_452, %gather3A_453 : vector<16xf32>
        %max3A_455 = arith.constant 1.000000e-07 : f32
        %max3A_456 = vector.broadcast %max3A_455 : f32 to vector<16xf32>
        %max3A_457 = arith.maximumf %mul3A_454, %max3A_456 : vector<16xf32>
        %min3A_458 = arith.constant 0.99999988 : f32
        %min3A_459 = vector.broadcast %min3A_458 : f32 to vector<16xf32>
        %min3A_460 = arith.minimumf %max3A_457, %min3A_459 : vector<16xf32>
        %sub3A_461 = arith.constant 1.000000e+00 : f32
        %sub3A_462 = vector.broadcast %sub3A_461 : f32 to vector<16xf32>
        %sub3A_463 = arith.subf %sub3A_462, %min3A_460 : vector<16xf32>
        %broadcast_in_dim3A_464 = arith.constant 23 : i32
        %broadcast_in_dim3A_465 = vector.broadcast %broadcast_in_dim3A_464 : i32 to vector<16xi32>
        %bitcast_convert_type3A_466 = tpu.bitcast %sub3A_463 : vector<16xf32> -> vector<16xi32>
        %sub3A_467 = arith.constant 1060439283 : i32
        %sub3A_468 = vector.broadcast %sub3A_467 : i32 to vector<16xi32>
        %sub3A_469 = arith.subi %bitcast_convert_type3A_466, %sub3A_468 : vector<16xi32>
        %shift_right_arithmetic3A_470 = arith.shrsi %sub3A_469, %broadcast_in_dim3A_465 : vector<16xi32>
        %shift_left3A_471 = arith.shli %shift_right_arithmetic3A_470, %broadcast_in_dim3A_465 : vector<16xi32>
        %sub3A_472 = arith.subi %bitcast_convert_type3A_466, %shift_left3A_471 : vector<16xi32>
        %bitcast_convert_type3A_473 = tpu.bitcast %sub3A_472 : vector<16xi32> -> vector<16xf32>
        %sub3A_474 = arith.constant 1.000000e+00 : f32
        %sub3A_475 = vector.broadcast %sub3A_474 : f32 to vector<16xf32>
        %sub3A_476 = arith.subf %bitcast_convert_type3A_473, %sub3A_475 : vector<16xf32>
        %add3A_477 = arith.constant 1.000000e+00 : f32
        %add3A_478 = vector.broadcast %add3A_477 : f32 to vector<16xf32>
        %add3A_479 = arith.addf %bitcast_convert_type3A_473, %add3A_478 : vector<16xf32>
        %div3A_480 = arith.divf %sub3A_476, %add3A_479 : vector<16xf32>
        %mul3A_481 = arith.mulf %div3A_480, %div3A_480 : vector<16xf32>
        %mul3A_482 = arith.constant 2.000000e+00 : f32
        %mul3A_483 = vector.broadcast %mul3A_482 : f32 to vector<16xf32>
        %mul3A_484 = arith.mulf %mul3A_483, %div3A_480 : vector<16xf32>
        %mul3A_485 = arith.constant 0.142857149 : f32
        %mul3A_486 = vector.broadcast %mul3A_485 : f32 to vector<16xf32>
        %mul3A_487 = arith.mulf %mul3A_481, %mul3A_486 : vector<16xf32>
        %add3A_488 = arith.constant 2.000000e-01 : f32
        %add3A_489 = vector.broadcast %add3A_488 : f32 to vector<16xf32>
        %add3A_490 = arith.addf %add3A_489, %mul3A_487 : vector<16xf32>
        %mul3A_491 = arith.mulf %mul3A_481, %add3A_490 : vector<16xf32>
        %add3A_492 = arith.constant 0.333333343 : f32
        %add3A_493 = vector.broadcast %add3A_492 : f32 to vector<16xf32>
        %add3A_494 = arith.addf %add3A_493, %mul3A_491 : vector<16xf32>
        %mul3A_495 = arith.mulf %mul3A_481, %add3A_494 : vector<16xf32>
        %add3A_496 = arith.constant 1.000000e+00 : f32
        %add3A_497 = vector.broadcast %add3A_496 : f32 to vector<16xf32>
        %add3A_498 = arith.addf %add3A_497, %mul3A_495 : vector<16xf32>
        %mul3A_499 = arith.mulf %mul3A_484, %add3A_498 : vector<16xf32>
        %convert_element_type3A_500 = arith.sitofp %shift_right_arithmetic3A_470 : vector<16xi32> to vector<16xf32>
        %mul3A_501 = arith.constant 0.693147182 : f32
        %mul3A_502 = vector.broadcast %mul3A_501 : f32 to vector<16xf32>
        %mul3A_503 = arith.mulf %convert_element_type3A_500, %mul3A_502 : vector<16xf32>
        %add3A_504 = arith.addf %mul3A_503, %mul3A_499 : vector<16xf32>
        %add3A_505 = arith.addf %add3A_440, %add3A_504 : vector<16xf32>
        scf.yield %add3A_505 : vector<16xf32>
      }
      %add3A_178 = arith.addi %add3A_144, %while3A : i32
      %lt3A_179 = arith.constant 125 : i32
      %lt3A_180 = arith.cmpi slt, %add3A_178, %lt3A_179 : i32
      %convert_element_type3A_181 = arith.extui %lt3A_180 : i1 to i32
      %cond3A_182 = arith.constant 0 : i32
      %cond3A_183 = arith.cmpi ne, %convert_element_type3A_181, %cond3A_182 : i32
      scf.if %cond3A_183 {
        %add3A_184 = arith.addi %add3A_144, %while3A : i32
        %mul3A_185 = arith.muli %add3A_184, %while3A_47 : i32
        %add3A_186 = arith.addi %mul3A_2, %mul3A_185 : i32
        %dma_start3A_187 = arith.constant 1 : i32
        %dma_start3A_188 = arith.constant 0 : i32
        %dma_start3A_189 = tpu.memref_slice %arg7[%dma_start3A_187, %dma_start3A_188] : memref<2x1600xi32, #tpu.memory_space<vmem>> -> memref<1x1600xi32, #tpu.memory_space<vmem>>
        %dma_start3A_190 = tpu.memref_squeeze %dma_start3A_189 : memref<1x1600xi32, #tpu.memory_space<vmem>> -> memref<1600xi32, #tpu.memory_space<vmem>>
        %dma_start3A_191 = tpu.memref_slice %arg3[%add3A_186] : memref<6400000xi32, #tpu.memory_space<hbm>> -> memref<1600xi32, #tpu.memory_space<hbm>>
        %dma_start3A_192 = arith.constant 0 : i32
        %dma_start3A_193 = tpu.memref_slice %arg7[%dma_start3A_187, %dma_start3A_192] : memref<2x1600xi32, #tpu.memory_space<vmem>> -> memref<1x1600xi32, #tpu.memory_space<vmem>>
        %dma_start3A_194 = tpu.memref_squeeze %dma_start3A_193 : memref<1x1600xi32, #tpu.memory_space<vmem>> -> memref<1600xi32, #tpu.memory_space<vmem>>
        %dma_start3A_195 = tpu.memref_slice %arg3[%add3A_186] : memref<6400000xi32, #tpu.memory_space<hbm>> -> memref<1600xi32, #tpu.memory_space<hbm>>
        tpu.enqueue_dma source(%dma_start3A_195 : memref<1600xi32, #tpu.memory_space<hbm>>) target(%dma_start3A_194 : memref<1600xi32, #tpu.memory_space<vmem>>) target_semaphore(%arg12 : memref<!tpu.dma_semaphore, #tpu.memory_space<semaphore_mem>>)
        %dma_start3A_196 = arith.constant 1 : i32
        %dma_start3A_197 = arith.constant 0 : i32
        %dma_start3A_198 = tpu.memref_slice %arg8[%dma_start3A_196, %dma_start3A_197] : memref<2x1600xi32, #tpu.memory_space<vmem>> -> memref<1x1600xi32, #tpu.memory_space<vmem>>
        %dma_start3A_199 = tpu.memref_squeeze %dma_start3A_198 : memref<1x1600xi32, #tpu.memory_space<vmem>> -> memref<1600xi32, #tpu.memory_space<vmem>>
        %dma_start3A_200 = tpu.memref_slice %arg4[%add3A_186] : memref<6400000xi32, #tpu.memory_space<hbm>> -> memref<1600xi32, #tpu.memory_space<hbm>>
        %dma_start3A_201 = arith.constant 0 : i32
        %dma_start3A_202 = tpu.memref_slice %arg8[%dma_start3A_196, %dma_start3A_201] : memref<2x1600xi32, #tpu.memory_space<vmem>> -> memref<1x1600xi32, #tpu.memory_space<vmem>>
        %dma_start3A_203 = tpu.memref_squeeze %dma_start3A_202 : memref<1x1600xi32, #tpu.memory_space<vmem>> -> memref<1600xi32, #tpu.memory_space<vmem>>
        %dma_start3A_204 = tpu.memref_slice %arg4[%add3A_186] : memref<6400000xi32, #tpu.memory_space<hbm>> -> memref<1600xi32, #tpu.memory_space<hbm>>
        tpu.enqueue_dma source(%dma_start3A_204 : memref<1600xi32, #tpu.memory_space<hbm>>) target(%dma_start3A_203 : memref<1600xi32, #tpu.memory_space<vmem>>) target_semaphore(%arg12 : memref<!tpu.dma_semaphore, #tpu.memory_space<semaphore_mem>>)
      } else {
      }
      scf.yield %while3A_177 : vector<16xf32>
    }
    %mul3A_61 = arith.constant 124 : i32
    %mul3A_62 = arith.constant 1600 : i32
    %mul3A_63 = arith.muli %mul3A_61, %mul3A_62 : i32
    %add3A_64 = arith.addi %mul3A_2, %mul3A_63 : i32
    %dma_wait3A = arith.constant 0 : i32
    %dma_wait3A_65 = arith.constant 0 : i32
    %dma_wait3A_66 = tpu.memref_slice %arg7[%dma_wait3A, %dma_wait3A_65] : memref<2x1600xi32, #tpu.memory_space<vmem>> -> memref<1x1600xi32, #tpu.memory_space<vmem>>
    %dma_wait3A_67 = tpu.memref_squeeze %dma_wait3A_66 : memref<1x1600xi32, #tpu.memory_space<vmem>> -> memref<1600xi32, #tpu.memory_space<vmem>>
    %dma_wait3A_68 = tpu.memref_slice %arg3[%add3A_64] : memref<6400000xi32, #tpu.memory_space<hbm>> -> memref<1600xi32, #tpu.memory_space<hbm>>
    %dma_wait3A_69 = arith.constant 0 : i32
    %dma_wait3A_70 = tpu.memref_slice %arg7[%dma_wait3A, %dma_wait3A_69] : memref<2x1600xi32, #tpu.memory_space<vmem>> -> memref<1x1600xi32, #tpu.memory_space<vmem>>
    %dma_wait3A_71 = tpu.memref_squeeze %dma_wait3A_70 : memref<1x1600xi32, #tpu.memory_space<vmem>> -> memref<1600xi32, #tpu.memory_space<vmem>>
    %dma_wait3A_72 = tpu.memref_slice %arg3[%add3A_64] : memref<6400000xi32, #tpu.memory_space<hbm>> -> memref<1600xi32, #tpu.memory_space<hbm>>
    tpu.wait_dma2 semaphore(%arg11 : memref<!tpu.dma_semaphore, #tpu.memory_space<semaphore_mem>>) src(%dma_wait3A_72 : memref<1600xi32, #tpu.memory_space<hbm>>) dst(%dma_wait3A_71 : memref<1600xi32, #tpu.memory_space<vmem>>)
    %dma_wait3A_73 = arith.constant 0 : i32
    %dma_wait3A_74 = arith.constant 0 : i32
    %dma_wait3A_75 = tpu.memref_slice %arg8[%dma_wait3A_73, %dma_wait3A_74] : memref<2x1600xi32, #tpu.memory_space<vmem>> -> memref<1x1600xi32, #tpu.memory_space<vmem>>
    %dma_wait3A_76 = tpu.memref_squeeze %dma_wait3A_75 : memref<1x1600xi32, #tpu.memory_space<vmem>> -> memref<1600xi32, #tpu.memory_space<vmem>>
    %dma_wait3A_77 = tpu.memref_slice %arg4[%add3A_64] : memref<6400000xi32, #tpu.memory_space<hbm>> -> memref<1600xi32, #tpu.memory_space<hbm>>
    %dma_wait3A_78 = arith.constant 0 : i32
    %dma_wait3A_79 = tpu.memref_slice %arg8[%dma_wait3A_73, %dma_wait3A_78] : memref<2x1600xi32, #tpu.memory_space<vmem>> -> memref<1x1600xi32, #tpu.memory_space<vmem>>
    %dma_wait3A_80 = tpu.memref_squeeze %dma_wait3A_79 : memref<1x1600xi32, #tpu.memory_space<vmem>> -> memref<1600xi32, #tpu.memory_space<vmem>>
    %dma_wait3A_81 = tpu.memref_slice %arg4[%add3A_64] : memref<6400000xi32, #tpu.memory_space<hbm>> -> memref<1600xi32, #tpu.memory_space<hbm>>
    tpu.wait_dma2 semaphore(%arg11 : memref<!tpu.dma_semaphore, #tpu.memory_space<semaphore_mem>>) src(%dma_wait3A_81 : memref<1600xi32, #tpu.memory_space<hbm>>) dst(%dma_wait3A_80 : memref<1600xi32, #tpu.memory_space<vmem>>)
    %while3A_82 = arith.constant 80 : i32
    %while3A_83 = arith.constant 0 : i32
    %while3A_84 = arith.constant 0 : i32
    %while3A_85 = arith.constant 0 : i32
    %while3A_86 = arith.constant 20 : i32
    %while3A_87 = arith.subi %while3A_86, %while3A_85 : i32
    %while3A_88 = arith.addi %while3A_85, %while3A_87 : i32
    %while3A_89 = arith.constant 1 : i32
    %while3A_90 = arith.divsi %while3A_87, %while3A_89 : i32
    %while3A_91 = arith.muli %while3A_90, %while3A_89 : i32
    %while3A_92 = arith.addi %while3A_85, %while3A_91 : i32
    %while3A_93 = arith.constant 1 : i32
    %while3A_94 = scf.for %while3A_101 = %while3A_85 to %while3A_92 step %while3A_93 iter_args(%while3A_102 = %while3A_60) -> (vector<16xf32>)  : i32 {
      %mul3A_103 = arith.muli %while3A_101, %while3A_82 : i32
      %add3A_104 = vector.broadcast %mul3A_103 : i32 to vector<16xi32>
      %add3A_105 = arith.addi %add3A_104, %iota3A : vector<16xi32>
      %add3A_106 = arith.constant 0 : i32
      %add3A_107 = vector.broadcast %add3A_106 : i32 to vector<16xi32>
      %add3A_108 = arith.addi %add3A_105, %add3A_107 : vector<16xi32>
      %gather3A = arith.constant 0 : i32
      %gather3A_109 = tpu.memref_slice %arg7[%while3A_83, %gather3A] : memref<2x1600xi32, #tpu.memory_space<vmem>> -> memref<1x1600xi32, #tpu.memory_space<vmem>>
      %gather3A_110 = tpu.memref_squeeze %gather3A_109 : memref<1x1600xi32, #tpu.memory_space<vmem>> -> memref<1600xi32, #tpu.memory_space<vmem>>
      %gather3A_111 = tpu.vector_load_idx %gather3A_110[%add3A_108] : memref<1600xi32, #tpu.memory_space<vmem>>[vector<16xi32>], vector<16xi32>,
      %gather3A_112 = arith.constant 0 : i32
      %gather3A_113 = tpu.memref_slice %arg8[%while3A_84, %gather3A_112] : memref<2x1600xi32, #tpu.memory_space<vmem>> -> memref<1x1600xi32, #tpu.memory_space<vmem>>
      %gather3A_114 = tpu.memref_squeeze %gather3A_113 : memref<1x1600xi32, #tpu.memory_space<vmem>> -> memref<1600xi32, #tpu.memory_space<vmem>>
      %gather3A_115 = tpu.vector_load_idx %gather3A_114[%add3A_108] : memref<1600xi32, #tpu.memory_space<vmem>>[vector<16xi32>], vector<16xi32>,
      %gather3A_116 = tpu.vector_load_idx %arg6[%gather3A_111] : memref<100000xf32, #tpu.memory_space<vmem>>[vector<16xi32>], vector<16xf32>,
      %gather3A_117 = tpu.vector_load_idx %arg6[%gather3A_115] : memref<100000xf32, #tpu.memory_space<vmem>>[vector<16xi32>], vector<16xf32>,
      %mul3A_118 = arith.mulf %gather3A_116, %gather3A_117 : vector<16xf32>
      %max3A = arith.constant 1.000000e-07 : f32
      %max3A_119 = vector.broadcast %max3A : f32 to vector<16xf32>
      %max3A_120 = arith.maximumf %mul3A_118, %max3A_119 : vector<16xf32>
      %min3A = arith.constant 0.99999988 : f32
      %min3A_121 = vector.broadcast %min3A : f32 to vector<16xf32>
      %min3A_122 = arith.minimumf %max3A_120, %min3A_121 : vector<16xf32>
      %sub3A = arith.constant 1.000000e+00 : f32
      %sub3A_123 = vector.broadcast %sub3A : f32 to vector<16xf32>
      %sub3A_124 = arith.subf %sub3A_123, %min3A_122 : vector<16xf32>
      %broadcast_in_dim3A_125 = arith.constant 23 : i32
      %broadcast_in_dim3A_126 = vector.broadcast %broadcast_in_dim3A_125 : i32 to vector<16xi32>
      %bitcast_convert_type3A = tpu.bitcast %sub3A_124 : vector<16xf32> -> vector<16xi32>
      %sub3A_127 = arith.constant 1060439283 : i32
      %sub3A_128 = vector.broadcast %sub3A_127 : i32 to vector<16xi32>
      %sub3A_129 = arith.subi %bitcast_convert_type3A, %sub3A_128 : vector<16xi32>
      %shift_right_arithmetic3A = arith.shrsi %sub3A_129, %broadcast_in_dim3A_126 : vector<16xi32>
      %shift_left3A = arith.shli %shift_right_arithmetic3A, %broadcast_in_dim3A_126 : vector<16xi32>
      %sub3A_130 = arith.subi %bitcast_convert_type3A, %shift_left3A : vector<16xi32>
      %bitcast_convert_type3A_131 = tpu.bitcast %sub3A_130 : vector<16xi32> -> vector<16xf32>
      %sub3A_132 = arith.constant 1.000000e+00 : f32
      %sub3A_133 = vector.broadcast %sub3A_132 : f32 to vector<16xf32>
      %sub3A_134 = arith.subf %bitcast_convert_type3A_131, %sub3A_133 : vector<16xf32>
      %add3A_135 = arith.constant 1.000000e+00 : f32
      %add3A_136 = vector.broadcast %add3A_135 : f32 to vector<16xf32>
      %add3A_137 = arith.addf %bitcast_convert_type3A_131, %add3A_136 : vector<16xf32>
      %div3A = arith.divf %sub3A_134, %add3A_137 : vector<16xf32>
      %mul3A_138 = arith.mulf %div3A, %div3A : vector<16xf32>
      %mul3A_139 = arith.constant 2.000000e+00 : f32
      %mul3A_140 = vector.broadcast %mul3A_139 : f32 to vector<16xf32>
      %mul3A_141 = arith.mulf %mul3A_140, %div3A : vector<16xf32>
      %mul3A_142 = arith.constant 0.142857149 : f32
      %mul3A_143 = vector.broadcast %mul3A_142 : f32 to vector<16xf32>
      %mul3A_144 = arith.mulf %mul3A_138, %mul3A_143 : vector<16xf32>
      %add3A_145 = arith.constant 2.000000e-01 : f32
      %add3A_146 = vector.broadcast %add3A_145 : f32 to vector<16xf32>
      %add3A_147 = arith.addf %add3A_146, %mul3A_144 : vector<16xf32>
      %mul3A_148 = arith.mulf %mul3A_138, %add3A_147 : vector<16xf32>
      %add3A_149 = arith.constant 0.333333343 : f32
      %add3A_150 = vector.broadcast %add3A_149 : f32 to vector<16xf32>
      %add3A_151 = arith.addf %add3A_150, %mul3A_148 : vector<16xf32>
      %mul3A_152 = arith.mulf %mul3A_138, %add3A_151 : vector<16xf32>
      %add3A_153 = arith.constant 1.000000e+00 : f32
      %add3A_154 = vector.broadcast %add3A_153 : f32 to vector<16xf32>
      %add3A_155 = arith.addf %add3A_154, %mul3A_152 : vector<16xf32>
      %mul3A_156 = arith.mulf %mul3A_141, %add3A_155 : vector<16xf32>
      %convert_element_type3A = arith.sitofp %shift_right_arithmetic3A : vector<16xi32> to vector<16xf32>
      %mul3A_157 = arith.constant 0.693147182 : f32
      %mul3A_158 = vector.broadcast %mul3A_157 : f32 to vector<16xf32>
      %mul3A_159 = arith.mulf %convert_element_type3A, %mul3A_158 : vector<16xf32>
      %add3A_160 = arith.addf %mul3A_159, %mul3A_156 : vector<16xf32>
      %add3A_161 = arith.addf %while3A_102, %add3A_160 : vector<16xf32>
      %add3A_162 = arith.constant 16 : i32
      %add3A_163 = vector.broadcast %add3A_162 : i32 to vector<16xi32>
      %add3A_164 = arith.addi %add3A_105, %add3A_163 : vector<16xi32>
      %gather3A_165 = arith.constant 0 : i32
      %gather3A_166 = tpu.memref_slice %arg7[%while3A_83, %gather3A_165] : memref<2x1600xi32, #tpu.memory_space<vmem>> -> memref<1x1600xi32, #tpu.memory_space<vmem>>
      %gather3A_167 = tpu.memref_squeeze %gather3A_166 : memref<1x1600xi32, #tpu.memory_space<vmem>> -> memref<1600xi32, #tpu.memory_space<vmem>>
      %gather3A_168 = tpu.vector_load_idx %gather3A_167[%add3A_164] : memref<1600xi32, #tpu.memory_space<vmem>>[vector<16xi32>], vector<16xi32>,
      %gather3A_169 = arith.constant 0 : i32
      %gather3A_170 = tpu.memref_slice %arg8[%while3A_84, %gather3A_169] : memref<2x1600xi32, #tpu.memory_space<vmem>> -> memref<1x1600xi32, #tpu.memory_space<vmem>>
      %gather3A_171 = tpu.memref_squeeze %gather3A_170 : memref<1x1600xi32, #tpu.memory_space<vmem>> -> memref<1600xi32, #tpu.memory_space<vmem>>
      %gather3A_172 = tpu.vector_load_idx %gather3A_171[%add3A_164] : memref<1600xi32, #tpu.memory_space<vmem>>[vector<16xi32>], vector<16xi32>,
      %gather3A_173 = tpu.vector_load_idx %arg6[%gather3A_168] : memref<100000xf32, #tpu.memory_space<vmem>>[vector<16xi32>], vector<16xf32>,
      %gather3A_174 = tpu.vector_load_idx %arg6[%gather3A_172] : memref<100000xf32, #tpu.memory_space<vmem>>[vector<16xi32>], vector<16xf32>,
      %mul3A_175 = arith.mulf %gather3A_173, %gather3A_174 : vector<16xf32>
      %max3A_176 = arith.constant 1.000000e-07 : f32
      %max3A_177 = vector.broadcast %max3A_176 : f32 to vector<16xf32>
      %max3A_178 = arith.maximumf %mul3A_175, %max3A_177 : vector<16xf32>
      %min3A_179 = arith.constant 0.99999988 : f32
      %min3A_180 = vector.broadcast %min3A_179 : f32 to vector<16xf32>
      %min3A_181 = arith.minimumf %max3A_178, %min3A_180 : vector<16xf32>
      %sub3A_182 = arith.constant 1.000000e+00 : f32
      %sub3A_183 = vector.broadcast %sub3A_182 : f32 to vector<16xf32>
      %sub3A_184 = arith.subf %sub3A_183, %min3A_181 : vector<16xf32>
      %broadcast_in_dim3A_185 = arith.constant 23 : i32
      %broadcast_in_dim3A_186 = vector.broadcast %broadcast_in_dim3A_185 : i32 to vector<16xi32>
      %bitcast_convert_type3A_187 = tpu.bitcast %sub3A_184 : vector<16xf32> -> vector<16xi32>
      %sub3A_188 = arith.constant 1060439283 : i32
      %sub3A_189 = vector.broadcast %sub3A_188 : i32 to vector<16xi32>
      %sub3A_190 = arith.subi %bitcast_convert_type3A_187, %sub3A_189 : vector<16xi32>
      %shift_right_arithmetic3A_191 = arith.shrsi %sub3A_190, %broadcast_in_dim3A_186 : vector<16xi32>
      %shift_left3A_192 = arith.shli %shift_right_arithmetic3A_191, %broadcast_in_dim3A_186 : vector<16xi32>
      %sub3A_193 = arith.subi %bitcast_convert_type3A_187, %shift_left3A_192 : vector<16xi32>
      %bitcast_convert_type3A_194 = tpu.bitcast %sub3A_193 : vector<16xi32> -> vector<16xf32>
      %sub3A_195 = arith.constant 1.000000e+00 : f32
      %sub3A_196 = vector.broadcast %sub3A_195 : f32 to vector<16xf32>
      %sub3A_197 = arith.subf %bitcast_convert_type3A_194, %sub3A_196 : vector<16xf32>
      %add3A_198 = arith.constant 1.000000e+00 : f32
      %add3A_199 = vector.broadcast %add3A_198 : f32 to vector<16xf32>
      %add3A_200 = arith.addf %bitcast_convert_type3A_194, %add3A_199 : vector<16xf32>
      %div3A_201 = arith.divf %sub3A_197, %add3A_200 : vector<16xf32>
      %mul3A_202 = arith.mulf %div3A_201, %div3A_201 : vector<16xf32>
      %mul3A_203 = arith.constant 2.000000e+00 : f32
      %mul3A_204 = vector.broadcast %mul3A_203 : f32 to vector<16xf32>
      %mul3A_205 = arith.mulf %mul3A_204, %div3A_201 : vector<16xf32>
      %mul3A_206 = arith.constant 0.142857149 : f32
      %mul3A_207 = vector.broadcast %mul3A_206 : f32 to vector<16xf32>
      %mul3A_208 = arith.mulf %mul3A_202, %mul3A_207 : vector<16xf32>
      %add3A_209 = arith.constant 2.000000e-01 : f32
      %add3A_210 = vector.broadcast %add3A_209 : f32 to vector<16xf32>
      %add3A_211 = arith.addf %add3A_210, %mul3A_208 : vector<16xf32>
      %mul3A_212 = arith.mulf %mul3A_202, %add3A_211 : vector<16xf32>
      %add3A_213 = arith.constant 0.333333343 : f32
      %add3A_214 = vector.broadcast %add3A_213 : f32 to vector<16xf32>
      %add3A_215 = arith.addf %add3A_214, %mul3A_212 : vector<16xf32>
      %mul3A_216 = arith.mulf %mul3A_202, %add3A_215 : vector<16xf32>
      %add3A_217 = arith.constant 1.000000e+00 : f32
      %add3A_218 = vector.broadcast %add3A_217 : f32 to vector<16xf32>
      %add3A_219 = arith.addf %add3A_218, %mul3A_216 : vector<16xf32>
      %mul3A_220 = arith.mulf %mul3A_205, %add3A_219 : vector<16xf32>
      %convert_element_type3A_221 = arith.sitofp %shift_right_arithmetic3A_191 : vector<16xi32> to vector<16xf32>
      %mul3A_222 = arith.constant 0.693147182 : f32
      %mul3A_223 = vector.broadcast %mul3A_222 : f32 to vector<16xf32>
      %mul3A_224 = arith.mulf %convert_element_type3A_221, %mul3A_223 : vector<16xf32>
      %add3A_225 = arith.addf %mul3A_224, %mul3A_220 : vector<16xf32>
      %add3A_226 = arith.addf %add3A_161, %add3A_225 : vector<16xf32>
      %add3A_227 = arith.constant 32 : i32
      %add3A_228 = vector.broadcast %add3A_227 : i32 to vector<16xi32>
      %add3A_229 = arith.addi %add3A_105, %add3A_228 : vector<16xi32>
      %gather3A_230 = arith.constant 0 : i32
      %gather3A_231 = tpu.memref_slice %arg7[%while3A_83, %gather3A_230] : memref<2x1600xi32, #tpu.memory_space<vmem>> -> memref<1x1600xi32, #tpu.memory_space<vmem>>
      %gather3A_232 = tpu.memref_squeeze %gather3A_231 : memref<1x1600xi32, #tpu.memory_space<vmem>> -> memref<1600xi32, #tpu.memory_space<vmem>>
      %gather3A_233 = tpu.vector_load_idx %gather3A_232[%add3A_229] : memref<1600xi32, #tpu.memory_space<vmem>>[vector<16xi32>], vector<16xi32>,
      %gather3A_234 = arith.constant 0 : i32
      %gather3A_235 = tpu.memref_slice %arg8[%while3A_84, %gather3A_234] : memref<2x1600xi32, #tpu.memory_space<vmem>> -> memref<1x1600xi32, #tpu.memory_space<vmem>>
      %gather3A_236 = tpu.memref_squeeze %gather3A_235 : memref<1x1600xi32, #tpu.memory_space<vmem>> -> memref<1600xi32, #tpu.memory_space<vmem>>
      %gather3A_237 = tpu.vector_load_idx %gather3A_236[%add3A_229] : memref<1600xi32, #tpu.memory_space<vmem>>[vector<16xi32>], vector<16xi32>,
      %gather3A_238 = tpu.vector_load_idx %arg6[%gather3A_233] : memref<100000xf32, #tpu.memory_space<vmem>>[vector<16xi32>], vector<16xf32>,
      %gather3A_239 = tpu.vector_load_idx %arg6[%gather3A_237] : memref<100000xf32, #tpu.memory_space<vmem>>[vector<16xi32>], vector<16xf32>,
      %mul3A_240 = arith.mulf %gather3A_238, %gather3A_239 : vector<16xf32>
      %max3A_241 = arith.constant 1.000000e-07 : f32
      %max3A_242 = vector.broadcast %max3A_241 : f32 to vector<16xf32>
      %max3A_243 = arith.maximumf %mul3A_240, %max3A_242 : vector<16xf32>
      %min3A_244 = arith.constant 0.99999988 : f32
      %min3A_245 = vector.broadcast %min3A_244 : f32 to vector<16xf32>
      %min3A_246 = arith.minimumf %max3A_243, %min3A_245 : vector<16xf32>
      %sub3A_247 = arith.constant 1.000000e+00 : f32
      %sub3A_248 = vector.broadcast %sub3A_247 : f32 to vector<16xf32>
      %sub3A_249 = arith.subf %sub3A_248, %min3A_246 : vector<16xf32>
      %broadcast_in_dim3A_250 = arith.constant 23 : i32
      %broadcast_in_dim3A_251 = vector.broadcast %broadcast_in_dim3A_250 : i32 to vector<16xi32>
      %bitcast_convert_type3A_252 = tpu.bitcast %sub3A_249 : vector<16xf32> -> vector<16xi32>
      %sub3A_253 = arith.constant 1060439283 : i32
      %sub3A_254 = vector.broadcast %sub3A_253 : i32 to vector<16xi32>
      %sub3A_255 = arith.subi %bitcast_convert_type3A_252, %sub3A_254 : vector<16xi32>
      %shift_right_arithmetic3A_256 = arith.shrsi %sub3A_255, %broadcast_in_dim3A_251 : vector<16xi32>
      %shift_left3A_257 = arith.shli %shift_right_arithmetic3A_256, %broadcast_in_dim3A_251 : vector<16xi32>
      %sub3A_258 = arith.subi %bitcast_convert_type3A_252, %shift_left3A_257 : vector<16xi32>
      %bitcast_convert_type3A_259 = tpu.bitcast %sub3A_258 : vector<16xi32> -> vector<16xf32>
      %sub3A_260 = arith.constant 1.000000e+00 : f32
      %sub3A_261 = vector.broadcast %sub3A_260 : f32 to vector<16xf32>
      %sub3A_262 = arith.subf %bitcast_convert_type3A_259, %sub3A_261 : vector<16xf32>
      %add3A_263 = arith.constant 1.000000e+00 : f32
      %add3A_264 = vector.broadcast %add3A_263 : f32 to vector<16xf32>
      %add3A_265 = arith.addf %bitcast_convert_type3A_259, %add3A_264 : vector<16xf32>
      %div3A_266 = arith.divf %sub3A_262, %add3A_265 : vector<16xf32>
      %mul3A_267 = arith.mulf %div3A_266, %div3A_266 : vector<16xf32>
      %mul3A_268 = arith.constant 2.000000e+00 : f32
      %mul3A_269 = vector.broadcast %mul3A_268 : f32 to vector<16xf32>
      %mul3A_270 = arith.mulf %mul3A_269, %div3A_266 : vector<16xf32>
      %mul3A_271 = arith.constant 0.142857149 : f32
      %mul3A_272 = vector.broadcast %mul3A_271 : f32 to vector<16xf32>
      %mul3A_273 = arith.mulf %mul3A_267, %mul3A_272 : vector<16xf32>
      %add3A_274 = arith.constant 2.000000e-01 : f32
      %add3A_275 = vector.broadcast %add3A_274 : f32 to vector<16xf32>
      %add3A_276 = arith.addf %add3A_275, %mul3A_273 : vector<16xf32>
      %mul3A_277 = arith.mulf %mul3A_267, %add3A_276 : vector<16xf32>
      %add3A_278 = arith.constant 0.333333343 : f32
      %add3A_279 = vector.broadcast %add3A_278 : f32 to vector<16xf32>
      %add3A_280 = arith.addf %add3A_279, %mul3A_277 : vector<16xf32>
      %mul3A_281 = arith.mulf %mul3A_267, %add3A_280 : vector<16xf32>
      %add3A_282 = arith.constant 1.000000e+00 : f32
      %add3A_283 = vector.broadcast %add3A_282 : f32 to vector<16xf32>
      %add3A_284 = arith.addf %add3A_283, %mul3A_281 : vector<16xf32>
      %mul3A_285 = arith.mulf %mul3A_270, %add3A_284 : vector<16xf32>
      %convert_element_type3A_286 = arith.sitofp %shift_right_arithmetic3A_256 : vector<16xi32> to vector<16xf32>
      %mul3A_287 = arith.constant 0.693147182 : f32
      %mul3A_288 = vector.broadcast %mul3A_287 : f32 to vector<16xf32>
      %mul3A_289 = arith.mulf %convert_element_type3A_286, %mul3A_288 : vector<16xf32>
      %add3A_290 = arith.addf %mul3A_289, %mul3A_285 : vector<16xf32>
      %add3A_291 = arith.addf %add3A_226, %add3A_290 : vector<16xf32>
      %add3A_292 = arith.constant 48 : i32
      %add3A_293 = vector.broadcast %add3A_292 : i32 to vector<16xi32>
      %add3A_294 = arith.addi %add3A_105, %add3A_293 : vector<16xi32>
      %gather3A_295 = arith.constant 0 : i32
      %gather3A_296 = tpu.memref_slice %arg7[%while3A_83, %gather3A_295] : memref<2x1600xi32, #tpu.memory_space<vmem>> -> memref<1x1600xi32, #tpu.memory_space<vmem>>
      %gather3A_297 = tpu.memref_squeeze %gather3A_296 : memref<1x1600xi32, #tpu.memory_space<vmem>> -> memref<1600xi32, #tpu.memory_space<vmem>>
      %gather3A_298 = tpu.vector_load_idx %gather3A_297[%add3A_294] : memref<1600xi32, #tpu.memory_space<vmem>>[vector<16xi32>], vector<16xi32>,
      %gather3A_299 = arith.constant 0 : i32
      %gather3A_300 = tpu.memref_slice %arg8[%while3A_84, %gather3A_299] : memref<2x1600xi32, #tpu.memory_space<vmem>> -> memref<1x1600xi32, #tpu.memory_space<vmem>>
      %gather3A_301 = tpu.memref_squeeze %gather3A_300 : memref<1x1600xi32, #tpu.memory_space<vmem>> -> memref<1600xi32, #tpu.memory_space<vmem>>
      %gather3A_302 = tpu.vector_load_idx %gather3A_301[%add3A_294] : memref<1600xi32, #tpu.memory_space<vmem>>[vector<16xi32>], vector<16xi32>,
      %gather3A_303 = tpu.vector_load_idx %arg6[%gather3A_298] : memref<100000xf32, #tpu.memory_space<vmem>>[vector<16xi32>], vector<16xf32>,
      %gather3A_304 = tpu.vector_load_idx %arg6[%gather3A_302] : memref<100000xf32, #tpu.memory_space<vmem>>[vector<16xi32>], vector<16xf32>,
      %mul3A_305 = arith.mulf %gather3A_303, %gather3A_304 : vector<16xf32>
      %max3A_306 = arith.constant 1.000000e-07 : f32
      %max3A_307 = vector.broadcast %max3A_306 : f32 to vector<16xf32>
      %max3A_308 = arith.maximumf %mul3A_305, %max3A_307 : vector<16xf32>
      %min3A_309 = arith.constant 0.99999988 : f32
      %min3A_310 = vector.broadcast %min3A_309 : f32 to vector<16xf32>
      %min3A_311 = arith.minimumf %max3A_308, %min3A_310 : vector<16xf32>
      %sub3A_312 = arith.constant 1.000000e+00 : f32
      %sub3A_313 = vector.broadcast %sub3A_312 : f32 to vector<16xf32>
      %sub3A_314 = arith.subf %sub3A_313, %min3A_311 : vector<16xf32>
      %broadcast_in_dim3A_315 = arith.constant 23 : i32
      %broadcast_in_dim3A_316 = vector.broadcast %broadcast_in_dim3A_315 : i32 to vector<16xi32>
      %bitcast_convert_type3A_317 = tpu.bitcast %sub3A_314 : vector<16xf32> -> vector<16xi32>
      %sub3A_318 = arith.constant 1060439283 : i32
      %sub3A_319 = vector.broadcast %sub3A_318 : i32 to vector<16xi32>
      %sub3A_320 = arith.subi %bitcast_convert_type3A_317, %sub3A_319 : vector<16xi32>
      %shift_right_arithmetic3A_321 = arith.shrsi %sub3A_320, %broadcast_in_dim3A_316 : vector<16xi32>
      %shift_left3A_322 = arith.shli %shift_right_arithmetic3A_321, %broadcast_in_dim3A_316 : vector<16xi32>
      %sub3A_323 = arith.subi %bitcast_convert_type3A_317, %shift_left3A_322 : vector<16xi32>
      %bitcast_convert_type3A_324 = tpu.bitcast %sub3A_323 : vector<16xi32> -> vector<16xf32>
      %sub3A_325 = arith.constant 1.000000e+00 : f32
      %sub3A_326 = vector.broadcast %sub3A_325 : f32 to vector<16xf32>
      %sub3A_327 = arith.subf %bitcast_convert_type3A_324, %sub3A_326 : vector<16xf32>
      %add3A_328 = arith.constant 1.000000e+00 : f32
      %add3A_329 = vector.broadcast %add3A_328 : f32 to vector<16xf32>
      %add3A_330 = arith.addf %bitcast_convert_type3A_324, %add3A_329 : vector<16xf32>
      %div3A_331 = arith.divf %sub3A_327, %add3A_330 : vector<16xf32>
      %mul3A_332 = arith.mulf %div3A_331, %div3A_331 : vector<16xf32>
      %mul3A_333 = arith.constant 2.000000e+00 : f32
      %mul3A_334 = vector.broadcast %mul3A_333 : f32 to vector<16xf32>
      %mul3A_335 = arith.mulf %mul3A_334, %div3A_331 : vector<16xf32>
      %mul3A_336 = arith.constant 0.142857149 : f32
      %mul3A_337 = vector.broadcast %mul3A_336 : f32 to vector<16xf32>
      %mul3A_338 = arith.mulf %mul3A_332, %mul3A_337 : vector<16xf32>
      %add3A_339 = arith.constant 2.000000e-01 : f32
      %add3A_340 = vector.broadcast %add3A_339 : f32 to vector<16xf32>
      %add3A_341 = arith.addf %add3A_340, %mul3A_338 : vector<16xf32>
      %mul3A_342 = arith.mulf %mul3A_332, %add3A_341 : vector<16xf32>
      %add3A_343 = arith.constant 0.333333343 : f32
      %add3A_344 = vector.broadcast %add3A_343 : f32 to vector<16xf32>
      %add3A_345 = arith.addf %add3A_344, %mul3A_342 : vector<16xf32>
      %mul3A_346 = arith.mulf %mul3A_332, %add3A_345 : vector<16xf32>
      %add3A_347 = arith.constant 1.000000e+00 : f32
      %add3A_348 = vector.broadcast %add3A_347 : f32 to vector<16xf32>
      %add3A_349 = arith.addf %add3A_348, %mul3A_346 : vector<16xf32>
      %mul3A_350 = arith.mulf %mul3A_335, %add3A_349 : vector<16xf32>
      %convert_element_type3A_351 = arith.sitofp %shift_right_arithmetic3A_321 : vector<16xi32> to vector<16xf32>
      %mul3A_352 = arith.constant 0.693147182 : f32
      %mul3A_353 = vector.broadcast %mul3A_352 : f32 to vector<16xf32>
      %mul3A_354 = arith.mulf %convert_element_type3A_351, %mul3A_353 : vector<16xf32>
      %add3A_355 = arith.addf %mul3A_354, %mul3A_350 : vector<16xf32>
      %add3A_356 = arith.addf %add3A_291, %add3A_355 : vector<16xf32>
      %add3A_357 = arith.constant 64 : i32
      %add3A_358 = vector.broadcast %add3A_357 : i32 to vector<16xi32>
      %add3A_359 = arith.addi %add3A_105, %add3A_358 : vector<16xi32>
      %gather3A_360 = arith.constant 0 : i32
      %gather3A_361 = tpu.memref_slice %arg7[%while3A_83, %gather3A_360] : memref<2x1600xi32, #tpu.memory_space<vmem>> -> memref<1x1600xi32, #tpu.memory_space<vmem>>
      %gather3A_362 = tpu.memref_squeeze %gather3A_361 : memref<1x1600xi32, #tpu.memory_space<vmem>> -> memref<1600xi32, #tpu.memory_space<vmem>>
      %gather3A_363 = tpu.vector_load_idx %gather3A_362[%add3A_359] : memref<1600xi32, #tpu.memory_space<vmem>>[vector<16xi32>], vector<16xi32>,
      %gather3A_364 = arith.constant 0 : i32
      %gather3A_365 = tpu.memref_slice %arg8[%while3A_84, %gather3A_364] : memref<2x1600xi32, #tpu.memory_space<vmem>> -> memref<1x1600xi32, #tpu.memory_space<vmem>>
      %gather3A_366 = tpu.memref_squeeze %gather3A_365 : memref<1x1600xi32, #tpu.memory_space<vmem>> -> memref<1600xi32, #tpu.memory_space<vmem>>
      %gather3A_367 = tpu.vector_load_idx %gather3A_366[%add3A_359] : memref<1600xi32, #tpu.memory_space<vmem>>[vector<16xi32>], vector<16xi32>,
      %gather3A_368 = tpu.vector_load_idx %arg6[%gather3A_363] : memref<100000xf32, #tpu.memory_space<vmem>>[vector<16xi32>], vector<16xf32>,
      %gather3A_369 = tpu.vector_load_idx %arg6[%gather3A_367] : memref<100000xf32, #tpu.memory_space<vmem>>[vector<16xi32>], vector<16xf32>,
      %mul3A_370 = arith.mulf %gather3A_368, %gather3A_369 : vector<16xf32>
      %max3A_371 = arith.constant 1.000000e-07 : f32
      %max3A_372 = vector.broadcast %max3A_371 : f32 to vector<16xf32>
      %max3A_373 = arith.maximumf %mul3A_370, %max3A_372 : vector<16xf32>
      %min3A_374 = arith.constant 0.99999988 : f32
      %min3A_375 = vector.broadcast %min3A_374 : f32 to vector<16xf32>
      %min3A_376 = arith.minimumf %max3A_373, %min3A_375 : vector<16xf32>
      %sub3A_377 = arith.constant 1.000000e+00 : f32
      %sub3A_378 = vector.broadcast %sub3A_377 : f32 to vector<16xf32>
      %sub3A_379 = arith.subf %sub3A_378, %min3A_376 : vector<16xf32>
      %broadcast_in_dim3A_380 = arith.constant 23 : i32
      %broadcast_in_dim3A_381 = vector.broadcast %broadcast_in_dim3A_380 : i32 to vector<16xi32>
      %bitcast_convert_type3A_382 = tpu.bitcast %sub3A_379 : vector<16xf32> -> vector<16xi32>
      %sub3A_383 = arith.constant 1060439283 : i32
      %sub3A_384 = vector.broadcast %sub3A_383 : i32 to vector<16xi32>
      %sub3A_385 = arith.subi %bitcast_convert_type3A_382, %sub3A_384 : vector<16xi32>
      %shift_right_arithmetic3A_386 = arith.shrsi %sub3A_385, %broadcast_in_dim3A_381 : vector<16xi32>
      %shift_left3A_387 = arith.shli %shift_right_arithmetic3A_386, %broadcast_in_dim3A_381 : vector<16xi32>
      %sub3A_388 = arith.subi %bitcast_convert_type3A_382, %shift_left3A_387 : vector<16xi32>
      %bitcast_convert_type3A_389 = tpu.bitcast %sub3A_388 : vector<16xi32> -> vector<16xf32>
      %sub3A_390 = arith.constant 1.000000e+00 : f32
      %sub3A_391 = vector.broadcast %sub3A_390 : f32 to vector<16xf32>
      %sub3A_392 = arith.subf %bitcast_convert_type3A_389, %sub3A_391 : vector<16xf32>
      %add3A_393 = arith.constant 1.000000e+00 : f32
      %add3A_394 = vector.broadcast %add3A_393 : f32 to vector<16xf32>
      %add3A_395 = arith.addf %bitcast_convert_type3A_389, %add3A_394 : vector<16xf32>
      %div3A_396 = arith.divf %sub3A_392, %add3A_395 : vector<16xf32>
      %mul3A_397 = arith.mulf %div3A_396, %div3A_396 : vector<16xf32>
      %mul3A_398 = arith.constant 2.000000e+00 : f32
      %mul3A_399 = vector.broadcast %mul3A_398 : f32 to vector<16xf32>
      %mul3A_400 = arith.mulf %mul3A_399, %div3A_396 : vector<16xf32>
      %mul3A_401 = arith.constant 0.142857149 : f32
      %mul3A_402 = vector.broadcast %mul3A_401 : f32 to vector<16xf32>
      %mul3A_403 = arith.mulf %mul3A_397, %mul3A_402 : vector<16xf32>
      %add3A_404 = arith.constant 2.000000e-01 : f32
      %add3A_405 = vector.broadcast %add3A_404 : f32 to vector<16xf32>
      %add3A_406 = arith.addf %add3A_405, %mul3A_403 : vector<16xf32>
      %mul3A_407 = arith.mulf %mul3A_397, %add3A_406 : vector<16xf32>
      %add3A_408 = arith.constant 0.333333343 : f32
      %add3A_409 = vector.broadcast %add3A_408 : f32 to vector<16xf32>
      %add3A_410 = arith.addf %add3A_409, %mul3A_407 : vector<16xf32>
      %mul3A_411 = arith.mulf %mul3A_397, %add3A_410 : vector<16xf32>
      %add3A_412 = arith.constant 1.000000e+00 : f32
      %add3A_413 = vector.broadcast %add3A_412 : f32 to vector<16xf32>
      %add3A_414 = arith.addf %add3A_413, %mul3A_411 : vector<16xf32>
      %mul3A_415 = arith.mulf %mul3A_400, %add3A_414 : vector<16xf32>
      %convert_element_type3A_416 = arith.sitofp %shift_right_arithmetic3A_386 : vector<16xi32> to vector<16xf32>
      %mul3A_417 = arith.constant 0.693147182 : f32
      %mul3A_418 = vector.broadcast %mul3A_417 : f32 to vector<16xf32>
      %mul3A_419 = arith.mulf %convert_element_type3A_416, %mul3A_418 : vector<16xf32>
      %add3A_420 = arith.addf %mul3A_419, %mul3A_415 : vector<16xf32>
      %add3A_421 = arith.addf %add3A_356, %add3A_420 : vector<16xf32>
      scf.yield %add3A_421 : vector<16xf32>
    }
    %while3A_95 = arith.constant 1 : i32
    %while3A_96 = scf.for %while3A_101 = %while3A_92 to %while3A_88 step %while3A_95 iter_args(%while3A_102 = %while3A_94) -> (vector<16xf32>)  : i32 {
      %mul3A_103 = arith.muli %while3A_101, %while3A_82 : i32
      %add3A_104 = vector.broadcast %mul3A_103 : i32 to vector<16xi32>
      %add3A_105 = arith.addi %add3A_104, %iota3A : vector<16xi32>
      %add3A_106 = arith.constant 0 : i32
      %add3A_107 = vector.broadcast %add3A_106 : i32 to vector<16xi32>
      %add3A_108 = arith.addi %add3A_105, %add3A_107 : vector<16xi32>
      %gather3A = arith.constant 0 : i32
      %gather3A_109 = tpu.memref_slice %arg7[%while3A_83, %gather3A] : memref<2x1600xi32, #tpu.memory_space<vmem>> -> memref<1x1600xi32, #tpu.memory_space<vmem>>
      %gather3A_110 = tpu.memref_squeeze %gather3A_109 : memref<1x1600xi32, #tpu.memory_space<vmem>> -> memref<1600xi32, #tpu.memory_space<vmem>>
      %gather3A_111 = tpu.vector_load_idx %gather3A_110[%add3A_108] : memref<1600xi32, #tpu.memory_space<vmem>>[vector<16xi32>], vector<16xi32>,
      %gather3A_112 = arith.constant 0 : i32
      %gather3A_113 = tpu.memref_slice %arg8[%while3A_84, %gather3A_112] : memref<2x1600xi32, #tpu.memory_space<vmem>> -> memref<1x1600xi32, #tpu.memory_space<vmem>>
      %gather3A_114 = tpu.memref_squeeze %gather3A_113 : memref<1x1600xi32, #tpu.memory_space<vmem>> -> memref<1600xi32, #tpu.memory_space<vmem>>
      %gather3A_115 = tpu.vector_load_idx %gather3A_114[%add3A_108] : memref<1600xi32, #tpu.memory_space<vmem>>[vector<16xi32>], vector<16xi32>,
      %gather3A_116 = tpu.vector_load_idx %arg6[%gather3A_111] : memref<100000xf32, #tpu.memory_space<vmem>>[vector<16xi32>], vector<16xf32>,
      %gather3A_117 = tpu.vector_load_idx %arg6[%gather3A_115] : memref<100000xf32, #tpu.memory_space<vmem>>[vector<16xi32>], vector<16xf32>,
      %mul3A_118 = arith.mulf %gather3A_116, %gather3A_117 : vector<16xf32>
      %max3A = arith.constant 1.000000e-07 : f32
      %max3A_119 = vector.broadcast %max3A : f32 to vector<16xf32>
      %max3A_120 = arith.maximumf %mul3A_118, %max3A_119 : vector<16xf32>
      %min3A = arith.constant 0.99999988 : f32
      %min3A_121 = vector.broadcast %min3A : f32 to vector<16xf32>
      %min3A_122 = arith.minimumf %max3A_120, %min3A_121 : vector<16xf32>
      %sub3A = arith.constant 1.000000e+00 : f32
      %sub3A_123 = vector.broadcast %sub3A : f32 to vector<16xf32>
      %sub3A_124 = arith.subf %sub3A_123, %min3A_122 : vector<16xf32>
      %broadcast_in_dim3A_125 = arith.constant 23 : i32
      %broadcast_in_dim3A_126 = vector.broadcast %broadcast_in_dim3A_125 : i32 to vector<16xi32>
      %bitcast_convert_type3A = tpu.bitcast %sub3A_124 : vector<16xf32> -> vector<16xi32>
      %sub3A_127 = arith.constant 1060439283 : i32
      %sub3A_128 = vector.broadcast %sub3A_127 : i32 to vector<16xi32>
      %sub3A_129 = arith.subi %bitcast_convert_type3A, %sub3A_128 : vector<16xi32>
      %shift_right_arithmetic3A = arith.shrsi %sub3A_129, %broadcast_in_dim3A_126 : vector<16xi32>
      %shift_left3A = arith.shli %shift_right_arithmetic3A, %broadcast_in_dim3A_126 : vector<16xi32>
      %sub3A_130 = arith.subi %bitcast_convert_type3A, %shift_left3A : vector<16xi32>
      %bitcast_convert_type3A_131 = tpu.bitcast %sub3A_130 : vector<16xi32> -> vector<16xf32>
      %sub3A_132 = arith.constant 1.000000e+00 : f32
      %sub3A_133 = vector.broadcast %sub3A_132 : f32 to vector<16xf32>
      %sub3A_134 = arith.subf %bitcast_convert_type3A_131, %sub3A_133 : vector<16xf32>
      %add3A_135 = arith.constant 1.000000e+00 : f32
      %add3A_136 = vector.broadcast %add3A_135 : f32 to vector<16xf32>
      %add3A_137 = arith.addf %bitcast_convert_type3A_131, %add3A_136 : vector<16xf32>
      %div3A = arith.divf %sub3A_134, %add3A_137 : vector<16xf32>
      %mul3A_138 = arith.mulf %div3A, %div3A : vector<16xf32>
      %mul3A_139 = arith.constant 2.000000e+00 : f32
      %mul3A_140 = vector.broadcast %mul3A_139 : f32 to vector<16xf32>
      %mul3A_141 = arith.mulf %mul3A_140, %div3A : vector<16xf32>
      %mul3A_142 = arith.constant 0.142857149 : f32
      %mul3A_143 = vector.broadcast %mul3A_142 : f32 to vector<16xf32>
      %mul3A_144 = arith.mulf %mul3A_138, %mul3A_143 : vector<16xf32>
      %add3A_145 = arith.constant 2.000000e-01 : f32
      %add3A_146 = vector.broadcast %add3A_145 : f32 to vector<16xf32>
      %add3A_147 = arith.addf %add3A_146, %mul3A_144 : vector<16xf32>
      %mul3A_148 = arith.mulf %mul3A_138, %add3A_147 : vector<16xf32>
      %add3A_149 = arith.constant 0.333333343 : f32
      %add3A_150 = vector.broadcast %add3A_149 : f32 to vector<16xf32>
      %add3A_151 = arith.addf %add3A_150, %mul3A_148 : vector<16xf32>
      %mul3A_152 = arith.mulf %mul3A_138, %add3A_151 : vector<16xf32>
      %add3A_153 = arith.constant 1.000000e+00 : f32
      %add3A_154 = vector.broadcast %add3A_153 : f32 to vector<16xf32>
      %add3A_155 = arith.addf %add3A_154, %mul3A_152 : vector<16xf32>
      %mul3A_156 = arith.mulf %mul3A_141, %add3A_155 : vector<16xf32>
      %convert_element_type3A = arith.sitofp %shift_right_arithmetic3A : vector<16xi32> to vector<16xf32>
      %mul3A_157 = arith.constant 0.693147182 : f32
      %mul3A_158 = vector.broadcast %mul3A_157 : f32 to vector<16xf32>
      %mul3A_159 = arith.mulf %convert_element_type3A, %mul3A_158 : vector<16xf32>
      %add3A_160 = arith.addf %mul3A_159, %mul3A_156 : vector<16xf32>
      %add3A_161 = arith.addf %while3A_102, %add3A_160 : vector<16xf32>
      %add3A_162 = arith.constant 16 : i32
      %add3A_163 = vector.broadcast %add3A_162 : i32 to vector<16xi32>
      %add3A_164 = arith.addi %add3A_105, %add3A_163 : vector<16xi32>
      %gather3A_165 = arith.constant 0 : i32
      %gather3A_166 = tpu.memref_slice %arg7[%while3A_83, %gather3A_165] : memref<2x1600xi32, #tpu.memory_space<vmem>> -> memref<1x1600xi32, #tpu.memory_space<vmem>>
      %gather3A_167 = tpu.memref_squeeze %gather3A_166 : memref<1x1600xi32, #tpu.memory_space<vmem>> -> memref<1600xi32, #tpu.memory_space<vmem>>
      %gather3A_168 = tpu.vector_load_idx %gather3A_167[%add3A_164] : memref<1600xi32, #tpu.memory_space<vmem>>[vector<16xi32>], vector<16xi32>,
      %gather3A_169 = arith.constant 0 : i32
      %gather3A_170 = tpu.memref_slice %arg8[%while3A_84, %gather3A_169] : memref<2x1600xi32, #tpu.memory_space<vmem>> -> memref<1x1600xi32, #tpu.memory_space<vmem>>
      %gather3A_171 = tpu.memref_squeeze %gather3A_170 : memref<1x1600xi32, #tpu.memory_space<vmem>> -> memref<1600xi32, #tpu.memory_space<vmem>>
      %gather3A_172 = tpu.vector_load_idx %gather3A_171[%add3A_164] : memref<1600xi32, #tpu.memory_space<vmem>>[vector<16xi32>], vector<16xi32>,
      %gather3A_173 = tpu.vector_load_idx %arg6[%gather3A_168] : memref<100000xf32, #tpu.memory_space<vmem>>[vector<16xi32>], vector<16xf32>,
      %gather3A_174 = tpu.vector_load_idx %arg6[%gather3A_172] : memref<100000xf32, #tpu.memory_space<vmem>>[vector<16xi32>], vector<16xf32>,
      %mul3A_175 = arith.mulf %gather3A_173, %gather3A_174 : vector<16xf32>
      %max3A_176 = arith.constant 1.000000e-07 : f32
      %max3A_177 = vector.broadcast %max3A_176 : f32 to vector<16xf32>
      %max3A_178 = arith.maximumf %mul3A_175, %max3A_177 : vector<16xf32>
      %min3A_179 = arith.constant 0.99999988 : f32
      %min3A_180 = vector.broadcast %min3A_179 : f32 to vector<16xf32>
      %min3A_181 = arith.minimumf %max3A_178, %min3A_180 : vector<16xf32>
      %sub3A_182 = arith.constant 1.000000e+00 : f32
      %sub3A_183 = vector.broadcast %sub3A_182 : f32 to vector<16xf32>
      %sub3A_184 = arith.subf %sub3A_183, %min3A_181 : vector<16xf32>
      %broadcast_in_dim3A_185 = arith.constant 23 : i32
      %broadcast_in_dim3A_186 = vector.broadcast %broadcast_in_dim3A_185 : i32 to vector<16xi32>
      %bitcast_convert_type3A_187 = tpu.bitcast %sub3A_184 : vector<16xf32> -> vector<16xi32>
      %sub3A_188 = arith.constant 1060439283 : i32
      %sub3A_189 = vector.broadcast %sub3A_188 : i32 to vector<16xi32>
      %sub3A_190 = arith.subi %bitcast_convert_type3A_187, %sub3A_189 : vector<16xi32>
      %shift_right_arithmetic3A_191 = arith.shrsi %sub3A_190, %broadcast_in_dim3A_186 : vector<16xi32>
      %shift_left3A_192 = arith.shli %shift_right_arithmetic3A_191, %broadcast_in_dim3A_186 : vector<16xi32>
      %sub3A_193 = arith.subi %bitcast_convert_type3A_187, %shift_left3A_192 : vector<16xi32>
      %bitcast_convert_type3A_194 = tpu.bitcast %sub3A_193 : vector<16xi32> -> vector<16xf32>
      %sub3A_195 = arith.constant 1.000000e+00 : f32
      %sub3A_196 = vector.broadcast %sub3A_195 : f32 to vector<16xf32>
      %sub3A_197 = arith.subf %bitcast_convert_type3A_194, %sub3A_196 : vector<16xf32>
      %add3A_198 = arith.constant 1.000000e+00 : f32
      %add3A_199 = vector.broadcast %add3A_198 : f32 to vector<16xf32>
      %add3A_200 = arith.addf %bitcast_convert_type3A_194, %add3A_199 : vector<16xf32>
      %div3A_201 = arith.divf %sub3A_197, %add3A_200 : vector<16xf32>
      %mul3A_202 = arith.mulf %div3A_201, %div3A_201 : vector<16xf32>
      %mul3A_203 = arith.constant 2.000000e+00 : f32
      %mul3A_204 = vector.broadcast %mul3A_203 : f32 to vector<16xf32>
      %mul3A_205 = arith.mulf %mul3A_204, %div3A_201 : vector<16xf32>
      %mul3A_206 = arith.constant 0.142857149 : f32
      %mul3A_207 = vector.broadcast %mul3A_206 : f32 to vector<16xf32>
      %mul3A_208 = arith.mulf %mul3A_202, %mul3A_207 : vector<16xf32>
      %add3A_209 = arith.constant 2.000000e-01 : f32
      %add3A_210 = vector.broadcast %add3A_209 : f32 to vector<16xf32>
      %add3A_211 = arith.addf %add3A_210, %mul3A_208 : vector<16xf32>
      %mul3A_212 = arith.mulf %mul3A_202, %add3A_211 : vector<16xf32>
      %add3A_213 = arith.constant 0.333333343 : f32
      %add3A_214 = vector.broadcast %add3A_213 : f32 to vector<16xf32>
      %add3A_215 = arith.addf %add3A_214, %mul3A_212 : vector<16xf32>
      %mul3A_216 = arith.mulf %mul3A_202, %add3A_215 : vector<16xf32>
      %add3A_217 = arith.constant 1.000000e+00 : f32
      %add3A_218 = vector.broadcast %add3A_217 : f32 to vector<16xf32>
      %add3A_219 = arith.addf %add3A_218, %mul3A_216 : vector<16xf32>
      %mul3A_220 = arith.mulf %mul3A_205, %add3A_219 : vector<16xf32>
      %convert_element_type3A_221 = arith.sitofp %shift_right_arithmetic3A_191 : vector<16xi32> to vector<16xf32>
      %mul3A_222 = arith.constant 0.693147182 : f32
      %mul3A_223 = vector.broadcast %mul3A_222 : f32 to vector<16xf32>
      %mul3A_224 = arith.mulf %convert_element_type3A_221, %mul3A_223 : vector<16xf32>
      %add3A_225 = arith.addf %mul3A_224, %mul3A_220 : vector<16xf32>
      %add3A_226 = arith.addf %add3A_161, %add3A_225 : vector<16xf32>
      %add3A_227 = arith.constant 32 : i32
      %add3A_228 = vector.broadcast %add3A_227 : i32 to vector<16xi32>
      %add3A_229 = arith.addi %add3A_105, %add3A_228 : vector<16xi32>
      %gather3A_230 = arith.constant 0 : i32
      %gather3A_231 = tpu.memref_slice %arg7[%while3A_83, %gather3A_230] : memref<2x1600xi32, #tpu.memory_space<vmem>> -> memref<1x1600xi32, #tpu.memory_space<vmem>>
      %gather3A_232 = tpu.memref_squeeze %gather3A_231 : memref<1x1600xi32, #tpu.memory_space<vmem>> -> memref<1600xi32, #tpu.memory_space<vmem>>
      %gather3A_233 = tpu.vector_load_idx %gather3A_232[%add3A_229] : memref<1600xi32, #tpu.memory_space<vmem>>[vector<16xi32>], vector<16xi32>,
      %gather3A_234 = arith.constant 0 : i32
      %gather3A_235 = tpu.memref_slice %arg8[%while3A_84, %gather3A_234] : memref<2x1600xi32, #tpu.memory_space<vmem>> -> memref<1x1600xi32, #tpu.memory_space<vmem>>
      %gather3A_236 = tpu.memref_squeeze %gather3A_235 : memref<1x1600xi32, #tpu.memory_space<vmem>> -> memref<1600xi32, #tpu.memory_space<vmem>>
      %gather3A_237 = tpu.vector_load_idx %gather3A_236[%add3A_229] : memref<1600xi32, #tpu.memory_space<vmem>>[vector<16xi32>], vector<16xi32>,
      %gather3A_238 = tpu.vector_load_idx %arg6[%gather3A_233] : memref<100000xf32, #tpu.memory_space<vmem>>[vector<16xi32>], vector<16xf32>,
      %gather3A_239 = tpu.vector_load_idx %arg6[%gather3A_237] : memref<100000xf32, #tpu.memory_space<vmem>>[vector<16xi32>], vector<16xf32>,
      %mul3A_240 = arith.mulf %gather3A_238, %gather3A_239 : vector<16xf32>
      %max3A_241 = arith.constant 1.000000e-07 : f32
      %max3A_242 = vector.broadcast %max3A_241 : f32 to vector<16xf32>
      %max3A_243 = arith.maximumf %mul3A_240, %max3A_242 : vector<16xf32>
      %min3A_244 = arith.constant 0.99999988 : f32
      %min3A_245 = vector.broadcast %min3A_244 : f32 to vector<16xf32>
      %min3A_246 = arith.minimumf %max3A_243, %min3A_245 : vector<16xf32>
      %sub3A_247 = arith.constant 1.000000e+00 : f32
      %sub3A_248 = vector.broadcast %sub3A_247 : f32 to vector<16xf32>
      %sub3A_249 = arith.subf %sub3A_248, %min3A_246 : vector<16xf32>
      %broadcast_in_dim3A_250 = arith.constant 23 : i32
      %broadcast_in_dim3A_251 = vector.broadcast %broadcast_in_dim3A_250 : i32 to vector<16xi32>
      %bitcast_convert_type3A_252 = tpu.bitcast %sub3A_249 : vector<16xf32> -> vector<16xi32>
      %sub3A_253 = arith.constant 1060439283 : i32
      %sub3A_254 = vector.broadcast %sub3A_253 : i32 to vector<16xi32>
      %sub3A_255 = arith.subi %bitcast_convert_type3A_252, %sub3A_254 : vector<16xi32>
      %shift_right_arithmetic3A_256 = arith.shrsi %sub3A_255, %broadcast_in_dim3A_251 : vector<16xi32>
      %shift_left3A_257 = arith.shli %shift_right_arithmetic3A_256, %broadcast_in_dim3A_251 : vector<16xi32>
      %sub3A_258 = arith.subi %bitcast_convert_type3A_252, %shift_left3A_257 : vector<16xi32>
      %bitcast_convert_type3A_259 = tpu.bitcast %sub3A_258 : vector<16xi32> -> vector<16xf32>
      %sub3A_260 = arith.constant 1.000000e+00 : f32
      %sub3A_261 = vector.broadcast %sub3A_260 : f32 to vector<16xf32>
      %sub3A_262 = arith.subf %bitcast_convert_type3A_259, %sub3A_261 : vector<16xf32>
      %add3A_263 = arith.constant 1.000000e+00 : f32
      %add3A_264 = vector.broadcast %add3A_263 : f32 to vector<16xf32>
      %add3A_265 = arith.addf %bitcast_convert_type3A_259, %add3A_264 : vector<16xf32>
      %div3A_266 = arith.divf %sub3A_262, %add3A_265 : vector<16xf32>
      %mul3A_267 = arith.mulf %div3A_266, %div3A_266 : vector<16xf32>
      %mul3A_268 = arith.constant 2.000000e+00 : f32
      %mul3A_269 = vector.broadcast %mul3A_268 : f32 to vector<16xf32>
      %mul3A_270 = arith.mulf %mul3A_269, %div3A_266 : vector<16xf32>
      %mul3A_271 = arith.constant 0.142857149 : f32
      %mul3A_272 = vector.broadcast %mul3A_271 : f32 to vector<16xf32>
      %mul3A_273 = arith.mulf %mul3A_267, %mul3A_272 : vector<16xf32>
      %add3A_274 = arith.constant 2.000000e-01 : f32
      %add3A_275 = vector.broadcast %add3A_274 : f32 to vector<16xf32>
      %add3A_276 = arith.addf %add3A_275, %mul3A_273 : vector<16xf32>
      %mul3A_277 = arith.mulf %mul3A_267, %add3A_276 : vector<16xf32>
      %add3A_278 = arith.constant 0.333333343 : f32
      %add3A_279 = vector.broadcast %add3A_278 : f32 to vector<16xf32>
      %add3A_280 = arith.addf %add3A_279, %mul3A_277 : vector<16xf32>
      %mul3A_281 = arith.mulf %mul3A_267, %add3A_280 : vector<16xf32>
      %add3A_282 = arith.constant 1.000000e+00 : f32
      %add3A_283 = vector.broadcast %add3A_282 : f32 to vector<16xf32>
      %add3A_284 = arith.addf %add3A_283, %mul3A_281 : vector<16xf32>
      %mul3A_285 = arith.mulf %mul3A_270, %add3A_284 : vector<16xf32>
      %convert_element_type3A_286 = arith.sitofp %shift_right_arithmetic3A_256 : vector<16xi32> to vector<16xf32>
      %mul3A_287 = arith.constant 0.693147182 : f32
      %mul3A_288 = vector.broadcast %mul3A_287 : f32 to vector<16xf32>
      %mul3A_289 = arith.mulf %convert_element_type3A_286, %mul3A_288 : vector<16xf32>
      %add3A_290 = arith.addf %mul3A_289, %mul3A_285 : vector<16xf32>
      %add3A_291 = arith.addf %add3A_226, %add3A_290 : vector<16xf32>
      %add3A_292 = arith.constant 48 : i32
      %add3A_293 = vector.broadcast %add3A_292 : i32 to vector<16xi32>
      %add3A_294 = arith.addi %add3A_105, %add3A_293 : vector<16xi32>
      %gather3A_295 = arith.constant 0 : i32
      %gather3A_296 = tpu.memref_slice %arg7[%while3A_83, %gather3A_295] : memref<2x1600xi32, #tpu.memory_space<vmem>> -> memref<1x1600xi32, #tpu.memory_space<vmem>>
      %gather3A_297 = tpu.memref_squeeze %gather3A_296 : memref<1x1600xi32, #tpu.memory_space<vmem>> -> memref<1600xi32, #tpu.memory_space<vmem>>
      %gather3A_298 = tpu.vector_load_idx %gather3A_297[%add3A_294] : memref<1600xi32, #tpu.memory_space<vmem>>[vector<16xi32>], vector<16xi32>,
      %gather3A_299 = arith.constant 0 : i32
      %gather3A_300 = tpu.memref_slice %arg8[%while3A_84, %gather3A_299] : memref<2x1600xi32, #tpu.memory_space<vmem>> -> memref<1x1600xi32, #tpu.memory_space<vmem>>
      %gather3A_301 = tpu.memref_squeeze %gather3A_300 : memref<1x1600xi32, #tpu.memory_space<vmem>> -> memref<1600xi32, #tpu.memory_space<vmem>>
      %gather3A_302 = tpu.vector_load_idx %gather3A_301[%add3A_294] : memref<1600xi32, #tpu.memory_space<vmem>>[vector<16xi32>], vector<16xi32>,
      %gather3A_303 = tpu.vector_load_idx %arg6[%gather3A_298] : memref<100000xf32, #tpu.memory_space<vmem>>[vector<16xi32>], vector<16xf32>,
      %gather3A_304 = tpu.vector_load_idx %arg6[%gather3A_302] : memref<100000xf32, #tpu.memory_space<vmem>>[vector<16xi32>], vector<16xf32>,
      %mul3A_305 = arith.mulf %gather3A_303, %gather3A_304 : vector<16xf32>
      %max3A_306 = arith.constant 1.000000e-07 : f32
      %max3A_307 = vector.broadcast %max3A_306 : f32 to vector<16xf32>
      %max3A_308 = arith.maximumf %mul3A_305, %max3A_307 : vector<16xf32>
      %min3A_309 = arith.constant 0.99999988 : f32
      %min3A_310 = vector.broadcast %min3A_309 : f32 to vector<16xf32>
      %min3A_311 = arith.minimumf %max3A_308, %min3A_310 : vector<16xf32>
      %sub3A_312 = arith.constant 1.000000e+00 : f32
      %sub3A_313 = vector.broadcast %sub3A_312 : f32 to vector<16xf32>
      %sub3A_314 = arith.subf %sub3A_313, %min3A_311 : vector<16xf32>
      %broadcast_in_dim3A_315 = arith.constant 23 : i32
      %broadcast_in_dim3A_316 = vector.broadcast %broadcast_in_dim3A_315 : i32 to vector<16xi32>
      %bitcast_convert_type3A_317 = tpu.bitcast %sub3A_314 : vector<16xf32> -> vector<16xi32>
      %sub3A_318 = arith.constant 1060439283 : i32
      %sub3A_319 = vector.broadcast %sub3A_318 : i32 to vector<16xi32>
      %sub3A_320 = arith.subi %bitcast_convert_type3A_317, %sub3A_319 : vector<16xi32>
      %shift_right_arithmetic3A_321 = arith.shrsi %sub3A_320, %broadcast_in_dim3A_316 : vector<16xi32>
      %shift_left3A_322 = arith.shli %shift_right_arithmetic3A_321, %broadcast_in_dim3A_316 : vector<16xi32>
      %sub3A_323 = arith.subi %bitcast_convert_type3A_317, %shift_left3A_322 : vector<16xi32>
      %bitcast_convert_type3A_324 = tpu.bitcast %sub3A_323 : vector<16xi32> -> vector<16xf32>
      %sub3A_325 = arith.constant 1.000000e+00 : f32
      %sub3A_326 = vector.broadcast %sub3A_325 : f32 to vector<16xf32>
      %sub3A_327 = arith.subf %bitcast_convert_type3A_324, %sub3A_326 : vector<16xf32>
      %add3A_328 = arith.constant 1.000000e+00 : f32
      %add3A_329 = vector.broadcast %add3A_328 : f32 to vector<16xf32>
      %add3A_330 = arith.addf %bitcast_convert_type3A_324, %add3A_329 : vector<16xf32>
      %div3A_331 = arith.divf %sub3A_327, %add3A_330 : vector<16xf32>
      %mul3A_332 = arith.mulf %div3A_331, %div3A_331 : vector<16xf32>
      %mul3A_333 = arith.constant 2.000000e+00 : f32
      %mul3A_334 = vector.broadcast %mul3A_333 : f32 to vector<16xf32>
      %mul3A_335 = arith.mulf %mul3A_334, %div3A_331 : vector<16xf32>
      %mul3A_336 = arith.constant 0.142857149 : f32
      %mul3A_337 = vector.broadcast %mul3A_336 : f32 to vector<16xf32>
      %mul3A_338 = arith.mulf %mul3A_332, %mul3A_337 : vector<16xf32>
      %add3A_339 = arith.constant 2.000000e-01 : f32
      %add3A_340 = vector.broadcast %add3A_339 : f32 to vector<16xf32>
      %add3A_341 = arith.addf %add3A_340, %mul3A_338 : vector<16xf32>
      %mul3A_342 = arith.mulf %mul3A_332, %add3A_341 : vector<16xf32>
      %add3A_343 = arith.constant 0.333333343 : f32
      %add3A_344 = vector.broadcast %add3A_343 : f32 to vector<16xf32>
      %add3A_345 = arith.addf %add3A_344, %mul3A_342 : vector<16xf32>
      %mul3A_346 = arith.mulf %mul3A_332, %add3A_345 : vector<16xf32>
      %add3A_347 = arith.constant 1.000000e+00 : f32
      %add3A_348 = vector.broadcast %add3A_347 : f32 to vector<16xf32>
      %add3A_349 = arith.addf %add3A_348, %mul3A_346 : vector<16xf32>
      %mul3A_350 = arith.mulf %mul3A_335, %add3A_349 : vector<16xf32>
      %convert_element_type3A_351 = arith.sitofp %shift_right_arithmetic3A_321 : vector<16xi32> to vector<16xf32>
      %mul3A_352 = arith.constant 0.693147182 : f32
      %mul3A_353 = vector.broadcast %mul3A_352 : f32 to vector<16xf32>
      %mul3A_354 = arith.mulf %convert_element_type3A_351, %mul3A_353 : vector<16xf32>
      %add3A_355 = arith.addf %mul3A_354, %mul3A_350 : vector<16xf32>
      %add3A_356 = arith.addf %add3A_291, %add3A_355 : vector<16xf32>
      %add3A_357 = arith.constant 64 : i32
      %add3A_358 = vector.broadcast %add3A_357 : i32 to vector<16xi32>
      %add3A_359 = arith.addi %add3A_105, %add3A_358 : vector<16xi32>
      %gather3A_360 = arith.constant 0 : i32
      %gather3A_361 = tpu.memref_slice %arg7[%while3A_83, %gather3A_360] : memref<2x1600xi32, #tpu.memory_space<vmem>> -> memref<1x1600xi32, #tpu.memory_space<vmem>>
      %gather3A_362 = tpu.memref_squeeze %gather3A_361 : memref<1x1600xi32, #tpu.memory_space<vmem>> -> memref<1600xi32, #tpu.memory_space<vmem>>
      %gather3A_363 = tpu.vector_load_idx %gather3A_362[%add3A_359] : memref<1600xi32, #tpu.memory_space<vmem>>[vector<16xi32>], vector<16xi32>,
      %gather3A_364 = arith.constant 0 : i32
      %gather3A_365 = tpu.memref_slice %arg8[%while3A_84, %gather3A_364] : memref<2x1600xi32, #tpu.memory_space<vmem>> -> memref<1x1600xi32, #tpu.memory_space<vmem>>
      %gather3A_366 = tpu.memref_squeeze %gather3A_365 : memref<1x1600xi32, #tpu.memory_space<vmem>> -> memref<1600xi32, #tpu.memory_space<vmem>>
      %gather3A_367 = tpu.vector_load_idx %gather3A_366[%add3A_359] : memref<1600xi32, #tpu.memory_space<vmem>>[vector<16xi32>], vector<16xi32>,
      %gather3A_368 = tpu.vector_load_idx %arg6[%gather3A_363] : memref<100000xf32, #tpu.memory_space<vmem>>[vector<16xi32>], vector<16xf32>,
      %gather3A_369 = tpu.vector_load_idx %arg6[%gather3A_367] : memref<100000xf32, #tpu.memory_space<vmem>>[vector<16xi32>], vector<16xf32>,
      %mul3A_370 = arith.mulf %gather3A_368, %gather3A_369 : vector<16xf32>
      %max3A_371 = arith.constant 1.000000e-07 : f32
      %max3A_372 = vector.broadcast %max3A_371 : f32 to vector<16xf32>
      %max3A_373 = arith.maximumf %mul3A_370, %max3A_372 : vector<16xf32>
      %min3A_374 = arith.constant 0.99999988 : f32
      %min3A_375 = vector.broadcast %min3A_374 : f32 to vector<16xf32>
      %min3A_376 = arith.minimumf %max3A_373, %min3A_375 : vector<16xf32>
      %sub3A_377 = arith.constant 1.000000e+00 : f32
      %sub3A_378 = vector.broadcast %sub3A_377 : f32 to vector<16xf32>
      %sub3A_379 = arith.subf %sub3A_378, %min3A_376 : vector<16xf32>
      %broadcast_in_dim3A_380 = arith.constant 23 : i32
      %broadcast_in_dim3A_381 = vector.broadcast %broadcast_in_dim3A_380 : i32 to vector<16xi32>
      %bitcast_convert_type3A_382 = tpu.bitcast %sub3A_379 : vector<16xf32> -> vector<16xi32>
      %sub3A_383 = arith.constant 1060439283 : i32
      %sub3A_384 = vector.broadcast %sub3A_383 : i32 to vector<16xi32>
      %sub3A_385 = arith.subi %bitcast_convert_type3A_382, %sub3A_384 : vector<16xi32>
      %shift_right_arithmetic3A_386 = arith.shrsi %sub3A_385, %broadcast_in_dim3A_381 : vector<16xi32>
      %shift_left3A_387 = arith.shli %shift_right_arithmetic3A_386, %broadcast_in_dim3A_381 : vector<16xi32>
      %sub3A_388 = arith.subi %bitcast_convert_type3A_382, %shift_left3A_387 : vector<16xi32>
      %bitcast_convert_type3A_389 = tpu.bitcast %sub3A_388 : vector<16xi32> -> vector<16xf32>
      %sub3A_390 = arith.constant 1.000000e+00 : f32
      %sub3A_391 = vector.broadcast %sub3A_390 : f32 to vector<16xf32>
      %sub3A_392 = arith.subf %bitcast_convert_type3A_389, %sub3A_391 : vector<16xf32>
      %add3A_393 = arith.constant 1.000000e+00 : f32
      %add3A_394 = vector.broadcast %add3A_393 : f32 to vector<16xf32>
      %add3A_395 = arith.addf %bitcast_convert_type3A_389, %add3A_394 : vector<16xf32>
      %div3A_396 = arith.divf %sub3A_392, %add3A_395 : vector<16xf32>
      %mul3A_397 = arith.mulf %div3A_396, %div3A_396 : vector<16xf32>
      %mul3A_398 = arith.constant 2.000000e+00 : f32
      %mul3A_399 = vector.broadcast %mul3A_398 : f32 to vector<16xf32>
      %mul3A_400 = arith.mulf %mul3A_399, %div3A_396 : vector<16xf32>
      %mul3A_401 = arith.constant 0.142857149 : f32
      %mul3A_402 = vector.broadcast %mul3A_401 : f32 to vector<16xf32>
      %mul3A_403 = arith.mulf %mul3A_397, %mul3A_402 : vector<16xf32>
      %add3A_404 = arith.constant 2.000000e-01 : f32
      %add3A_405 = vector.broadcast %add3A_404 : f32 to vector<16xf32>
      %add3A_406 = arith.addf %add3A_405, %mul3A_403 : vector<16xf32>
      %mul3A_407 = arith.mulf %mul3A_397, %add3A_406 : vector<16xf32>
      %add3A_408 = arith.constant 0.333333343 : f32
      %add3A_409 = vector.broadcast %add3A_408 : f32 to vector<16xf32>
      %add3A_410 = arith.addf %add3A_409, %mul3A_407 : vector<16xf32>
      %mul3A_411 = arith.mulf %mul3A_397, %add3A_410 : vector<16xf32>
      %add3A_412 = arith.constant 1.000000e+00 : f32
      %add3A_413 = vector.broadcast %add3A_412 : f32 to vector<16xf32>
      %add3A_414 = arith.addf %add3A_413, %mul3A_411 : vector<16xf32>
      %mul3A_415 = arith.mulf %mul3A_400, %add3A_414 : vector<16xf32>
      %convert_element_type3A_416 = arith.sitofp %shift_right_arithmetic3A_386 : vector<16xi32> to vector<16xf32>
      %mul3A_417 = arith.constant 0.693147182 : f32
      %mul3A_418 = vector.broadcast %mul3A_417 : f32 to vector<16xf32>
      %mul3A_419 = arith.mulf %convert_element_type3A_416, %mul3A_418 : vector<16xf32>
      %add3A_420 = arith.addf %mul3A_419, %mul3A_415 : vector<16xf32>
      %add3A_421 = arith.addf %add3A_356, %add3A_420 : vector<16xf32>
      scf.yield %add3A_421 : vector<16xf32>
    }
    %swap3A = arith.constant 0 : i32
    %swap3A_97 = arith.index_cast %swap3A : i32 to index
    %swap3A_98 = tpu.vector_load %arg9[%swap3A_97] {strides = array<i32>} : memref<128xf32, #tpu.memory_space<vmem>>, vector<16xf32>,
    tpu.vector_store %arg9[%swap3A_97], %while3A_96 {strides = array<i32>} : memref<128xf32, #tpu.memory_space<vmem>>, vector<16xf32>,
    %mul3A_99 = arith.constant 128 : i32
    %mul3A_100 = arith.muli %add3A, %mul3A_99 : i32
    "tpu.region"() ({
      %run_scoped3A = tpu.sem_alloc : memref<!tpu.dma_semaphore, #tpu.memory_space<semaphore_mem>>
      %dma_start3A_101 = tpu.memref_slice %arg5[%mul3A_100] : memref<4096xf32, #tpu.memory_space<hbm>> -> memref<128xf32, #tpu.memory_space<hbm>>
      %dma_start3A_102 = tpu.memref_slice %arg5[%mul3A_100] : memref<4096xf32, #tpu.memory_space<hbm>> -> memref<128xf32, #tpu.memory_space<hbm>>
      tpu.enqueue_dma source(%arg9 : memref<128xf32, #tpu.memory_space<vmem>>) target(%dma_start3A_102 : memref<128xf32, #tpu.memory_space<hbm>>) target_semaphore(%run_scoped3A : memref<!tpu.dma_semaphore, #tpu.memory_space<semaphore_mem>>)
      %dma_wait3A_103 = tpu.memref_slice %arg5[%mul3A_100] : memref<4096xf32, #tpu.memory_space<hbm>> -> memref<128xf32, #tpu.memory_space<hbm>>
      %dma_wait3A_104 = tpu.memref_slice %arg5[%mul3A_100] : memref<4096xf32, #tpu.memory_space<hbm>> -> memref<128xf32, #tpu.memory_space<hbm>>
      tpu.wait_dma2 semaphore(%run_scoped3A : memref<!tpu.dma_semaphore, #tpu.memory_space<semaphore_mem>>) src(%arg9 : memref<128xf32, #tpu.memory_space<vmem>>) dst(%dma_wait3A_104 : memref<128xf32, #tpu.memory_space<hbm>>)
      tpu.yield
    }) : () -> ()
    return
  }
}

</mosaic_0001>

<sc_bundles>
// kernel: kernel.3.cloned.1.call-start
scs
__scs_entry_jumppad:
0x0: {  	(pc) =	sbr.rel $0x88, $3  }
0x1: {  	(tag) =	ssettag $0x0;
	lr =	simm.s32 $0x1  }
0x2: {  	[smem:$0x3F9F] =	sst lr;
	_ =	strace $0xD0000000  }
0x3: {  	_ = 	snop  }
0x4: {  	_ = 	snop  }
0x5: {  	_ = 	snop  }
0x6: {  	_ = 	snop  }
0x7: {  	_ = 	snop  }
__scs_overlays_trampoline_lowered:
0x8: {  	[smem:$0x3FAE] =	sst s0  }
0x9: {  	[smem:$0x3FAF] =	sst s1  }
0xa: {  	[smem:$0x3FB0] =	sst s2  }
0xb: {  	[smem:$0x3FB1] =	sst s3  }
0xc: {  	[smem:$0x3FB2] =	sst s4  }
0xd: {  	[smem:$0x3FB3] =	sst s5  }
0xe: {  	[smem:$0x3FB4] =	sst s6  }
0xf: {  	[smem:$0x3FB5] =	sst s7  }
0x10: {  	[smem:$0x3FB6] =	sst s8  }
0x11: {  	[smem:$0x3FB7] =	sst s9;
	s0 =	simm.s32 @!p0 $0x0  }
0x12: {  	s1 =	sld [smem:$0x3F9D];
	s0 =	simm.s32 @p0 $0x1  }
0x13: {  	[smem:$0x3FB8] =	sst s0;
	s0 =	simm.s32 @!p1 $0x0  }
0x14: {  	s2 =	sld [smem:$0x3F9C];
	s0 =	simm.s32 @p1 $0x1  }
0x15: {  	[smem:$0x3FB9] =	sst s0;
	s0 =	simm.s32 @!p2 $0x0  }
0x16: {  	s3 =	sld [smem:$0x3FDB];
	s0 =	simm.s32 @p2 $0x1  }
0x17: {  	s4 =	simm.s32 $0x1BF5;
	[smem:$0x3FBB] =	sst s0  }
0x18: {  	s0 =	sld [smem:$0x3F9E];
	_ =	swait.ge [sflag:s4], $0x0  }
0x19: {  	s7 =	sld [smem:$0x3F9F]  }
0x1a: {  	s8 =	sadd.s32 $0xFFFFE003, lr  }
0x1b: {  	s9 =	sadd.s32 $0xFFFFFEF7, lr;
	s5 =	simm.s32 $0xFFFFFFFF;
	p2 =	slt.u32 s8, $0xFFFFF086  }
0x1c: {  	p1 =	slt.u32 s9, $0xF7A;
	s5 =	simm.s32 @!p2 $0x0  }
0x1d: {  	s5 =	simm.s32 @p1 $0x1;
	p0 =	seq.s32 s7, s2  }
0x1e: {  	s7 =	smul.u32 @!p0 $0xF7A, s2;
	p2 =	seq.s32 @!p0 s5, $0x0  }
0x1f: {  	s9 =	smul.u32 $0xF7A, s1;
	s8 =	simm.s32 @!p0 $0x1BF5;
	p2 =	por !p2, p0  }
0x20: {  	[sflag:s8] =	ssyncset.s32 @!p0 $0xFFFFF086;
	s6 =	sadd.s32 @!p0 s3, s7;
	s7 =	simm.s32 @!p0 $0x108  }
0x21: {  	s3 =	sadd.s32 s3, s9;
	s6 =	sadd.s32 @!p0 $0x88, s6;
	s7 =	simm.s32 @p2 $0x1082  }
0x22: {  	[simem:s7], [sflag:s8] =	dma.local @!p0 [hbm:s6], $0xF7A  }
0x23: {  	s9 =	sor.u32 $0xD0000000, s2;
	s6 =	simm.s32 $0x108;
	_ =	swait.ge @!p0 [sflag:s8], $0x0  }
0x24: {  	s3 =	sadd.s32 $0x88, s3;
	s6 =	simm.s32 @!p1 $0x1082;
	[sflag:s4] =	ssyncset.s32 $0xFFFFF086  }
0x25: {  	[simem:s6], [sflag:s4] =	dma.local [hbm:s3], $0xF7A  }
0x26: {  	[smem:$0x3F9F] =	sst s1;
	(tag) =	ssettag s2;
	_ =	strace s9  }
0x27: {  	s1 =	sld [smem:$0x3FAF]  }
0x28: {  	s2 =	sld [smem:$0x3FB0]  }
0x29: {  	s4 =	sld [smem:$0x3FB2]  }
0x2a: {  	p0 =	seq.s32 s5, $0x0;
	s5 =	sld [smem:$0x3FB3]  }
0x2b: {  	s6 =	sld [smem:$0x3FB4]  }
0x2c: {  	s7 =	sld [smem:$0x3FB5]  }
0x2d: {  	s3 =	simm.s32 $0x108;
	s8 =	sld [smem:$0x3FB6]  }
0x2e: {  	s3 =	simm.s32 @!p0 $0x1082;
	s9 =	sld [smem:$0x3FB7]  }
0x2f: {  	lr =	sadd.s32 s0, s3;
	s0 =	sld [smem:$0x3FAE]  }
0x30: {  	s3 =	sld [smem:$0x3FB1]  }
0x31: {  	[smem:$0x3FBA] =	sst s10  }
0x32: {  	s10 =	sld [smem:$0x3FB8];
	_ =	sdelay $0x3  }
0x33: {  	p0 =	seq.s32 s10, $0x1;
	s10 =	sld [smem:$0x3FBA];
	_ =	sdelay $0x3  }
0x34: {  	[smem:$0x3FBA] =	sst s10  }
0x35: {  	s10 =	sld [smem:$0x3FB9];
	_ =	sdelay $0x3  }
0x36: {  	p1 =	seq.s32 s10, $0x1;
	s10 =	sld [smem:$0x3FBA];
	_ =	sdelay $0x3  }
0x37: {  	[smem:$0x3FBA] =	sst s10  }
0x38: {  	s10 =	sld [smem:$0x3FBB]  }
0x39: {  	_ = 	snop;
	(pc) =	sbr.ind lr, $3  }
0x3a: {  	_ = 	snop  }
0x3b: {  	_ = 	snop  }
0x3c: {  	p2 =	seq.s32 s10, $0x1;
	s10 =	sld [smem:$0x3FBA]  }
0x3d: {  	_ =	shalt  }
0x3e: {  	_ =	shalt  }
0x3f: {  	_ =	shalt  }
0x40: {  	_ =	shalt  }
0x41: {  	_ =	shalt  }
0x42: {  	_ =	shalt  }
0x43: {  	_ =	shalt  }
0x44: {  	_ =	shalt  }
0x45: {  	_ =	shalt  }
0x46: {  	_ =	shalt  }
0x47: {  	_ =	shalt  }
0x48: {  	_ =	shalt  }
0x49: {  	_ =	shalt  }
0x4a: {  	_ =	shalt  }
0x4b: {  	_ =	shalt  }
0x4c: {  	_ =	shalt  }
0x4d: {  	_ =	shalt  }
0x4e: {  	_ =	shalt  }
0x4f: {  	_ =	shalt  }
0x50: {  	_ =	shalt  }
0x51: {  	_ =	shalt  }
0x52: {  	_ =	shalt  }
0x53: {  	_ =	shalt  }
0x54: {  	_ =	shalt  }
0x55: {  	_ =	shalt  }
0x56: {  	_ =	shalt  }
0x57: {  	_ =	shalt  }
0x58: {  	_ =	shalt  }
0x59: {  	_ =	shalt  }
0x5a: {  	_ =	shalt  }
0x5b: {  	_ =	shalt  }
0x5c: {  	_ =	shalt  }
0x5d: {  	_ =	shalt  }
0x5e: {  	_ =	shalt  }
0x5f: {  	_ =	shalt  }
0x60: {  	_ =	shalt  }
0x61: {  	_ =	shalt  }
0x62: {  	_ =	shalt  }
0x63: {  	_ =	shalt  }
0x64: {  	_ =	shalt  }
0x65: {  	_ =	shalt  }
0x66: {  	_ =	shalt  }
0x67: {  	_ =	shalt  }
0x68: {  	_ =	shalt  }
0x69: {  	_ =	shalt  }
0x6a: {  	_ =	shalt  }
0x6b: {  	_ =	shalt  }
0x6c: {  	_ =	shalt  }
0x6d: {  	_ =	shalt  }
0x6e: {  	_ =	shalt  }
0x6f: {  	_ =	shalt  }
0x70: {  	_ =	shalt  }
0x71: {  	_ =	shalt  }
0x72: {  	_ =	shalt  }
0x73: {  	_ =	shalt  }
0x74: {  	_ =	shalt  }
0x75: {  	_ =	shalt  }
0x76: {  	_ =	shalt  }
0x77: {  	_ =	shalt  }
0x78: {  	_ =	shalt  }
0x79: {  	_ =	shalt  }
0x7a: {  	_ =	shalt  }
0x7b: {  	_ =	shalt  }
0x7c: {  	_ =	shalt  }
0x7d: {  	_ =	shalt  }
0x7e: {  	_ =	shalt  }
0x7f: {  	_ =	shalt  }
0x80: {  	_ =	shalt  }
0x81: {  	_ =	shalt  }
0x82: {  	_ =	shalt  }
0x83: {  	_ =	shalt  }
0x84: {  	_ =	shalt  }
0x85: {  	_ =	shalt  }
0x86: {  	_ =	shalt  }
0x87: {  	_ =	shalt  }
.Lfunc_end0:
.L_simem_size_0:
called_computation_lowered:
.L_overlay_start_0:
0x88: {  	s2 =	sld [smem:$0x3FD9]  }
0x89: {  	s3 =	sld [smem:$0x3FFE];
	_ =	sdelay $0x1  }
0x8a: {  	s1 =	srdreg.scid  }
0x8b: {  	s0 =	sand.u32 $0x1, s1  }
0x8c: {  	s16 =	sshll.u32 s0, $0xA;
	s2 =	sadd.s32 s3, s2  }
0x8d: {  	s2 =	sadd.s32 s2, s16  }
0x8e: {  	[smem:$0x3FC6] =	sst s2  }
0x8f: {  	_ = 	snop  }
0x90: {  	(tm) =	ssettm $0x1  }
0x91: {  	s17 =	sld [smem:$0x3FFB];
	_ =	sdelay $0x3  }
0x92: {  	_ =	strace s17  }
0x93: {  	s2 =	sld [smem:$0x3FFC];
	_ =	sdelay $0x3  }
0x94: {  	_ =	strace s2  }
0x95: {  	s2 =	sld [smem:$0x3FFD];
	_ =	sdelay $0x3  }
0x96: {  	_ =	strace s2  }
0x97: {  	_ =	strace $0x8FFFFFFF  }
0x98: {  	s18 =	sld [smem:$0x3FDB];
	_ =	sdelay $0x1  }
0x99: {  	s19 =	simm.s32 $_scs_section_size  }
0x9a: {  	s4 =	simm.s32 $_size__tile_overlayer_lowered;
	s5 =	simm.s32 $_tile_overlayer_lowered  }
0x9b: {  	s22 =	simm.s32 $0x1BFF;
	s21 =	sshll.u32 s5, $0x1;
	s2 =	sadd.s32 s19, s18  }
0x9c: {  	s6 =	simm.s32 $0x0;
	s20 =	sshll.u32 s4, $0x1;
	s4 =	sadd.s32 s21, s2  }
0x9d: {  	[timem:s6], [sflag:s22] =	dma.local [hbm:s4], s20  }
0x9e: {  	_ =	swait.ge [sflag:s22], s20  }
0x9f: {  	s3 =	ssub.s32 $0x0, s20;
	[sflag:s22] =	ssyncset.done $0x0  }
0xa0: {  	[sflag:s22] =	ssyncadd.s32 s3;
	_ =	sdelay $0x1  }
0xa1: {  	s23 =	simm.s32 $0x1B8B  }
0xa2: {  	_ =	swait.ge [sflag:s23], $0x1  }
0xa3: {  	[sflag:s23] =	ssyncset.done $0x0  }
0xa4: {  	s25 =	simm.s32 $0x1B8E;
	s24 =	sld [smem:$0x3FFE];
	[sflag:s23] =	ssyncadd.s32 $0xFFFFFFFF  }
0xa5: {  	s26 =	simm.s32 $execute0_lowered;
	[smem:$0x3FD2] =	sst s25  }
0xa6: {  	s4 =	sshll.u32 s26, $0x1;
	_ =	strace $0x80000046;
	[dreg:$0x1] =	wrdreg $0xFFFFFFFF  }
0xa7: {  	s28 =	simm.s32 $_size_execute0_lowered;
	s2 =	sadd.s32 s2, s4;
	[dreg:$0x0] =	wrdreg $0x0  }
0xa8: {  	s4 =	sshll.u32 s28, $0x1;
	[dreg:$0x2] =	wrdreg s2  }
0xa9: {  	[dreg:$0x3] =	wrdreg s4  }
0xaa: {  	[dreg:$0x4] =	wrdreg $0xC0  }
0xab: {  	_ =	task [dreg:s6], $0x5FFFF  }
0xac: {  	[dreg:$0x1] =	wrdreg $0xFFFFFFFF  }
0xad: {  	[dreg:$0x0] =	wrdreg $0x60  }
0xae: {  	[dreg:$0x2] =	wrdreg s24  }
0xaf: {  	[dreg:$0x3] =	wrdreg $0x9  }
0xb0: {  	_ =	task.clear_ibuf [dreg:s6], $0x4FFFF;
	_ =	strace $0x90000046  }
0xb1: {  	s29 =	simm.s32 $0x9;
	_ =	strace $0x80000048  }
0xb2: {  	_ =	swait.ge [sflag:s29], $0x1  }
0xb3: {  	[sflag:s29] =	ssyncadd.s32 $0xFFFFFFFF  }
0xb4: {  	_ =	strace $0x90000048  }
0xb5: {  	_ =	sfence  }
0xb6: {  	s30 =	sld [smem:$0x0];
	_ =	sdelay $0x2  }
0xb7: {  	s31 =	sshll.u32 s1, $0xD;
	s1 =	sshrl.u32 s1, $0x2  }
0xb8: {  	s3 =	sand.u32 $0x4000, s31;
	s1 =	sadd.s32 s1, s30  }
0xb9: {  	s0 =	sor.u32 s3, s0;
	s1 =	sshll.u32 s1, $0x11  }
0xba: {  	s0 =	sor.u32 s1, s0  }
0xbb: {  	s0 =	sadd.s32 $0x8F2B, s0  }
0xbc: {  	[sflag:s0] =	ssyncadd.remote.s32 $0x1  }
0xbd: {  	_ =	sfence.sel $0xFFFF  }
0xbe: {  	[dreg:$0x0] =	wrdreg $0xFFFFFFFF;
	(pc) =	sbr.abs _section_cstart, $3  }
0xbf: {  	[dreg:$0x1] =	wrdreg $0xFFFFFFFF  }
0xc0: {  	_ =	task.clear_ibuf [dreg:s6], $0x2FFFF;
	_ =	strace $0x9FFFFFFF  }
0xc1: {  	(tm) =	ssettm $0x7FFFFFFF  }
tec
execute0_lowered:
.L_overlay_start_1:
0x0: {  	(tag) =	ssettag $0x1  }
0x1: {  	s2 =	rddreg [dreg:$0x0]  }
0x2: {  	s0 =	rddreg [dreg:$0x1];
	s4 =	srdreg.scid  }
0x3: {  	s1 =	stileid.u32;
	s3 =	simm.s32 $0x0;
	s14 =	simm.s32 $0x186A0  }
0x4: {  	s15 =	simm.s32 $0x19320;
	s16 =	simm.s32 $0x18CE0;
	s17 =	simm.s32 $0x19960  }
0x5: {  	s18 =	simm.s32 $0x1;
	s19 =	simm.s32 $0x2;
	s20 =	simm.s32 $0x3  }
0x6: {  	s21 =	simm.s32 $0x19FA0;
	s22 =	simm.s32 $0x4;
	s23 =	simm.s32 $0x0  }
0x7: {  	s29 =	simm.s32 $0x0;
	s6 =	sand.u32 $0x1, s4;
	s31 =	sshll.u32 s1, $0x1  }
0x8: {  	[smem:$0x7FF] =	sst s3;
	s4 =	sadd.s32 $0x24A000, s2;
	s7 =	sor.u32 s6, s31  }
0x9: {  	s5 =	sadd.s32 $0x186A00, s2;
	s6 =	ssub.s32 $0x2, s6;
	s11 =	smul.u32 $0x30D40, s7  }
0xa: {  	_ =	strace $0x80000047;
	s7 =	sshll.u32 s7, $0x4;
	s8 =	sshrl.u32 s6, $0x1  }
0xb: {  	s12 =	sadd.s32 s7, s2;
	s13 =	ssub.s32 s6, s8;
	s9 =	sshrl.u32 s11, $0x3  }
0xc: {  	v0 =	vlaneseq.u32;
	s12 =	sadd.s32 $0x3200, s12;
	s13 =	smax.u32 s13, $0x1;
	s10 =	sadd.s32 $0xC8, s9  }
0xd: {  	v1 =	vand.u32 $0x7, v0;
	v3 =	vor.u32 $0x10, v0;
	v4 =	vor.u32 $0x20, v0;
	s6 =	sadd.s32 s4, s9;
	s7 =	sadd.s32 s5, s9;
	s8 =	sadd.s32 s4, s10  }
0xe: {  	v5 =	vor.u32 $0x30, v0;
	v6 =	vor.u32 $0x40, v0;
	v2 =	vor.u32 $0xFFFFFFF8, v1;
	s9 =	sadd.s32 s5, s10;
	s10 =	sadd.s32 $0xC80, s11;
	s11 =	sadd.s32 $0x12C0, s11  }
.LBB2_1:
0xf: {  	[tilespmem:s3], [sflag:$0x1] =	stream.linear.gather [hbm4b:s2+s3], $0x186A0, $0x38;
	[tilespmem:$0x1A020] =	vst v63  }
0x10: {  	_ = 	snop  }
0x11: {  	[tilespmem:s14], [sflag:$0x2] =	stream.linear.gather [hbm4b:s6+s3], $0x640, $0x38;
	[tilespmem:$0x1A020] =	vst v63  }
0x12: {  	_ = 	snop  }
0x13: {  	[tilespmem:s15], [sflag:$0x2] =	stream.linear.gather [hbm4b:s7+s3], $0x640, $0x38;
	[tilespmem:$0x1A020] =	vst v63  }
0x14: {  	_ = 	snop  }
0x15: {  	[tilespmem:s16], [sflag:$0x3] =	stream.linear.gather [hbm4b:s8+s3], $0x640, $0x38;
	[tilespmem:$0x1A020] =	vst v63  }
0x16: {  	_ = 	snop  }
0x17: {  	[tilespmem:s17], [sflag:$0x3] =	stream.linear.gather [hbm4b:s9+s3], $0x640, $0x38;
	[tilespmem:$0x1A020] =	vst v63  }
0x18: {  	_ =	swait.ge [sflag:s18], $0x186A0  }
0x19: {  	[sflag:s18] =	ssyncset.done $0x0  }
0x1a: {  	v7 =	vimm.f32 $0.0e+00;
	s24 =	simm.s32 $0x0;
	[sflag:s18] =	ssyncadd.s32 $0xFFFE7960  }
.LBB2_2:
0x1b: {  	s25 =	simm.s32 $0x0  }
0x1c: {  	_ =	swait.ge [sflag:s19], $0x640;
	v8 =	vor.u32 s25, v0  }
0x1d: {  	[sflag:s19] =	ssyncset.done $0x0;
	v9 =	vadd.s32 s25, v6;
	v8 =	vand.u32 v2, v8  }
0x1e: {  	[sflag:s19] =	ssyncadd.s32 $0xFFFFF9C0;
	v9 =	vand.u32 $0x1FF8, v9  }
0x1f: {  	v10 =	vadd.s32 s25, v5;
	_ =	swait.ge [sflag:s19], $0x640;
	v9 =	vor.u32 v1, v9  }
0x20: {  	v10 =	vand.u32 $0x1FF8, v10;
	[sflag:s19] =	ssyncset.done $0x0  }
0x21: {  	v11 =	vadd.s32 s25, v4;
	v10 =	vor.u32 v1, v10;
	[sflag:s19] =	ssyncadd.s32 $0xFFFFF9C0  }
0x22: {  	v11 =	vand.u32 $0x1FF8, v11;
	v12 =	vld.idx.msk [tilespmem:v8+s14+$0x0], $0xffff  }
0x23: {  	v13 =	vadd.s32 s25, v3;
	v11 =	vor.u32 v1, v11;
	v8 =	vld.idx.msk [tilespmem:v8+s15+$0x0], $0xffff  }
0x24: {  	v13 =	vand.u32 $0x1FF8, v13;
	v14 =	vld.idx.msk [tilespmem:v9+s14+$0x0], $0xffff  }
0x25: {  	v13 =	vor.u32 v1, v13;
	v9 =	vld.idx.msk [tilespmem:v9+s15+$0x0], $0xffff  }
0x26: {  	v15 =	vld.idx.msk [tilespmem:v10+s14+$0x0], $0xffff  }
0x27: {  	v10 =	vld.idx.msk [tilespmem:v10+s15+$0x0], $0xffff  }
0x28: {  	v16 =	vld.idx.msk [tilespmem:v11+s14+$0x0], $0xffff  }
0x29: {  	v11 =	vld.idx.msk [tilespmem:v11+s15+$0x0], $0xffff  }
0x2a: {  	v17 =	vld.idx.msk [tilespmem:v13+s14+$0x0], $0xffff  }
0x2b: {  	v13 =	vld.idx.msk [tilespmem:v13+s15+$0x0], $0xffff  }
0x2c: {  	v12 =	vld.idx.msk [tilespmem:v12+s3+$0x0], $0xffff  }
0x2d: {  	v8 =	vld.idx.msk [tilespmem:v8+s3+$0x0], $0xffff  }
0x2e: {  	v14 =	vld.idx.msk [tilespmem:v14+s3+$0x0], $0xffff  }
0x2f: {  	v9 =	vld.idx.msk [tilespmem:v9+s3+$0x0], $0xffff  }
0x30: {  	v15 =	vld.idx.msk [tilespmem:v15+s3+$0x0], $0xffff  }
0x31: {  	v10 =	vld.idx.msk [tilespmem:v10+s3+$0x0], $0xffff  }
0x32: {  	v16 =	vld.idx.msk [tilespmem:v16+s3+$0x0], $0xffff  }
0x33: {  	v11 =	vld.idx.msk [tilespmem:v11+s3+$0x0], $0xffff  }
0x34: {  	v17 =	vld.idx.msk [tilespmem:v17+s3+$0x0], $0xffff  }
0x35: {  	v13 =	vld.idx.msk [tilespmem:v13+s3+$0x0], $0xffff  }
0x36: {  	s31 =	simm.s32 $0x50  }
0x37: {  	v18 =	vadd.s32 s31, v5;
	v19 =	vadd.s32 s31, v6  }
0x38: {  	v20 =	vadd.s32 s31, v3;
	v21 =	vadd.s32 s31, v4;
	v8 =	vmul.f32 v8, v12  }
0x39: {  	v21 =	vand.u32 $0x1FF8, v21;
	v9 =	vmul.f32 v9, v14;
	v10 =	vmul.f32 v10, v15  }
0x3a: {  	v11 =	vmul.f32 v11, v16;
	v13 =	vmul.f32 v13, v17;
	v8 =	vmax.f32 v8, $1.000000010e-07  }
0x3b: {  	v8 =	vmin.f32 v8, $9.999998800e-01;
	v10 =	vmax.f32 v10, $1.000000010e-07;
	v9 =	vmax.f32 v9, $1.000000010e-07  }
0x3c: {  	v13 =	vmax.f32 v13, $1.000000010e-07;
	v11 =	vmax.f32 v11, $1.000000010e-07;
	v8 =	vsub.f32 $1.000000000e+00, v8  }
0x3d: {  	v13 =	vmin.f32 v13, $9.999998800e-01;
	v10 =	vmin.f32 v10, $9.999998800e-01;
	v9 =	vmin.f32 v9, $9.999998800e-01  }
0x3e: {  	v11 =	vmin.f32 v11, $9.999998800e-01;
	v13 =	vsub.f32 $1.000000000e+00, v13;
	v14 =	vadd.s32 $0xC0CAFB0D, v8  }
0x3f: {  	v11 =	vsub.f32 $1.000000000e+00, v11;
	v9 =	vsub.f32 $1.000000000e+00, v9;
	v15 =	vand.u32 $0xFF800000, v14  }
0x40: {  	v10 =	vsub.f32 $1.000000000e+00, v10;
	v8 =	vsub.s32 v8, v15;
	v15 =	vadd.s32 $0xC0CAFB0D, v13  }
0x41: {  	v22 =	vadd.s32 $0xC0CAFB0D, v11;
	v16 =	vadd.f32 $1.000000000e+00, v8;
	v17 =	vand.u32 $0xFF800000, v15  }
0x42: {  	v23 =	vadd.s32 $0xC0CAFB0D, v10;
	v13 =	vsub.s32 v13, v17;
	v17 =	vand.u32 $0xFF800000, v22  }
0x43: {  	v24 =	vadd.f32 $1.000000000e+00, v13;
	v11 =	vsub.s32 v11, v17;
	(erf) = vrcp.f32 v16  }
0x44: {  	v16 =	vand.u32 $0x1FF8, v19;
	v19 =	vand.u32 $0xFF800000, v23;
	v17 =	vadd.f32 $1.000000000e+00, v11  }
0x45: {  	v10 =	vsub.s32 v10, v19;
	v19 =	vadd.s32 $0xC0CAFB0D, v9;
	(erf) = vrcp.f32 v24  }
0x46: {  	v24 =	vadd.f32 $1.000000000e+00, v10;
	v25 =	vand.u32 $0xFF800000, v19;
	(erf) = vrcp.f32 v17  }
0x47: {  	v20 =	vand.u32 $0x1FF8, v20;
	v12 =	vor.u32 s31, v0;
	v27 =	vsub.s32 v9, v25  }
0x48: {  	v15 =	vshra.s32 v15, $0x17;
	v9 =	vadd.f32 $1.000000000e+00, v27;
	(erf) = vrcp.f32 v24  }
0x49: {  	v24 =	vand.u32 v2, v12;
	v12 =	vshra.s32 v14, $0x17;
	v14 =	vshra.s32 v19, $0x17  }
0x4a: {  	v15 =	vcvt.s32.f32 v15;
	v13 =	vadd.f32 $-1.000000000e+00, v13;
	(erf) = vrcp.f32 v9  }
0x4b: {  	v28 =	vor.u32 v1, v16;
	v16 =	vshra.s32 v22, $0x17;
	v9 =	vadd.f32 $-1.000000000e+00, v8  }
0x4c: {  	v29 =	vcvt.s32.f32 v16;
	v17 =	vand.u32 $0x1FF8, v18;
	v8 =	vcvt.s32.f32 v14;
	v14 =	vpop (erf)  }
0x4d: {  	v18 =	vshra.s32 v23, $0x17;
	v25 =	vor.u32 v1, v21;
	v14 =	vmul.f32 v14, v9  }
0x4e: {  	v19 =	vadd.f32 $-1.000000000e+00, v11;
	v12 =	vcvt.s32.f32 v12;
	v9 =	vcvt.s32.f32 v18;
	v11 =	vpop (erf)  }
0x4f: {  	v17 =	vor.u32 v1, v17;
	v18 =	vmul.f32 v14, v14;
	v16 =	vmul.f32 v11, v13;
	v13 =	vpop (erf)  }
0x50: {  	v21 =	vld.idx.msk [tilespmem:v24+s14+$0x0], $0xffff;
	v11 =	vmul.f32 $6.931471820e-01, v12;
	v12 =	vmul.f32 v13, v19;
	v13 =	vadd.f32 $-1.000000000e+00, v10  }
0x51: {  	v26 =	vor.u32 v1, v20;
	v22 =	vld.idx.msk [tilespmem:v24+s15+$0x0], $0xffff;
	v24 =	vpop (erf);
	v20 =	vmul.f32 $1.428571490e-01, v18;
	v19 =	vmul.f32 v16, v16  }
0x52: {  	v27 =	vadd.f32 $-1.000000000e+00, v27;
	v23 =	vld.idx.msk [tilespmem:v28+s14+$0x0], $0xffff;
	v10 =	vmul.f32 $6.931471820e-01, v29;
	v13 =	vmul.f32 v24, v13  }
0x53: {  	s25 =	simm.s32 $0xA0;
	v24 =	vld.idx.msk [tilespmem:v28+s15+$0x0], $0xffff;
	v30 =	vpop (erf);
	v28 =	vadd.f32 $2.000000030e-01, v20;
	v29 =	vmul.f32 $1.428571490e-01, v19;
	v20 =	vmul.f32 v12, v12  }
.LBB2_3:
0x54: {  	p0 =	sne.s32 s25, $0x5F0;
	v31 =	vld.idx.msk [tilespmem:v17+s14+$0x0], $0xffff;
	v32 =	vmul.f32 v13, v13;
	v27 =	vmul.f32 v30, v27  }
0x55: {  	v17 =	vld.idx.msk [tilespmem:v17+s15+$0x0], $0xffff;
	v28 =	vmul.f32 v28, v18;
	v29 =	vadd.f32 $2.000000030e-01, v29;
	v30 =	vmul.f32 $1.428571490e-01, v20  }
0x56: {  	v33 =	vld.idx.msk [tilespmem:v25+s14+$0x0], $0xffff;
	v34 =	vmul.f32 $1.428571490e-01, v32;
	v35 =	vmul.f32 v27, v27  }
0x57: {  	v25 =	vld.idx.msk [tilespmem:v25+s15+$0x0], $0xffff;
	v28 =	vadd.f32 $3.333333430e-01, v28;
	v29 =	vmul.f32 v29, v19;
	v30 =	vadd.f32 $2.000000030e-01, v30  }
0x58: {  	v15 =	vmul.f32 $6.931471820e-01, v15;
	v36 =	vld.idx.msk [tilespmem:v26+s14+$0x0], $0xffff;
	v34 =	vadd.f32 $2.000000030e-01, v34;
	v37 =	vmul.f32 $1.428571490e-01, v35  }
0x59: {  	v26 =	vld.idx.msk [tilespmem:v26+s15+$0x0], $0xffff;
	v18 =	vmul.f32 v28, v18;
	v28 =	vadd.f32 $3.333333430e-01, v29;
	v29 =	vmul.f32 v30, v20  }
0x5a: {  	v14 =	vadd.f32 v14, v14;
	v21 =	vld.idx.msk [tilespmem:v21+s3+$0x0], $0xffff;
	v30 =	vmul.f32 v34, v32;
	v34 =	vadd.f32 $2.000000030e-01, v37  }
0x5b: {  	v22 =	vld.idx.msk [tilespmem:v22+s3+$0x0], $0xffff;
	v18 =	vadd.f32 $1.000000000e+00, v18;
	v19 =	vmul.f32 v28, v19;
	v28 =	vadd.f32 $3.333333430e-01, v29  }
0x5c: {  	v16 =	vadd.f32 v16, v16;
	v23 =	vld.idx.msk [tilespmem:v23+s3+$0x0], $0xffff;
	v29 =	vadd.f32 $3.333333430e-01, v30;
	v30 =	vmul.f32 v34, v35  }
0x5d: {  	v24 =	vld.idx.msk [tilespmem:v24+s3+$0x0], $0xffff;
	v14 =	vmul.f32 v18, v14;
	v18 =	vadd.f32 $1.000000000e+00, v19;
	v19 =	vmul.f32 v28, v20  }
0x5e: {  	v12 =	vadd.f32 v12, v12;
	v20 =	vld.idx.msk [tilespmem:v31+s3+$0x0], $0xffff;
	v28 =	vmul.f32 v29, v32;
	v29 =	vadd.f32 $3.333333430e-01, v30  }
0x5f: {  	v17 =	vld.idx.msk [tilespmem:v17+s3+$0x0], $0xffff;
	v11 =	vadd.f32 v14, v11;
	v14 =	vmul.f32 v18, v16;
	v16 =	vadd.f32 $1.000000000e+00, v19  }
0x60: {  	v13 =	vadd.f32 v13, v13;
	v18 =	vld.idx.msk [tilespmem:v33+s3+$0x0], $0xffff;
	v19 =	vadd.f32 $1.000000000e+00, v28;
	v28 =	vmul.f32 v29, v35  }
0x61: {  	v25 =	vld.idx.msk [tilespmem:v25+s3+$0x0], $0xffff;
	v7 =	vadd.f32 v11, v7;
	v11 =	vadd.f32 v14, v15;
	v12 =	vmul.f32 v16, v12  }
0x62: {  	v9 =	vmul.f32 $6.931471820e-01, v9;
	v15 =	vadd.f32 v27, v27;
	v14 =	vld.idx.msk [tilespmem:v36+s3+$0x0], $0xffff;
	v16 =	vadd.f32 $1.000000000e+00, v28  }
0x63: {  	v26 =	vld.idx.msk [tilespmem:v26+s3+$0x0], $0xffff;
	v7 =	vadd.f32 v11, v7;
	v10 =	vadd.f32 v12, v10;
	v11 =	vmul.f32 v19, v13  }
0x64: {  	v8 =	vmul.f32 $6.931471820e-01, v8;
	v12 =	vadd.s32 s25, v5;
	v13 =	vadd.s32 s25, v6  }
0x65: {  	v7 =	vadd.f32 v10, v7;
	v9 =	vadd.f32 v11, v9;
	v10 =	vmul.f32 v16, v15  }
0x66: {  	v11 =	vadd.s32 s25, v3;
	v15 =	vadd.s32 s25, v4;
	v16 =	vmul.f32 v22, v21  }
0x67: {  	v19 =	vmul.f32 v24, v23;
	v7 =	vadd.f32 v9, v7;
	v8 =	vadd.f32 v10, v8  }
0x68: {  	v17 =	vmul.f32 v17, v20;
	v9 =	vor.u32 s25, v0;
	v10 =	vmul.f32 v25, v18  }
0x69: {  	v16 =	vmax.f32 v16, $1.000000010e-07;
	v14 =	vmul.f32 v26, v14;
	v7 =	vadd.f32 v8, v7  }
0x6a: {  	v8 =	vmin.f32 v16, $9.999998800e-01;
	v16 =	vmax.f32 v17, $1.000000010e-07;
	v17 =	vmax.f32 v19, $1.000000010e-07  }
0x6b: {  	v10 =	vmax.f32 v10, $1.000000010e-07;
	v8 =	vsub.f32 $1.000000000e+00, v8;
	v14 =	vmax.f32 v14, $1.000000010e-07  }
0x6c: {  	v16 =	vmin.f32 v16, $9.999998800e-01;
	v17 =	vmin.f32 v17, $9.999998800e-01;
	v14 =	vmin.f32 v14, $9.999998800e-01  }
0x6d: {  	v10 =	vmin.f32 v10, $9.999998800e-01;
	v18 =	vadd.s32 $0xC0CAFB0D, v8;
	v14 =	vsub.f32 $1.000000000e+00, v14  }
0x6e: {  	v10 =	vsub.f32 $1.000000000e+00, v10;
	v17 =	vsub.f32 $1.000000000e+00, v17;
	v19 =	vand.u32 $0xFF800000, v18  }
0x6f: {  	v16 =	vsub.f32 $1.000000000e+00, v16;
	v8 =	vsub.s32 v8, v19;
	v19 =	vadd.s32 $0xC0CAFB0D, v14  }
0x70: {  	v22 =	vadd.s32 $0xC0CAFB0D, v10;
	v20 =	vadd.f32 $1.000000000e+00, v8;
	v21 =	vand.u32 $0xFF800000, v19  }
0x71: {  	v23 =	vadd.s32 $0xC0CAFB0D, v16;
	v21 =	vsub.s32 v14, v21;
	v14 =	vand.u32 $0xFF800000, v22  }
0x72: {  	v24 =	vadd.f32 $1.000000000e+00, v21;
	v10 =	vsub.s32 v10, v14;
	(erf) = vrcp.f32 v20  }
0x73: {  	v13 =	vand.u32 $0x1FF8, v13;
	v14 =	vadd.f32 $1.000000000e+00, v10;
	v20 =	vand.u32 $0xFF800000, v23  }
0x74: {  	v20 =	vsub.s32 v16, v20;
	v16 =	vadd.s32 $0xC0CAFB0D, v17;
	(erf) = vrcp.f32 v24  }
0x75: {  	v24 =	vadd.f32 $1.000000000e+00, v20;
	v25 =	vand.u32 $0xFF800000, v16;
	(erf) = vrcp.f32 v14  }
0x76: {  	v12 =	vand.u32 $0x1FF8, v12;
	v26 =	vand.u32 $0x1FF8, v15;
	v27 =	vsub.s32 v17, v25  }
0x77: {  	v28 =	vand.u32 $0x1FF8, v11;
	v11 =	vadd.f32 $1.000000000e+00, v27;
	(erf) = vrcp.f32 v24  }
0x78: {  	v29 =	vor.u32 v1, v13;
	v17 =	vor.u32 v1, v12;
	v24 =	vand.u32 v2, v9  }
0x79: {  	v14 =	vshra.s32 v18, $0x17;
	v12 =	vshra.s32 v16, $0x17;
	(erf) = vrcp.f32 v11  }
0x7a: {  	v13 =	vshra.s32 v22, $0x17;
	v15 =	vshra.s32 v23, $0x17;
	v11 =	vadd.f32 $-1.000000000e+00, v8  }
0x7b: {  	v16 =	vshra.s32 v19, $0x17;
	v22 =	vcvt.s32.f32 v14;
	v8 =	vcvt.s32.f32 v12;
	v9 =	vpop (erf)  }
0x7c: {  	v14 =	vmul.f32 v9, v11;
	v11 =	vadd.f32 $-1.000000000e+00, v21;
	v9 =	vcvt.s32.f32 v15  }
0x7d: {  	v13 =	vcvt.s32.f32 v13;
	v10 =	vadd.f32 $-1.000000000e+00, v10;
	v15 =	vcvt.s32.f32 v16;
	v12 =	vpop (erf)  }
.Ltmp0:
0x7e: {  	v25 =	vor.u32 v1, v26;
	v18 =	vmul.f32 v14, v14;
	v16 =	vmul.f32 v12, v11;
	v12 =	vpop (erf);
	(pc) =	sbr.rel @p0 .LBB2_3-.Ltmp0, $4  }
0x7f: {  	v20 =	vadd.f32 $-1.000000000e+00, v20;
	v11 =	vmul.f32 $6.931471820e-01, v22;
	v21 =	vld.idx.msk [tilespmem:v24+s14+$0x0], $0xffff;
	v12 =	vmul.f32 v12, v10  }
0x80: {  	v26 =	vor.u32 v1, v28;
	v22 =	vld.idx.msk [tilespmem:v24+s15+$0x0], $0xffff;
	v28 =	vmul.f32 $1.428571490e-01, v18;
	v19 =	vmul.f32 v16, v16;
	v24 =	vpop (erf)  }
0x81: {  	v27 =	vadd.f32 $-1.000000000e+00, v27;
	v10 =	vmul.f32 $6.931471820e-01, v13;
	v23 =	vld.idx.msk [tilespmem:v29+s14+$0x0], $0xffff;
	v13 =	vmul.f32 v24, v20  }
0x82: {  	s25 =	sadd.s32 $0x50, s25;
	v20 =	vmul.f32 v12, v12;
	v24 =	vld.idx.msk [tilespmem:v29+s15+$0x0], $0xffff;
	v28 =	vadd.f32 $2.000000030e-01, v28;
	v29 =	vmul.f32 $1.428571490e-01, v19;
	v30 =	vpop (erf)  }
0x83: {  	_ =	sdelay $0x3  }
0x84: {  	v31 =	vld.idx.msk [tilespmem:v17+s14+$0x0], $0xffff  }
0x85: {  	v17 =	vld.idx.msk [tilespmem:v17+s15+$0x0], $0xffff  }
0x86: {  	v32 =	vld.idx.msk [tilespmem:v25+s14+$0x0], $0xffff  }
0x87: {  	v27 =	vmul.f32 v30, v27;
	v25 =	vld.idx.msk [tilespmem:v25+s15+$0x0], $0xffff  }
0x88: {  	v34 =	vld.idx.msk [tilespmem:v26+s14+$0x0], $0xffff;
	v28 =	vmul.f32 v28, v18;
	v29 =	vadd.f32 $2.000000030e-01, v29;
	v30 =	vmul.f32 $1.428571490e-01, v20  }
0x89: {  	v33 =	vmul.f32 v13, v13;
	v26 =	vld.idx.msk [tilespmem:v26+s15+$0x0], $0xffff;
	v36 =	vmul.f32 v27, v27  }
0x8a: {  	v21 =	vld.idx.msk [tilespmem:v21+s3+$0x0], $0xffff;
	v28 =	vadd.f32 $3.333333430e-01, v28;
	v29 =	vmul.f32 v29, v19;
	v30 =	vadd.f32 $2.000000030e-01, v30  }
0x8b: {  	v14 =	vadd.f32 v14, v14;
	v35 =	vmul.f32 $1.428571490e-01, v33;
	v22 =	vld.idx.msk [tilespmem:v22+s3+$0x0], $0xffff;
	v37 =	vmul.f32 $1.428571490e-01, v36  }
0x8c: {  	v23 =	vld.idx.msk [tilespmem:v23+s3+$0x0], $0xffff;
	v18 =	vmul.f32 v28, v18;
	v28 =	vadd.f32 $3.333333430e-01, v29;
	v29 =	vmul.f32 v30, v20  }
0x8d: {  	v35 =	vadd.f32 $2.000000030e-01, v35;
	v24 =	vld.idx.msk [tilespmem:v24+s3+$0x0], $0xffff;
	v58 =	vadd.f32 $2.000000030e-01, v37  }
0x8e: {  	v18 =	vadd.f32 $1.000000000e+00, v18;
	v19 =	vmul.f32 v28, v19;
	v28 =	vadd.f32 $3.333333430e-01, v29;
	v29 =	vld.idx.msk [tilespmem:v31+s3+$0x0], $0xffff  }
0x8f: {  	v16 =	vadd.f32 v16, v16;
	v15 =	vmul.f32 $6.931471820e-01, v15;
	v30 =	vmul.f32 v35, v33;
	v17 =	vld.idx.msk [tilespmem:v17+s3+$0x0], $0xffff  }
0x90: {  	v31 =	vmul.f32 v58, v36;
	v25 =	vld.idx.msk [tilespmem:v25+s3+$0x0], $0xffff;
	v14 =	vmul.f32 v18, v14;
	v18 =	vadd.f32 $1.000000000e+00, v19  }
0x91: {  	v12 =	vadd.f32 v12, v12;
	v30 =	vadd.f32 $3.333333430e-01, v30;
	v19 =	vmul.f32 v28, v20;
	v20 =	vld.idx.msk [tilespmem:v32+s3+$0x0], $0xffff  }
0x92: {  	v28 =	vadd.f32 $3.333333430e-01, v31;
	v31 =	vld.idx.msk [tilespmem:v34+s3+$0x0], $0xffff;
	v11 =	vadd.f32 v14, v11;
	v14 =	vmul.f32 v18, v16  }
0x93: {  	v13 =	vadd.f32 v13, v13;
	v16 =	vadd.f32 $1.000000000e+00, v19;
	v18 =	vld.idx.msk [tilespmem:v26+s3+$0x0], $0xffff;
	v19 =	vmul.f32 v30, v33  }
0x94: {  	v9 =	vmul.f32 $6.931471820e-01, v9;
	v7 =	vadd.f32 v11, v7;
	v11 =	vadd.f32 v14, v15  }
0x95: {  	v8 =	vmul.f32 $6.931471820e-01, v8;
	v12 =	vmul.f32 v16, v12;
	v14 =	vadd.f32 $1.000000000e+00, v19  }
0x96: {  	v15 =	vmul.f32 v22, v21;
	v7 =	vadd.f32 v11, v7;
	v11 =	vmul.f32 v17, v29  }
0x97: {  	v10 =	vadd.f32 v12, v10;
	v12 =	vmul.f32 v24, v23;
	v17 =	vmul.f32 v25, v20  }
0x98: {  	v15 =	vmax.f32 v15, $1.000000010e-07;
	v13 =	vmul.f32 v14, v13;
	v16 =	vmul.f32 v18, v31  }
0x99: {  	v15 =	vmin.f32 v15, $9.999998800e-01;
	v11 =	vmax.f32 v11, $1.000000010e-07;
	v12 =	vmax.f32 v12, $1.000000010e-07  }
0x9a: {  	v15 =	vsub.f32 $1.000000000e+00, v15;
	v17 =	vmax.f32 v17, $1.000000010e-07;
	v16 =	vmax.f32 v16, $1.000000010e-07  }
0x9b: {  	v7 =	vadd.f32 v10, v7;
	v11 =	vmin.f32 v11, $9.999998800e-01;
	v16 =	vmin.f32 v16, $9.999998800e-01  }
0x9c: {  	v17 =	vmin.f32 v17, $9.999998800e-01;
	v18 =	vadd.s32 $0xC0CAFB0D, v15;
	v16 =	vsub.f32 $1.000000000e+00, v16  }
0x9d: {  	v12 =	vmin.f32 v12, $9.999998800e-01;
	v17 =	vsub.f32 $1.000000000e+00, v17;
	v19 =	vand.u32 $0xFF800000, v18  }
0x9e: {  	v11 =	vsub.f32 $1.000000000e+00, v11;
	v15 =	vsub.s32 v15, v19;
	v19 =	vadd.s32 $0xC0CAFB0D, v16  }
0x9f: {  	v12 =	vsub.f32 $1.000000000e+00, v12;
	v22 =	vadd.f32 $1.000000000e+00, v15;
	v20 =	vand.u32 $0xFF800000, v19  }
0xa0: {  	v21 =	vadd.s32 $0xC0CAFB0D, v17;
	v23 =	vadd.s32 $0xC0CAFB0D, v11;
	v16 =	vsub.s32 v16, v20  }
0xa1: {  	v20 =	vand.u32 $0xFF800000, v21;
	(erf) = vrcp.f32 v22;
	v22 =	vadd.s32 $0xC0CAFB0D, v12  }
0xa2: {  	v24 =	vadd.f32 $1.000000000e+00, v16;
	v17 =	vsub.s32 v17, v20;
	v20 =	vand.u32 $0xFF800000, v23  }
0xa3: {  	v25 =	vadd.f32 $1.000000000e+00, v17;
	v11 =	vsub.s32 v11, v20;
	v20 =	vand.u32 $0xFF800000, v22  }
0xa4: {  	(erf) = vrcp.f32 v24;
	v24 =	vadd.f32 $1.000000000e+00, v11;
	v12 =	vsub.s32 v12, v20  }
0xa5: {  	v9 =	vadd.f32 v13, v9;
	(erf) = vrcp.f32 v25;
	v14 =	vadd.f32 $1.000000000e+00, v12  }
0xa6: {  	v26 =	vmul.f32 v28, v36;
	v31 =	vadd.s32 s29, v3;
	(erf) = vrcp.f32 v24  }
0xa7: {  	v7 =	vadd.f32 v9, v7;
	v9 =	vshra.s32 v18, $0x17;
	(erf) = vrcp.f32 v14  }
0xa8: {  	v31 =	vand.u32 $0x1FF8, v31;
	v9 =	vcvt.s32.f32 v9;
	v20 =	vadd.f32 v27, v27  }
0xa9: {  	s25 =	smul.u32 $0xC80, s24;
	v31 =	vor.u32 v1, v31;
	v18 =	vshra.s32 v23, $0x17;
	v19 =	vshra.s32 v19, $0x17  }
0xaa: {  	v18 =	vcvt.s32.f32 v18;
	v9 =	vmul.f32 $6.931471820e-01, v9;
	v25 =	vadd.f32 $1.000000000e+00, v26  }
0xab: {  	s26 =	sadd.s32 s25, s10;
	v19 =	vcvt.s32.f32 v19;
	v13 =	vshra.s32 v22, $0x17;
	v14 =	vadd.f32 $-1.000000000e+00, v15  }
0xac: {  	s26 =	sshrl.u32 s26, $0x3;
	v16 =	vadd.f32 $-1.000000000e+00, v16;
	v23 =	vadd.s32 s29, v6;
	v10 =	vmul.f32 v25, v20;
	v20 =	vpop (erf)  }
0xad: {  	s28 =	sadd.s32 s4, s26;
	v13 =	vcvt.s32.f32 v13;
	v17 =	vadd.f32 $-1.000000000e+00, v17;
	v14 =	vmul.f32 v20, v14;
	v20 =	vpop (erf)  }
0xae: {  	[tilespmem:s14], [sflag:$0x2] =	stream.linear.gather [hbm4b:s28+s29], $0x640, $0x38;
	v23 =	vand.u32 $0x1FF8, v23;
	v19 =	vmul.f32 $6.931471820e-01, v19;
	v16 =	vmul.f32 v20, v16;
	v20 =	vpop (erf);
	[tilespmem:$0x1A020] =	vst v63  }
0xaf: {  	s26 =	sadd.s32 s5, s26;
	v11 =	vadd.f32 $-1.000000000e+00, v11;
	v23 =	vor.u32 v1, v23;
	v17 =	vmul.f32 v20, v17;
	v20 =	vpop (erf)  }
0xb0: {  	[tilespmem:s15], [sflag:$0x2] =	stream.linear.gather [hbm4b:s26+s29], $0x640, $0x38;
	v12 =	vadd.f32 $-1.000000000e+00, v12;
	v8 =	vadd.f32 v10, v8;
	v10 =	vmul.f32 v14, v14;
	v22 =	vpop (erf);
	[tilespmem:$0x1A020] =	vst v63  }
0xb1: {  	v15 =	vshra.s32 v21, $0x17;
	v11 =	vmul.f32 v20, v11;
	v20 =	vor.u32 s29, v0;
	_ =	swait.ge [sflag:s20], $0x640  }
0xb2: {  	v7 =	vadd.f32 v8, v7;
	v8 =	vmul.f32 $1.428571490e-01, v10;
	v20 =	vand.u32 v2, v20;
	[sflag:s20] =	ssyncset.done $0x0  }
0xb3: {  	v26 =	vadd.s32 s29, v5;
	v15 =	vcvt.s32.f32 v15;
	v21 =	vmul.f32 v16, v16;
	[sflag:s20] =	ssyncadd.s32 $0xFFFFF9C0  }
0xb4: {  	v8 =	vadd.f32 $2.000000030e-01, v8;
	v25 =	vmul.f32 v17, v17;
	v12 =	vmul.f32 v22, v12;
	_ =	swait.ge [sflag:s20], $0x640  }
0xb5: {  	v22 =	vand.u32 $0x1FF8, v26;
	v26 =	vadd.s32 s29, v4;
	v24 =	vmul.f32 $1.428571490e-01, v21;
	[sflag:s20] =	ssyncset.done $0x0  }
0xb6: {  	v27 =	vmul.f32 v11, v11;
	v22 =	vor.u32 v1, v22;
	v26 =	vand.u32 $0x1FF8, v26;
	[sflag:s20] =	ssyncadd.s32 $0xFFFFF9C0  }
0xb7: {  	v8 =	vmul.f32 v8, v10;
	v28 =	vmul.f32 $1.428571490e-01, v25;
	v24 =	vadd.f32 $2.000000030e-01, v24;
	v29 =	vld.idx.msk [tilespmem:v20+s16+$0x0], $0xffff  }
0xb8: {  	v26 =	vor.u32 v1, v26;
	v59 =	vmul.f32 v12, v12;
	v30 =	vmul.f32 $1.428571490e-01, v27;
	v20 =	vld.idx.msk [tilespmem:v20+s17+$0x0], $0xffff  }
0xb9: {  	v8 =	vadd.f32 $3.333333430e-01, v8;
	v28 =	vadd.f32 $2.000000030e-01, v28;
	v24 =	vmul.f32 v24, v21;
	v60 =	vld.idx.msk [tilespmem:v23+s16+$0x0], $0xffff  }
0xba: {  	v15 =	vmul.f32 $6.931471820e-01, v15;
	v61 =	vmul.f32 $1.428571490e-01, v59;
	v30 =	vadd.f32 $2.000000030e-01, v30;
	v23 =	vld.idx.msk [tilespmem:v23+s17+$0x0], $0xffff  }
0xbb: {  	v62 =	vld.idx.msk [tilespmem:v22+s16+$0x0], $0xffff;
	v8 =	vmul.f32 v8, v10;
	v10 =	vadd.f32 $3.333333430e-01, v24;
	v24 =	vmul.f32 v28, v25  }
0xbc: {  	v14 =	vadd.f32 v14, v14;
	v22 =	vld.idx.msk [tilespmem:v22+s17+$0x0], $0xffff;
	v28 =	vmul.f32 v30, v27;
	v30 =	vadd.f32 $2.000000030e-01, v61  }
0xbd: {  	v63 =	vld.idx.msk [tilespmem:v26+s16+$0x0], $0xffff;
	v8 =	vadd.f32 $1.000000000e+00, v8;
	v10 =	vmul.f32 v10, v21;
	v21 =	vadd.f32 $3.333333430e-01, v24  }
0xbe: {  	v16 =	vadd.f32 v16, v16;
	v24 =	vld.idx.msk [tilespmem:v26+s17+$0x0], $0xffff;
	v26 =	vadd.f32 $3.333333430e-01, v28;
	v28 =	vmul.f32 v30, v59  }
0xbf: {  	v30 =	vld.idx.msk [tilespmem:v31+s16+$0x0], $0xffff;
	v8 =	vmul.f32 v8, v14;
	v10 =	vadd.f32 $1.000000000e+00, v10;
	v14 =	vmul.f32 v21, v25  }
0xc0: {  	v17 =	vadd.f32 v17, v17;
	v21 =	vld.idx.msk [tilespmem:v31+s17+$0x0], $0xffff;
	v25 =	vmul.f32 v26, v27;
	v26 =	vadd.f32 $3.333333430e-01, v28  }
0xc1: {  	v8 =	vadd.f32 v8, v9;
	v9 =	vmul.f32 v10, v16;
	v10 =	vadd.f32 $1.000000000e+00, v14;
	v27 =	vld.idx.msk [tilespmem:v29+s3+$0x0], $0xffff  }
0xc2: {  	v11 =	vadd.f32 v11, v11;
	v16 =	vadd.f32 $1.000000000e+00, v25;
	v14 =	vld.idx.msk [tilespmem:v20+s3+$0x0], $0xffff;
	v20 =	vmul.f32 v26, v59  }
0xc3: {  	v25 =	vld.idx.msk [tilespmem:v60+s3+$0x0], $0xffff;
	v7 =	vadd.f32 v8, v7;
	v8 =	vadd.f32 v9, v19;
	v9 =	vmul.f32 v10, v17  }
0xc4: {  	v12 =	vadd.f32 v12, v12;
	v10 =	vld.idx.msk [tilespmem:v23+s3+$0x0], $0xffff;
	v17 =	vmul.f32 $6.931471820e-01, v18;
	v18 =	vadd.f32 $1.000000000e+00, v20  }
0xc5: {  	v19 =	vld.idx.msk [tilespmem:v62+s3+$0x0], $0xffff;
	v7 =	vadd.f32 v8, v7;
	v8 =	vadd.f32 v9, v15;
	v9 =	vmul.f32 v16, v11  }
0xc6: {  	v13 =	vmul.f32 $6.931471820e-01, v13;
	v11 =	vld.idx.msk [tilespmem:v22+s3+$0x0], $0xffff  }
0xc7: {  	v15 =	vld.idx.msk [tilespmem:v63+s3+$0x0], $0xffff;
	v7 =	vadd.f32 v8, v7;
	v8 =	vadd.f32 v9, v17;
	v9 =	vmul.f32 v18, v12  }
0xc8: {  	v16 =	vld.idx.msk [tilespmem:v30+s3+$0x0], $0xffff  }
0xc9: {  	s31 =	simm.s32 $0x50;
	v7 =	vadd.f32 v8, v7;
	v8 =	vadd.f32 v9, v13;
	v9 =	vld.idx.msk [tilespmem:v21+s3+$0x0], $0xffff  }
0xca: {  	v20 =	vor.u32 s31, v0;
	v12 =	vld.idx.msk [tilespmem:v24+s3+$0x0], $0xffff  }
0xcb: {  	v20 =	vand.u32 v2, v20;
	v14 =	vmul.f32 v14, v27  }
0xcc: {  	v17 =	vadd.s32 s31, v3;
	v18 =	vadd.s32 s31, v4;
	v10 =	vmul.f32 v10, v25  }
0xcd: {  	v13 =	vadd.s32 s31, v6;
	v14 =	vmax.f32 v14, $1.000000010e-07;
	v11 =	vmul.f32 v11, v19  }
0xce: {  	v14 =	vmin.f32 v14, $9.999998800e-01;
	v10 =	vmax.f32 v10, $1.000000010e-07;
	v9 =	vmul.f32 v9, v16  }
0xcf: {  	v13 =	vand.u32 $0x1FF8, v13;
	v14 =	vsub.f32 $1.000000000e+00, v14;
	v12 =	vmul.f32 v12, v15  }
0xd0: {  	v10 =	vmin.f32 v10, $9.999998800e-01;
	v11 =	vmax.f32 v11, $1.000000010e-07;
	v9 =	vmax.f32 v9, $1.000000010e-07  }
0xd1: {  	v15 =	vadd.s32 $0xC0CAFB0D, v14;
	v12 =	vmax.f32 v12, $1.000000010e-07;
	v9 =	vmin.f32 v9, $9.999998800e-01  }
0xd2: {  	v16 =	vand.u32 $0xFF800000, v15;
	v12 =	vmin.f32 v12, $9.999998800e-01;
	v9 =	vsub.f32 $1.000000000e+00, v9  }
0xd3: {  	v10 =	vsub.f32 $1.000000000e+00, v10;
	v14 =	vsub.s32 v14, v16;
	v12 =	vsub.f32 $1.000000000e+00, v12  }
0xd4: {  	v11 =	vmin.f32 v11, $9.999998800e-01;
	v19 =	vadd.f32 $1.000000000e+00, v14;
	v16 =	vadd.s32 $0xC0CAFB0D, v9  }
0xd5: {  	v11 =	vsub.f32 $1.000000000e+00, v11;
	v22 =	vadd.s32 $0xC0CAFB0D, v12;
	v21 =	vand.u32 $0xFF800000, v16  }
0xd6: {  	(erf) = vrcp.f32 v19;
	v9 =	vsub.s32 v9, v21;
	v21 =	vand.u32 $0xFF800000, v22  }
0xd7: {  	v23 =	vadd.s32 $0xC0CAFB0D, v11;
	v24 =	vadd.f32 $1.000000000e+00, v9;
	v12 =	vsub.s32 v12, v21  }
0xd8: {  	v7 =	vadd.f32 v8, v7;
	v21 =	vand.u32 $0xFF800000, v23;
	v19 =	vadd.f32 $1.000000000e+00, v12  }
0xd9: {  	v26 =	vsub.s32 v11, v21;
	v11 =	vadd.s32 $0xC0CAFB0D, v10;
	(erf) = vrcp.f32 v24  }
0xda: {  	v8 =	vadd.s32 s31, v5;
	v21 =	vadd.f32 $1.000000000e+00, v26;
	v24 =	vand.u32 $0xFF800000, v11  }
0xdb: {  	v8 =	vand.u32 $0x1FF8, v8;
	(erf) = vrcp.f32 v19;
	v24 =	vsub.s32 v10, v24  }
0xdc: {  	v11 =	vshra.s32 v11, $0x17;
	v10 =	vadd.f32 $1.000000000e+00, v24;
	(erf) = vrcp.f32 v21  }
0xdd: {  	v28 =	vor.u32 v1, v13;
	v19 =	vand.u32 $0x1FF8, v17;
	v17 =	vor.u32 v1, v8  }
0xde: {  	v8 =	vshra.s32 v15, $0x17;
	(erf) = vrcp.f32 v10;
	v10 =	vadd.f32 $-1.000000000e+00, v14  }
0xdf: {  	v13 =	vshra.s32 v22, $0x17;
	v22 =	vcvt.s32.f32 v8;
	v8 =	vcvt.s32.f32 v11;
	v11 =	vpop (erf)  }
0xe0: {  	v18 =	vand.u32 $0x1FF8, v18;
	v9 =	vadd.f32 $-1.000000000e+00, v9;
	v15 =	vmul.f32 v11, v10  }
0xe1: {  	v25 =	vor.u32 v1, v18;
	v13 =	vcvt.s32.f32 v13;
	v14 =	vshra.s32 v23, $0x17  }
0xe2: {  	v16 =	vshra.s32 v16, $0x17;
	v10 =	vcvt.s32.f32 v14;
	v18 =	vmul.f32 v15, v15;
	v11 =	vpop (erf)  }
0xe3: {  	v12 =	vadd.f32 $-1.000000000e+00, v12;
	v21 =	vld.idx.msk [tilespmem:v20+s16+$0x0], $0xffff;
	v14 =	vcvt.s32.f32 v16;
	v16 =	vmul.f32 v11, v9  }
0xe4: {  	v27 =	vadd.f32 $-1.000000000e+00, v26;
	v9 =	vpop (erf);
	v11 =	vmul.f32 $6.931471820e-01, v22;
	v22 =	vld.idx.msk [tilespmem:v20+s17+$0x0], $0xffff;
	v20 =	vmul.f32 $1.428571490e-01, v18  }
0xe5: {  	v26 =	vor.u32 v1, v19;
	v12 =	vmul.f32 v9, v12;
	v29 =	vpop (erf);
	v19 =	vmul.f32 v16, v16  }
0xe6: {  	v23 =	vld.idx.msk [tilespmem:v28+s16+$0x0], $0xffff;
	v9 =	vmul.f32 $6.931471820e-01, v13;
	v13 =	vmul.f32 v29, v27;
	v27 =	vadd.f32 $-1.000000000e+00, v24  }
0xe7: {  	s26 =	simm.s32 $0xA0;
	v24 =	vld.idx.msk [tilespmem:v28+s17+$0x0], $0xffff;
	v28 =	vadd.f32 $2.000000030e-01, v20;
	v20 =	vmul.f32 v12, v12;
	v30 =	vpop (erf);
	v29 =	vmul.f32 $1.428571490e-01, v19  }
.LBB2_5:
0xe8: {  	p0 =	sne.s32 s26, $0x5F0;
	v31 =	vld.idx.msk [tilespmem:v17+s16+$0x0], $0xffff;
	v32 =	vmul.f32 v13, v13;
	v27 =	vmul.f32 v30, v27  }
0xe9: {  	v17 =	vld.idx.msk [tilespmem:v17+s17+$0x0], $0xffff;
	v28 =	vmul.f32 v28, v18;
	v29 =	vadd.f32 $2.000000030e-01, v29;
	v30 =	vmul.f32 $1.428571490e-01, v20  }
0xea: {  	v33 =	vld.idx.msk [tilespmem:v25+s16+$0x0], $0xffff;
	v34 =	vmul.f32 $1.428571490e-01, v32;
	v35 =	vmul.f32 v27, v27  }
0xeb: {  	v25 =	vld.idx.msk [tilespmem:v25+s17+$0x0], $0xffff;
	v28 =	vadd.f32 $3.333333430e-01, v28;
	v29 =	vmul.f32 v29, v19;
	v30 =	vadd.f32 $2.000000030e-01, v30  }
0xec: {  	v14 =	vmul.f32 $6.931471820e-01, v14;
	v36 =	vld.idx.msk [tilespmem:v26+s16+$0x0], $0xffff;
	v34 =	vadd.f32 $2.000000030e-01, v34;
	v37 =	vmul.f32 $1.428571490e-01, v35  }
0xed: {  	v26 =	vld.idx.msk [tilespmem:v26+s17+$0x0], $0xffff;
	v18 =	vmul.f32 v28, v18;
	v28 =	vadd.f32 $3.333333430e-01, v29;
	v29 =	vmul.f32 v30, v20  }
0xee: {  	v15 =	vadd.f32 v15, v15;
	v21 =	vld.idx.msk [tilespmem:v21+s3+$0x0], $0xffff;
	v30 =	vmul.f32 v34, v32;
	v34 =	vadd.f32 $2.000000030e-01, v37  }
0xef: {  	v22 =	vld.idx.msk [tilespmem:v22+s3+$0x0], $0xffff;
	v18 =	vadd.f32 $1.000000000e+00, v18;
	v19 =	vmul.f32 v28, v19;
	v28 =	vadd.f32 $3.333333430e-01, v29  }
0xf0: {  	v16 =	vadd.f32 v16, v16;
	v23 =	vld.idx.msk [tilespmem:v23+s3+$0x0], $0xffff;
	v29 =	vadd.f32 $3.333333430e-01, v30;
	v30 =	vmul.f32 v34, v35  }
0xf1: {  	v24 =	vld.idx.msk [tilespmem:v24+s3+$0x0], $0xffff;
	v15 =	vmul.f32 v18, v15;
	v18 =	vadd.f32 $1.000000000e+00, v19;
	v19 =	vmul.f32 v28, v20  }
0xf2: {  	v12 =	vadd.f32 v12, v12;
	v20 =	vld.idx.msk [tilespmem:v31+s3+$0x0], $0xffff;
	v28 =	vmul.f32 v29, v32;
	v29 =	vadd.f32 $3.333333430e-01, v30  }
0xf3: {  	v17 =	vld.idx.msk [tilespmem:v17+s3+$0x0], $0xffff;
	v11 =	vadd.f32 v15, v11;
	v15 =	vmul.f32 v18, v16;
	v16 =	vadd.f32 $1.000000000e+00, v19  }
0xf4: {  	v13 =	vadd.f32 v13, v13;
	v18 =	vld.idx.msk [tilespmem:v33+s3+$0x0], $0xffff;
	v19 =	vadd.f32 $1.000000000e+00, v28;
	v28 =	vmul.f32 v29, v35  }
0xf5: {  	v25 =	vld.idx.msk [tilespmem:v25+s3+$0x0], $0xffff;
	v7 =	vadd.f32 v11, v7;
	v11 =	vadd.f32 v15, v14;
	v12 =	vmul.f32 v16, v12  }
0xf6: {  	v10 =	vmul.f32 $6.931471820e-01, v10;
	v15 =	vadd.f32 v27, v27;
	v14 =	vld.idx.msk [tilespmem:v36+s3+$0x0], $0xffff;
	v16 =	vadd.f32 $1.000000000e+00, v28  }
0xf7: {  	v26 =	vld.idx.msk [tilespmem:v26+s3+$0x0], $0xffff;
	v7 =	vadd.f32 v11, v7;
	v9 =	vadd.f32 v12, v9;
	v11 =	vmul.f32 v19, v13  }
0xf8: {  	v8 =	vmul.f32 $6.931471820e-01, v8;
	v12 =	vadd.s32 s26, v5;
	v13 =	vadd.s32 s26, v6  }
0xf9: {  	v7 =	vadd.f32 v9, v7;
	v9 =	vadd.f32 v11, v10;
	v10 =	vmul.f32 v16, v15  }
0xfa: {  	v11 =	vadd.s32 s26, v3;
	v15 =	vadd.s32 s26, v4;
	v16 =	vmul.f32 v22, v21  }
0xfb: {  	v19 =	vmul.f32 v24, v23;
	v7 =	vadd.f32 v9, v7;
	v8 =	vadd.f32 v10, v8  }
0xfc: {  	v17 =	vmul.f32 v17, v20;
	v9 =	vor.u32 s26, v0;
	v10 =	vmul.f32 v25, v18  }
0xfd: {  	v16 =	vmax.f32 v16, $1.000000010e-07;
	v14 =	vmul.f32 v26, v14;
	v7 =	vadd.f32 v8, v7  }
0xfe: {  	v8 =	vmin.f32 v16, $9.999998800e-01;
	v16 =	vmax.f32 v17, $1.000000010e-07;
	v17 =	vmax.f32 v19, $1.000000010e-07  }
0xff: {  	v10 =	vmax.f32 v10, $1.000000010e-07;
	v8 =	vsub.f32 $1.000000000e+00, v8;
	v14 =	vmax.f32 v14, $1.000000010e-07  }
0x100: {  	v16 =	vmin.f32 v16, $9.999998800e-01;
	v17 =	vmin.f32 v17, $9.999998800e-01;
	v14 =	vmin.f32 v14, $9.999998800e-01  }
0x101: {  	v10 =	vmin.f32 v10, $9.999998800e-01;
	v18 =	vadd.s32 $0xC0CAFB0D, v8;
	v14 =	vsub.f32 $1.000000000e+00, v14  }
0x102: {  	v10 =	vsub.f32 $1.000000000e+00, v10;
	v17 =	vsub.f32 $1.000000000e+00, v17;
	v19 =	vand.u32 $0xFF800000, v18  }
0x103: {  	v16 =	vsub.f32 $1.000000000e+00, v16;
	v8 =	vsub.s32 v8, v19;
	v19 =	vadd.s32 $0xC0CAFB0D, v14  }
0x104: {  	v22 =	vadd.s32 $0xC0CAFB0D, v10;
	v20 =	vadd.f32 $1.000000000e+00, v8;
	v21 =	vand.u32 $0xFF800000, v19  }
0x105: {  	v23 =	vadd.s32 $0xC0CAFB0D, v16;
	v14 =	vsub.s32 v14, v21;
	v21 =	vand.u32 $0xFF800000, v22  }
0x106: {  	v24 =	vadd.f32 $1.000000000e+00, v14;
	v21 =	vsub.s32 v10, v21;
	(erf) = vrcp.f32 v20  }
0x107: {  	v10 =	vand.u32 $0x1FF8, v13;
	v13 =	vadd.f32 $1.000000000e+00, v21;
	v20 =	vand.u32 $0xFF800000, v23  }
0x108: {  	v20 =	vsub.s32 v16, v20;
	v16 =	vadd.s32 $0xC0CAFB0D, v17;
	(erf) = vrcp.f32 v24  }
0x109: {  	v24 =	vadd.f32 $1.000000000e+00, v20;
	v25 =	vand.u32 $0xFF800000, v16;
	(erf) = vrcp.f32 v13  }
0x10a: {  	v12 =	vand.u32 $0x1FF8, v12;
	v13 =	vand.u32 $0x1FF8, v15;
	v27 =	vsub.s32 v17, v25  }
0x10b: {  	v26 =	vand.u32 $0x1FF8, v11;
	v11 =	vadd.f32 $1.000000000e+00, v27;
	(erf) = vrcp.f32 v24  }
0x10c: {  	v9 =	vand.u32 v2, v9;
	v17 =	vor.u32 v1, v12;
	v24 =	vor.u32 v1, v10  }
0x10d: {  	v15 =	vshra.s32 v18, $0x17;
	v12 =	vshra.s32 v16, $0x17;
	(erf) = vrcp.f32 v11  }
0x10e: {  	v16 =	vshra.s32 v22, $0x17;
	v18 =	vshra.s32 v23, $0x17;
	v11 =	vadd.f32 $-1.000000000e+00, v8  }
0x10f: {  	v19 =	vshra.s32 v19, $0x17;
	v22 =	vcvt.s32.f32 v15;
	v8 =	vcvt.s32.f32 v12;
	v10 =	vpop (erf)  }
0x110: {  	v15 =	vmul.f32 v10, v11;
	v11 =	vadd.f32 $-1.000000000e+00, v14;
	v10 =	vcvt.s32.f32 v18  }
0x111: {  	v28 =	vcvt.s32.f32 v16;
	v12 =	vadd.f32 $-1.000000000e+00, v21;
	v14 =	vcvt.s32.f32 v19;
	v16 =	vpop (erf)  }
.Ltmp1:
0x112: {  	v25 =	vor.u32 v1, v13;
	v18 =	vmul.f32 v15, v15;
	v16 =	vmul.f32 v16, v11;
	v13 =	vpop (erf);
	(pc) =	sbr.rel @p0 .LBB2_5-.Ltmp1, $4  }
0x113: {  	v11 =	vmul.f32 $6.931471820e-01, v22;
	v21 =	vld.idx.msk [tilespmem:v9+s16+$0x0], $0xffff;
	v12 =	vmul.f32 v13, v12;
	v13 =	vadd.f32 $-1.000000000e+00, v20  }
0x114: {  	v26 =	vor.u32 v1, v26;
	v22 =	vld.idx.msk [tilespmem:v9+s17+$0x0], $0xffff;
	v20 =	vmul.f32 $1.428571490e-01, v18;
	v19 =	vmul.f32 v16, v16;
	v29 =	vpop (erf)  }
0x115: {  	v27 =	vadd.f32 $-1.000000000e+00, v27;
	v9 =	vmul.f32 $6.931471820e-01, v28;
	v23 =	vld.idx.msk [tilespmem:v24+s16+$0x0], $0xffff;
	v13 =	vmul.f32 v29, v13  }
0x116: {  	s26 =	sadd.s32 $0x50, s26;
	v24 =	vld.idx.msk [tilespmem:v24+s17+$0x0], $0xffff;
	v28 =	vadd.f32 $2.000000030e-01, v20;
	v29 =	vmul.f32 $1.428571490e-01, v19;
	v20 =	vmul.f32 v12, v12;
	v30 =	vpop (erf)  }
0x117: {  	_ =	sdelay $0x3  }
0x118: {  	v31 =	vld.idx.msk [tilespmem:v17+s16+$0x0], $0xffff  }
0x119: {  	v48 =	vld.idx.msk [tilespmem:v17+s17+$0x0], $0xffff  }
0x11a: {  	v32 =	vld.idx.msk [tilespmem:v25+s16+$0x0], $0xffff  }
0x11b: {  	v49 =	vld.idx.msk [tilespmem:v25+s17+$0x0], $0xffff  }
0x11c: {  	v33 =	vmul.f32 v13, v13;
	v27 =	vmul.f32 v30, v27;
	v50 =	vld.idx.msk [tilespmem:v26+s16+$0x0], $0xffff;
	v15 =	vadd.f32 v15, v15  }
0x11d: {  	v51 =	vld.idx.msk [tilespmem:v26+s17+$0x0], $0xffff;
	v16 =	vadd.f32 v16, v16;
	v12 =	vadd.f32 v12, v12;
	v14 =	vmul.f32 $6.931471820e-01, v14  }
0x11e: {  	v28 =	vmul.f32 v28, v18;
	v29 =	vadd.f32 $2.000000030e-01, v29;
	v34 =	vmul.f32 $1.428571490e-01, v20;
	v21 =	vld.idx.msk [tilespmem:v21+s3+$0x0], $0xffff  }
0x11f: {  	v41 =	vadd.f32 v13, v13;
	v35 =	vmul.f32 $1.428571490e-01, v33;
	v36 =	vmul.f32 v27, v27;
	v22 =	vld.idx.msk [tilespmem:v22+s3+$0x0], $0xffff  }
0x120: {  	v10 =	vmul.f32 $6.931471820e-01, v10;
	v28 =	vadd.f32 $3.333333430e-01, v28;
	v29 =	vmul.f32 v29, v19;
	v23 =	vld.idx.msk [tilespmem:v23+s3+$0x0], $0xffff  }
0x121: {  	v34 =	vadd.f32 $2.000000030e-01, v34;
	v35 =	vadd.f32 $2.000000030e-01, v35;
	v37 =	vmul.f32 $1.428571490e-01, v36;
	v24 =	vld.idx.msk [tilespmem:v24+s3+$0x0], $0xffff  }
0x122: {  	v8 =	vmul.f32 $6.931471820e-01, v8;
	v52 =	vmul.f32 v28, v18;
	v53 =	vadd.f32 $3.333333430e-01, v29;
	v31 =	vld.idx.msk [tilespmem:v31+s3+$0x0], $0xffff  }
0x123: {  	v54 =	vmul.f32 v34, v20;
	v55 =	vmul.f32 v35, v33;
	v56 =	vadd.f32 $2.000000030e-01, v37;
	v17 =	vld.idx.msk [tilespmem:v48+s3+$0x0], $0xffff  }
0x124: {  	v47 =	vadd.f32 v27, v27;
	v18 =	vadd.f32 $1.000000000e+00, v52;
	v57 =	vmul.f32 v53, v19;
	v32 =	vld.idx.msk [tilespmem:v32+s3+$0x0], $0xffff  }
0x125: {  	v58 =	vadd.f32 $3.333333430e-01, v54;
	v59 =	vadd.f32 $3.333333430e-01, v55;
	v60 =	vmul.f32 v56, v36;
	v38 =	vld.idx.msk [tilespmem:v50+s3+$0x0], $0xffff  }
0x126: {  	v46 =	vmul.f32 v22, v21;
	v40 =	vld.idx.msk [tilespmem:v51+s3+$0x0], $0xffff;
	v15 =	vmul.f32 v18, v15;
	v61 =	vadd.f32 $1.000000000e+00, v57  }
0x127: {  	v63 =	vld.idx.msk [tilespmem:v49+s3+$0x0], $0xffff;
	v62 =	vmul.f32 v58, v20;
	v35 =	vmul.f32 v59, v33;
	v37 =	vadd.f32 $3.333333430e-01, v60  }
0x128: {  	v48 =	vmul.f32 v24, v23;
	v11 =	vadd.f32 v15, v11;
	v16 =	vmul.f32 v61, v16  }
0x129: {  	v39 =	vadd.f32 $1.000000000e+00, v62;
	v42 =	vadd.f32 $1.000000000e+00, v35;
	v43 =	vmul.f32 v37, v36  }
0x12a: {  	v7 =	vadd.f32 v11, v7;
	v45 =	vadd.f32 v16, v14;
	v17 =	vmul.f32 v17, v31  }
0x12b: {  	v14 =	vmax.f32 v46, $1.000000010e-07;
	v19 =	vmul.f32 v40, v38;
	v16 =	vmax.f32 v48, $1.000000010e-07  }
0x12c: {  	v20 =	vmul.f32 v63, v32;
	v14 =	vmin.f32 v14, $9.999998800e-01;
	v16 =	vmin.f32 v16, $9.999998800e-01  }
0x12d: {  	v17 =	vmax.f32 v17, $1.000000010e-07;
	v14 =	vsub.f32 $1.000000000e+00, v14;
	v19 =	vmax.f32 v19, $1.000000010e-07  }
0x12e: {  	v20 =	vmax.f32 v20, $1.000000010e-07;
	v16 =	vsub.f32 $1.000000000e+00, v16;
	v19 =	vmin.f32 v19, $9.999998800e-01  }
0x12f: {  	v20 =	vmin.f32 v20, $9.999998800e-01;
	v49 =	vadd.s32 $0xC0CAFB0D, v14;
	v19 =	vsub.f32 $1.000000000e+00, v19  }
0x130: {  	v17 =	vmin.f32 v17, $9.999998800e-01;
	v20 =	vsub.f32 $1.000000000e+00, v20;
	v50 =	vand.u32 $0xFF800000, v49  }
0x131: {  	v17 =	vsub.f32 $1.000000000e+00, v17;
	v14 =	vsub.s32 v14, v50;
	v51 =	vadd.s32 $0xC0CAFB0D, v19  }
0x132: {  	v54 =	vadd.s32 $0xC0CAFB0D, v20;
	v52 =	vadd.f32 $1.000000000e+00, v14;
	v53 =	vand.u32 $0xFF800000, v51  }
0x133: {  	v56 =	vadd.s32 $0xC0CAFB0D, v17;
	v55 =	vand.u32 $0xFF800000, v54;
	v19 =	vsub.s32 v19, v53  }
0x134: {  	v20 =	vsub.s32 v20, v55;
	v57 =	vadd.f32 $1.000000000e+00, v19;
	(erf) = vrcp.f32 v52  }
0x135: {  	v44 =	vmul.f32 v39, v12;
	v59 =	vand.u32 $0xFF800000, v56;
	v24 =	vadd.f32 $1.000000000e+00, v20  }
0x136: {  	v60 =	vadd.s32 $0xC0CAFB0D, v16;
	v17 =	vsub.s32 v17, v59;
	(erf) = vrcp.f32 v57  }
0x137: {  	v62 =	vand.u32 $0xFF800000, v60;
	v61 =	vadd.f32 $1.000000000e+00, v17;
	(erf) = vrcp.f32 v24  }
0x138: {  	v58 =	vadd.f32 $1.000000000e+00, v43;
	v7 =	vadd.f32 v45, v7;
	v63 =	vsub.s32 v16, v62  }
0x139: {  	v31 =	vshra.s32 v49, $0x17;
	v29 =	vadd.f32 $1.000000000e+00, v63;
	(erf) = vrcp.f32 v61  }
0x13a: {  	v30 =	vmul.f32 v58, v47;
	v32 =	vshra.s32 v60, $0x17;
	v15 =	vcvt.s32.f32 v31  }
0x13b: {  	v9 =	vadd.f32 v44, v9;
	v16 =	vcvt.s32.f32 v32;
	(erf) = vrcp.f32 v29  }
0x13c: {  	v33 =	vadd.f32 $-1.000000000e+00, v14;
	v35 =	vshra.s32 v56, $0x17;
	v36 =	vshra.s32 v51, $0x17  }
0x13d: {  	v34 =	vshra.s32 v54, $0x17;
	v18 =	vcvt.s32.f32 v35;
	v21 =	vcvt.s32.f32 v36;
	v37 =	vpop (erf)  }
0x13e: {  	v14 =	vcvt.s32.f32 v34;
	v19 =	vadd.f32 $-1.000000000e+00, v19;
	v13 =	vmul.f32 v37, v33  }
0x13f: {  	v15 =	vmul.f32 $6.931471820e-01, v15;
	v20 =	vadd.f32 $-1.000000000e+00, v20;
	v24 =	vmul.f32 v42, v41;
	v38 =	vpop (erf)  }
0x140: {  	v7 =	vadd.f32 v9, v7;
	v39 =	vmul.f32 v13, v13;
	v19 =	vmul.f32 v38, v19;
	v40 =	vpop (erf)  }
0x141: {  	v17 =	vadd.f32 $-1.000000000e+00, v17;
	v10 =	vadd.f32 v24, v10;
	v20 =	vmul.f32 v40, v20  }
0x142: {  	v11 =	vadd.f32 $-1.000000000e+00, v63;
	v43 =	vpop (erf);
	v41 =	vmul.f32 $1.428571490e-01, v39;
	v42 =	vmul.f32 v19, v19  }
0x143: {  	v14 =	vmul.f32 $6.931471820e-01, v14;
	v7 =	vadd.f32 v10, v7;
	v17 =	vmul.f32 v43, v17  }
0x144: {  	v46 =	vpop (erf);
	v45 =	vmul.f32 v20, v20;
	v10 =	vadd.f32 $2.000000030e-01, v41;
	v44 =	vmul.f32 $1.428571490e-01, v42  }
0x145: {  	v8 =	vadd.f32 v30, v8;
	v11 =	vmul.f32 v46, v11;
	v47 =	vmul.f32 v17, v17  }
0x146: {  	v48 =	vmul.f32 $1.428571490e-01, v45;
	v10 =	vmul.f32 v10, v39;
	v23 =	vadd.f32 $2.000000030e-01, v44  }
0x147: {  	v7 =	vadd.f32 v8, v7;
	v49 =	vmul.f32 v11, v11;
	v8 =	vmul.f32 $1.428571490e-01, v47  }
0x148: {  	v25 =	vadd.f32 $2.000000030e-01, v48;
	v10 =	vadd.f32 $3.333333430e-01, v10;
	v23 =	vmul.f32 v23, v42  }
0x149: {  	v21 =	vmul.f32 $6.931471820e-01, v21;
	v50 =	vmul.f32 $1.428571490e-01, v49;
	v8 =	vadd.f32 $2.000000030e-01, v8  }
0x14a: {  	v52 =	vmul.f32 v25, v45;
	v10 =	vmul.f32 v10, v39;
	v51 =	vadd.f32 $3.333333430e-01, v23  }
0x14b: {  	v13 =	vadd.f32 v13, v13;
	v53 =	vadd.f32 $2.000000030e-01, v50;
	v8 =	vmul.f32 v8, v47  }
0x14c: {  	v54 =	vadd.f32 $3.333333430e-01, v52;
	v10 =	vadd.f32 $1.000000000e+00, v10;
	v12 =	vmul.f32 v51, v42  }
0x14d: {  	v19 =	vadd.f32 v19, v19;
	v55 =	vmul.f32 v53, v49;
	v8 =	vadd.f32 $3.333333430e-01, v8  }
0x14e: {  	v56 =	vmul.f32 v54, v45;
	v10 =	vmul.f32 v10, v13;
	v12 =	vadd.f32 $1.000000000e+00, v12  }
0x14f: {  	v20 =	vadd.f32 v20, v20;
	v57 =	vadd.f32 $3.333333430e-01, v55;
	v8 =	vmul.f32 v8, v47  }
0x150: {  	v13 =	vadd.f32 $1.000000000e+00, v56;
	v10 =	vadd.f32 v10, v15;
	v12 =	vmul.f32 v12, v19  }
0x151: {  	v58 =	vadd.f32 v17, v17;
	v9 =	vmul.f32 v57, v49;
	v8 =	vadd.f32 $1.000000000e+00, v8  }
0x152: {  	v60 =	vmul.f32 v13, v20;
	v7 =	vadd.f32 v10, v7;
	v59 =	vadd.f32 v12, v21  }
0x153: {  	v61 =	vmul.f32 $6.931471820e-01, v18;
	v11 =	vadd.f32 v11, v11;
	v9 =	vadd.f32 $1.000000000e+00, v9  }
0x154: {  	v8 =	vmul.f32 v8, v58;
	v62 =	vadd.f32 v60, v14;
	v7 =	vadd.f32 v59, v7  }
0x155: {  	p0 =	seq.s32 s24, $0x3D;
	v63 =	vmul.f32 $6.931471820e-01, v16  }
.Ltmp2:
0x156: {  	v9 =	vmul.f32 v9, v11;
	v8 =	vadd.f32 v8, v61;
	v7 =	vadd.f32 v62, v7;
	(pc) =	sbr.rel @p0 .LBB2_8-.Ltmp2, $3  }
0x157: {  	_ = 	snop  }
0x158: {  	v7 =	vadd.f32 v8, v7;
	v8 =	vadd.f32 v9, v63;
	_ =	sdelay $0x1  }
0x159: {  	v7 =	vadd.f32 v8, v7  }
0x15a: {  	s25 =	sadd.s32 s25, s11  }
.Ltmp3:
0x15b: {  	s25 =	sshrl.u32 s25, $0x3;
	(pc) =	sbr.rel .LBB2_2-.Ltmp3, $4  }
0x15c: {  	s26 =	sadd.s32 s4, s25  }
0x15d: {  	[tilespmem:s16], [sflag:$0x3] =	stream.linear.gather [hbm4b:s26+s3], $0x640, $0x38;
	[tilespmem:$0x1A020] =	vst v63  }
0x15e: {  	s24 =	sadd.s32 $0x1, s24;
	s25 =	sadd.s32 s5, s25  }
0x15f: {  	[tilespmem:s17], [sflag:$0x3] =	stream.linear.gather [hbm4b:s25+s3], $0x640, $0x38;
	[tilespmem:$0x1A020] =	vst v63  }
.LBB2_8:
0x160: {  	s24 =	simm.s32 $0x0  }
0x161: {  	_ =	swait.ge [sflag:s19], $0x640;
	v8 =	vor.u32 s24, v0  }
0x162: {  	[sflag:s19] =	ssyncset.done $0x0;
	v9 =	vadd.s32 s24, v6;
	v8 =	vand.u32 v2, v8  }
0x163: {  	[sflag:s19] =	ssyncadd.s32 $0xFFFFF9C0;
	v9 =	vand.u32 $0x1FF8, v9  }
0x164: {  	v10 =	vadd.s32 s24, v5;
	_ =	swait.ge [sflag:s19], $0x640;
	v9 =	vor.u32 v1, v9  }
0x165: {  	v10 =	vand.u32 $0x1FF8, v10;
	[sflag:s19] =	ssyncset.done $0x0  }
0x166: {  	v11 =	vadd.s32 s24, v4;
	v10 =	vor.u32 v1, v10;
	[sflag:s19] =	ssyncadd.s32 $0xFFFFF9C0  }
0x167: {  	v11 =	vand.u32 $0x1FF8, v11;
	v12 =	vld.idx.msk [tilespmem:v8+s14+$0x0], $0xffff  }
0x168: {  	v13 =	vadd.s32 s24, v3;
	v11 =	vor.u32 v1, v11;
	v8 =	vld.idx.msk [tilespmem:v8+s15+$0x0], $0xffff  }
0x169: {  	v13 =	vand.u32 $0x1FF8, v13;
	v14 =	vld.idx.msk [tilespmem:v9+s14+$0x0], $0xffff  }
0x16a: {  	v13 =	vor.u32 v1, v13;
	v9 =	vld.idx.msk [tilespmem:v9+s15+$0x0], $0xffff  }
0x16b: {  	v15 =	vld.idx.msk [tilespmem:v10+s14+$0x0], $0xffff  }
0x16c: {  	v10 =	vld.idx.msk [tilespmem:v10+s15+$0x0], $0xffff  }
0x16d: {  	v16 =	vld.idx.msk [tilespmem:v11+s14+$0x0], $0xffff  }
0x16e: {  	v11 =	vld.idx.msk [tilespmem:v11+s15+$0x0], $0xffff  }
0x16f: {  	v17 =	vld.idx.msk [tilespmem:v13+s14+$0x0], $0xffff  }
0x170: {  	v13 =	vld.idx.msk [tilespmem:v13+s15+$0x0], $0xffff  }
0x171: {  	v12 =	vld.idx.msk [tilespmem:v12+s3+$0x0], $0xffff  }
0x172: {  	v8 =	vld.idx.msk [tilespmem:v8+s3+$0x0], $0xffff  }
0x173: {  	v14 =	vld.idx.msk [tilespmem:v14+s3+$0x0], $0xffff  }
0x174: {  	v9 =	vld.idx.msk [tilespmem:v9+s3+$0x0], $0xffff  }
0x175: {  	v15 =	vld.idx.msk [tilespmem:v15+s3+$0x0], $0xffff  }
0x176: {  	v10 =	vld.idx.msk [tilespmem:v10+s3+$0x0], $0xffff  }
0x177: {  	v16 =	vld.idx.msk [tilespmem:v16+s3+$0x0], $0xffff  }
0x178: {  	v11 =	vld.idx.msk [tilespmem:v11+s3+$0x0], $0xffff  }
0x179: {  	v17 =	vld.idx.msk [tilespmem:v17+s3+$0x0], $0xffff  }
0x17a: {  	v13 =	vld.idx.msk [tilespmem:v13+s3+$0x0], $0xffff  }
0x17b: {  	s31 =	simm.s32 $0x50  }
0x17c: {  	v18 =	vadd.s32 s31, v5;
	v19 =	vadd.s32 s31, v6  }
0x17d: {  	v20 =	vadd.s32 s31, v3;
	v21 =	vadd.s32 s31, v4;
	v8 =	vmul.f32 v8, v12  }
0x17e: {  	v21 =	vand.u32 $0x1FF8, v21;
	v9 =	vmul.f32 v9, v14;
	v10 =	vmul.f32 v10, v15  }
0x17f: {  	v11 =	vmul.f32 v11, v16;
	v13 =	vmul.f32 v13, v17;
	v8 =	vmax.f32 v8, $1.000000010e-07  }
0x180: {  	v8 =	vmin.f32 v8, $9.999998800e-01;
	v10 =	vmax.f32 v10, $1.000000010e-07;
	v9 =	vmax.f32 v9, $1.000000010e-07  }
0x181: {  	v13 =	vmax.f32 v13, $1.000000010e-07;
	v11 =	vmax.f32 v11, $1.000000010e-07;
	v8 =	vsub.f32 $1.000000000e+00, v8  }
0x182: {  	v13 =	vmin.f32 v13, $9.999998800e-01;
	v10 =	vmin.f32 v10, $9.999998800e-01;
	v9 =	vmin.f32 v9, $9.999998800e-01  }
0x183: {  	v11 =	vmin.f32 v11, $9.999998800e-01;
	v13 =	vsub.f32 $1.000000000e+00, v13;
	v14 =	vadd.s32 $0xC0CAFB0D, v8  }
0x184: {  	v11 =	vsub.f32 $1.000000000e+00, v11;
	v9 =	vsub.f32 $1.000000000e+00, v9;
	v15 =	vand.u32 $0xFF800000, v14  }
0x185: {  	v10 =	vsub.f32 $1.000000000e+00, v10;
	v8 =	vsub.s32 v8, v15;
	v15 =	vadd.s32 $0xC0CAFB0D, v13  }
0x186: {  	v22 =	vadd.s32 $0xC0CAFB0D, v11;
	v16 =	vadd.f32 $1.000000000e+00, v8;
	v17 =	vand.u32 $0xFF800000, v15  }
0x187: {  	v23 =	vadd.s32 $0xC0CAFB0D, v10;
	v13 =	vsub.s32 v13, v17;
	v17 =	vand.u32 $0xFF800000, v22  }
0x188: {  	v24 =	vadd.f32 $1.000000000e+00, v13;
	v11 =	vsub.s32 v11, v17;
	(erf) = vrcp.f32 v16  }
0x189: {  	v16 =	vand.u32 $0x1FF8, v19;
	v19 =	vand.u32 $0xFF800000, v23;
	v17 =	vadd.f32 $1.000000000e+00, v11  }
0x18a: {  	v19 =	vsub.s32 v10, v19;
	v10 =	vadd.s32 $0xC0CAFB0D, v9;
	(erf) = vrcp.f32 v24  }
0x18b: {  	v24 =	vadd.f32 $1.000000000e+00, v19;
	v25 =	vand.u32 $0xFF800000, v10;
	(erf) = vrcp.f32 v17  }
0x18c: {  	v12 =	vor.u32 s31, v0;
	v13 =	vadd.f32 $-1.000000000e+00, v13;
	v27 =	vsub.s32 v9, v25  }
0x18d: {  	v17 =	vand.u32 $0x1FF8, v18;
	v18 =	vadd.f32 $1.000000000e+00, v27;
	(erf) = vrcp.f32 v24  }
0x18e: {  	v10 =	vshra.s32 v10, $0x17;
	v9 =	vand.u32 $0x1FF8, v20;
	v20 =	vand.u32 v2, v12  }
0x18f: {  	v12 =	vshra.s32 v14, $0x17;
	v14 =	vadd.f32 $-1.000000000e+00, v8;
	(erf) = vrcp.f32 v18  }
0x190: {  	v8 =	vcvt.s32.f32 v10;
	v25 =	vor.u32 v1, v21;
	v24 =	vor.u32 v1, v16  }
0x191: {  	v16 =	vshra.s32 v22, $0x17;
	v12 =	vcvt.s32.f32 v12;
	v22 =	vshra.s32 v15, $0x17;
	v10 =	vpop (erf)  }
0x192: {  	v28 =	vcvt.s32.f32 v16;
	v18 =	vshra.s32 v23, $0x17;
	v15 =	vmul.f32 v10, v14  }
0x193: {  	v10 =	vcvt.s32.f32 v18;
	v14 =	vcvt.s32.f32 v22;
	v22 =	vadd.f32 $-1.000000000e+00, v11;
	v11 =	vpop (erf)  }
0x194: {  	v17 =	vor.u32 v1, v17;
	v18 =	vmul.f32 v15, v15;
	v16 =	vmul.f32 v11, v13;
	v13 =	vpop (erf)  }
0x195: {  	v21 =	vld.idx.msk [tilespmem:v20+s14+$0x0], $0xffff;
	v11 =	vmul.f32 $6.931471820e-01, v12;
	v12 =	vmul.f32 v13, v22;
	v13 =	vadd.f32 $-1.000000000e+00, v19  }
0x196: {  	v26 =	vor.u32 v1, v9;
	v22 =	vld.idx.msk [tilespmem:v20+s15+$0x0], $0xffff;
	v29 =	vpop (erf);
	v20 =	vmul.f32 $1.428571490e-01, v18;
	v19 =	vmul.f32 v16, v16  }
0x197: {  	v27 =	vadd.f32 $-1.000000000e+00, v27;
	v9 =	vmul.f32 $6.931471820e-01, v28;
	v23 =	vld.idx.msk [tilespmem:v24+s14+$0x0], $0xffff;
	v13 =	vmul.f32 v29, v13  }
0x198: {  	s24 =	simm.s32 $0xA0;
	v24 =	vld.idx.msk [tilespmem:v24+s15+$0x0], $0xffff;
	v30 =	vpop (erf);
	v28 =	vadd.f32 $2.000000030e-01, v20;
	v29 =	vmul.f32 $1.428571490e-01, v19;
	v20 =	vmul.f32 v12, v12  }
.LBB2_9:
0x199: {  	p0 =	sne.s32 s24, $0x5F0;
	v31 =	vld.idx.msk [tilespmem:v17+s14+$0x0], $0xffff;
	v32 =	vmul.f32 v13, v13;
	v27 =	vmul.f32 v30, v27  }
0x19a: {  	v17 =	vld.idx.msk [tilespmem:v17+s15+$0x0], $0xffff;
	v28 =	vmul.f32 v28, v18;
	v29 =	vadd.f32 $2.000000030e-01, v29;
	v30 =	vmul.f32 $1.428571490e-01, v20  }
0x19b: {  	v33 =	vld.idx.msk [tilespmem:v25+s14+$0x0], $0xffff;
	v34 =	vmul.f32 $1.428571490e-01, v32;
	v35 =	vmul.f32 v27, v27  }
0x19c: {  	v25 =	vld.idx.msk [tilespmem:v25+s15+$0x0], $0xffff;
	v28 =	vadd.f32 $3.333333430e-01, v28;
	v29 =	vmul.f32 v29, v19;
	v30 =	vadd.f32 $2.000000030e-01, v30  }
0x19d: {  	v14 =	vmul.f32 $6.931471820e-01, v14;
	v36 =	vld.idx.msk [tilespmem:v26+s14+$0x0], $0xffff;
	v34 =	vadd.f32 $2.000000030e-01, v34;
	v37 =	vmul.f32 $1.428571490e-01, v35  }
0x19e: {  	v26 =	vld.idx.msk [tilespmem:v26+s15+$0x0], $0xffff;
	v18 =	vmul.f32 v28, v18;
	v28 =	vadd.f32 $3.333333430e-01, v29;
	v29 =	vmul.f32 v30, v20  }
0x19f: {  	v15 =	vadd.f32 v15, v15;
	v21 =	vld.idx.msk [tilespmem:v21+s3+$0x0], $0xffff;
	v30 =	vmul.f32 v34, v32;
	v34 =	vadd.f32 $2.000000030e-01, v37  }
0x1a0: {  	v22 =	vld.idx.msk [tilespmem:v22+s3+$0x0], $0xffff;
	v18 =	vadd.f32 $1.000000000e+00, v18;
	v19 =	vmul.f32 v28, v19;
	v28 =	vadd.f32 $3.333333430e-01, v29  }
0x1a1: {  	v16 =	vadd.f32 v16, v16;
	v23 =	vld.idx.msk [tilespmem:v23+s3+$0x0], $0xffff;
	v29 =	vadd.f32 $3.333333430e-01, v30;
	v30 =	vmul.f32 v34, v35  }
0x1a2: {  	v24 =	vld.idx.msk [tilespmem:v24+s3+$0x0], $0xffff;
	v15 =	vmul.f32 v18, v15;
	v18 =	vadd.f32 $1.000000000e+00, v19;
	v19 =	vmul.f32 v28, v20  }
0x1a3: {  	v12 =	vadd.f32 v12, v12;
	v20 =	vld.idx.msk [tilespmem:v31+s3+$0x0], $0xffff;
	v28 =	vmul.f32 v29, v32;
	v29 =	vadd.f32 $3.333333430e-01, v30  }
0x1a4: {  	v17 =	vld.idx.msk [tilespmem:v17+s3+$0x0], $0xffff;
	v11 =	vadd.f32 v15, v11;
	v15 =	vmul.f32 v18, v16;
	v16 =	vadd.f32 $1.000000000e+00, v19  }
0x1a5: {  	v13 =	vadd.f32 v13, v13;
	v18 =	vld.idx.msk [tilespmem:v33+s3+$0x0], $0xffff;
	v19 =	vadd.f32 $1.000000000e+00, v28;
	v28 =	vmul.f32 v29, v35  }
0x1a6: {  	v25 =	vld.idx.msk [tilespmem:v25+s3+$0x0], $0xffff;
	v7 =	vadd.f32 v11, v7;
	v11 =	vadd.f32 v15, v14;
	v12 =	vmul.f32 v16, v12  }
0x1a7: {  	v10 =	vmul.f32 $6.931471820e-01, v10;
	v15 =	vadd.f32 v27, v27;
	v14 =	vld.idx.msk [tilespmem:v36+s3+$0x0], $0xffff;
	v16 =	vadd.f32 $1.000000000e+00, v28  }
0x1a8: {  	v26 =	vld.idx.msk [tilespmem:v26+s3+$0x0], $0xffff;
	v7 =	vadd.f32 v11, v7;
	v9 =	vadd.f32 v12, v9;
	v11 =	vmul.f32 v19, v13  }
0x1a9: {  	v8 =	vmul.f32 $6.931471820e-01, v8;
	v12 =	vadd.s32 s24, v5;
	v13 =	vadd.s32 s24, v6  }
0x1aa: {  	v7 =	vadd.f32 v9, v7;
	v9 =	vadd.f32 v11, v10;
	v10 =	vmul.f32 v16, v15  }
0x1ab: {  	v11 =	vadd.s32 s24, v3;
	v15 =	vadd.s32 s24, v4;
	v16 =	vmul.f32 v22, v21  }
0x1ac: {  	v19 =	vmul.f32 v24, v23;
	v7 =	vadd.f32 v9, v7;
	v8 =	vadd.f32 v10, v8  }
0x1ad: {  	v17 =	vmul.f32 v17, v20;
	v9 =	vor.u32 s24, v0;
	v10 =	vmul.f32 v25, v18  }
0x1ae: {  	v16 =	vmax.f32 v16, $1.000000010e-07;
	v14 =	vmul.f32 v26, v14;
	v7 =	vadd.f32 v8, v7  }
0x1af: {  	v8 =	vmin.f32 v16, $9.999998800e-01;
	v16 =	vmax.f32 v17, $1.000000010e-07;
	v17 =	vmax.f32 v19, $1.000000010e-07  }
0x1b0: {  	v10 =	vmax.f32 v10, $1.000000010e-07;
	v8 =	vsub.f32 $1.000000000e+00, v8;
	v14 =	vmax.f32 v14, $1.000000010e-07  }
0x1b1: {  	v16 =	vmin.f32 v16, $9.999998800e-01;
	v17 =	vmin.f32 v17, $9.999998800e-01;
	v14 =	vmin.f32 v14, $9.999998800e-01  }
0x1b2: {  	v10 =	vmin.f32 v10, $9.999998800e-01;
	v18 =	vadd.s32 $0xC0CAFB0D, v8;
	v14 =	vsub.f32 $1.000000000e+00, v14  }
0x1b3: {  	v10 =	vsub.f32 $1.000000000e+00, v10;
	v17 =	vsub.f32 $1.000000000e+00, v17;
	v19 =	vand.u32 $0xFF800000, v18  }
0x1b4: {  	v16 =	vsub.f32 $1.000000000e+00, v16;
	v8 =	vsub.s32 v8, v19;
	v19 =	vadd.s32 $0xC0CAFB0D, v14  }
0x1b5: {  	v22 =	vadd.s32 $0xC0CAFB0D, v10;
	v20 =	vadd.f32 $1.000000000e+00, v8;
	v21 =	vand.u32 $0xFF800000, v19  }
0x1b6: {  	v23 =	vadd.s32 $0xC0CAFB0D, v16;
	v14 =	vsub.s32 v14, v21;
	v21 =	vand.u32 $0xFF800000, v22  }
0x1b7: {  	v24 =	vadd.f32 $1.000000000e+00, v14;
	v21 =	vsub.s32 v10, v21;
	(erf) = vrcp.f32 v20  }
0x1b8: {  	v10 =	vand.u32 $0x1FF8, v13;
	v13 =	vadd.f32 $1.000000000e+00, v21;
	v20 =	vand.u32 $0xFF800000, v23  }
0x1b9: {  	v20 =	vsub.s32 v16, v20;
	v16 =	vadd.s32 $0xC0CAFB0D, v17;
	(erf) = vrcp.f32 v24  }
0x1ba: {  	v24 =	vadd.f32 $1.000000000e+00, v20;
	v25 =	vand.u32 $0xFF800000, v16;
	(erf) = vrcp.f32 v13  }
0x1bb: {  	v12 =	vand.u32 $0x1FF8, v12;
	v13 =	vand.u32 $0x1FF8, v15;
	v27 =	vsub.s32 v17, v25  }
0x1bc: {  	v26 =	vand.u32 $0x1FF8, v11;
	v11 =	vadd.f32 $1.000000000e+00, v27;
	(erf) = vrcp.f32 v24  }
0x1bd: {  	v9 =	vand.u32 v2, v9;
	v17 =	vor.u32 v1, v12;
	v24 =	vor.u32 v1, v10  }
0x1be: {  	v15 =	vshra.s32 v18, $0x17;
	v12 =	vshra.s32 v16, $0x17;
	(erf) = vrcp.f32 v11  }
0x1bf: {  	v16 =	vshra.s32 v22, $0x17;
	v18 =	vshra.s32 v23, $0x17;
	v11 =	vadd.f32 $-1.000000000e+00, v8  }
0x1c0: {  	v19 =	vshra.s32 v19, $0x17;
	v22 =	vcvt.s32.f32 v15;
	v8 =	vcvt.s32.f32 v12;
	v10 =	vpop (erf)  }
0x1c1: {  	v15 =	vmul.f32 v10, v11;
	v11 =	vadd.f32 $-1.000000000e+00, v14;
	v10 =	vcvt.s32.f32 v18  }
0x1c2: {  	v28 =	vcvt.s32.f32 v16;
	v12 =	vadd.f32 $-1.000000000e+00, v21;
	v14 =	vcvt.s32.f32 v19;
	v16 =	vpop (erf)  }
.Ltmp4:
0x1c3: {  	v25 =	vor.u32 v1, v13;
	v18 =	vmul.f32 v15, v15;
	v16 =	vmul.f32 v16, v11;
	v13 =	vpop (erf);
	(pc) =	sbr.rel @p0 .LBB2_9-.Ltmp4, $4  }
0x1c4: {  	v11 =	vmul.f32 $6.931471820e-01, v22;
	v21 =	vld.idx.msk [tilespmem:v9+s14+$0x0], $0xffff;
	v12 =	vmul.f32 v13, v12;
	v13 =	vadd.f32 $-1.000000000e+00, v20  }
0x1c5: {  	v26 =	vor.u32 v1, v26;
	v22 =	vld.idx.msk [tilespmem:v9+s15+$0x0], $0xffff;
	v20 =	vmul.f32 $1.428571490e-01, v18;
	v19 =	vmul.f32 v16, v16;
	v29 =	vpop (erf)  }
0x1c6: {  	v27 =	vadd.f32 $-1.000000000e+00, v27;
	v9 =	vmul.f32 $6.931471820e-01, v28;
	v23 =	vld.idx.msk [tilespmem:v24+s14+$0x0], $0xffff;
	v13 =	vmul.f32 v29, v13  }
0x1c7: {  	s24 =	sadd.s32 $0x50, s24;
	v24 =	vld.idx.msk [tilespmem:v24+s15+$0x0], $0xffff;
	v28 =	vadd.f32 $2.000000030e-01, v20;
	v29 =	vmul.f32 $1.428571490e-01, v19;
	v20 =	vmul.f32 v12, v12;
	v30 =	vpop (erf)  }
0x1c8: {  	_ =	sdelay $0x3  }
0x1c9: {  	v31 =	vld.idx.msk [tilespmem:v17+s14+$0x0], $0xffff  }
0x1ca: {  	v48 =	vld.idx.msk [tilespmem:v17+s15+$0x0], $0xffff  }
0x1cb: {  	v32 =	vld.idx.msk [tilespmem:v25+s14+$0x0], $0xffff  }
0x1cc: {  	v49 =	vld.idx.msk [tilespmem:v25+s15+$0x0], $0xffff  }
0x1cd: {  	v33 =	vmul.f32 v13, v13;
	v27 =	vmul.f32 v30, v27;
	v50 =	vld.idx.msk [tilespmem:v26+s14+$0x0], $0xffff;
	v15 =	vadd.f32 v15, v15  }
0x1ce: {  	v51 =	vld.idx.msk [tilespmem:v26+s15+$0x0], $0xffff;
	v16 =	vadd.f32 v16, v16;
	v12 =	vadd.f32 v12, v12;
	v14 =	vmul.f32 $6.931471820e-01, v14  }
0x1cf: {  	v28 =	vmul.f32 v28, v18;
	v29 =	vadd.f32 $2.000000030e-01, v29;
	v34 =	vmul.f32 $1.428571490e-01, v20;
	v21 =	vld.idx.msk [tilespmem:v21+s3+$0x0], $0xffff  }
0x1d0: {  	v41 =	vadd.f32 v13, v13;
	v35 =	vmul.f32 $1.428571490e-01, v33;
	v36 =	vmul.f32 v27, v27;
	v22 =	vld.idx.msk [tilespmem:v22+s3+$0x0], $0xffff  }
0x1d1: {  	v10 =	vmul.f32 $6.931471820e-01, v10;
	v28 =	vadd.f32 $3.333333430e-01, v28;
	v29 =	vmul.f32 v29, v19;
	v23 =	vld.idx.msk [tilespmem:v23+s3+$0x0], $0xffff  }
0x1d2: {  	v34 =	vadd.f32 $2.000000030e-01, v34;
	v35 =	vadd.f32 $2.000000030e-01, v35;
	v37 =	vmul.f32 $1.428571490e-01, v36;
	v24 =	vld.idx.msk [tilespmem:v24+s3+$0x0], $0xffff  }
0x1d3: {  	v8 =	vmul.f32 $6.931471820e-01, v8;
	v52 =	vmul.f32 v28, v18;
	v53 =	vadd.f32 $3.333333430e-01, v29;
	v31 =	vld.idx.msk [tilespmem:v31+s3+$0x0], $0xffff  }
0x1d4: {  	v54 =	vmul.f32 v34, v20;
	v55 =	vmul.f32 v35, v33;
	v56 =	vadd.f32 $2.000000030e-01, v37;
	v17 =	vld.idx.msk [tilespmem:v48+s3+$0x0], $0xffff  }
0x1d5: {  	v47 =	vadd.f32 v27, v27;
	v18 =	vadd.f32 $1.000000000e+00, v52;
	v57 =	vmul.f32 v53, v19;
	v32 =	vld.idx.msk [tilespmem:v32+s3+$0x0], $0xffff  }
0x1d6: {  	v58 =	vadd.f32 $3.333333430e-01, v54;
	v59 =	vadd.f32 $3.333333430e-01, v55;
	v60 =	vmul.f32 v56, v36;
	v38 =	vld.idx.msk [tilespmem:v50+s3+$0x0], $0xffff  }
0x1d7: {  	v46 =	vmul.f32 v22, v21;
	v40 =	vld.idx.msk [tilespmem:v51+s3+$0x0], $0xffff;
	v15 =	vmul.f32 v18, v15;
	v61 =	vadd.f32 $1.000000000e+00, v57  }
0x1d8: {  	v63 =	vld.idx.msk [tilespmem:v49+s3+$0x0], $0xffff;
	v62 =	vmul.f32 v58, v20;
	v35 =	vmul.f32 v59, v33;
	v37 =	vadd.f32 $3.333333430e-01, v60  }
0x1d9: {  	v48 =	vmul.f32 v24, v23;
	v11 =	vadd.f32 v15, v11;
	v16 =	vmul.f32 v61, v16  }
0x1da: {  	v39 =	vadd.f32 $1.000000000e+00, v62;
	v42 =	vadd.f32 $1.000000000e+00, v35;
	v43 =	vmul.f32 v37, v36  }
0x1db: {  	v7 =	vadd.f32 v11, v7;
	v45 =	vadd.f32 v16, v14;
	v17 =	vmul.f32 v17, v31  }
0x1dc: {  	v14 =	vmax.f32 v46, $1.000000010e-07;
	v19 =	vmul.f32 v40, v38;
	v16 =	vmax.f32 v48, $1.000000010e-07  }
0x1dd: {  	v20 =	vmul.f32 v63, v32;
	v14 =	vmin.f32 v14, $9.999998800e-01;
	v16 =	vmin.f32 v16, $9.999998800e-01  }
0x1de: {  	v17 =	vmax.f32 v17, $1.000000010e-07;
	v14 =	vsub.f32 $1.000000000e+00, v14;
	v19 =	vmax.f32 v19, $1.000000010e-07  }
0x1df: {  	v20 =	vmax.f32 v20, $1.000000010e-07;
	v16 =	vsub.f32 $1.000000000e+00, v16;
	v19 =	vmin.f32 v19, $9.999998800e-01  }
0x1e0: {  	v20 =	vmin.f32 v20, $9.999998800e-01;
	v49 =	vadd.s32 $0xC0CAFB0D, v14;
	v19 =	vsub.f32 $1.000000000e+00, v19  }
0x1e1: {  	v17 =	vmin.f32 v17, $9.999998800e-01;
	v20 =	vsub.f32 $1.000000000e+00, v20;
	v50 =	vand.u32 $0xFF800000, v49  }
0x1e2: {  	v17 =	vsub.f32 $1.000000000e+00, v17;
	v14 =	vsub.s32 v14, v50;
	v51 =	vadd.s32 $0xC0CAFB0D, v19  }
0x1e3: {  	v54 =	vadd.s32 $0xC0CAFB0D, v20;
	v52 =	vadd.f32 $1.000000000e+00, v14;
	v53 =	vand.u32 $0xFF800000, v51  }
0x1e4: {  	v56 =	vadd.s32 $0xC0CAFB0D, v17;
	v55 =	vand.u32 $0xFF800000, v54;
	v19 =	vsub.s32 v19, v53  }
0x1e5: {  	v20 =	vsub.s32 v20, v55;
	v57 =	vadd.f32 $1.000000000e+00, v19;
	(erf) = vrcp.f32 v52  }
0x1e6: {  	v44 =	vmul.f32 v39, v12;
	v59 =	vand.u32 $0xFF800000, v56;
	v24 =	vadd.f32 $1.000000000e+00, v20  }
0x1e7: {  	v60 =	vadd.s32 $0xC0CAFB0D, v16;
	v17 =	vsub.s32 v17, v59;
	(erf) = vrcp.f32 v57  }
0x1e8: {  	v62 =	vand.u32 $0xFF800000, v60;
	v61 =	vadd.f32 $1.000000000e+00, v17;
	(erf) = vrcp.f32 v24  }
0x1e9: {  	v58 =	vadd.f32 $1.000000000e+00, v43;
	v7 =	vadd.f32 v45, v7;
	v63 =	vsub.s32 v16, v62  }
0x1ea: {  	v31 =	vshra.s32 v49, $0x17;
	v29 =	vadd.f32 $1.000000000e+00, v63;
	(erf) = vrcp.f32 v61  }
0x1eb: {  	v30 =	vmul.f32 v58, v47;
	v32 =	vshra.s32 v60, $0x17;
	v15 =	vcvt.s32.f32 v31  }
0x1ec: {  	v9 =	vadd.f32 v44, v9;
	v16 =	vcvt.s32.f32 v32;
	(erf) = vrcp.f32 v29  }
0x1ed: {  	v33 =	vadd.f32 $-1.000000000e+00, v14;
	v35 =	vshra.s32 v56, $0x17;
	v36 =	vshra.s32 v51, $0x17  }
0x1ee: {  	v34 =	vshra.s32 v54, $0x17;
	v18 =	vcvt.s32.f32 v35;
	v21 =	vcvt.s32.f32 v36;
	v37 =	vpop (erf)  }
0x1ef: {  	v14 =	vcvt.s32.f32 v34;
	v19 =	vadd.f32 $-1.000000000e+00, v19;
	v13 =	vmul.f32 v37, v33  }
0x1f0: {  	v15 =	vmul.f32 $6.931471820e-01, v15;
	v20 =	vadd.f32 $-1.000000000e+00, v20;
	v24 =	vmul.f32 v42, v41;
	v38 =	vpop (erf)  }
0x1f1: {  	v7 =	vadd.f32 v9, v7;
	v39 =	vmul.f32 v13, v13;
	v19 =	vmul.f32 v38, v19;
	v40 =	vpop (erf)  }
0x1f2: {  	v17 =	vadd.f32 $-1.000000000e+00, v17;
	v10 =	vadd.f32 v24, v10;
	v20 =	vmul.f32 v40, v20  }
0x1f3: {  	v11 =	vadd.f32 $-1.000000000e+00, v63;
	v43 =	vpop (erf);
	v41 =	vmul.f32 $1.428571490e-01, v39;
	v42 =	vmul.f32 v19, v19  }
0x1f4: {  	v14 =	vmul.f32 $6.931471820e-01, v14;
	v7 =	vadd.f32 v10, v7;
	v17 =	vmul.f32 v43, v17  }
0x1f5: {  	v46 =	vpop (erf);
	v45 =	vmul.f32 v20, v20;
	v10 =	vadd.f32 $2.000000030e-01, v41;
	v44 =	vmul.f32 $1.428571490e-01, v42  }
0x1f6: {  	v8 =	vadd.f32 v30, v8;
	v11 =	vmul.f32 v46, v11;
	v47 =	vmul.f32 v17, v17  }
0x1f7: {  	v48 =	vmul.f32 $1.428571490e-01, v45;
	v10 =	vmul.f32 v10, v39;
	v23 =	vadd.f32 $2.000000030e-01, v44  }
0x1f8: {  	v7 =	vadd.f32 v8, v7;
	v49 =	vmul.f32 v11, v11;
	v8 =	vmul.f32 $1.428571490e-01, v47  }
0x1f9: {  	v25 =	vadd.f32 $2.000000030e-01, v48;
	v10 =	vadd.f32 $3.333333430e-01, v10;
	v23 =	vmul.f32 v23, v42  }
0x1fa: {  	v21 =	vmul.f32 $6.931471820e-01, v21;
	v50 =	vmul.f32 $1.428571490e-01, v49;
	v8 =	vadd.f32 $2.000000030e-01, v8  }
0x1fb: {  	v52 =	vmul.f32 v25, v45;
	v10 =	vmul.f32 v10, v39;
	v51 =	vadd.f32 $3.333333430e-01, v23  }
0x1fc: {  	v13 =	vadd.f32 v13, v13;
	v53 =	vadd.f32 $2.000000030e-01, v50;
	v8 =	vmul.f32 v8, v47  }
0x1fd: {  	v54 =	vadd.f32 $3.333333430e-01, v52;
	v10 =	vadd.f32 $1.000000000e+00, v10;
	v12 =	vmul.f32 v51, v42  }
0x1fe: {  	v19 =	vadd.f32 v19, v19;
	v55 =	vmul.f32 v53, v49;
	v8 =	vadd.f32 $3.333333430e-01, v8  }
0x1ff: {  	v56 =	vmul.f32 v54, v45;
	v10 =	vmul.f32 v10, v13;
	v12 =	vadd.f32 $1.000000000e+00, v12  }
0x200: {  	v20 =	vadd.f32 v20, v20;
	v57 =	vadd.f32 $3.333333430e-01, v55;
	v8 =	vmul.f32 v8, v47  }
0x201: {  	v13 =	vadd.f32 $1.000000000e+00, v56;
	v10 =	vadd.f32 v10, v15;
	v12 =	vmul.f32 v12, v19  }
0x202: {  	v58 =	vadd.f32 v17, v17;
	v9 =	vmul.f32 v57, v49;
	v8 =	vadd.f32 $1.000000000e+00, v8  }
0x203: {  	v60 =	vmul.f32 v13, v20;
	v7 =	vadd.f32 v10, v7;
	v59 =	vadd.f32 v12, v21  }
0x204: {  	v61 =	vmul.f32 $6.931471820e-01, v18;
	v11 =	vadd.f32 v11, v11;
	v9 =	vadd.f32 $1.000000000e+00, v9  }
0x205: {  	v8 =	vmul.f32 v8, v58;
	v62 =	vadd.f32 v60, v14;
	v7 =	vadd.f32 v59, v7  }
0x206: {  	v63 =	vmul.f32 $6.931471820e-01, v16  }
0x207: {  	v9 =	vmul.f32 v9, v11;
	v8 =	vadd.f32 v8, v61;
	v7 =	vadd.f32 v62, v7;
	_ =	sdelay $0x1  }
0x208: {  	v7 =	vadd.f32 v8, v7;
	v8 =	vadd.f32 v9, v63;
	_ =	sdelay $0x1  }
0x209: {  	s23 =	sadd.s32 $0x1, s23;
	v7 =	vadd.f32 v8, v7  }
0x20a: {  	p0 =	sne.s32 s23, s13  }
.Ltmp5:
0x20b: {  	[tilespmem:$0x19FA0] =	vst v7;
	(pc) =	sbr.rel @p0 .LBB2_1-.Ltmp5, $4  }
0x20c: {  	[hbm4b:s12+s3] =	stream.linear.scatter [tilespmem:s21], [sflag:$0x4], $0x80, $0x38;
	[tilespmem:$0x1A020] =	vst v63  }
0x20d: {  	_ =	swait.ge [sflag:s22], $0x80  }
0x20e: {  	[sflag:s22] =	ssyncset.done $0x0  }
0x20f: {  	[sflag:s22] =	ssyncadd.s32 $0xFFFFFF80  }
0x210: {  	_ =	sfence.sel $0x180000  }
0x211: {  	[bflag:$0x0] =	sbarrier.arrive $0xFFFF  }
0x212: {  	p0 =	sne.s32 s1, $0x0;
	_ =	strace $0x90000047  }
0x213: {  	s0 =	sadd.s32 @!p0 $0x100000, s0;
	[bflag:$0x2] =	sbarrier.arrive $0xFFFF  }
0x214: {  	[sflag:s0] =	ssyncadd.tile.s32 @!p0 $0x1;
	_ =	shalt  }
.Lfunc_end2:
_tile_overlayer_lowered:
.L_overlay_start_2:
0x215: {  	(tag) =	ssettag $0x2  }
0x216: {  	s0 =	rddreg [dreg:$0x0];
	s2 =	stileid.u32  }
0x217: {  	s1 =	rddreg [dreg:$0x1];
	p0 =	sne.s32 s2, $0x0  }
0x218: {  	s3 =	rddreg [dreg:$0x2];
	[bflag:$0x3] =	sbarrier.arrive $0xFFFF;
	s2 =	simm.s32 @!p0 $0x1C04  }
0x219: {  	[timem:s3], [sflag:s2] =	dma.local @!p0 [hbm:s0], s1  }
0x21a: {  	s0 =	simm.s32 @!p0 $0x4  }
0x21b: {  	_ =	swait.ge @!p0 [sflag:s0], s1  }
0x21c: {  	s1 =	ssub.s32 @!p0 $0x0, s1;
	[sflag:s0] =	ssyncset.done @!p0 $0x0  }
0x21d: {  	[sflag:s0] =	ssyncadd.s32 @!p0 s1  }
0x21e: {  	[bflag:$0x3] =	sbarrier.arrive $0xFFFF  }
0x21f: {  	_ =	shalt  }

</sc_bundles>
